<compile_context>
chip_gen: v7x
topology: tpu7x:2x2x1
jax: 0.10.2.dev20260603
libtpu: 0.0.44.dev20260713+nightly
codegen_flags: <defaults>
</compile_context>

<pallas_src>
import jax
import jax.numpy as jnp
from jax import lax
from jax.experimental import pallas as pl
from jax.experimental.pallas import tpu as pltpu
from jax.experimental.pallas import tpu_sc as plsc

N = 10000
NP = 10240
D = 128
H = 16
OUTD = 16
E = 320000
B = 1024
NC = 2
NS = 16
NW = NC * NS
CHUNK = 128
NCH = 80
EPT = NCH * CHUNK
EP = NW * EPT
ECH = E // CHUNK
RPT = NP // NS
NPK = NP // 8
NSLOT = 8
G = 6
S = 2

_MESH = plsc.VectorSubcoreMesh(
    core_axis_name="c", subcore_axis_name="s", num_cores=NC, num_subcores=NS)
_SC_PARAMS = pltpu.CompilerParams(use_tc_tiling_on_sc=False)
_SC_PARAMS_NL = pltpu.CompilerParams(use_tc_tiling_on_sc=False,
                                     needs_layout_passes=False)



def _deg_body(cols_hbm, ones_hbm, zeros_hbm, out_hbm, cols_v, ones_v, acc_sh,
              sem):
    c = lax.axis_index("c")
    s = lax.axis_index("s")
    wid = c * NS + s
    pltpu.sync_copy(cols_hbm.at[wid], cols_v)
    pltpu.sync_copy(ones_hbm, ones_v)
    pltpu.sync_copy(zeros_hbm, acc_sh.at[pl.ds(s * RPT, RPT)])
    plsc.subcore_barrier()
    K = 8

    @pl.loop(0, NCH // K)
    def _(g):
        base = g * K
        for b in range(K):
            pltpu.async_copy(ones_v, acc_sh.at[cols_v.at[base + b]], sem,
                             add=True)
        for b in range(K):
            pltpu.make_async_copy(ones_v, acc_sh.at[cols_v.at[base + b]],
                                  sem).wait()

    plsc.subcore_barrier()
    pltpu.sync_copy(acc_sh.at[pl.ds(s * RPT, RPT)],
                    out_hbm.at[c, pl.ds(s * RPT, RPT)])


_sc_deg = pl.kernel(
    _deg_body,
    out_type=jax.ShapeDtypeStruct((NC, NP, H), jnp.float32),
    mesh=_MESH,
    scratch_types=[
        pltpu.VMEM((NCH, CHUNK), jnp.int32),
        pltpu.VMEM((CHUNK, H), jnp.float32),
        pltpu.VMEM_SHARED((NP, H), jnp.float32),
        pltpu.SemaphoreType.DMA,
    ],
    compiler_params=_SC_PARAMS,
)


def _conv1_body(y_hbm, rows_hbm, cols_hbm, zeros_hbm, dummy_hbm, out_hbm,
                fr_out, fc_out, cnt_out, rows_v, cols_v, bufs, acc_sh, fr_v,
                fc_v, cnt_v, *sems):
    c = lax.axis_index("c")
    s = lax.axis_index("s")
    wid = c * NS + s
    pltpu.sync_copy(rows_hbm.at[wid], rows_v)
    pltpu.sync_copy(cols_hbm.at[wid], cols_v)
    pltpu.sync_copy(zeros_hbm, acc_sh.at[pl.ds(s * RPT, RPT)])
    pltpu.sync_copy(dummy_hbm, fr_v)
    pltpu.sync_copy(dummy_hbm, fc_v)
    plsc.subcore_barrier()

    def g_start(j, slot):
        pltpu.async_copy(y_hbm.at[rows_v.at[j]], bufs.at[slot], sems[slot])

    def g_wait(j, slot):
        pltpu.make_async_copy(y_hbm.at[rows_v.at[j]], bufs.at[slot],
                              sems[slot]).wait()

    def s_start(j, slot):
        pltpu.async_copy(bufs.at[slot], acc_sh.at[cols_v.at[j]], sems[slot],
                         add=True)

    def s_wait(j, slot):
        pltpu.make_async_copy(bufs.at[slot], acc_sh.at[cols_v.at[j]],
                              sems[slot]).wait()

    for j in range(G):
        g_start(j, j)

    @pl.loop(0, NCH // NSLOT, init_carry=jnp.zeros((16,), jnp.int32))
    def loop_carry(i, off):
        for b in range(NSLOT):
            j = i * NSLOT + b
            slot = b
            slot2 = (b + G) % NSLOT
            g_wait(j, slot)
            s_start(j, slot)

            @pl.when(j >= S)
            def _():
                s_wait(j - S, slot2)

            @pl.when(j < NCH - G)
            def _():
                g_start(j + G, slot2)

            for l in range(CHUNK // 16):
                cvec = cols_v[j, pl.ds(16 * l, 16)]
                rvec = rows_v[j, pl.ds(16 * l, 16)]
                m = cvec < B
                csum = plsc.cumsum(m.astype(jnp.int32))
                idx = off + csum - 1
                ir, ic = idx >> 7, idx & (CHUNK - 1)
                plsc.store_scatter(fc_v, [ir, ic], cvec, mask=m)
                plsc.store_scatter(fr_v, [ir, ic], rvec, mask=m)
                off = off + plsc.all_reduce_population_count(m)
        return off

    cnt_vec = loop_carry
    for j in range(NCH - S, NCH):
        s_wait(j, j % NSLOT)

    cnt_v[...] = cnt_vec
    pltpu.sync_copy(cnt_v, cnt_out.at[wid])
    pltpu.sync_copy(fr_v, fr_out.at[wid])
    pltpu.sync_copy(fc_v, fc_out.at[wid])

    plsc.subcore_barrier()
    pltpu.sync_copy(acc_sh.at[pl.ds(s * RPT, RPT)],
                    out_hbm.at[c, pl.ds(s * RPT, RPT)])


_sc_conv1 = pl.kernel(
    _conv1_body,
    out_type=(jax.ShapeDtypeStruct((NC, NP, H), jnp.float32),
              jax.ShapeDtypeStruct((NW, NCH, CHUNK), jnp.int32),
              jax.ShapeDtypeStruct((NW, NCH, CHUNK), jnp.int32),
              jax.ShapeDtypeStruct((NW, 16), jnp.int32)),
    mesh=_MESH,
    scratch_types=[
        pltpu.VMEM((NCH, CHUNK), jnp.int32),
        pltpu.VMEM((NCH, CHUNK), jnp.int32),
        pltpu.VMEM((NSLOT, CHUNK, H), jnp.float32),
        pltpu.VMEM_SHARED((NP, H), jnp.float32),
        pltpu.VMEM((NCH, CHUNK), jnp.int32),
        pltpu.VMEM((NCH, CHUNK), jnp.int32),
        pltpu.VMEM((16,), jnp.int32),
    ] + [pltpu.SemaphoreType.DMA] * NSLOT,
    compiler_params=_SC_PARAMS_NL,
)

KB2 = 4


def _conv2_body(y_hbm, fr_hbm, fc_hbm, cnt_hbm, zeros_hbm, out_hbm, fr_v,
                fc_v, bufs, acc_sh, cnt_v, sem):
    c = lax.axis_index("c")
    s = lax.axis_index("s")
    wid = c * NS + s
    pltpu.sync_copy(cnt_hbm.at[wid], cnt_v)
    cnt = cnt_v[...][0]
    pltpu.sync_copy(zeros_hbm, acc_sh.at[pl.ds(s * RPT, RPT)])

    @pl.loop(0, (cnt + 1023) // 1024)
    def _(k):
        pltpu.sync_copy(fr_hbm.at[wid, pl.ds(k * 8, 8)],
                        fr_v.at[pl.ds(k * 8, 8)])
        pltpu.sync_copy(fc_hbm.at[wid, pl.ds(k * 8, 8)],
                        fc_v.at[pl.ds(k * 8, 8)])

    plsc.subcore_barrier()
    nch_w = (cnt + CHUNK - 1) // CHUNK

    @pl.loop(0, (nch_w + KB2 - 1) // KB2)
    def _(gi):
        for b in range(KB2):
            jj = gi * KB2 + b

            @pl.when(jj < nch_w)
            def _():
                pltpu.async_copy(y_hbm.at[fr_v.at[jj]], bufs.at[b], sem)

        for b in range(KB2):
            jj = gi * KB2 + b

            @pl.when(jj < nch_w)
            def _():
                pltpu.make_async_copy(y_hbm.at[fr_v.at[jj]], bufs.at[b],
                                      sem).wait()
                pltpu.sync_copy(bufs.at[b], acc_sh.at[fc_v.at[jj]], add=True)

    plsc.subcore_barrier()
    for si in range((B + RPT - 1) // RPT):
        size = min(RPT, B - si * RPT)

        @pl.when(s == si)
        def _():
            pltpu.sync_copy(acc_sh.at[pl.ds(si * RPT, size)],
                            out_hbm.at[c, pl.ds(si * RPT, size)])


_sc_conv2 = pl.kernel(
    _conv2_body,
    out_type=jax.ShapeDtypeStruct((NC, B, H), jnp.float32),
    mesh=_MESH,
    scratch_types=[
        pltpu.VMEM((NCH, CHUNK), jnp.int32),
        pltpu.VMEM((NCH, CHUNK), jnp.int32),
        pltpu.VMEM((KB2, CHUNK, H), jnp.float32),
        pltpu.VMEM_SHARED((NP, H), jnp.float32),
        pltpu.VMEM((16,), jnp.int32),
        pltpu.SemaphoreType.DMA,
    ],
    compiler_params=_SC_PARAMS_NL,
)



def _dinv_packed(degp_ref):
    return lax.rsqrt(degp_ref[0] + degp_ref[1] + 1.0)


NK = N // 8
_NKA = NK - NK % 8


def _eprep_half(ei_ref, h, o_ref):
    i1 = lax.broadcasted_iota(jnp.int32, (EP // CHUNK - ECH, CHUNK), 0)
    i2 = lax.broadcasted_iota(jnp.int32, (EP // CHUNK - ECH, CHUNK), 1)
    dummy = N + (i1 * CHUNK + i2) % (NP - N)
    flat = jnp.concatenate(
        [jnp.reshape(ei_ref[h, :], (ECH, CHUNK)), dummy], axis=0)
    o_ref[...] = jnp.reshape(flat, (NW, NCH, CHUNK))


def _eprep_cols_body(ei_ref, cols_ref, dummy_ref):
    _eprep_half(ei_ref, 1, cols_ref)
    j1 = lax.broadcasted_iota(jnp.int32, (NCH, CHUNK), 0)
    j2 = lax.broadcasted_iota(jnp.int32, (NCH, CHUNK), 1)
    dummy_ref[...] = N + (j1 * CHUNK + j2) % (NP - N)


_tc_eprep_cols = pl.pallas_call(
    _eprep_cols_body,
    out_shape=(jax.ShapeDtypeStruct((NW, NCH, CHUNK), jnp.int32),
               jax.ShapeDtypeStruct((NCH, CHUNK), jnp.int32)))


def _eprep_rows_body(ei_ref, rows_ref):
    _eprep_half(ei_ref, 0, rows_ref)


_tc_eprep_rows = pl.pallas_call(
    _eprep_rows_body,
    out_shape=jax.ShapeDtypeStruct((NW, NCH, CHUNK), jnp.int32))


def _xw_body(x_ref, w_ref, o_ref):
    x3 = jnp.reshape(x_ref[...], (NK, 8, D))
    o_ref[pl.ds(_NKA, NPK - _NKA), :] = jnp.zeros((NPK - _NKA, D),
                                                  jnp.float32)
    xp = jnp.concatenate(
        [jnp.dot(x3[:, j, :], w_ref[...],
                 preferred_element_type=jnp.float32) for j in range(8)],
        axis=1)
    o_ref[pl.ds(0, NK), :] = xp


_tc_xw = pl.pallas_call(
    _xw_body, out_shape=jax.ShapeDtypeStruct((NPK, D), jnp.float32))


def _y1_body(degp_ref, xwp_ref, y1_ref):
    y1_ref[...] = _dinv_packed(degp_ref) * xwp_ref[...]


_tc_y1 = pl.pallas_call(
    _y1_body, out_shape=jax.ShapeDtypeStruct((NPK, D), jnp.float32))


def _h1_body(accp_ref, y1_ref, degp_ref, w2blk_ref, b1p_ref, h1_ref, y2_ref):
    dinv = _dinv_packed(degp_ref)
    tot = accp_ref[0] + accp_ref[1] + y1_ref[...]
    h1 = jnp.maximum(dinv * tot + b1p_ref[...], 0.0)
    h1_ref[...] = h1
    y2_ref[...] = dinv * jnp.dot(h1, w2blk_ref[...],
                                 preferred_element_type=jnp.float32)


_tc_h1 = pl.pallas_call(
    _h1_body,
    out_shape=(jax.ShapeDtypeStruct((NPK, D), jnp.float32),
               jax.ShapeDtypeStruct((NPK, D), jnp.float32)))


def _fin_body(xb_ref, h1b_ref, y2b_ref, degp_ref, accp_ref, b2p_ref,
              ma_ref, mbblk_ref, mcblk_ref, mb1p_ref, mw2blk_ref, mb2p_ref,
              g_ref, gt_ref, o_ref):
    dinv = lax.rsqrt(degp_ref[0] + degp_ref[1] + 1.0)
    tot = accp_ref[0] + accp_ref[1] + y2b_ref[...]
    h2 = jnp.maximum(dinv * tot + b2p_ref[...], 0.0)
    x3 = jnp.reshape(xb_ref[...], (B // 8, 8, D))
    zx = jnp.concatenate(
        [jnp.dot(x3[:, j, :], ma_ref[...],
                 preferred_element_type=jnp.float32) for j in range(8)],
        axis=1)
    zp = zx + jnp.dot(h1b_ref[...], mbblk_ref[...],
                      preferred_element_type=jnp.float32)
    zp = zp + jnp.dot(h2, mcblk_ref[...], preferred_element_type=jnp.float32)
    zp = jnp.maximum(zp + mb1p_ref[...], 0.0)
    o = jnp.dot(zp, mw2blk_ref[...], preferred_element_type=jnp.float32)
    o = o + mb2p_ref[...]
    m = jnp.max(o, axis=1, keepdims=True)
    ex = jnp.exp(o - m)
    gsum = jnp.dot(jnp.dot(ex, g_ref[...], preferred_element_type=jnp.float32),
                   gt_ref[...], preferred_element_type=jnp.float32)
    o_ref[...] = ex / gsum


_tc_fin = pl.pallas_call(
    _fin_body, out_shape=jax.ShapeDtypeStruct((B // 8, D), jnp.float32))



def kernel(x, edge_index, n2v, batch_size, W1, b1, W2, b2, mW1, mb1, mW2,
           mb2):
    del n2v, batch_size
    f32 = jnp.float32
    x = x.astype(f32)
    ei32 = edge_index.astype(jnp.int32)
    cols3, dummy1 = _tc_eprep_cols(ei32)
    rows3 = _tc_eprep_rows(ei32)
    zeros_c = jnp.zeros((RPT, H), f32)
    ones_c = jnp.ones((CHUNK, H), f32)
    eye8 = jnp.eye(8, dtype=f32)
    w2blk = jnp.kron(eye8, W2.astype(f32))
    mbblk = jnp.kron(eye8, mW1[D:D + H])
    mcblk = jnp.kron(eye8, mW1[D + H:])
    mw2blk = jnp.kron(eye8, mW2.astype(f32))
    b1p = jnp.tile(b1, 8).reshape(1, D)
    b2p = jnp.tile(b2, 8).reshape(1, D)
    mb1p = jnp.tile(mb1, 8).reshape(1, D)
    mb2p = jnp.tile(mb2, 8).reshape(1, D)
    g = jnp.kron(eye8, jnp.ones((H, 1), f32))
    gt = g.T

    degp = _sc_deg(cols3, ones_c, zeros_c)
    degp_p = degp.reshape(NC, NPK, D)
    xwp = _tc_xw(x, W1.astype(f32))
    y1p = _tc_y1(degp_p, xwp)
    y1f = y1p.reshape(NP, H)
    acc1, frows, fcols, fcnt = _sc_conv1(y1f, rows3, cols3, zeros_c, dummy1)
    acc1_p = acc1.reshape(NC, NPK, D)
    h1p, y2p = _tc_h1(acc1_p, y1p, degp_p, w2blk, b1p)
    y2f = y2p.reshape(NP, H)
    acc2 = _sc_conv2(y2f, frows, fcols, fcnt, zeros_c)
    acc2_p = acc2.reshape(NC, B // 8, D)
    outp = _tc_fin(x[:B], h1p[:B // 8], y2p[:B // 8], degp_p[:, :B // 8],
                   acc2_p,
                   b2p, mW1[:D], mbblk, mcblk, mb1p, mw2blk, mb2p, g, gt)
    return outp.reshape(B, OUTD)

# --- scband reference (transcript-rebuilt; emitter-appended) ---
"""Pipeline reference for scband-jumping-knowledge-63539746177597 (READ-ONLY COPY).

The authoritative reference and input builder live on the scoring server;
editing this copy changes nothing except your own understanding.
"""

import jax, jax.numpy as jnp
import numpy as np

N_NODES = 10000
N_EDGES = 320000
D_FEAT = 128
HIDDEN = 16
OUT = 16


def gcn_conv(x, edge_index, W, b, num_nodes):
    # PyG GCNConv: add self-loops, symmetric degree normalization, x @ W, scatter-add, + bias
    row = edge_index[0]
    col = edge_index[1]
    loop = jnp.arange(num_nodes, dtype=edge_index.dtype)
    row = jnp.concatenate([row, loop])
    col = jnp.concatenate([col, loop])
    deg = jnp.zeros((num_nodes,), dtype=x.dtype).at[col].add(1.0)
    dinv = jnp.where(deg > 0, 1.0 / jnp.sqrt(deg), 0.0)
    norm = dinv[row] * dinv[col]
    xw = x @ W
    msgs = jnp.take(xw, row, axis=0) * norm[:, None]
    out = jnp.zeros((num_nodes, W.shape[1]), dtype=x.dtype).at[col].add(msgs)
    return out + b


def setup_inputs(seed: int = 0) -> dict:
    key = jax.random.key(seed)
    ks = jax.random.split(key, 12)
    x = jax.random.normal(ks[0], (N_NODES, D_FEAT), dtype=jnp.float32)
    edge_index = jax.random.randint(ks[1], (2, N_EDGES), 0, N_NODES, dtype=jnp.int64 if jax.config.jax_enable_x64 else jnp.int32)
    n2v = jax.random.normal(ks[2], (N_NODES, 64), dtype=jnp.float32)
    s1 = 1.0 / np.sqrt(D_FEAT)
    s2 = 1.0 / np.sqrt(HIDDEN)
    sm = 1.0 / np.sqrt(D_FEAT + 2 * HIDDEN)
    W1 = jax.random.uniform(ks[3], (D_FEAT, HIDDEN), jnp.float32, -s1, s1)
    b1 = jnp.zeros((HIDDEN,), jnp.float32)
    W2 = jax.random.uniform(ks[4], (HIDDEN, HIDDEN), jnp.float32, -s2, s2)
    b2 = jnp.zeros((HIDDEN,), jnp.float32)
    mW1 = jax.random.uniform(ks[5], (D_FEAT + 2 * HIDDEN, HIDDEN), jnp.float32, -sm, sm)
    mb1 = jnp.zeros((HIDDEN,), jnp.float32)
    mW2 = jax.random.uniform(ks[6], (HIDDEN, OUT), jnp.float32, -s2, s2)
    mb2 = jnp.zeros((OUT,), jnp.float32)
    return {"x": x, "edge_index": edge_index, "n2v": n2v, "batch_size": 1024,
            "W1": W1, "b1": b1, "W2": W2, "b2": b2,
            "mW1": mW1, "mb1": mb1, "mW2": mW2, "mb2": mb2}


def reference(x, edge_index, n2v, batch_size, W1, b1, W2, b2, mW1, mb1, mW2, mb2):
    num_nodes = x.shape[0]
    # with_n2v=False: n2v is carried in the batch but unused
    pre_mlp_x = [x]
    h = gcn_conv(x, edge_index, W1, b1, num_nodes)
    h = jax.nn.relu(h)
    pre_mlp_x.append(h)
    h = gcn_conv(h, edge_index, W2, b2, num_nodes)
    h = jax.nn.relu(h)
    pre_mlp_x.append(h)
    x_concat = jnp.concatenate(pre_mlp_x, axis=1)
    # MLP: Linear -> act -> Linear
    m = jax.nn.relu(x_concat @ mW1 + mb1)
    x_out = m @ mW2 + mb2
    x_out = jax.lax.dynamic_slice_in_dim(x_out, batch_size - 1024, 1024, axis=0)
    return jax.nn.softmax(x_out, axis=1)

if __name__ == "__main__":
    import jax
    _d = setup_inputs()
    print(jax.jit(kernel)(*tuple(_d.values())))

</pallas_src>

<mosaic_0001>
#map = affine_map<(d0, d1) -> (0, 0, 0)>
#map1 = affine_map<(d0, d1) -> (0, 0)>
module attributes {stable_mosaic.version = 14 : i64} {
  func.func @_deg_body(%arg0: i32, %arg1: i32, %arg2: memref<32x80x128xi32, #tpu.memory_space<hbm>>, %arg3: memref<128x16xf32, #tpu.memory_space<hbm>>, %arg4: memref<640x16xf32, #tpu.memory_space<hbm>>, %arg5: memref<2x10240x16xf32, #tpu.memory_space<hbm>>, %arg6: memref<80x128xi32, #tpu.memory_space<vmem>>, %arg7: memref<128x16xf32, #tpu.memory_space<vmem>>, %arg8: memref<10240x16xf32, #tpu.memory_space<vmem_shared>>, %arg9: memref<!tpu.dma_semaphore, #tpu.memory_space<semaphore_mem>>) attributes {dimension_semantics = [#tpu.dimension_semantics<core_parallel>, #tpu.dimension_semantics<subcore_parallel>], iteration_bounds = array<i64: 2, 16>, scalar_prefetch = 0 : i64, scratch_operands = 4 : i64, tpu.core_type = #tpu.core_type<sc_vector_subcore>, window_params = [{transform_indices = #map}, {transform_indices = #map1}, {transform_indices = #map1}, {transform_indices = #map}]} {
    %mul3A = arith.constant 16 : i32
    %mul3A_0 = arith.muli %arg0, %mul3A : i32
    %add3A = arith.addi %mul3A_0, %arg1 : i32
    "tpu.region"() ({
      %run_scoped3A = tpu.sem_alloc : memref<!tpu.dma_semaphore, #tpu.memory_space<semaphore_mem>>
      %dma_start3A = arith.constant 0 : i32
      %dma_start3A_12 = arith.constant 0 : i32
      %dma_start3A_13 = tpu.memref_slice %arg2[%add3A, %dma_start3A, %dma_start3A_12] : memref<32x80x128xi32, #tpu.memory_space<hbm>> -> memref<1x80x128xi32, #tpu.memory_space<hbm>>
      %dma_start3A_14 = tpu.memref_squeeze %dma_start3A_13 : memref<1x80x128xi32, #tpu.memory_space<hbm>> -> memref<80x128xi32, #tpu.memory_space<hbm>>
      %dma_start3A_15 = arith.constant 0 : i32
      %dma_start3A_16 = arith.constant 0 : i32
      %dma_start3A_17 = tpu.memref_slice %arg2[%add3A, %dma_start3A_15, %dma_start3A_16] : memref<32x80x128xi32, #tpu.memory_space<hbm>> -> memref<1x80x128xi32, #tpu.memory_space<hbm>>
      %dma_start3A_18 = tpu.memref_squeeze %dma_start3A_17 : memref<1x80x128xi32, #tpu.memory_space<hbm>> -> memref<80x128xi32, #tpu.memory_space<hbm>>
      tpu.enqueue_dma source(%dma_start3A_18 : memref<80x128xi32, #tpu.memory_space<hbm>>) target(%arg6 : memref<80x128xi32, #tpu.memory_space<vmem>>) target_semaphore(%run_scoped3A : memref<!tpu.dma_semaphore, #tpu.memory_space<semaphore_mem>>)
      %dma_wait3A = arith.constant 0 : i32
      %dma_wait3A_19 = arith.constant 0 : i32
      %dma_wait3A_20 = tpu.memref_slice %arg2[%add3A, %dma_wait3A, %dma_wait3A_19] : memref<32x80x128xi32, #tpu.memory_space<hbm>> -> memref<1x80x128xi32, #tpu.memory_space<hbm>>
      %dma_wait3A_21 = tpu.memref_squeeze %dma_wait3A_20 : memref<1x80x128xi32, #tpu.memory_space<hbm>> -> memref<80x128xi32, #tpu.memory_space<hbm>>
      %dma_wait3A_22 = arith.constant 0 : i32
      %dma_wait3A_23 = arith.constant 0 : i32
      %dma_wait3A_24 = tpu.memref_slice %arg2[%add3A, %dma_wait3A_22, %dma_wait3A_23] : memref<32x80x128xi32, #tpu.memory_space<hbm>> -> memref<1x80x128xi32, #tpu.memory_space<hbm>>
      %dma_wait3A_25 = tpu.memref_squeeze %dma_wait3A_24 : memref<1x80x128xi32, #tpu.memory_space<hbm>> -> memref<80x128xi32, #tpu.memory_space<hbm>>
      tpu.wait_dma2 semaphore(%run_scoped3A : memref<!tpu.dma_semaphore, #tpu.memory_space<semaphore_mem>>) src(%dma_wait3A_25 : memref<80x128xi32, #tpu.memory_space<hbm>>) dst(%arg6 : memref<80x128xi32, #tpu.memory_space<vmem>>)
      tpu.yield
    }) : () -> ()
    "tpu.region"() ({
      %run_scoped3A = tpu.sem_alloc : memref<!tpu.dma_semaphore, #tpu.memory_space<semaphore_mem>>
      tpu.enqueue_dma source(%arg3 : memref<128x16xf32, #tpu.memory_space<hbm>>) target(%arg7 : memref<128x16xf32, #tpu.memory_space<vmem>>) target_semaphore(%run_scoped3A : memref<!tpu.dma_semaphore, #tpu.memory_space<semaphore_mem>>)
      tpu.wait_dma2 semaphore(%run_scoped3A : memref<!tpu.dma_semaphore, #tpu.memory_space<semaphore_mem>>) src(%arg3 : memref<128x16xf32, #tpu.memory_space<hbm>>) dst(%arg7 : memref<128x16xf32, #tpu.memory_space<vmem>>)
      tpu.yield
    }) : () -> ()
    %mul3A_1 = arith.constant 640 : i32
    %mul3A_2 = arith.muli %arg1, %mul3A_1 : i32
    "tpu.region"() ({
      %run_scoped3A = tpu.sem_alloc : memref<!tpu.dma_semaphore, #tpu.memory_space<semaphore_mem>>
      %dma_start3A = arith.constant 0 : i32
      %dma_start3A_12 = tpu.memref_slice %arg8[%mul3A_2, %dma_start3A] : memref<10240x16xf32, #tpu.memory_space<vmem_shared>> -> memref<640x16xf32, #tpu.memory_space<vmem_shared>>
      tpu.enqueue_dma source(%arg4 : memref<640x16xf32, #tpu.memory_space<hbm>>) target(%dma_start3A_12 : memref<640x16xf32, #tpu.memory_space<vmem_shared>>) target_semaphore(%run_scoped3A : memref<!tpu.dma_semaphore, #tpu.memory_space<semaphore_mem>>)
      %dma_wait3A = arith.constant 0 : i32
      %dma_wait3A_13 = tpu.memref_slice %arg8[%mul3A_2, %dma_wait3A] : memref<10240x16xf32, #tpu.memory_space<vmem_shared>> -> memref<640x16xf32, #tpu.memory_space<vmem_shared>>
      tpu.wait_dma2 semaphore(%run_scoped3A : memref<!tpu.dma_semaphore, #tpu.memory_space<semaphore_mem>>) src(%arg4 : memref<640x16xf32, #tpu.memory_space<hbm>>) dst(%dma_wait3A_13 : memref<640x16xf32, #tpu.memory_space<vmem_shared>>)
      tpu.yield
    }) : () -> ()
    %barrier3A = arith.constant 0 : index
    tpu.barrier barrier_id(%barrier3A)
    %scan3A = arith.constant 0 : i32
    %scan3A_3 = arith.constant 10 : i32
    %scan3A_4 = arith.addi %scan3A, %scan3A_3 : i32
    %scan3A_5 = arith.constant 1 : i32
    scf.for %scan3A_12 = %scan3A to %scan3A_4 step %scan3A_5  : i32 {
      %mul3A_13 = arith.constant 1 : i32
      %mul3A_14 = arith.muli %scan3A_12, %mul3A_13 : i32
      %add3A_15 = arith.constant 0 : i32
      %add3A_16 = arith.addi %add3A_15, %mul3A_14 : i32
      %mul3A_17 = arith.constant 8 : i32
      %mul3A_18 = arith.muli %add3A_16, %mul3A_17 : i32
      %add3A_19 = arith.constant 0 : i32
      %add3A_20 = arith.addi %mul3A_18, %add3A_19 : i32
      %dma_start3A = arith.constant 0 : i32
      %dma_start3A_21 = tpu.memref_slice %arg6[%add3A_20, %dma_start3A] : memref<80x128xi32, #tpu.memory_space<vmem>> -> memref<1x128xi32, #tpu.memory_space<vmem>>
      %dma_start3A_22 = tpu.memref_squeeze %dma_start3A_21 : memref<1x128xi32, #tpu.memory_space<vmem>> -> memref<128xi32, #tpu.memory_space<vmem>>
      %dma_start3A_23 = arith.constant 0 : i32
      %dma_start3A_24 = arith.constant 0 : i32
      %dma_start3A_25 = tpu.memref_slice %arg8[%dma_start3A_23, %dma_start3A_24] : memref<10240x16xf32, #tpu.memory_space<vmem_shared>> -> memref<10240x16xf32, #tpu.memory_space<vmem_shared>>
      tpu.enqueue_indirect_dma source(%arg7 : memref<128x16xf32, #tpu.memory_space<vmem>>) target(%dma_start3A_25 : memref<10240x16xf32, #tpu.memory_space<vmem_shared>>) offsets(%dma_start3A_22 : memref<128xi32, #tpu.memory_space<vmem>>) semaphore(%arg9 : memref<!tpu.dma_semaphore, #tpu.memory_space<semaphore_mem>>) {add = true}
      %add3A_26 = arith.constant 1 : i32
      %add3A_27 = arith.addi %mul3A_18, %add3A_26 : i32
      %dma_start3A_28 = arith.constant 0 : i32
      %dma_start3A_29 = tpu.memref_slice %arg6[%add3A_27, %dma_start3A_28] : memref<80x128xi32, #tpu.memory_space<vmem>> -> memref<1x128xi32, #tpu.memory_space<vmem>>
      %dma_start3A_30 = tpu.memref_squeeze %dma_start3A_29 : memref<1x128xi32, #tpu.memory_space<vmem>> -> memref<128xi32, #tpu.memory_space<vmem>>
      %dma_start3A_31 = arith.constant 0 : i32
      %dma_start3A_32 = arith.constant 0 : i32
      %dma_start3A_33 = tpu.memref_slice %arg8[%dma_start3A_31, %dma_start3A_32] : memref<10240x16xf32, #tpu.memory_space<vmem_shared>> -> memref<10240x16xf32, #tpu.memory_space<vmem_shared>>
      tpu.enqueue_indirect_dma source(%arg7 : memref<128x16xf32, #tpu.memory_space<vmem>>) target(%dma_start3A_33 : memref<10240x16xf32, #tpu.memory_space<vmem_shared>>) offsets(%dma_start3A_30 : memref<128xi32, #tpu.memory_space<vmem>>) semaphore(%arg9 : memref<!tpu.dma_semaphore, #tpu.memory_space<semaphore_mem>>) {add = true}
      %add3A_34 = arith.constant 2 : i32
      %add3A_35 = arith.addi %mul3A_18, %add3A_34 : i32
      %dma_start3A_36 = arith.constant 0 : i32
      %dma_start3A_37 = tpu.memref_slice %arg6[%add3A_35, %dma_start3A_36] : memref<80x128xi32, #tpu.memory_space<vmem>> -> memref<1x128xi32, #tpu.memory_space<vmem>>
      %dma_start3A_38 = tpu.memref_squeeze %dma_start3A_37 : memref<1x128xi32, #tpu.memory_space<vmem>> -> memref<128xi32, #tpu.memory_space<vmem>>
      %dma_start3A_39 = arith.constant 0 : i32
      %dma_start3A_40 = arith.constant 0 : i32
      %dma_start3A_41 = tpu.memref_slice %arg8[%dma_start3A_39, %dma_start3A_40] : memref<10240x16xf32, #tpu.memory_space<vmem_shared>> -> memref<10240x16xf32, #tpu.memory_space<vmem_shared>>
      tpu.enqueue_indirect_dma source(%arg7 : memref<128x16xf32, #tpu.memory_space<vmem>>) target(%dma_start3A_41 : memref<10240x16xf32, #tpu.memory_space<vmem_shared>>) offsets(%dma_start3A_38 : memref<128xi32, #tpu.memory_space<vmem>>) semaphore(%arg9 : memref<!tpu.dma_semaphore, #tpu.memory_space<semaphore_mem>>) {add = true}
      %add3A_42 = arith.constant 3 : i32
      %add3A_43 = arith.addi %mul3A_18, %add3A_42 : i32
      %dma_start3A_44 = arith.constant 0 : i32
      %dma_start3A_45 = tpu.memref_slice %arg6[%add3A_43, %dma_start3A_44] : memref<80x128xi32, #tpu.memory_space<vmem>> -> memref<1x128xi32, #tpu.memory_space<vmem>>
      %dma_start3A_46 = tpu.memref_squeeze %dma_start3A_45 : memref<1x128xi32, #tpu.memory_space<vmem>> -> memref<128xi32, #tpu.memory_space<vmem>>
      %dma_start3A_47 = arith.constant 0 : i32
      %dma_start3A_48 = arith.constant 0 : i32
      %dma_start3A_49 = tpu.memref_slice %arg8[%dma_start3A_47, %dma_start3A_48] : memref<10240x16xf32, #tpu.memory_space<vmem_shared>> -> memref<10240x16xf32, #tpu.memory_space<vmem_shared>>
      tpu.enqueue_indirect_dma source(%arg7 : memref<128x16xf32, #tpu.memory_space<vmem>>) target(%dma_start3A_49 : memref<10240x16xf32, #tpu.memory_space<vmem_shared>>) offsets(%dma_start3A_46 : memref<128xi32, #tpu.memory_space<vmem>>) semaphore(%arg9 : memref<!tpu.dma_semaphore, #tpu.memory_space<semaphore_mem>>) {add = true}
      %add3A_50 = arith.constant 4 : i32
      %add3A_51 = arith.addi %mul3A_18, %add3A_50 : i32
      %dma_start3A_52 = arith.constant 0 : i32
      %dma_start3A_53 = tpu.memref_slice %arg6[%add3A_51, %dma_start3A_52] : memref<80x128xi32, #tpu.memory_space<vmem>> -> memref<1x128xi32, #tpu.memory_space<vmem>>
      %dma_start3A_54 = tpu.memref_squeeze %dma_start3A_53 : memref<1x128xi32, #tpu.memory_space<vmem>> -> memref<128xi32, #tpu.memory_space<vmem>>
      %dma_start3A_55 = arith.constant 0 : i32
      %dma_start3A_56 = arith.constant 0 : i32
      %dma_start3A_57 = tpu.memref_slice %arg8[%dma_start3A_55, %dma_start3A_56] : memref<10240x16xf32, #tpu.memory_space<vmem_shared>> -> memref<10240x16xf32, #tpu.memory_space<vmem_shared>>
      tpu.enqueue_indirect_dma source(%arg7 : memref<128x16xf32, #tpu.memory_space<vmem>>) target(%dma_start3A_57 : memref<10240x16xf32, #tpu.memory_space<vmem_shared>>) offsets(%dma_start3A_54 : memref<128xi32, #tpu.memory_space<vmem>>) semaphore(%arg9 : memref<!tpu.dma_semaphore, #tpu.memory_space<semaphore_mem>>) {add = true}
      %add3A_58 = arith.constant 5 : i32
      %add3A_59 = arith.addi %mul3A_18, %add3A_58 : i32
      %dma_start3A_60 = arith.constant 0 : i32
      %dma_start3A_61 = tpu.memref_slice %arg6[%add3A_59, %dma_start3A_60] : memref<80x128xi32, #tpu.memory_space<vmem>> -> memref<1x128xi32, #tpu.memory_space<vmem>>
      %dma_start3A_62 = tpu.memref_squeeze %dma_start3A_61 : memref<1x128xi32, #tpu.memory_space<vmem>> -> memref<128xi32, #tpu.memory_space<vmem>>
      %dma_start3A_63 = arith.constant 0 : i32
      %dma_start3A_64 = arith.constant 0 : i32
      %dma_start3A_65 = tpu.memref_slice %arg8[%dma_start3A_63, %dma_start3A_64] : memref<10240x16xf32, #tpu.memory_space<vmem_shared>> -> memref<10240x16xf32, #tpu.memory_space<vmem_shared>>
      tpu.enqueue_indirect_dma source(%arg7 : memref<128x16xf32, #tpu.memory_space<vmem>>) target(%dma_start3A_65 : memref<10240x16xf32, #tpu.memory_space<vmem_shared>>) offsets(%dma_start3A_62 : memref<128xi32, #tpu.memory_space<vmem>>) semaphore(%arg9 : memref<!tpu.dma_semaphore, #tpu.memory_space<semaphore_mem>>) {add = true}
      %add3A_66 = arith.constant 6 : i32
      %add3A_67 = arith.addi %mul3A_18, %add3A_66 : i32
      %dma_start3A_68 = arith.constant 0 : i32
      %dma_start3A_69 = tpu.memref_slice %arg6[%add3A_67, %dma_start3A_68] : memref<80x128xi32, #tpu.memory_space<vmem>> -> memref<1x128xi32, #tpu.memory_space<vmem>>
      %dma_start3A_70 = tpu.memref_squeeze %dma_start3A_69 : memref<1x128xi32, #tpu.memory_space<vmem>> -> memref<128xi32, #tpu.memory_space<vmem>>
      %dma_start3A_71 = arith.constant 0 : i32
      %dma_start3A_72 = arith.constant 0 : i32
      %dma_start3A_73 = tpu.memref_slice %arg8[%dma_start3A_71, %dma_start3A_72] : memref<10240x16xf32, #tpu.memory_space<vmem_shared>> -> memref<10240x16xf32, #tpu.memory_space<vmem_shared>>
      tpu.enqueue_indirect_dma source(%arg7 : memref<128x16xf32, #tpu.memory_space<vmem>>) target(%dma_start3A_73 : memref<10240x16xf32, #tpu.memory_space<vmem_shared>>) offsets(%dma_start3A_70 : memref<128xi32, #tpu.memory_space<vmem>>) semaphore(%arg9 : memref<!tpu.dma_semaphore, #tpu.memory_space<semaphore_mem>>) {add = true}
      %add3A_74 = arith.constant 7 : i32
      %add3A_75 = arith.addi %mul3A_18, %add3A_74 : i32
      %dma_start3A_76 = arith.constant 0 : i32
      %dma_start3A_77 = tpu.memref_slice %arg6[%add3A_75, %dma_start3A_76] : memref<80x128xi32, #tpu.memory_space<vmem>> -> memref<1x128xi32, #tpu.memory_space<vmem>>
      %dma_start3A_78 = tpu.memref_squeeze %dma_start3A_77 : memref<1x128xi32, #tpu.memory_space<vmem>> -> memref<128xi32, #tpu.memory_space<vmem>>
      %dma_start3A_79 = arith.constant 0 : i32
      %dma_start3A_80 = arith.constant 0 : i32
      %dma_start3A_81 = tpu.memref_slice %arg8[%dma_start3A_79, %dma_start3A_80] : memref<10240x16xf32, #tpu.memory_space<vmem_shared>> -> memref<10240x16xf32, #tpu.memory_space<vmem_shared>>
      tpu.enqueue_indirect_dma source(%arg7 : memref<128x16xf32, #tpu.memory_space<vmem>>) target(%dma_start3A_81 : memref<10240x16xf32, #tpu.memory_space<vmem_shared>>) offsets(%dma_start3A_78 : memref<128xi32, #tpu.memory_space<vmem>>) semaphore(%arg9 : memref<!tpu.dma_semaphore, #tpu.memory_space<semaphore_mem>>) {add = true}
      %add3A_82 = arith.constant 0 : i32
      %add3A_83 = arith.addi %mul3A_18, %add3A_82 : i32
      %dma_wait3A = arith.constant 0 : i32
      %dma_wait3A_84 = tpu.memref_slice %arg6[%add3A_83, %dma_wait3A] : memref<80x128xi32, #tpu.memory_space<vmem>> -> memref<1x128xi32, #tpu.memory_space<vmem>>
      %dma_wait3A_85 = tpu.memref_squeeze %dma_wait3A_84 : memref<1x128xi32, #tpu.memory_space<vmem>> -> memref<128xi32, #tpu.memory_space<vmem>>
      %dma_wait3A_86 = arith.constant 0 : i32
      %dma_wait3A_87 = arith.constant 0 : i32
      %dma_wait3A_88 = tpu.memref_slice %arg8[%dma_wait3A_86, %dma_wait3A_87] : memref<10240x16xf32, #tpu.memory_space<vmem_shared>> -> memref<10240x16xf32, #tpu.memory_space<vmem_shared>>
      tpu.wait_indirect_dma semaphore(%arg9 : memref<!tpu.dma_semaphore, #tpu.memory_space<semaphore_mem>>) src(%arg7 : memref<128x16xf32, #tpu.memory_space<vmem>>) dst(%dma_wait3A_88 : memref<10240x16xf32, #tpu.memory_space<vmem_shared>>)
      %add3A_89 = arith.constant 1 : i32
      %add3A_90 = arith.addi %mul3A_18, %add3A_89 : i32
      %dma_wait3A_91 = arith.constant 0 : i32
      %dma_wait3A_92 = tpu.memref_slice %arg6[%add3A_90, %dma_wait3A_91] : memref<80x128xi32, #tpu.memory_space<vmem>> -> memref<1x128xi32, #tpu.memory_space<vmem>>
      %dma_wait3A_93 = tpu.memref_squeeze %dma_wait3A_92 : memref<1x128xi32, #tpu.memory_space<vmem>> -> memref<128xi32, #tpu.memory_space<vmem>>
      %dma_wait3A_94 = arith.constant 0 : i32
      %dma_wait3A_95 = arith.constant 0 : i32
      %dma_wait3A_96 = tpu.memref_slice %arg8[%dma_wait3A_94, %dma_wait3A_95] : memref<10240x16xf32, #tpu.memory_space<vmem_shared>> -> memref<10240x16xf32, #tpu.memory_space<vmem_shared>>
      tpu.wait_indirect_dma semaphore(%arg9 : memref<!tpu.dma_semaphore, #tpu.memory_space<semaphore_mem>>) src(%arg7 : memref<128x16xf32, #tpu.memory_space<vmem>>) dst(%dma_wait3A_96 : memref<10240x16xf32, #tpu.memory_space<vmem_shared>>)
      %add3A_97 = arith.constant 2 : i32
      %add3A_98 = arith.addi %mul3A_18, %add3A_97 : i32
      %dma_wait3A_99 = arith.constant 0 : i32
      %dma_wait3A_100 = tpu.memref_slice %arg6[%add3A_98, %dma_wait3A_99] : memref<80x128xi32, #tpu.memory_space<vmem>> -> memref<1x128xi32, #tpu.memory_space<vmem>>
      %dma_wait3A_101 = tpu.memref_squeeze %dma_wait3A_100 : memref<1x128xi32, #tpu.memory_space<vmem>> -> memref<128xi32, #tpu.memory_space<vmem>>
      %dma_wait3A_102 = arith.constant 0 : i32
      %dma_wait3A_103 = arith.constant 0 : i32
      %dma_wait3A_104 = tpu.memref_slice %arg8[%dma_wait3A_102, %dma_wait3A_103] : memref<10240x16xf32, #tpu.memory_space<vmem_shared>> -> memref<10240x16xf32, #tpu.memory_space<vmem_shared>>
      tpu.wait_indirect_dma semaphore(%arg9 : memref<!tpu.dma_semaphore, #tpu.memory_space<semaphore_mem>>) src(%arg7 : memref<128x16xf32, #tpu.memory_space<vmem>>) dst(%dma_wait3A_104 : memref<10240x16xf32, #tpu.memory_space<vmem_shared>>)
      %add3A_105 = arith.constant 3 : i32
      %add3A_106 = arith.addi %mul3A_18, %add3A_105 : i32
      %dma_wait3A_107 = arith.constant 0 : i32
      %dma_wait3A_108 = tpu.memref_slice %arg6[%add3A_106, %dma_wait3A_107] : memref<80x128xi32, #tpu.memory_space<vmem>> -> memref<1x128xi32, #tpu.memory_space<vmem>>
      %dma_wait3A_109 = tpu.memref_squeeze %dma_wait3A_108 : memref<1x128xi32, #tpu.memory_space<vmem>> -> memref<128xi32, #tpu.memory_space<vmem>>
      %dma_wait3A_110 = arith.constant 0 : i32
      %dma_wait3A_111 = arith.constant 0 : i32
      %dma_wait3A_112 = tpu.memref_slice %arg8[%dma_wait3A_110, %dma_wait3A_111] : memref<10240x16xf32, #tpu.memory_space<vmem_shared>> -> memref<10240x16xf32, #tpu.memory_space<vmem_shared>>
      tpu.wait_indirect_dma semaphore(%arg9 : memref<!tpu.dma_semaphore, #tpu.memory_space<semaphore_mem>>) src(%arg7 : memref<128x16xf32, #tpu.memory_space<vmem>>) dst(%dma_wait3A_112 : memref<10240x16xf32, #tpu.memory_space<vmem_shared>>)
      %add3A_113 = arith.constant 4 : i32
      %add3A_114 = arith.addi %mul3A_18, %add3A_113 : i32
      %dma_wait3A_115 = arith.constant 0 : i32
      %dma_wait3A_116 = tpu.memref_slice %arg6[%add3A_114, %dma_wait3A_115] : memref<80x128xi32, #tpu.memory_space<vmem>> -> memref<1x128xi32, #tpu.memory_space<vmem>>
      %dma_wait3A_117 = tpu.memref_squeeze %dma_wait3A_116 : memref<1x128xi32, #tpu.memory_space<vmem>> -> memref<128xi32, #tpu.memory_space<vmem>>
      %dma_wait3A_118 = arith.constant 0 : i32
      %dma_wait3A_119 = arith.constant 0 : i32
      %dma_wait3A_120 = tpu.memref_slice %arg8[%dma_wait3A_118, %dma_wait3A_119] : memref<10240x16xf32, #tpu.memory_space<vmem_shared>> -> memref<10240x16xf32, #tpu.memory_space<vmem_shared>>
      tpu.wait_indirect_dma semaphore(%arg9 : memref<!tpu.dma_semaphore, #tpu.memory_space<semaphore_mem>>) src(%arg7 : memref<128x16xf32, #tpu.memory_space<vmem>>) dst(%dma_wait3A_120 : memref<10240x16xf32, #tpu.memory_space<vmem_shared>>)
      %add3A_121 = arith.constant 5 : i32
      %add3A_122 = arith.addi %mul3A_18, %add3A_121 : i32
      %dma_wait3A_123 = arith.constant 0 : i32
      %dma_wait3A_124 = tpu.memref_slice %arg6[%add3A_122, %dma_wait3A_123] : memref<80x128xi32, #tpu.memory_space<vmem>> -> memref<1x128xi32, #tpu.memory_space<vmem>>
      %dma_wait3A_125 = tpu.memref_squeeze %dma_wait3A_124 : memref<1x128xi32, #tpu.memory_space<vmem>> -> memref<128xi32, #tpu.memory_space<vmem>>
      %dma_wait3A_126 = arith.constant 0 : i32
      %dma_wait3A_127 = arith.constant 0 : i32
      %dma_wait3A_128 = tpu.memref_slice %arg8[%dma_wait3A_126, %dma_wait3A_127] : memref<10240x16xf32, #tpu.memory_space<vmem_shared>> -> memref<10240x16xf32, #tpu.memory_space<vmem_shared>>
      tpu.wait_indirect_dma semaphore(%arg9 : memref<!tpu.dma_semaphore, #tpu.memory_space<semaphore_mem>>) src(%arg7 : memref<128x16xf32, #tpu.memory_space<vmem>>) dst(%dma_wait3A_128 : memref<10240x16xf32, #tpu.memory_space<vmem_shared>>)
      %add3A_129 = arith.constant 6 : i32
      %add3A_130 = arith.addi %mul3A_18, %add3A_129 : i32
      %dma_wait3A_131 = arith.constant 0 : i32
      %dma_wait3A_132 = tpu.memref_slice %arg6[%add3A_130, %dma_wait3A_131] : memref<80x128xi32, #tpu.memory_space<vmem>> -> memref<1x128xi32, #tpu.memory_space<vmem>>
      %dma_wait3A_133 = tpu.memref_squeeze %dma_wait3A_132 : memref<1x128xi32, #tpu.memory_space<vmem>> -> memref<128xi32, #tpu.memory_space<vmem>>
      %dma_wait3A_134 = arith.constant 0 : i32
      %dma_wait3A_135 = arith.constant 0 : i32
      %dma_wait3A_136 = tpu.memref_slice %arg8[%dma_wait3A_134, %dma_wait3A_135] : memref<10240x16xf32, #tpu.memory_space<vmem_shared>> -> memref<10240x16xf32, #tpu.memory_space<vmem_shared>>
      tpu.wait_indirect_dma semaphore(%arg9 : memref<!tpu.dma_semaphore, #tpu.memory_space<semaphore_mem>>) src(%arg7 : memref<128x16xf32, #tpu.memory_space<vmem>>) dst(%dma_wait3A_136 : memref<10240x16xf32, #tpu.memory_space<vmem_shared>>)
      %add3A_137 = arith.constant 7 : i32
      %add3A_138 = arith.addi %mul3A_18, %add3A_137 : i32
      %dma_wait3A_139 = arith.constant 0 : i32
      %dma_wait3A_140 = tpu.memref_slice %arg6[%add3A_138, %dma_wait3A_139] : memref<80x128xi32, #tpu.memory_space<vmem>> -> memref<1x128xi32, #tpu.memory_space<vmem>>
      %dma_wait3A_141 = tpu.memref_squeeze %dma_wait3A_140 : memref<1x128xi32, #tpu.memory_space<vmem>> -> memref<128xi32, #tpu.memory_space<vmem>>
      %dma_wait3A_142 = arith.constant 0 : i32
      %dma_wait3A_143 = arith.constant 0 : i32
      %dma_wait3A_144 = tpu.memref_slice %arg8[%dma_wait3A_142, %dma_wait3A_143] : memref<10240x16xf32, #tpu.memory_space<vmem_shared>> -> memref<10240x16xf32, #tpu.memory_space<vmem_shared>>
      tpu.wait_indirect_dma semaphore(%arg9 : memref<!tpu.dma_semaphore, #tpu.memory_space<semaphore_mem>>) src(%arg7 : memref<128x16xf32, #tpu.memory_space<vmem>>) dst(%dma_wait3A_144 : memref<10240x16xf32, #tpu.memory_space<vmem_shared>>)
    }
    %scan3A_6 = arith.constant 10 : i32
    %barrier3A_7 = arith.constant 0 : index
    tpu.barrier barrier_id(%barrier3A_7)
    %mul3A_8 = arith.constant 640 : i32
    %mul3A_9 = arith.muli %arg1, %mul3A_8 : i32
    %mul3A_10 = arith.constant 640 : i32
    %mul3A_11 = arith.muli %arg1, %mul3A_10 : i32
    "tpu.region"() ({
      %run_scoped3A = tpu.sem_alloc : memref<!tpu.dma_semaphore, #tpu.memory_space<semaphore_mem>>
      %dma_start3A = arith.constant 0 : i32
      %dma_start3A_12 = tpu.memref_slice %arg5[%arg0, %mul3A_11, %dma_start3A] : memref<2x10240x16xf32, #tpu.memory_space<hbm>> -> memref<1x640x16xf32, #tpu.memory_space<hbm>>
      %dma_start3A_13 = tpu.memref_squeeze %dma_start3A_12 : memref<1x640x16xf32, #tpu.memory_space<hbm>> -> memref<640x16xf32, #tpu.memory_space<hbm>>
      %dma_start3A_14 = arith.constant 0 : i32
      %dma_start3A_15 = tpu.memref_slice %arg8[%mul3A_9, %dma_start3A_14] : memref<10240x16xf32, #tpu.memory_space<vmem_shared>> -> memref<640x16xf32, #tpu.memory_space<vmem_shared>>
      tpu.enqueue_dma source(%dma_start3A_15 : memref<640x16xf32, #tpu.memory_space<vmem_shared>>) target(%dma_start3A_13 : memref<640x16xf32, #tpu.memory_space<hbm>>) target_semaphore(%run_scoped3A : memref<!tpu.dma_semaphore, #tpu.memory_space<semaphore_mem>>)
      %dma_wait3A = arith.constant 0 : i32
      %dma_wait3A_16 = tpu.memref_slice %arg5[%arg0, %mul3A_11, %dma_wait3A] : memref<2x10240x16xf32, #tpu.memory_space<hbm>> -> memref<1x640x16xf32, #tpu.memory_space<hbm>>
      %dma_wait3A_17 = tpu.memref_squeeze %dma_wait3A_16 : memref<1x640x16xf32, #tpu.memory_space<hbm>> -> memref<640x16xf32, #tpu.memory_space<hbm>>
      %dma_wait3A_18 = arith.constant 0 : i32
      %dma_wait3A_19 = tpu.memref_slice %arg8[%mul3A_9, %dma_wait3A_18] : memref<10240x16xf32, #tpu.memory_space<vmem_shared>> -> memref<640x16xf32, #tpu.memory_space<vmem_shared>>
      tpu.wait_dma2 semaphore(%run_scoped3A : memref<!tpu.dma_semaphore, #tpu.memory_space<semaphore_mem>>) src(%dma_wait3A_19 : memref<640x16xf32, #tpu.memory_space<vmem_shared>>) dst(%dma_wait3A_17 : memref<640x16xf32, #tpu.memory_space<hbm>>)
      tpu.yield
    }) : () -> ()
    return
  }
}

#map = affine_map<(d0, d1) -> (0, 0)>
#map1 = affine_map<(d0, d1) -> (0, 0, 0)>
module attributes {stable_mosaic.version = 14 : i64} {
  func.func @_conv2_body(%arg0: i32, %arg1: i32, %arg2: memref<10240x16xf32, #tpu.memory_space<hbm>>, %arg3: memref<32x80x128xi32, #tpu.memory_space<hbm>>, %arg4: memref<32x80x128xi32, #tpu.memory_space<hbm>>, %arg5: memref<32x16xi32, #tpu.memory_space<hbm>>, %arg6: memref<640x16xf32, #tpu.memory_space<hbm>>, %arg7: memref<2x1024x16xf32, #tpu.memory_space<hbm>>, %arg8: memref<80x128xi32, #tpu.memory_space<vmem>>, %arg9: memref<80x128xi32, #tpu.memory_space<vmem>>, %arg10: memref<4x128x16xf32, #tpu.memory_space<vmem>>, %arg11: memref<10240x16xf32, #tpu.memory_space<vmem_shared>>, %arg12: memref<16xi32, #tpu.memory_space<vmem>>, %arg13: memref<!tpu.dma_semaphore, #tpu.memory_space<semaphore_mem>>) attributes {dimension_semantics = [#tpu.dimension_semantics<core_parallel>, #tpu.dimension_semantics<subcore_parallel>], iteration_bounds = array<i64: 2, 16>, scalar_prefetch = 0 : i64, scratch_operands = 6 : i64, tpu.core_type = #tpu.core_type<sc_vector_subcore>, window_params = [{transform_indices = #map}, {transform_indices = #map1}, {transform_indices = #map1}, {transform_indices = #map}, {transform_indices = #map}, {transform_indices = #map1}]} {
    %mul3A = arith.constant 16 : i32
    %mul3A_0 = arith.muli %arg0, %mul3A : i32
    %add3A = arith.addi %mul3A_0, %arg1 : i32
    "tpu.region"() ({
      %run_scoped3A = tpu.sem_alloc : memref<!tpu.dma_semaphore, #tpu.memory_space<semaphore_mem>>
      %dma_start3A = arith.constant 0 : i32
      %dma_start3A_123 = tpu.memref_slice %arg5[%add3A, %dma_start3A] : memref<32x16xi32, #tpu.memory_space<hbm>> -> memref<1x16xi32, #tpu.memory_space<hbm>>
      %dma_start3A_124 = tpu.memref_squeeze %dma_start3A_123 : memref<1x16xi32, #tpu.memory_space<hbm>> -> memref<16xi32, #tpu.memory_space<hbm>>
      %dma_start3A_125 = arith.constant 0 : i32
      %dma_start3A_126 = tpu.memref_slice %arg5[%add3A, %dma_start3A_125] : memref<32x16xi32, #tpu.memory_space<hbm>> -> memref<1x16xi32, #tpu.memory_space<hbm>>
      %dma_start3A_127 = tpu.memref_squeeze %dma_start3A_126 : memref<1x16xi32, #tpu.memory_space<hbm>> -> memref<16xi32, #tpu.memory_space<hbm>>
      tpu.enqueue_dma source(%dma_start3A_127 : memref<16xi32, #tpu.memory_space<hbm>>) target(%arg12 : memref<16xi32, #tpu.memory_space<vmem>>) target_semaphore(%run_scoped3A : memref<!tpu.dma_semaphore, #tpu.memory_space<semaphore_mem>>)
      %dma_wait3A = arith.constant 0 : i32
      %dma_wait3A_128 = tpu.memref_slice %arg5[%add3A, %dma_wait3A] : memref<32x16xi32, #tpu.memory_space<hbm>> -> memref<1x16xi32, #tpu.memory_space<hbm>>
      %dma_wait3A_129 = tpu.memref_squeeze %dma_wait3A_128 : memref<1x16xi32, #tpu.memory_space<hbm>> -> memref<16xi32, #tpu.memory_space<hbm>>
      %dma_wait3A_130 = arith.constant 0 : i32
      %dma_wait3A_131 = tpu.memref_slice %arg5[%add3A, %dma_wait3A_130] : memref<32x16xi32, #tpu.memory_space<hbm>> -> memref<1x16xi32, #tpu.memory_space<hbm>>
      %dma_wait3A_132 = tpu.memref_squeeze %dma_wait3A_131 : memref<1x16xi32, #tpu.memory_space<hbm>> -> memref<16xi32, #tpu.memory_space<hbm>>
      tpu.wait_dma2 semaphore(%run_scoped3A : memref<!tpu.dma_semaphore, #tpu.memory_space<semaphore_mem>>) src(%dma_wait3A_132 : memref<16xi32, #tpu.memory_space<hbm>>) dst(%arg12 : memref<16xi32, #tpu.memory_space<vmem>>)
      tpu.yield
    }) : () -> ()
    %get3A = arith.constant 0 : index
    %get3A_1 = tpu.vector_load %arg12[%get3A] {strides = array<i32>} : memref<16xi32, #tpu.memory_space<vmem>>, vector<16xi32>,
    %slice3A = vector.extract_strided_slice %get3A_1 {offsets = [0], sizes = [1], strides = [1]} : vector<16xi32> to vector<1xi32>
    %squeeze3A = vector.extract %slice3A[0] : i32 from vector<1xi32>
    %mul3A_2 = arith.constant 640 : i32
    %mul3A_3 = arith.muli %arg1, %mul3A_2 : i32
    "tpu.region"() ({
      %run_scoped3A = tpu.sem_alloc : memref<!tpu.dma_semaphore, #tpu.memory_space<semaphore_mem>>
      %dma_start3A = arith.constant 0 : i32
      %dma_start3A_123 = tpu.memref_slice %arg11[%mul3A_3, %dma_start3A] : memref<10240x16xf32, #tpu.memory_space<vmem_shared>> -> memref<640x16xf32, #tpu.memory_space<vmem_shared>>
      tpu.enqueue_dma source(%arg6 : memref<640x16xf32, #tpu.memory_space<hbm>>) target(%dma_start3A_123 : memref<640x16xf32, #tpu.memory_space<vmem_shared>>) target_semaphore(%run_scoped3A : memref<!tpu.dma_semaphore, #tpu.memory_space<semaphore_mem>>)
      %dma_wait3A = arith.constant 0 : i32
      %dma_wait3A_124 = tpu.memref_slice %arg11[%mul3A_3, %dma_wait3A] : memref<10240x16xf32, #tpu.memory_space<vmem_shared>> -> memref<640x16xf32, #tpu.memory_space<vmem_shared>>
      tpu.wait_dma2 semaphore(%run_scoped3A : memref<!tpu.dma_semaphore, #tpu.memory_space<semaphore_mem>>) src(%arg6 : memref<640x16xf32, #tpu.memory_space<hbm>>) dst(%dma_wait3A_124 : memref<640x16xf32, #tpu.memory_space<vmem_shared>>)
      tpu.yield
    }) : () -> ()
    %add3A_4 = arith.constant 1023 : i32
    %add3A_5 = arith.addi %squeeze3A, %add3A_4 : i32
    %jit3A = arith.constant 1024 : i32
    %div3A = arith.divsi %add3A_5, %jit3A : i32
    %sign3A = arith.constant 0 : i32
    %sign3A_6 = arith.cmpi sgt, %add3A_5, %sign3A : i32
    %sign3A_7 = arith.extui %sign3A_6 : i1 to i32
    %sign3A_8 = arith.constant 0 : i32
    %sign3A_9 = arith.cmpi slt, %add3A_5, %sign3A_8 : i32
    %sign3A_10 = arith.extui %sign3A_9 : i1 to i32
    %sign3A_11 = arith.subi %sign3A_7, %sign3A_10 : i32
    %sign3A_12 = arith.constant 0 : i32
    %sign3A_13 = arith.cmpi sgt, %jit3A, %sign3A_12 : i32
    %sign3A_14 = arith.extui %sign3A_13 : i1 to i32
    %sign3A_15 = arith.constant 0 : i32
    %sign3A_16 = arith.cmpi slt, %jit3A, %sign3A_15 : i32
    %sign3A_17 = arith.extui %sign3A_16 : i1 to i32
    %sign3A_18 = arith.subi %sign3A_14, %sign3A_17 : i32
    %ne3A = arith.cmpi ne, %sign3A_11, %sign3A_18 : i32
    %rem3A = arith.remsi %add3A_5, %jit3A : i32
    %ne3A_19 = arith.constant 0 : i32
    %ne3A_20 = arith.cmpi ne, %rem3A, %ne3A_19 : i32
    %and3A = arith.andi %ne3A, %ne3A_20 : i1
    %sub3A = arith.constant 1 : i32
    %sub3A_21 = arith.subi %div3A, %sub3A : i32
    %select_n3A = arith.select %and3A, %sub3A_21, %div3A : i32
    %sub3A_22 = arith.constant 0 : i32
    %sub3A_23 = arith.subi %select_n3A, %sub3A_22 : i32
    %sub3A_24 = arith.constant 1 : i32
    %sub3A_25 = arith.constant 1 : i32
    %sub3A_26 = arith.subi %sub3A_24, %sub3A_25 : i32
    %add3A_27 = arith.addi %sub3A_23, %sub3A_26 : i32
    %div3A_28 = arith.constant 1 : i32
    %div3A_29 = arith.divsi %add3A_27, %div3A_28 : i32
    %while3A = arith.constant 1 : i32
    %while3A_30 = arith.constant 0 : i32
    %while3A_31 = arith.constant 0 : i32
    %while3A_32 = arith.subi %div3A_29, %while3A_31 : i32
    %while3A_33 = arith.addi %while3A_31, %while3A_32 : i32
    %while3A_34 = arith.constant 1 : i32
    %while3A_35 = arith.divsi %while3A_32, %while3A_34 : i32
    %while3A_36 = arith.muli %while3A_35, %while3A_34 : i32
    %while3A_37 = arith.addi %while3A_31, %while3A_36 : i32
    %while3A_38 = arith.constant 1 : i32
    scf.for %while3A_123 = %while3A_31 to %while3A_37 step %while3A_38  : i32 {
      %mul3A_124 = arith.muli %while3A_123, %while3A : i32
      %add3A_125 = arith.addi %while3A_30, %mul3A_124 : i32
      %mul3A_126 = arith.constant 8 : i32
      %mul3A_127 = arith.muli %add3A_125, %mul3A_126 : i32
      %mul3A_128 = arith.constant 8 : i32
      %mul3A_129 = arith.muli %add3A_125, %mul3A_128 : i32
      "tpu.region"() ({
        %run_scoped3A = tpu.sem_alloc : memref<!tpu.dma_semaphore, #tpu.memory_space<semaphore_mem>>
        %dma_start3A = arith.constant 0 : i32
        %dma_start3A_134 = tpu.memref_slice %arg8[%mul3A_129, %dma_start3A] : memref<80x128xi32, #tpu.memory_space<vmem>> -> memref<8x128xi32, #tpu.memory_space<vmem>>
        %dma_start3A_135 = arith.constant 0 : i32
        %dma_start3A_136 = tpu.memref_slice %arg3[%add3A, %mul3A_127, %dma_start3A_135] : memref<32x80x128xi32, #tpu.memory_space<hbm>> -> memref<1x8x128xi32, #tpu.memory_space<hbm>>
        %dma_start3A_137 = tpu.memref_squeeze %dma_start3A_136 : memref<1x8x128xi32, #tpu.memory_space<hbm>> -> memref<8x128xi32, #tpu.memory_space<hbm>>
        %dma_start3A_138 = arith.constant 0 : i32
        %dma_start3A_139 = tpu.memref_slice %arg8[%mul3A_129, %dma_start3A_138] : memref<80x128xi32, #tpu.memory_space<vmem>> -> memref<8x128xi32, #tpu.memory_space<vmem>>
        %dma_start3A_140 = arith.constant 0 : i32
        %dma_start3A_141 = tpu.memref_slice %arg3[%add3A, %mul3A_127, %dma_start3A_140] : memref<32x80x128xi32, #tpu.memory_space<hbm>> -> memref<1x8x128xi32, #tpu.memory_space<hbm>>
        %dma_start3A_142 = tpu.memref_squeeze %dma_start3A_141 : memref<1x8x128xi32, #tpu.memory_space<hbm>> -> memref<8x128xi32, #tpu.memory_space<hbm>>
        tpu.enqueue_dma source(%dma_start3A_142 : memref<8x128xi32, #tpu.memory_space<hbm>>) target(%dma_start3A_139 : memref<8x128xi32, #tpu.memory_space<vmem>>) target_semaphore(%run_scoped3A : memref<!tpu.dma_semaphore, #tpu.memory_space<semaphore_mem>>)
        %dma_wait3A = arith.constant 0 : i32
        %dma_wait3A_143 = tpu.memref_slice %arg8[%mul3A_129, %dma_wait3A] : memref<80x128xi32, #tpu.memory_space<vmem>> -> memref<8x128xi32, #tpu.memory_space<vmem>>
        %dma_wait3A_144 = arith.constant 0 : i32
        %dma_wait3A_145 = tpu.memref_slice %arg3[%add3A, %mul3A_127, %dma_wait3A_144] : memref<32x80x128xi32, #tpu.memory_space<hbm>> -> memref<1x8x128xi32, #tpu.memory_space<hbm>>
        %dma_wait3A_146 = tpu.memref_squeeze %dma_wait3A_145 : memref<1x8x128xi32, #tpu.memory_space<hbm>> -> memref<8x128xi32, #tpu.memory_space<hbm>>
        %dma_wait3A_147 = arith.constant 0 : i32
        %dma_wait3A_148 = tpu.memref_slice %arg8[%mul3A_129, %dma_wait3A_147] : memref<80x128xi32, #tpu.memory_space<vmem>> -> memref<8x128xi32, #tpu.memory_space<vmem>>
        %dma_wait3A_149 = arith.constant 0 : i32
        %dma_wait3A_150 = tpu.memref_slice %arg3[%add3A, %mul3A_127, %dma_wait3A_149] : memref<32x80x128xi32, #tpu.memory_space<hbm>> -> memref<1x8x128xi32, #tpu.memory_space<hbm>>
        %dma_wait3A_151 = tpu.memref_squeeze %dma_wait3A_150 : memref<1x8x128xi32, #tpu.memory_space<hbm>> -> memref<8x128xi32, #tpu.memory_space<hbm>>
        tpu.wait_dma2 semaphore(%run_scoped3A : memref<!tpu.dma_semaphore, #tpu.memory_space<semaphore_mem>>) src(%dma_wait3A_151 : memref<8x128xi32, #tpu.memory_space<hbm>>) dst(%dma_wait3A_148 : memref<8x128xi32, #tpu.memory_space<vmem>>)
        tpu.yield
      }) : () -> ()
      %mul3A_130 = arith.constant 8 : i32
      %mul3A_131 = arith.muli %add3A_125, %mul3A_130 : i32
      %mul3A_132 = arith.constant 8 : i32
      %mul3A_133 = arith.muli %add3A_125, %mul3A_132 : i32
      "tpu.region"() ({
        %run_scoped3A = tpu.sem_alloc : memref<!tpu.dma_semaphore, #tpu.memory_space<semaphore_mem>>
        %dma_start3A = arith.constant 0 : i32
        %dma_start3A_134 = tpu.memref_slice %arg9[%mul3A_133, %dma_start3A] : memref<80x128xi32, #tpu.memory_space<vmem>> -> memref<8x128xi32, #tpu.memory_space<vmem>>
        %dma_start3A_135 = arith.constant 0 : i32
        %dma_start3A_136 = tpu.memref_slice %arg4[%add3A, %mul3A_131, %dma_start3A_135] : memref<32x80x128xi32, #tpu.memory_space<hbm>> -> memref<1x8x128xi32, #tpu.memory_space<hbm>>
        %dma_start3A_137 = tpu.memref_squeeze %dma_start3A_136 : memref<1x8x128xi32, #tpu.memory_space<hbm>> -> memref<8x128xi32, #tpu.memory_space<hbm>>
        %dma_start3A_138 = arith.constant 0 : i32
        %dma_start3A_139 = tpu.memref_slice %arg9[%mul3A_133, %dma_start3A_138] : memref<80x128xi32, #tpu.memory_space<vmem>> -> memref<8x128xi32, #tpu.memory_space<vmem>>
        %dma_start3A_140 = arith.constant 0 : i32
        %dma_start3A_141 = tpu.memref_slice %arg4[%add3A, %mul3A_131, %dma_start3A_140] : memref<32x80x128xi32, #tpu.memory_space<hbm>> -> memref<1x8x128xi32, #tpu.memory_space<hbm>>
        %dma_start3A_142 = tpu.memref_squeeze %dma_start3A_141 : memref<1x8x128xi32, #tpu.memory_space<hbm>> -> memref<8x128xi32, #tpu.memory_space<hbm>>
        tpu.enqueue_dma source(%dma_start3A_142 : memref<8x128xi32, #tpu.memory_space<hbm>>) target(%dma_start3A_139 : memref<8x128xi32, #tpu.memory_space<vmem>>) target_semaphore(%run_scoped3A : memref<!tpu.dma_semaphore, #tpu.memory_space<semaphore_mem>>)
        %dma_wait3A = arith.constant 0 : i32
        %dma_wait3A_143 = tpu.memref_slice %arg9[%mul3A_133, %dma_wait3A] : memref<80x128xi32, #tpu.memory_space<vmem>> -> memref<8x128xi32, #tpu.memory_space<vmem>>
        %dma_wait3A_144 = arith.constant 0 : i32
        %dma_wait3A_145 = tpu.memref_slice %arg4[%add3A, %mul3A_131, %dma_wait3A_144] : memref<32x80x128xi32, #tpu.memory_space<hbm>> -> memref<1x8x128xi32, #tpu.memory_space<hbm>>
        %dma_wait3A_146 = tpu.memref_squeeze %dma_wait3A_145 : memref<1x8x128xi32, #tpu.memory_space<hbm>> -> memref<8x128xi32, #tpu.memory_space<hbm>>
        %dma_wait3A_147 = arith.constant 0 : i32
        %dma_wait3A_148 = tpu.memref_slice %arg9[%mul3A_133, %dma_wait3A_147] : memref<80x128xi32, #tpu.memory_space<vmem>> -> memref<8x128xi32, #tpu.memory_space<vmem>>
        %dma_wait3A_149 = arith.constant 0 : i32
        %dma_wait3A_150 = tpu.memref_slice %arg4[%add3A, %mul3A_131, %dma_wait3A_149] : memref<32x80x128xi32, #tpu.memory_space<hbm>> -> memref<1x8x128xi32, #tpu.memory_space<hbm>>
        %dma_wait3A_151 = tpu.memref_squeeze %dma_wait3A_150 : memref<1x8x128xi32, #tpu.memory_space<hbm>> -> memref<8x128xi32, #tpu.memory_space<hbm>>
        tpu.wait_dma2 semaphore(%run_scoped3A : memref<!tpu.dma_semaphore, #tpu.memory_space<semaphore_mem>>) src(%dma_wait3A_151 : memref<8x128xi32, #tpu.memory_space<hbm>>) dst(%dma_wait3A_148 : memref<8x128xi32, #tpu.memory_space<vmem>>)
        tpu.yield
      }) : () -> ()
    }
    %while3A_39 = arith.constant 1 : i32
    scf.for %while3A_123 = %while3A_37 to %while3A_33 step %while3A_39  : i32 {
      %mul3A_124 = arith.muli %while3A_123, %while3A : i32
      %add3A_125 = arith.addi %while3A_30, %mul3A_124 : i32
      %mul3A_126 = arith.constant 8 : i32
      %mul3A_127 = arith.muli %add3A_125, %mul3A_126 : i32
      %mul3A_128 = arith.constant 8 : i32
      %mul3A_129 = arith.muli %add3A_125, %mul3A_128 : i32
      "tpu.region"() ({
        %run_scoped3A = tpu.sem_alloc : memref<!tpu.dma_semaphore, #tpu.memory_space<semaphore_mem>>
        %dma_start3A = arith.constant 0 : i32
        %dma_start3A_134 = tpu.memref_slice %arg8[%mul3A_129, %dma_start3A] : memref<80x128xi32, #tpu.memory_space<vmem>> -> memref<8x128xi32, #tpu.memory_space<vmem>>
        %dma_start3A_135 = arith.constant 0 : i32
        %dma_start3A_136 = tpu.memref_slice %arg3[%add3A, %mul3A_127, %dma_start3A_135] : memref<32x80x128xi32, #tpu.memory_space<hbm>> -> memref<1x8x128xi32, #tpu.memory_space<hbm>>
        %dma_start3A_137 = tpu.memref_squeeze %dma_start3A_136 : memref<1x8x128xi32, #tpu.memory_space<hbm>> -> memref<8x128xi32, #tpu.memory_space<hbm>>
        %dma_start3A_138 = arith.constant 0 : i32
        %dma_start3A_139 = tpu.memref_slice %arg8[%mul3A_129, %dma_start3A_138] : memref<80x128xi32, #tpu.memory_space<vmem>> -> memref<8x128xi32, #tpu.memory_space<vmem>>
        %dma_start3A_140 = arith.constant 0 : i32
        %dma_start3A_141 = tpu.memref_slice %arg3[%add3A, %mul3A_127, %dma_start3A_140] : memref<32x80x128xi32, #tpu.memory_space<hbm>> -> memref<1x8x128xi32, #tpu.memory_space<hbm>>
        %dma_start3A_142 = tpu.memref_squeeze %dma_start3A_141 : memref<1x8x128xi32, #tpu.memory_space<hbm>> -> memref<8x128xi32, #tpu.memory_space<hbm>>
        tpu.enqueue_dma source(%dma_start3A_142 : memref<8x128xi32, #tpu.memory_space<hbm>>) target(%dma_start3A_139 : memref<8x128xi32, #tpu.memory_space<vmem>>) target_semaphore(%run_scoped3A : memref<!tpu.dma_semaphore, #tpu.memory_space<semaphore_mem>>)
        %dma_wait3A = arith.constant 0 : i32
        %dma_wait3A_143 = tpu.memref_slice %arg8[%mul3A_129, %dma_wait3A] : memref<80x128xi32, #tpu.memory_space<vmem>> -> memref<8x128xi32, #tpu.memory_space<vmem>>
        %dma_wait3A_144 = arith.constant 0 : i32
        %dma_wait3A_145 = tpu.memref_slice %arg3[%add3A, %mul3A_127, %dma_wait3A_144] : memref<32x80x128xi32, #tpu.memory_space<hbm>> -> memref<1x8x128xi32, #tpu.memory_space<hbm>>
        %dma_wait3A_146 = tpu.memref_squeeze %dma_wait3A_145 : memref<1x8x128xi32, #tpu.memory_space<hbm>> -> memref<8x128xi32, #tpu.memory_space<hbm>>
        %dma_wait3A_147 = arith.constant 0 : i32
        %dma_wait3A_148 = tpu.memref_slice %arg8[%mul3A_129, %dma_wait3A_147] : memref<80x128xi32, #tpu.memory_space<vmem>> -> memref<8x128xi32, #tpu.memory_space<vmem>>
        %dma_wait3A_149 = arith.constant 0 : i32
        %dma_wait3A_150 = tpu.memref_slice %arg3[%add3A, %mul3A_127, %dma_wait3A_149] : memref<32x80x128xi32, #tpu.memory_space<hbm>> -> memref<1x8x128xi32, #tpu.memory_space<hbm>>
        %dma_wait3A_151 = tpu.memref_squeeze %dma_wait3A_150 : memref<1x8x128xi32, #tpu.memory_space<hbm>> -> memref<8x128xi32, #tpu.memory_space<hbm>>
        tpu.wait_dma2 semaphore(%run_scoped3A : memref<!tpu.dma_semaphore, #tpu.memory_space<semaphore_mem>>) src(%dma_wait3A_151 : memref<8x128xi32, #tpu.memory_space<hbm>>) dst(%dma_wait3A_148 : memref<8x128xi32, #tpu.memory_space<vmem>>)
        tpu.yield
      }) : () -> ()
      %mul3A_130 = arith.constant 8 : i32
      %mul3A_131 = arith.muli %add3A_125, %mul3A_130 : i32
      %mul3A_132 = arith.constant 8 : i32
      %mul3A_133 = arith.muli %add3A_125, %mul3A_132 : i32
      "tpu.region"() ({
        %run_scoped3A = tpu.sem_alloc : memref<!tpu.dma_semaphore, #tpu.memory_space<semaphore_mem>>
        %dma_start3A = arith.constant 0 : i32
        %dma_start3A_134 = tpu.memref_slice %arg9[%mul3A_133, %dma_start3A] : memref<80x128xi32, #tpu.memory_space<vmem>> -> memref<8x128xi32, #tpu.memory_space<vmem>>
        %dma_start3A_135 = arith.constant 0 : i32
        %dma_start3A_136 = tpu.memref_slice %arg4[%add3A, %mul3A_131, %dma_start3A_135] : memref<32x80x128xi32, #tpu.memory_space<hbm>> -> memref<1x8x128xi32, #tpu.memory_space<hbm>>
        %dma_start3A_137 = tpu.memref_squeeze %dma_start3A_136 : memref<1x8x128xi32, #tpu.memory_space<hbm>> -> memref<8x128xi32, #tpu.memory_space<hbm>>
        %dma_start3A_138 = arith.constant 0 : i32
        %dma_start3A_139 = tpu.memref_slice %arg9[%mul3A_133, %dma_start3A_138] : memref<80x128xi32, #tpu.memory_space<vmem>> -> memref<8x128xi32, #tpu.memory_space<vmem>>
        %dma_start3A_140 = arith.constant 0 : i32
        %dma_start3A_141 = tpu.memref_slice %arg4[%add3A, %mul3A_131, %dma_start3A_140] : memref<32x80x128xi32, #tpu.memory_space<hbm>> -> memref<1x8x128xi32, #tpu.memory_space<hbm>>
        %dma_start3A_142 = tpu.memref_squeeze %dma_start3A_141 : memref<1x8x128xi32, #tpu.memory_space<hbm>> -> memref<8x128xi32, #tpu.memory_space<hbm>>
        tpu.enqueue_dma source(%dma_start3A_142 : memref<8x128xi32, #tpu.memory_space<hbm>>) target(%dma_start3A_139 : memref<8x128xi32, #tpu.memory_space<vmem>>) target_semaphore(%run_scoped3A : memref<!tpu.dma_semaphore, #tpu.memory_space<semaphore_mem>>)
        %dma_wait3A = arith.constant 0 : i32
        %dma_wait3A_143 = tpu.memref_slice %arg9[%mul3A_133, %dma_wait3A] : memref<80x128xi32, #tpu.memory_space<vmem>> -> memref<8x128xi32, #tpu.memory_space<vmem>>
        %dma_wait3A_144 = arith.constant 0 : i32
        %dma_wait3A_145 = tpu.memref_slice %arg4[%add3A, %mul3A_131, %dma_wait3A_144] : memref<32x80x128xi32, #tpu.memory_space<hbm>> -> memref<1x8x128xi32, #tpu.memory_space<hbm>>
        %dma_wait3A_146 = tpu.memref_squeeze %dma_wait3A_145 : memref<1x8x128xi32, #tpu.memory_space<hbm>> -> memref<8x128xi32, #tpu.memory_space<hbm>>
        %dma_wait3A_147 = arith.constant 0 : i32
        %dma_wait3A_148 = tpu.memref_slice %arg9[%mul3A_133, %dma_wait3A_147] : memref<80x128xi32, #tpu.memory_space<vmem>> -> memref<8x128xi32, #tpu.memory_space<vmem>>
        %dma_wait3A_149 = arith.constant 0 : i32
        %dma_wait3A_150 = tpu.memref_slice %arg4[%add3A, %mul3A_131, %dma_wait3A_149] : memref<32x80x128xi32, #tpu.memory_space<hbm>> -> memref<1x8x128xi32, #tpu.memory_space<hbm>>
        %dma_wait3A_151 = tpu.memref_squeeze %dma_wait3A_150 : memref<1x8x128xi32, #tpu.memory_space<hbm>> -> memref<8x128xi32, #tpu.memory_space<hbm>>
        tpu.wait_dma2 semaphore(%run_scoped3A : memref<!tpu.dma_semaphore, #tpu.memory_space<semaphore_mem>>) src(%dma_wait3A_151 : memref<8x128xi32, #tpu.memory_space<hbm>>) dst(%dma_wait3A_148 : memref<8x128xi32, #tpu.memory_space<vmem>>)
        tpu.yield
      }) : () -> ()
    }
    %barrier3A = arith.constant 0 : index
    tpu.barrier barrier_id(%barrier3A)
    %add3A_40 = arith.constant 128 : i32
    %add3A_41 = arith.addi %squeeze3A, %add3A_40 : i32
    %sub3A_42 = arith.constant 1 : i32
    %sub3A_43 = arith.subi %add3A_41, %sub3A_42 : i32
    %jit3A_44 = arith.constant 128 : i32
    %div3A_45 = arith.divsi %sub3A_43, %jit3A_44 : i32
    %sign3A_46 = arith.constant 0 : i32
    %sign3A_47 = arith.cmpi sgt, %sub3A_43, %sign3A_46 : i32
    %sign3A_48 = arith.extui %sign3A_47 : i1 to i32
    %sign3A_49 = arith.constant 0 : i32
    %sign3A_50 = arith.cmpi slt, %sub3A_43, %sign3A_49 : i32
    %sign3A_51 = arith.extui %sign3A_50 : i1 to i32
    %sign3A_52 = arith.subi %sign3A_48, %sign3A_51 : i32
    %sign3A_53 = arith.constant 0 : i32
    %sign3A_54 = arith.cmpi sgt, %jit3A_44, %sign3A_53 : i32
    %sign3A_55 = arith.extui %sign3A_54 : i1 to i32
    %sign3A_56 = arith.constant 0 : i32
    %sign3A_57 = arith.cmpi slt, %jit3A_44, %sign3A_56 : i32
    %sign3A_58 = arith.extui %sign3A_57 : i1 to i32
    %sign3A_59 = arith.subi %sign3A_55, %sign3A_58 : i32
    %ne3A_60 = arith.cmpi ne, %sign3A_52, %sign3A_59 : i32
    %rem3A_61 = arith.remsi %sub3A_43, %jit3A_44 : i32
    %ne3A_62 = arith.constant 0 : i32
    %ne3A_63 = arith.cmpi ne, %rem3A_61, %ne3A_62 : i32
    %and3A_64 = arith.andi %ne3A_60, %ne3A_63 : i1
    %sub3A_65 = arith.constant 1 : i32
    %sub3A_66 = arith.subi %div3A_45, %sub3A_65 : i32
    %select_n3A_67 = arith.select %and3A_64, %sub3A_66, %div3A_45 : i32
    %add3A_68 = arith.constant 4 : i32
    %add3A_69 = arith.addi %select_n3A_67, %add3A_68 : i32
    %sub3A_70 = arith.constant 1 : i32
    %sub3A_71 = arith.subi %add3A_69, %sub3A_70 : i32
    %jit3A_72 = arith.constant 4 : i32
    %div3A_73 = arith.divsi %sub3A_71, %jit3A_72 : i32
    %sign3A_74 = arith.constant 0 : i32
    %sign3A_75 = arith.cmpi sgt, %sub3A_71, %sign3A_74 : i32
    %sign3A_76 = arith.extui %sign3A_75 : i1 to i32
    %sign3A_77 = arith.constant 0 : i32
    %sign3A_78 = arith.cmpi slt, %sub3A_71, %sign3A_77 : i32
    %sign3A_79 = arith.extui %sign3A_78 : i1 to i32
    %sign3A_80 = arith.subi %sign3A_76, %sign3A_79 : i32
    %sign3A_81 = arith.constant 0 : i32
    %sign3A_82 = arith.cmpi sgt, %jit3A_72, %sign3A_81 : i32
    %sign3A_83 = arith.extui %sign3A_82 : i1 to i32
    %sign3A_84 = arith.constant 0 : i32
    %sign3A_85 = arith.cmpi slt, %jit3A_72, %sign3A_84 : i32
    %sign3A_86 = arith.extui %sign3A_85 : i1 to i32
    %sign3A_87 = arith.subi %sign3A_83, %sign3A_86 : i32
    %ne3A_88 = arith.cmpi ne, %sign3A_80, %sign3A_87 : i32
    %rem3A_89 = arith.remsi %sub3A_71, %jit3A_72 : i32
    %ne3A_90 = arith.constant 0 : i32
    %ne3A_91 = arith.cmpi ne, %rem3A_89, %ne3A_90 : i32
    %and3A_92 = arith.andi %ne3A_88, %ne3A_91 : i1
    %sub3A_93 = arith.constant 1 : i32
    %sub3A_94 = arith.subi %div3A_73, %sub3A_93 : i32
    %select_n3A_95 = arith.select %and3A_92, %sub3A_94, %div3A_73 : i32
    %sub3A_96 = arith.constant 0 : i32
    %sub3A_97 = arith.subi %select_n3A_95, %sub3A_96 : i32
    %sub3A_98 = arith.constant 1 : i32
    %sub3A_99 = arith.constant 1 : i32
    %sub3A_100 = arith.subi %sub3A_98, %sub3A_99 : i32
    %add3A_101 = arith.addi %sub3A_97, %sub3A_100 : i32
    %div3A_102 = arith.constant 1 : i32
    %div3A_103 = arith.divsi %add3A_101, %div3A_102 : i32
    %while3A_104 = arith.constant 1 : i32
    %while3A_105 = arith.constant 0 : i32
    %while3A_106 = arith.constant 0 : i32
    %while3A_107 = arith.subi %div3A_103, %while3A_106 : i32
    %while3A_108 = arith.addi %while3A_106, %while3A_107 : i32
    %while3A_109 = arith.constant 1 : i32
    %while3A_110 = arith.divsi %while3A_107, %while3A_109 : i32
    %while3A_111 = arith.muli %while3A_110, %while3A_109 : i32
    %while3A_112 = arith.addi %while3A_106, %while3A_111 : i32
    %while3A_113 = arith.constant 1 : i32
    scf.for %while3A_123 = %while3A_106 to %while3A_112 step %while3A_113  : i32 {
      %mul3A_124 = arith.muli %while3A_123, %while3A_104 : i32
      %add3A_125 = arith.addi %while3A_105, %mul3A_124 : i32
      %mul3A_126 = arith.constant 4 : i32
      %mul3A_127 = arith.muli %add3A_125, %mul3A_126 : i32
      %add3A_128 = arith.constant 0 : i32
      %add3A_129 = arith.addi %mul3A_127, %add3A_128 : i32
      %lt3A = arith.cmpi slt, %add3A_129, %select_n3A_67 : i32
      %convert_element_type3A_130 = arith.extui %lt3A : i1 to i32
      %cond3A_131 = arith.constant 0 : i32
      %cond3A_132 = arith.cmpi ne, %convert_element_type3A_130, %cond3A_131 : i32
      scf.if %cond3A_132 {
        %dma_start3A = arith.constant 0 : i32
        %dma_start3A_189 = arith.constant 0 : i32
        %dma_start3A_190 = arith.constant 0 : i32
        %dma_start3A_191 = tpu.memref_slice %arg10[%dma_start3A, %dma_start3A_189, %dma_start3A_190] : memref<4x128x16xf32, #tpu.memory_space<vmem>> -> memref<1x128x16xf32, #tpu.memory_space<vmem>>
        %dma_start3A_192 = tpu.memref_squeeze %dma_start3A_191 : memref<1x128x16xf32, #tpu.memory_space<vmem>> -> memref<128x16xf32, #tpu.memory_space<vmem>>
        %dma_start3A_193 = arith.constant 0 : i32
        %dma_start3A_194 = tpu.memref_slice %arg8[%add3A_129, %dma_start3A_193] : memref<80x128xi32, #tpu.memory_space<vmem>> -> memref<1x128xi32, #tpu.memory_space<vmem>>
        %dma_start3A_195 = tpu.memref_squeeze %dma_start3A_194 : memref<1x128xi32, #tpu.memory_space<vmem>> -> memref<128xi32, #tpu.memory_space<vmem>>
        %dma_start3A_196 = arith.constant 0 : i32
        %dma_start3A_197 = arith.constant 0 : i32
        %dma_start3A_198 = tpu.memref_slice %arg2[%dma_start3A_196, %dma_start3A_197] : memref<10240x16xf32, #tpu.memory_space<hbm>> -> memref<10240x16xf32, #tpu.memory_space<hbm>>
        tpu.enqueue_indirect_dma source(%dma_start3A_198 : memref<10240x16xf32, #tpu.memory_space<hbm>>) target(%dma_start3A_192 : memref<128x16xf32, #tpu.memory_space<vmem>>) offsets(%dma_start3A_195 : memref<128xi32, #tpu.memory_space<vmem>>) semaphore(%arg13 : memref<!tpu.dma_semaphore, #tpu.memory_space<semaphore_mem>>)
      } else {
      }
      %mul3A_133 = arith.constant 4 : i32
      %mul3A_134 = arith.muli %add3A_125, %mul3A_133 : i32
      %add3A_135 = arith.constant 1 : i32
      %add3A_136 = arith.addi %mul3A_134, %add3A_135 : i32
      %lt3A_137 = arith.cmpi slt, %add3A_136, %select_n3A_67 : i32
      %convert_element_type3A_138 = arith.extui %lt3A_137 : i1 to i32
      %cond3A_139 = arith.constant 0 : i32
      %cond3A_140 = arith.cmpi ne, %convert_element_type3A_138, %cond3A_139 : i32
      scf.if %cond3A_140 {
        %dma_start3A = arith.constant 1 : i32
        %dma_start3A_189 = arith.constant 0 : i32
        %dma_start3A_190 = arith.constant 0 : i32
        %dma_start3A_191 = tpu.memref_slice %arg10[%dma_start3A, %dma_start3A_189, %dma_start3A_190] : memref<4x128x16xf32, #tpu.memory_space<vmem>> -> memref<1x128x16xf32, #tpu.memory_space<vmem>>
        %dma_start3A_192 = tpu.memref_squeeze %dma_start3A_191 : memref<1x128x16xf32, #tpu.memory_space<vmem>> -> memref<128x16xf32, #tpu.memory_space<vmem>>
        %dma_start3A_193 = arith.constant 0 : i32
        %dma_start3A_194 = tpu.memref_slice %arg8[%add3A_136, %dma_start3A_193] : memref<80x128xi32, #tpu.memory_space<vmem>> -> memref<1x128xi32, #tpu.memory_space<vmem>>
        %dma_start3A_195 = tpu.memref_squeeze %dma_start3A_194 : memref<1x128xi32, #tpu.memory_space<vmem>> -> memref<128xi32, #tpu.memory_space<vmem>>
        %dma_start3A_196 = arith.constant 0 : i32
        %dma_start3A_197 = arith.constant 0 : i32
        %dma_start3A_198 = tpu.memref_slice %arg2[%dma_start3A_196, %dma_start3A_197] : memref<10240x16xf32, #tpu.memory_space<hbm>> -> memref<10240x16xf32, #tpu.memory_space<hbm>>
        tpu.enqueue_indirect_dma source(%dma_start3A_198 : memref<10240x16xf32, #tpu.memory_space<hbm>>) target(%dma_start3A_192 : memref<128x16xf32, #tpu.memory_space<vmem>>) offsets(%dma_start3A_195 : memref<128xi32, #tpu.memory_space<vmem>>) semaphore(%arg13 : memref<!tpu.dma_semaphore, #tpu.memory_space<semaphore_mem>>)
      } else {
      }
      %mul3A_141 = arith.constant 4 : i32
      %mul3A_142 = arith.muli %add3A_125, %mul3A_141 : i32
      %add3A_143 = arith.constant 2 : i32
      %add3A_144 = arith.addi %mul3A_142, %add3A_143 : i32
      %lt3A_145 = arith.cmpi slt, %add3A_144, %select_n3A_67 : i32
      %convert_element_type3A_146 = arith.extui %lt3A_145 : i1 to i32
      %cond3A_147 = arith.constant 0 : i32
      %cond3A_148 = arith.cmpi ne, %convert_element_type3A_146, %cond3A_147 : i32
      scf.if %cond3A_148 {
        %dma_start3A = arith.constant 2 : i32
        %dma_start3A_189 = arith.constant 0 : i32
        %dma_start3A_190 = arith.constant 0 : i32
        %dma_start3A_191 = tpu.memref_slice %arg10[%dma_start3A, %dma_start3A_189, %dma_start3A_190] : memref<4x128x16xf32, #tpu.memory_space<vmem>> -> memref<1x128x16xf32, #tpu.memory_space<vmem>>
        %dma_start3A_192 = tpu.memref_squeeze %dma_start3A_191 : memref<1x128x16xf32, #tpu.memory_space<vmem>> -> memref<128x16xf32, #tpu.memory_space<vmem>>
        %dma_start3A_193 = arith.constant 0 : i32
        %dma_start3A_194 = tpu.memref_slice %arg8[%add3A_144, %dma_start3A_193] : memref<80x128xi32, #tpu.memory_space<vmem>> -> memref<1x128xi32, #tpu.memory_space<vmem>>
        %dma_start3A_195 = tpu.memref_squeeze %dma_start3A_194 : memref<1x128xi32, #tpu.memory_space<vmem>> -> memref<128xi32, #tpu.memory_space<vmem>>
        %dma_start3A_196 = arith.constant 0 : i32
        %dma_start3A_197 = arith.constant 0 : i32
        %dma_start3A_198 = tpu.memref_slice %arg2[%dma_start3A_196, %dma_start3A_197] : memref<10240x16xf32, #tpu.memory_space<hbm>> -> memref<10240x16xf32, #tpu.memory_space<hbm>>
        tpu.enqueue_indirect_dma source(%dma_start3A_198 : memref<10240x16xf32, #tpu.memory_space<hbm>>) target(%dma_start3A_192 : memref<128x16xf32, #tpu.memory_space<vmem>>) offsets(%dma_start3A_195 : memref<128xi32, #tpu.memory_space<vmem>>) semaphore(%arg13 : memref<!tpu.dma_semaphore, #tpu.memory_space<semaphore_mem>>)
      } else {
      }
      %mul3A_149 = arith.constant 4 : i32
      %mul3A_150 = arith.muli %add3A_125, %mul3A_149 : i32
      %add3A_151 = arith.constant 3 : i32
      %add3A_152 = arith.addi %mul3A_150, %add3A_151 : i32
      %lt3A_153 = arith.cmpi slt, %add3A_152, %select_n3A_67 : i32
      %convert_element_type3A_154 = arith.extui %lt3A_153 : i1 to i32
      %cond3A_155 = arith.constant 0 : i32
      %cond3A_156 = arith.cmpi ne, %convert_element_type3A_154, %cond3A_155 : i32
      scf.if %cond3A_156 {
        %dma_start3A = arith.constant 3 : i32
        %dma_start3A_189 = arith.constant 0 : i32
        %dma_start3A_190 = arith.constant 0 : i32
        %dma_start3A_191 = tpu.memref_slice %arg10[%dma_start3A, %dma_start3A_189, %dma_start3A_190] : memref<4x128x16xf32, #tpu.memory_space<vmem>> -> memref<1x128x16xf32, #tpu.memory_space<vmem>>
        %dma_start3A_192 = tpu.memref_squeeze %dma_start3A_191 : memref<1x128x16xf32, #tpu.memory_space<vmem>> -> memref<128x16xf32, #tpu.memory_space<vmem>>
        %dma_start3A_193 = arith.constant 0 : i32
        %dma_start3A_194 = tpu.memref_slice %arg8[%add3A_152, %dma_start3A_193] : memref<80x128xi32, #tpu.memory_space<vmem>> -> memref<1x128xi32, #tpu.memory_space<vmem>>
        %dma_start3A_195 = tpu.memref_squeeze %dma_start3A_194 : memref<1x128xi32, #tpu.memory_space<vmem>> -> memref<128xi32, #tpu.memory_space<vmem>>
        %dma_start3A_196 = arith.constant 0 : i32
        %dma_start3A_197 = arith.constant 0 : i32
        %dma_start3A_198 = tpu.memref_slice %arg2[%dma_start3A_196, %dma_start3A_197] : memref<10240x16xf32, #tpu.memory_space<hbm>> -> memref<10240x16xf32, #tpu.memory_space<hbm>>
        tpu.enqueue_indirect_dma source(%dma_start3A_198 : memref<10240x16xf32, #tpu.memory_space<hbm>>) target(%dma_start3A_192 : memref<128x16xf32, #tpu.memory_space<vmem>>) offsets(%dma_start3A_195 : memref<128xi32, #tpu.memory_space<vmem>>) semaphore(%arg13 : memref<!tpu.dma_semaphore, #tpu.memory_space<semaphore_mem>>)
      } else {
      }
      %mul3A_157 = arith.constant 4 : i32
      %mul3A_158 = arith.muli %add3A_125, %mul3A_157 : i32
      %add3A_159 = arith.constant 0 : i32
      %add3A_160 = arith.addi %mul3A_158, %add3A_159 : i32
      %lt3A_161 = arith.cmpi slt, %add3A_160, %select_n3A_67 : i32
      %convert_element_type3A_162 = arith.extui %lt3A_161 : i1 to i32
      %cond3A_163 = arith.constant 0 : i32
      %cond3A_164 = arith.cmpi ne, %convert_element_type3A_162, %cond3A_163 : i32
      scf.if %cond3A_164 {
        %dma_wait3A = arith.constant 0 : i32
        %dma_wait3A_189 = arith.constant 0 : i32
        %dma_wait3A_190 = arith.constant 0 : i32
        %dma_wait3A_191 = tpu.memref_slice %arg10[%dma_wait3A, %dma_wait3A_189, %dma_wait3A_190] : memref<4x128x16xf32, #tpu.memory_space<vmem>> -> memref<1x128x16xf32, #tpu.memory_space<vmem>>
        %dma_wait3A_192 = tpu.memref_squeeze %dma_wait3A_191 : memref<1x128x16xf32, #tpu.memory_space<vmem>> -> memref<128x16xf32, #tpu.memory_space<vmem>>
        %dma_wait3A_193 = arith.constant 0 : i32
        %dma_wait3A_194 = tpu.memref_slice %arg8[%add3A_160, %dma_wait3A_193] : memref<80x128xi32, #tpu.memory_space<vmem>> -> memref<1x128xi32, #tpu.memory_space<vmem>>
        %dma_wait3A_195 = tpu.memref_squeeze %dma_wait3A_194 : memref<1x128xi32, #tpu.memory_space<vmem>> -> memref<128xi32, #tpu.memory_space<vmem>>
        %dma_wait3A_196 = arith.constant 0 : i32
        %dma_wait3A_197 = arith.constant 0 : i32
        %dma_wait3A_198 = tpu.memref_slice %arg2[%dma_wait3A_196, %dma_wait3A_197] : memref<10240x16xf32, #tpu.memory_space<hbm>> -> memref<10240x16xf32, #tpu.memory_space<hbm>>
        tpu.wait_indirect_dma semaphore(%arg13 : memref<!tpu.dma_semaphore, #tpu.memory_space<semaphore_mem>>) src(%dma_wait3A_198 : memref<10240x16xf32, #tpu.memory_space<hbm>>) dst(%dma_wait3A_192 : memref<128x16xf32, #tpu.memory_space<vmem>>)
        %run_scoped3A = arith.constant 0 : i32
        "tpu.region"() ({
          %run_scoped3A_199 = tpu.sem_alloc : memref<!tpu.dma_semaphore, #tpu.memory_space<semaphore_mem>>
          %dma_start3A = arith.constant 0 : i32
          %dma_start3A_200 = arith.constant 0 : i32
          %dma_start3A_201 = tpu.memref_slice %arg10[%run_scoped3A, %dma_start3A, %dma_start3A_200] : memref<4x128x16xf32, #tpu.memory_space<vmem>> -> memref<1x128x16xf32, #tpu.memory_space<vmem>>
          %dma_start3A_202 = tpu.memref_squeeze %dma_start3A_201 : memref<1x128x16xf32, #tpu.memory_space<vmem>> -> memref<128x16xf32, #tpu.memory_space<vmem>>
          %dma_start3A_203 = arith.constant 0 : i32
          %dma_start3A_204 = tpu.memref_slice %arg9[%add3A_160, %dma_start3A_203] : memref<80x128xi32, #tpu.memory_space<vmem>> -> memref<1x128xi32, #tpu.memory_space<vmem>>
          %dma_start3A_205 = tpu.memref_squeeze %dma_start3A_204 : memref<1x128xi32, #tpu.memory_space<vmem>> -> memref<128xi32, #tpu.memory_space<vmem>>
          %dma_start3A_206 = arith.constant 0 : i32
          %dma_start3A_207 = arith.constant 0 : i32
          %dma_start3A_208 = tpu.memref_slice %arg11[%dma_start3A_206, %dma_start3A_207] : memref<10240x16xf32, #tpu.memory_space<vmem_shared>> -> memref<10240x16xf32, #tpu.memory_space<vmem_shared>>
          tpu.enqueue_indirect_dma source(%dma_start3A_202 : memref<128x16xf32, #tpu.memory_space<vmem>>) target(%dma_start3A_208 : memref<10240x16xf32, #tpu.memory_space<vmem_shared>>) offsets(%dma_start3A_205 : memref<128xi32, #tpu.memory_space<vmem>>) semaphore(%run_scoped3A_199 : memref<!tpu.dma_semaphore, #tpu.memory_space<semaphore_mem>>) {add = true}
          %dma_wait3A_209 = arith.constant 0 : i32
          %dma_wait3A_210 = arith.constant 0 : i32
          %dma_wait3A_211 = tpu.memref_slice %arg10[%run_scoped3A, %dma_wait3A_209, %dma_wait3A_210] : memref<4x128x16xf32, #tpu.memory_space<vmem>> -> memref<1x128x16xf32, #tpu.memory_space<vmem>>
          %dma_wait3A_212 = tpu.memref_squeeze %dma_wait3A_211 : memref<1x128x16xf32, #tpu.memory_space<vmem>> -> memref<128x16xf32, #tpu.memory_space<vmem>>
          %dma_wait3A_213 = arith.constant 0 : i32
          %dma_wait3A_214 = tpu.memref_slice %arg9[%add3A_160, %dma_wait3A_213] : memref<80x128xi32, #tpu.memory_space<vmem>> -> memref<1x128xi32, #tpu.memory_space<vmem>>
          %dma_wait3A_215 = tpu.memref_squeeze %dma_wait3A_214 : memref<1x128xi32, #tpu.memory_space<vmem>> -> memref<128xi32, #tpu.memory_space<vmem>>
          %dma_wait3A_216 = arith.constant 0 : i32
          %dma_wait3A_217 = arith.constant 0 : i32
          %dma_wait3A_218 = tpu.memref_slice %arg11[%dma_wait3A_216, %dma_wait3A_217] : memref<10240x16xf32, #tpu.memory_space<vmem_shared>> -> memref<10240x16xf32, #tpu.memory_space<vmem_shared>>
          tpu.wait_indirect_dma semaphore(%run_scoped3A_199 : memref<!tpu.dma_semaphore, #tpu.memory_space<semaphore_mem>>) src(%dma_wait3A_212 : memref<128x16xf32, #tpu.memory_space<vmem>>) dst(%dma_wait3A_218 : memref<10240x16xf32, #tpu.memory_space<vmem_shared>>)
          tpu.yield
        }) : () -> ()
      } else {
      }
      %mul3A_165 = arith.constant 4 : i32
      %mul3A_166 = arith.muli %add3A_125, %mul3A_165 : i32
      %add3A_167 = arith.constant 1 : i32
      %add3A_168 = arith.addi %mul3A_166, %add3A_167 : i32
      %lt3A_169 = arith.cmpi slt, %add3A_168, %select_n3A_67 : i32
      %convert_element_type3A_170 = arith.extui %lt3A_169 : i1 to i32
      %cond3A_171 = arith.constant 0 : i32
      %cond3A_172 = arith.cmpi ne, %convert_element_type3A_170, %cond3A_171 : i32
      scf.if %cond3A_172 {
        %dma_wait3A = arith.constant 1 : i32
        %dma_wait3A_189 = arith.constant 0 : i32
        %dma_wait3A_190 = arith.constant 0 : i32
        %dma_wait3A_191 = tpu.memref_slice %arg10[%dma_wait3A, %dma_wait3A_189, %dma_wait3A_190] : memref<4x128x16xf32, #tpu.memory_space<vmem>> -> memref<1x128x16xf32, #tpu.memory_space<vmem>>
        %dma_wait3A_192 = tpu.memref_squeeze %dma_wait3A_191 : memref<1x128x16xf32, #tpu.memory_space<vmem>> -> memref<128x16xf32, #tpu.memory_space<vmem>>
        %dma_wait3A_193 = arith.constant 0 : i32
        %dma_wait3A_194 = tpu.memref_slice %arg8[%add3A_168, %dma_wait3A_193] : memref<80x128xi32, #tpu.memory_space<vmem>> -> memref<1x128xi32, #tpu.memory_space<vmem>>
        %dma_wait3A_195 = tpu.memref_squeeze %dma_wait3A_194 : memref<1x128xi32, #tpu.memory_space<vmem>> -> memref<128xi32, #tpu.memory_space<vmem>>
        %dma_wait3A_196 = arith.constant 0 : i32
        %dma_wait3A_197 = arith.constant 0 : i32
        %dma_wait3A_198 = tpu.memref_slice %arg2[%dma_wait3A_196, %dma_wait3A_197] : memref<10240x16xf32, #tpu.memory_space<hbm>> -> memref<10240x16xf32, #tpu.memory_space<hbm>>
        tpu.wait_indirect_dma semaphore(%arg13 : memref<!tpu.dma_semaphore, #tpu.memory_space<semaphore_mem>>) src(%dma_wait3A_198 : memref<10240x16xf32, #tpu.memory_space<hbm>>) dst(%dma_wait3A_192 : memref<128x16xf32, #tpu.memory_space<vmem>>)
        %run_scoped3A = arith.constant 1 : i32
        "tpu.region"() ({
          %run_scoped3A_199 = tpu.sem_alloc : memref<!tpu.dma_semaphore, #tpu.memory_space<semaphore_mem>>
          %dma_start3A = arith.constant 0 : i32
          %dma_start3A_200 = arith.constant 0 : i32
          %dma_start3A_201 = tpu.memref_slice %arg10[%run_scoped3A, %dma_start3A, %dma_start3A_200] : memref<4x128x16xf32, #tpu.memory_space<vmem>> -> memref<1x128x16xf32, #tpu.memory_space<vmem>>
          %dma_start3A_202 = tpu.memref_squeeze %dma_start3A_201 : memref<1x128x16xf32, #tpu.memory_space<vmem>> -> memref<128x16xf32, #tpu.memory_space<vmem>>
          %dma_start3A_203 = arith.constant 0 : i32
          %dma_start3A_204 = tpu.memref_slice %arg9[%add3A_168, %dma_start3A_203] : memref<80x128xi32, #tpu.memory_space<vmem>> -> memref<1x128xi32, #tpu.memory_space<vmem>>
          %dma_start3A_205 = tpu.memref_squeeze %dma_start3A_204 : memref<1x128xi32, #tpu.memory_space<vmem>> -> memref<128xi32, #tpu.memory_space<vmem>>
          %dma_start3A_206 = arith.constant 0 : i32
          %dma_start3A_207 = arith.constant 0 : i32
          %dma_start3A_208 = tpu.memref_slice %arg11[%dma_start3A_206, %dma_start3A_207] : memref<10240x16xf32, #tpu.memory_space<vmem_shared>> -> memref<10240x16xf32, #tpu.memory_space<vmem_shared>>
          tpu.enqueue_indirect_dma source(%dma_start3A_202 : memref<128x16xf32, #tpu.memory_space<vmem>>) target(%dma_start3A_208 : memref<10240x16xf32, #tpu.memory_space<vmem_shared>>) offsets(%dma_start3A_205 : memref<128xi32, #tpu.memory_space<vmem>>) semaphore(%run_scoped3A_199 : memref<!tpu.dma_semaphore, #tpu.memory_space<semaphore_mem>>) {add = true}
          %dma_wait3A_209 = arith.constant 0 : i32
          %dma_wait3A_210 = arith.constant 0 : i32
          %dma_wait3A_211 = tpu.memref_slice %arg10[%run_scoped3A, %dma_wait3A_209, %dma_wait3A_210] : memref<4x128x16xf32, #tpu.memory_space<vmem>> -> memref<1x128x16xf32, #tpu.memory_space<vmem>>
          %dma_wait3A_212 = tpu.memref_squeeze %dma_wait3A_211 : memref<1x128x16xf32, #tpu.memory_space<vmem>> -> memref<128x16xf32, #tpu.memory_space<vmem>>
          %dma_wait3A_213 = arith.constant 0 : i32
          %dma_wait3A_214 = tpu.memref_slice %arg9[%add3A_168, %dma_wait3A_213] : memref<80x128xi32, #tpu.memory_space<vmem>> -> memref<1x128xi32, #tpu.memory_space<vmem>>
          %dma_wait3A_215 = tpu.memref_squeeze %dma_wait3A_214 : memref<1x128xi32, #tpu.memory_space<vmem>> -> memref<128xi32, #tpu.memory_space<vmem>>
          %dma_wait3A_216 = arith.constant 0 : i32
          %dma_wait3A_217 = arith.constant 0 : i32
          %dma_wait3A_218 = tpu.memref_slice %arg11[%dma_wait3A_216, %dma_wait3A_217] : memref<10240x16xf32, #tpu.memory_space<vmem_shared>> -> memref<10240x16xf32, #tpu.memory_space<vmem_shared>>
          tpu.wait_indirect_dma semaphore(%run_scoped3A_199 : memref<!tpu.dma_semaphore, #tpu.memory_space<semaphore_mem>>) src(%dma_wait3A_212 : memref<128x16xf32, #tpu.memory_space<vmem>>) dst(%dma_wait3A_218 : memref<10240x16xf32, #tpu.memory_space<vmem_shared>>)
          tpu.yield
        }) : () -> ()
      } else {
      }
      %mul3A_173 = arith.constant 4 : i32
      %mul3A_174 = arith.muli %add3A_125, %mul3A_173 : i32
      %add3A_175 = arith.constant 2 : i32
      %add3A_176 = arith.addi %mul3A_174, %add3A_175 : i32
      %lt3A_177 = arith.cmpi slt, %add3A_176, %select_n3A_67 : i32
      %convert_element_type3A_178 = arith.extui %lt3A_177 : i1 to i32
      %cond3A_179 = arith.constant 0 : i32
      %cond3A_180 = arith.cmpi ne, %convert_element_type3A_178, %cond3A_179 : i32
      scf.if %cond3A_180 {
        %dma_wait3A = arith.constant 2 : i32
        %dma_wait3A_189 = arith.constant 0 : i32
        %dma_wait3A_190 = arith.constant 0 : i32
        %dma_wait3A_191 = tpu.memref_slice %arg10[%dma_wait3A, %dma_wait3A_189, %dma_wait3A_190] : memref<4x128x16xf32, #tpu.memory_space<vmem>> -> memref<1x128x16xf32, #tpu.memory_space<vmem>>
        %dma_wait3A_192 = tpu.memref_squeeze %dma_wait3A_191 : memref<1x128x16xf32, #tpu.memory_space<vmem>> -> memref<128x16xf32, #tpu.memory_space<vmem>>
        %dma_wait3A_193 = arith.constant 0 : i32
        %dma_wait3A_194 = tpu.memref_slice %arg8[%add3A_176, %dma_wait3A_193] : memref<80x128xi32, #tpu.memory_space<vmem>> -> memref<1x128xi32, #tpu.memory_space<vmem>>
        %dma_wait3A_195 = tpu.memref_squeeze %dma_wait3A_194 : memref<1x128xi32, #tpu.memory_space<vmem>> -> memref<128xi32, #tpu.memory_space<vmem>>
        %dma_wait3A_196 = arith.constant 0 : i32
        %dma_wait3A_197 = arith.constant 0 : i32
        %dma_wait3A_198 = tpu.memref_slice %arg2[%dma_wait3A_196, %dma_wait3A_197] : memref<10240x16xf32, #tpu.memory_space<hbm>> -> memref<10240x16xf32, #tpu.memory_space<hbm>>
        tpu.wait_indirect_dma semaphore(%arg13 : memref<!tpu.dma_semaphore, #tpu.memory_space<semaphore_mem>>) src(%dma_wait3A_198 : memref<10240x16xf32, #tpu.memory_space<hbm>>) dst(%dma_wait3A_192 : memref<128x16xf32, #tpu.memory_space<vmem>>)
        %run_scoped3A = arith.constant 2 : i32
        "tpu.region"() ({
          %run_scoped3A_199 = tpu.sem_alloc : memref<!tpu.dma_semaphore, #tpu.memory_space<semaphore_mem>>
          %dma_start3A = arith.constant 0 : i32
          %dma_start3A_200 = arith.constant 0 : i32
          %dma_start3A_201 = tpu.memref_slice %arg10[%run_scoped3A, %dma_start3A, %dma_start3A_200] : memref<4x128x16xf32, #tpu.memory_space<vmem>> -> memref<1x128x16xf32, #tpu.memory_space<vmem>>
          %dma_start3A_202 = tpu.memref_squeeze %dma_start3A_201 : memref<1x128x16xf32, #tpu.memory_space<vmem>> -> memref<128x16xf32, #tpu.memory_space<vmem>>
          %dma_start3A_203 = arith.constant 0 : i32
          %dma_start3A_204 = tpu.memref_slice %arg9[%add3A_176, %dma_start3A_203] : memref<80x128xi32, #tpu.memory_space<vmem>> -> memref<1x128xi32, #tpu.memory_space<vmem>>
          %dma_start3A_205 = tpu.memref_squeeze %dma_start3A_204 : memref<1x128xi32, #tpu.memory_space<vmem>> -> memref<128xi32, #tpu.memory_space<vmem>>
          %dma_start3A_206 = arith.constant 0 : i32
          %dma_start3A_207 = arith.constant 0 : i32
          %dma_start3A_208 = tpu.memref_slice %arg11[%dma_start3A_206, %dma_start3A_207] : memref<10240x16xf32, #tpu.memory_space<vmem_shared>> -> memref<10240x16xf32, #tpu.memory_space<vmem_shared>>
          tpu.enqueue_indirect_dma source(%dma_start3A_202 : memref<128x16xf32, #tpu.memory_space<vmem>>) target(%dma_start3A_208 : memref<10240x16xf32, #tpu.memory_space<vmem_shared>>) offsets(%dma_start3A_205 : memref<128xi32, #tpu.memory_space<vmem>>) semaphore(%run_scoped3A_199 : memref<!tpu.dma_semaphore, #tpu.memory_space<semaphore_mem>>) {add = true}
          %dma_wait3A_209 = arith.constant 0 : i32
          %dma_wait3A_210 = arith.constant 0 : i32
          %dma_wait3A_211 = tpu.memref_slice %arg10[%run_scoped3A, %dma_wait3A_209, %dma_wait3A_210] : memref<4x128x16xf32, #tpu.memory_space<vmem>> -> memref<1x128x16xf32, #tpu.memory_space<vmem>>
          %dma_wait3A_212 = tpu.memref_squeeze %dma_wait3A_211 : memref<1x128x16xf32, #tpu.memory_space<vmem>> -> memref<128x16xf32, #tpu.memory_space<vmem>>
          %dma_wait3A_213 = arith.constant 0 : i32
          %dma_wait3A_214 = tpu.memref_slice %arg9[%add3A_176, %dma_wait3A_213] : memref<80x128xi32, #tpu.memory_space<vmem>> -> memref<1x128xi32, #tpu.memory_space<vmem>>
          %dma_wait3A_215 = tpu.memref_squeeze %dma_wait3A_214 : memref<1x128xi32, #tpu.memory_space<vmem>> -> memref<128xi32, #tpu.memory_space<vmem>>
          %dma_wait3A_216 = arith.constant 0 : i32
          %dma_wait3A_217 = arith.constant 0 : i32
          %dma_wait3A_218 = tpu.memref_slice %arg11[%dma_wait3A_216, %dma_wait3A_217] : memref<10240x16xf32, #tpu.memory_space<vmem_shared>> -> memref<10240x16xf32, #tpu.memory_space<vmem_shared>>
          tpu.wait_indirect_dma semaphore(%run_scoped3A_199 : memref<!tpu.dma_semaphore, #tpu.memory_space<semaphore_mem>>) src(%dma_wait3A_212 : memref<128x16xf32, #tpu.memory_space<vmem>>) dst(%dma_wait3A_218 : memref<10240x16xf32, #tpu.memory_space<vmem_shared>>)
          tpu.yield
        }) : () -> ()
      } else {
      }
      %mul3A_181 = arith.constant 4 : i32
      %mul3A_182 = arith.muli %add3A_125, %mul3A_181 : i32
      %add3A_183 = arith.constant 3 : i32
      %add3A_184 = arith.addi %mul3A_182, %add3A_183 : i32
      %lt3A_185 = arith.cmpi slt, %add3A_184, %select_n3A_67 : i32
      %convert_element_type3A_186 = arith.extui %lt3A_185 : i1 to i32
      %cond3A_187 = arith.constant 0 : i32
      %cond3A_188 = arith.cmpi ne, %convert_element_type3A_186, %cond3A_187 : i32
      scf.if %cond3A_188 {
        %dma_wait3A = arith.constant 3 : i32
        %dma_wait3A_189 = arith.constant 0 : i32
        %dma_wait3A_190 = arith.constant 0 : i32
        %dma_wait3A_191 = tpu.memref_slice %arg10[%dma_wait3A, %dma_wait3A_189, %dma_wait3A_190] : memref<4x128x16xf32, #tpu.memory_space<vmem>> -> memref<1x128x16xf32, #tpu.memory_space<vmem>>
        %dma_wait3A_192 = tpu.memref_squeeze %dma_wait3A_191 : memref<1x128x16xf32, #tpu.memory_space<vmem>> -> memref<128x16xf32, #tpu.memory_space<vmem>>
        %dma_wait3A_193 = arith.constant 0 : i32
        %dma_wait3A_194 = tpu.memref_slice %arg8[%add3A_184, %dma_wait3A_193] : memref<80x128xi32, #tpu.memory_space<vmem>> -> memref<1x128xi32, #tpu.memory_space<vmem>>
        %dma_wait3A_195 = tpu.memref_squeeze %dma_wait3A_194 : memref<1x128xi32, #tpu.memory_space<vmem>> -> memref<128xi32, #tpu.memory_space<vmem>>
        %dma_wait3A_196 = arith.constant 0 : i32
        %dma_wait3A_197 = arith.constant 0 : i32
        %dma_wait3A_198 = tpu.memref_slice %arg2[%dma_wait3A_196, %dma_wait3A_197] : memref<10240x16xf32, #tpu.memory_space<hbm>> -> memref<10240x16xf32, #tpu.memory_space<hbm>>
        tpu.wait_indirect_dma semaphore(%arg13 : memref<!tpu.dma_semaphore, #tpu.memory_space<semaphore_mem>>) src(%dma_wait3A_198 : memref<10240x16xf32, #tpu.memory_space<hbm>>) dst(%dma_wait3A_192 : memref<128x16xf32, #tpu.memory_space<vmem>>)
        %run_scoped3A = arith.constant 3 : i32
        "tpu.region"() ({
          %run_scoped3A_199 = tpu.sem_alloc : memref<!tpu.dma_semaphore, #tpu.memory_space<semaphore_mem>>
          %dma_start3A = arith.constant 0 : i32
          %dma_start3A_200 = arith.constant 0 : i32
          %dma_start3A_201 = tpu.memref_slice %arg10[%run_scoped3A, %dma_start3A, %dma_start3A_200] : memref<4x128x16xf32, #tpu.memory_space<vmem>> -> memref<1x128x16xf32, #tpu.memory_space<vmem>>
          %dma_start3A_202 = tpu.memref_squeeze %dma_start3A_201 : memref<1x128x16xf32, #tpu.memory_space<vmem>> -> memref<128x16xf32, #tpu.memory_space<vmem>>
          %dma_start3A_203 = arith.constant 0 : i32
          %dma_start3A_204 = tpu.memref_slice %arg9[%add3A_184, %dma_start3A_203] : memref<80x128xi32, #tpu.memory_space<vmem>> -> memref<1x128xi32, #tpu.memory_space<vmem>>
          %dma_start3A_205 = tpu.memref_squeeze %dma_start3A_204 : memref<1x128xi32, #tpu.memory_space<vmem>> -> memref<128xi32, #tpu.memory_space<vmem>>
          %dma_start3A_206 = arith.constant 0 : i32
          %dma_start3A_207 = arith.constant 0 : i32
          %dma_start3A_208 = tpu.memref_slice %arg11[%dma_start3A_206, %dma_start3A_207] : memref<10240x16xf32, #tpu.memory_space<vmem_shared>> -> memref<10240x16xf32, #tpu.memory_space<vmem_shared>>
          tpu.enqueue_indirect_dma source(%dma_start3A_202 : memref<128x16xf32, #tpu.memory_space<vmem>>) target(%dma_start3A_208 : memref<10240x16xf32, #tpu.memory_space<vmem_shared>>) offsets(%dma_start3A_205 : memref<128xi32, #tpu.memory_space<vmem>>) semaphore(%run_scoped3A_199 : memref<!tpu.dma_semaphore, #tpu.memory_space<semaphore_mem>>) {add = true}
          %dma_wait3A_209 = arith.constant 0 : i32
          %dma_wait3A_210 = arith.constant 0 : i32
          %dma_wait3A_211 = tpu.memref_slice %arg10[%run_scoped3A, %dma_wait3A_209, %dma_wait3A_210] : memref<4x128x16xf32, #tpu.memory_space<vmem>> -> memref<1x128x16xf32, #tpu.memory_space<vmem>>
          %dma_wait3A_212 = tpu.memref_squeeze %dma_wait3A_211 : memref<1x128x16xf32, #tpu.memory_space<vmem>> -> memref<128x16xf32, #tpu.memory_space<vmem>>
          %dma_wait3A_213 = arith.constant 0 : i32
          %dma_wait3A_214 = tpu.memref_slice %arg9[%add3A_184, %dma_wait3A_213] : memref<80x128xi32, #tpu.memory_space<vmem>> -> memref<1x128xi32, #tpu.memory_space<vmem>>
          %dma_wait3A_215 = tpu.memref_squeeze %dma_wait3A_214 : memref<1x128xi32, #tpu.memory_space<vmem>> -> memref<128xi32, #tpu.memory_space<vmem>>
          %dma_wait3A_216 = arith.constant 0 : i32
          %dma_wait3A_217 = arith.constant 0 : i32
          %dma_wait3A_218 = tpu.memref_slice %arg11[%dma_wait3A_216, %dma_wait3A_217] : memref<10240x16xf32, #tpu.memory_space<vmem_shared>> -> memref<10240x16xf32, #tpu.memory_space<vmem_shared>>
          tpu.wait_indirect_dma semaphore(%run_scoped3A_199 : memref<!tpu.dma_semaphore, #tpu.memory_space<semaphore_mem>>) src(%dma_wait3A_212 : memref<128x16xf32, #tpu.memory_space<vmem>>) dst(%dma_wait3A_218 : memref<10240x16xf32, #tpu.memory_space<vmem_shared>>)
          tpu.yield
        }) : () -> ()
      } else {
      }
    }
    %while3A_114 = arith.constant 1 : i32
    scf.for %while3A_123 = %while3A_112 to %while3A_108 step %while3A_114  : i32 {
      %mul3A_124 = arith.muli %while3A_123, %while3A_104 : i32
      %add3A_125 = arith.addi %while3A_105, %mul3A_124 : i32
      %mul3A_126 = arith.constant 4 : i32
      %mul3A_127 = arith.muli %add3A_125, %mul3A_126 : i32
      %add3A_128 = arith.constant 0 : i32
      %add3A_129 = arith.addi %mul3A_127, %add3A_128 : i32
      %lt3A = arith.cmpi slt, %add3A_129, %select_n3A_67 : i32
      %convert_element_type3A_130 = arith.extui %lt3A : i1 to i32
      %cond3A_131 = arith.constant 0 : i32
      %cond3A_132 = arith.cmpi ne, %convert_element_type3A_130, %cond3A_131 : i32
      scf.if %cond3A_132 {
        %dma_start3A = arith.constant 0 : i32
        %dma_start3A_189 = arith.constant 0 : i32
        %dma_start3A_190 = arith.constant 0 : i32
        %dma_start3A_191 = tpu.memref_slice %arg10[%dma_start3A, %dma_start3A_189, %dma_start3A_190] : memref<4x128x16xf32, #tpu.memory_space<vmem>> -> memref<1x128x16xf32, #tpu.memory_space<vmem>>
        %dma_start3A_192 = tpu.memref_squeeze %dma_start3A_191 : memref<1x128x16xf32, #tpu.memory_space<vmem>> -> memref<128x16xf32, #tpu.memory_space<vmem>>
        %dma_start3A_193 = arith.constant 0 : i32
        %dma_start3A_194 = tpu.memref_slice %arg8[%add3A_129, %dma_start3A_193] : memref<80x128xi32, #tpu.memory_space<vmem>> -> memref<1x128xi32, #tpu.memory_space<vmem>>
        %dma_start3A_195 = tpu.memref_squeeze %dma_start3A_194 : memref<1x128xi32, #tpu.memory_space<vmem>> -> memref<128xi32, #tpu.memory_space<vmem>>
        %dma_start3A_196 = arith.constant 0 : i32
        %dma_start3A_197 = arith.constant 0 : i32
        %dma_start3A_198 = tpu.memref_slice %arg2[%dma_start3A_196, %dma_start3A_197] : memref<10240x16xf32, #tpu.memory_space<hbm>> -> memref<10240x16xf32, #tpu.memory_space<hbm>>
        tpu.enqueue_indirect_dma source(%dma_start3A_198 : memref<10240x16xf32, #tpu.memory_space<hbm>>) target(%dma_start3A_192 : memref<128x16xf32, #tpu.memory_space<vmem>>) offsets(%dma_start3A_195 : memref<128xi32, #tpu.memory_space<vmem>>) semaphore(%arg13 : memref<!tpu.dma_semaphore, #tpu.memory_space<semaphore_mem>>)
      } else {
      }
      %mul3A_133 = arith.constant 4 : i32
      %mul3A_134 = arith.muli %add3A_125, %mul3A_133 : i32
      %add3A_135 = arith.constant 1 : i32
      %add3A_136 = arith.addi %mul3A_134, %add3A_135 : i32
      %lt3A_137 = arith.cmpi slt, %add3A_136, %select_n3A_67 : i32
      %convert_element_type3A_138 = arith.extui %lt3A_137 : i1 to i32
      %cond3A_139 = arith.constant 0 : i32
      %cond3A_140 = arith.cmpi ne, %convert_element_type3A_138, %cond3A_139 : i32
      scf.if %cond3A_140 {
        %dma_start3A = arith.constant 1 : i32
        %dma_start3A_189 = arith.constant 0 : i32
        %dma_start3A_190 = arith.constant 0 : i32
        %dma_start3A_191 = tpu.memref_slice %arg10[%dma_start3A, %dma_start3A_189, %dma_start3A_190] : memref<4x128x16xf32, #tpu.memory_space<vmem>> -> memref<1x128x16xf32, #tpu.memory_space<vmem>>
        %dma_start3A_192 = tpu.memref_squeeze %dma_start3A_191 : memref<1x128x16xf32, #tpu.memory_space<vmem>> -> memref<128x16xf32, #tpu.memory_space<vmem>>
        %dma_start3A_193 = arith.constant 0 : i32
        %dma_start3A_194 = tpu.memref_slice %arg8[%add3A_136, %dma_start3A_193] : memref<80x128xi32, #tpu.memory_space<vmem>> -> memref<1x128xi32, #tpu.memory_space<vmem>>
        %dma_start3A_195 = tpu.memref_squeeze %dma_start3A_194 : memref<1x128xi32, #tpu.memory_space<vmem>> -> memref<128xi32, #tpu.memory_space<vmem>>
        %dma_start3A_196 = arith.constant 0 : i32
        %dma_start3A_197 = arith.constant 0 : i32
        %dma_start3A_198 = tpu.memref_slice %arg2[%dma_start3A_196, %dma_start3A_197] : memref<10240x16xf32, #tpu.memory_space<hbm>> -> memref<10240x16xf32, #tpu.memory_space<hbm>>
        tpu.enqueue_indirect_dma source(%dma_start3A_198 : memref<10240x16xf32, #tpu.memory_space<hbm>>) target(%dma_start3A_192 : memref<128x16xf32, #tpu.memory_space<vmem>>) offsets(%dma_start3A_195 : memref<128xi32, #tpu.memory_space<vmem>>) semaphore(%arg13 : memref<!tpu.dma_semaphore, #tpu.memory_space<semaphore_mem>>)
      } else {
      }
      %mul3A_141 = arith.constant 4 : i32
      %mul3A_142 = arith.muli %add3A_125, %mul3A_141 : i32
      %add3A_143 = arith.constant 2 : i32
      %add3A_144 = arith.addi %mul3A_142, %add3A_143 : i32
      %lt3A_145 = arith.cmpi slt, %add3A_144, %select_n3A_67 : i32
      %convert_element_type3A_146 = arith.extui %lt3A_145 : i1 to i32
      %cond3A_147 = arith.constant 0 : i32
      %cond3A_148 = arith.cmpi ne, %convert_element_type3A_146, %cond3A_147 : i32
      scf.if %cond3A_148 {
        %dma_start3A = arith.constant 2 : i32
        %dma_start3A_189 = arith.constant 0 : i32
        %dma_start3A_190 = arith.constant 0 : i32
        %dma_start3A_191 = tpu.memref_slice %arg10[%dma_start3A, %dma_start3A_189, %dma_start3A_190] : memref<4x128x16xf32, #tpu.memory_space<vmem>> -> memref<1x128x16xf32, #tpu.memory_space<vmem>>
        %dma_start3A_192 = tpu.memref_squeeze %dma_start3A_191 : memref<1x128x16xf32, #tpu.memory_space<vmem>> -> memref<128x16xf32, #tpu.memory_space<vmem>>
        %dma_start3A_193 = arith.constant 0 : i32
        %dma_start3A_194 = tpu.memref_slice %arg8[%add3A_144, %dma_start3A_193] : memref<80x128xi32, #tpu.memory_space<vmem>> -> memref<1x128xi32, #tpu.memory_space<vmem>>
        %dma_start3A_195 = tpu.memref_squeeze %dma_start3A_194 : memref<1x128xi32, #tpu.memory_space<vmem>> -> memref<128xi32, #tpu.memory_space<vmem>>
        %dma_start3A_196 = arith.constant 0 : i32
        %dma_start3A_197 = arith.constant 0 : i32
        %dma_start3A_198 = tpu.memref_slice %arg2[%dma_start3A_196, %dma_start3A_197] : memref<10240x16xf32, #tpu.memory_space<hbm>> -> memref<10240x16xf32, #tpu.memory_space<hbm>>
        tpu.enqueue_indirect_dma source(%dma_start3A_198 : memref<10240x16xf32, #tpu.memory_space<hbm>>) target(%dma_start3A_192 : memref<128x16xf32, #tpu.memory_space<vmem>>) offsets(%dma_start3A_195 : memref<128xi32, #tpu.memory_space<vmem>>) semaphore(%arg13 : memref<!tpu.dma_semaphore, #tpu.memory_space<semaphore_mem>>)
      } else {
      }
      %mul3A_149 = arith.constant 4 : i32
      %mul3A_150 = arith.muli %add3A_125, %mul3A_149 : i32
      %add3A_151 = arith.constant 3 : i32
      %add3A_152 = arith.addi %mul3A_150, %add3A_151 : i32
      %lt3A_153 = arith.cmpi slt, %add3A_152, %select_n3A_67 : i32
      %convert_element_type3A_154 = arith.extui %lt3A_153 : i1 to i32
      %cond3A_155 = arith.constant 0 : i32
      %cond3A_156 = arith.cmpi ne, %convert_element_type3A_154, %cond3A_155 : i32
      scf.if %cond3A_156 {
        %dma_start3A = arith.constant 3 : i32
        %dma_start3A_189 = arith.constant 0 : i32
        %dma_start3A_190 = arith.constant 0 : i32
        %dma_start3A_191 = tpu.memref_slice %arg10[%dma_start3A, %dma_start3A_189, %dma_start3A_190] : memref<4x128x16xf32, #tpu.memory_space<vmem>> -> memref<1x128x16xf32, #tpu.memory_space<vmem>>
        %dma_start3A_192 = tpu.memref_squeeze %dma_start3A_191 : memref<1x128x16xf32, #tpu.memory_space<vmem>> -> memref<128x16xf32, #tpu.memory_space<vmem>>
        %dma_start3A_193 = arith.constant 0 : i32
        %dma_start3A_194 = tpu.memref_slice %arg8[%add3A_152, %dma_start3A_193] : memref<80x128xi32, #tpu.memory_space<vmem>> -> memref<1x128xi32, #tpu.memory_space<vmem>>
        %dma_start3A_195 = tpu.memref_squeeze %dma_start3A_194 : memref<1x128xi32, #tpu.memory_space<vmem>> -> memref<128xi32, #tpu.memory_space<vmem>>
        %dma_start3A_196 = arith.constant 0 : i32
        %dma_start3A_197 = arith.constant 0 : i32
        %dma_start3A_198 = tpu.memref_slice %arg2[%dma_start3A_196, %dma_start3A_197] : memref<10240x16xf32, #tpu.memory_space<hbm>> -> memref<10240x16xf32, #tpu.memory_space<hbm>>
        tpu.enqueue_indirect_dma source(%dma_start3A_198 : memref<10240x16xf32, #tpu.memory_space<hbm>>) target(%dma_start3A_192 : memref<128x16xf32, #tpu.memory_space<vmem>>) offsets(%dma_start3A_195 : memref<128xi32, #tpu.memory_space<vmem>>) semaphore(%arg13 : memref<!tpu.dma_semaphore, #tpu.memory_space<semaphore_mem>>)
      } else {
      }
      %mul3A_157 = arith.constant 4 : i32
      %mul3A_158 = arith.muli %add3A_125, %mul3A_157 : i32
      %add3A_159 = arith.constant 0 : i32
      %add3A_160 = arith.addi %mul3A_158, %add3A_159 : i32
      %lt3A_161 = arith.cmpi slt, %add3A_160, %select_n3A_67 : i32
      %convert_element_type3A_162 = arith.extui %lt3A_161 : i1 to i32
      %cond3A_163 = arith.constant 0 : i32
      %cond3A_164 = arith.cmpi ne, %convert_element_type3A_162, %cond3A_163 : i32
      scf.if %cond3A_164 {
        %dma_wait3A = arith.constant 0 : i32
        %dma_wait3A_189 = arith.constant 0 : i32
        %dma_wait3A_190 = arith.constant 0 : i32
        %dma_wait3A_191 = tpu.memref_slice %arg10[%dma_wait3A, %dma_wait3A_189, %dma_wait3A_190] : memref<4x128x16xf32, #tpu.memory_space<vmem>> -> memref<1x128x16xf32, #tpu.memory_space<vmem>>
        %dma_wait3A_192 = tpu.memref_squeeze %dma_wait3A_191 : memref<1x128x16xf32, #tpu.memory_space<vmem>> -> memref<128x16xf32, #tpu.memory_space<vmem>>
        %dma_wait3A_193 = arith.constant 0 : i32
        %dma_wait3A_194 = tpu.memref_slice %arg8[%add3A_160, %dma_wait3A_193] : memref<80x128xi32, #tpu.memory_space<vmem>> -> memref<1x128xi32, #tpu.memory_space<vmem>>
        %dma_wait3A_195 = tpu.memref_squeeze %dma_wait3A_194 : memref<1x128xi32, #tpu.memory_space<vmem>> -> memref<128xi32, #tpu.memory_space<vmem>>
        %dma_wait3A_196 = arith.constant 0 : i32
        %dma_wait3A_197 = arith.constant 0 : i32
        %dma_wait3A_198 = tpu.memref_slice %arg2[%dma_wait3A_196, %dma_wait3A_197] : memref<10240x16xf32, #tpu.memory_space<hbm>> -> memref<10240x16xf32, #tpu.memory_space<hbm>>
        tpu.wait_indirect_dma semaphore(%arg13 : memref<!tpu.dma_semaphore, #tpu.memory_space<semaphore_mem>>) src(%dma_wait3A_198 : memref<10240x16xf32, #tpu.memory_space<hbm>>) dst(%dma_wait3A_192 : memref<128x16xf32, #tpu.memory_space<vmem>>)
        %run_scoped3A = arith.constant 0 : i32
        "tpu.region"() ({
          %run_scoped3A_199 = tpu.sem_alloc : memref<!tpu.dma_semaphore, #tpu.memory_space<semaphore_mem>>
          %dma_start3A = arith.constant 0 : i32
          %dma_start3A_200 = arith.constant 0 : i32
          %dma_start3A_201 = tpu.memref_slice %arg10[%run_scoped3A, %dma_start3A, %dma_start3A_200] : memref<4x128x16xf32, #tpu.memory_space<vmem>> -> memref<1x128x16xf32, #tpu.memory_space<vmem>>
          %dma_start3A_202 = tpu.memref_squeeze %dma_start3A_201 : memref<1x128x16xf32, #tpu.memory_space<vmem>> -> memref<128x16xf32, #tpu.memory_space<vmem>>
          %dma_start3A_203 = arith.constant 0 : i32
          %dma_start3A_204 = tpu.memref_slice %arg9[%add3A_160, %dma_start3A_203] : memref<80x128xi32, #tpu.memory_space<vmem>> -> memref<1x128xi32, #tpu.memory_space<vmem>>
          %dma_start3A_205 = tpu.memref_squeeze %dma_start3A_204 : memref<1x128xi32, #tpu.memory_space<vmem>> -> memref<128xi32, #tpu.memory_space<vmem>>
          %dma_start3A_206 = arith.constant 0 : i32
          %dma_start3A_207 = arith.constant 0 : i32
          %dma_start3A_208 = tpu.memref_slice %arg11[%dma_start3A_206, %dma_start3A_207] : memref<10240x16xf32, #tpu.memory_space<vmem_shared>> -> memref<10240x16xf32, #tpu.memory_space<vmem_shared>>
          tpu.enqueue_indirect_dma source(%dma_start3A_202 : memref<128x16xf32, #tpu.memory_space<vmem>>) target(%dma_start3A_208 : memref<10240x16xf32, #tpu.memory_space<vmem_shared>>) offsets(%dma_start3A_205 : memref<128xi32, #tpu.memory_space<vmem>>) semaphore(%run_scoped3A_199 : memref<!tpu.dma_semaphore, #tpu.memory_space<semaphore_mem>>) {add = true}
          %dma_wait3A_209 = arith.constant 0 : i32
          %dma_wait3A_210 = arith.constant 0 : i32
          %dma_wait3A_211 = tpu.memref_slice %arg10[%run_scoped3A, %dma_wait3A_209, %dma_wait3A_210] : memref<4x128x16xf32, #tpu.memory_space<vmem>> -> memref<1x128x16xf32, #tpu.memory_space<vmem>>
          %dma_wait3A_212 = tpu.memref_squeeze %dma_wait3A_211 : memref<1x128x16xf32, #tpu.memory_space<vmem>> -> memref<128x16xf32, #tpu.memory_space<vmem>>
          %dma_wait3A_213 = arith.constant 0 : i32
          %dma_wait3A_214 = tpu.memref_slice %arg9[%add3A_160, %dma_wait3A_213] : memref<80x128xi32, #tpu.memory_space<vmem>> -> memref<1x128xi32, #tpu.memory_space<vmem>>
          %dma_wait3A_215 = tpu.memref_squeeze %dma_wait3A_214 : memref<1x128xi32, #tpu.memory_space<vmem>> -> memref<128xi32, #tpu.memory_space<vmem>>
          %dma_wait3A_216 = arith.constant 0 : i32
          %dma_wait3A_217 = arith.constant 0 : i32
          %dma_wait3A_218 = tpu.memref_slice %arg11[%dma_wait3A_216, %dma_wait3A_217] : memref<10240x16xf32, #tpu.memory_space<vmem_shared>> -> memref<10240x16xf32, #tpu.memory_space<vmem_shared>>
          tpu.wait_indirect_dma semaphore(%run_scoped3A_199 : memref<!tpu.dma_semaphore, #tpu.memory_space<semaphore_mem>>) src(%dma_wait3A_212 : memref<128x16xf32, #tpu.memory_space<vmem>>) dst(%dma_wait3A_218 : memref<10240x16xf32, #tpu.memory_space<vmem_shared>>)
          tpu.yield
        }) : () -> ()
      } else {
      }
      %mul3A_165 = arith.constant 4 : i32
      %mul3A_166 = arith.muli %add3A_125, %mul3A_165 : i32
      %add3A_167 = arith.constant 1 : i32
      %add3A_168 = arith.addi %mul3A_166, %add3A_167 : i32
      %lt3A_169 = arith.cmpi slt, %add3A_168, %select_n3A_67 : i32
      %convert_element_type3A_170 = arith.extui %lt3A_169 : i1 to i32
      %cond3A_171 = arith.constant 0 : i32
      %cond3A_172 = arith.cmpi ne, %convert_element_type3A_170, %cond3A_171 : i32
      scf.if %cond3A_172 {
        %dma_wait3A = arith.constant 1 : i32
        %dma_wait3A_189 = arith.constant 0 : i32
        %dma_wait3A_190 = arith.constant 0 : i32
        %dma_wait3A_191 = tpu.memref_slice %arg10[%dma_wait3A, %dma_wait3A_189, %dma_wait3A_190] : memref<4x128x16xf32, #tpu.memory_space<vmem>> -> memref<1x128x16xf32, #tpu.memory_space<vmem>>
        %dma_wait3A_192 = tpu.memref_squeeze %dma_wait3A_191 : memref<1x128x16xf32, #tpu.memory_space<vmem>> -> memref<128x16xf32, #tpu.memory_space<vmem>>
        %dma_wait3A_193 = arith.constant 0 : i32
        %dma_wait3A_194 = tpu.memref_slice %arg8[%add3A_168, %dma_wait3A_193] : memref<80x128xi32, #tpu.memory_space<vmem>> -> memref<1x128xi32, #tpu.memory_space<vmem>>
        %dma_wait3A_195 = tpu.memref_squeeze %dma_wait3A_194 : memref<1x128xi32, #tpu.memory_space<vmem>> -> memref<128xi32, #tpu.memory_space<vmem>>
        %dma_wait3A_196 = arith.constant 0 : i32
        %dma_wait3A_197 = arith.constant 0 : i32
        %dma_wait3A_198 = tpu.memref_slice %arg2[%dma_wait3A_196, %dma_wait3A_197] : memref<10240x16xf32, #tpu.memory_space<hbm>> -> memref<10240x16xf32, #tpu.memory_space<hbm>>
        tpu.wait_indirect_dma semaphore(%arg13 : memref<!tpu.dma_semaphore, #tpu.memory_space<semaphore_mem>>) src(%dma_wait3A_198 : memref<10240x16xf32, #tpu.memory_space<hbm>>) dst(%dma_wait3A_192 : memref<128x16xf32, #tpu.memory_space<vmem>>)
        %run_scoped3A = arith.constant 1 : i32
        "tpu.region"() ({
          %run_scoped3A_199 = tpu.sem_alloc : memref<!tpu.dma_semaphore, #tpu.memory_space<semaphore_mem>>
          %dma_start3A = arith.constant 0 : i32
          %dma_start3A_200 = arith.constant 0 : i32
          %dma_start3A_201 = tpu.memref_slice %arg10[%run_scoped3A, %dma_start3A, %dma_start3A_200] : memref<4x128x16xf32, #tpu.memory_space<vmem>> -> memref<1x128x16xf32, #tpu.memory_space<vmem>>
          %dma_start3A_202 = tpu.memref_squeeze %dma_start3A_201 : memref<1x128x16xf32, #tpu.memory_space<vmem>> -> memref<128x16xf32, #tpu.memory_space<vmem>>
          %dma_start3A_203 = arith.constant 0 : i32
          %dma_start3A_204 = tpu.memref_slice %arg9[%add3A_168, %dma_start3A_203] : memref<80x128xi32, #tpu.memory_space<vmem>> -> memref<1x128xi32, #tpu.memory_space<vmem>>
          %dma_start3A_205 = tpu.memref_squeeze %dma_start3A_204 : memref<1x128xi32, #tpu.memory_space<vmem>> -> memref<128xi32, #tpu.memory_space<vmem>>
          %dma_start3A_206 = arith.constant 0 : i32
          %dma_start3A_207 = arith.constant 0 : i32
          %dma_start3A_208 = tpu.memref_slice %arg11[%dma_start3A_206, %dma_start3A_207] : memref<10240x16xf32, #tpu.memory_space<vmem_shared>> -> memref<10240x16xf32, #tpu.memory_space<vmem_shared>>
          tpu.enqueue_indirect_dma source(%dma_start3A_202 : memref<128x16xf32, #tpu.memory_space<vmem>>) target(%dma_start3A_208 : memref<10240x16xf32, #tpu.memory_space<vmem_shared>>) offsets(%dma_start3A_205 : memref<128xi32, #tpu.memory_space<vmem>>) semaphore(%run_scoped3A_199 : memref<!tpu.dma_semaphore, #tpu.memory_space<semaphore_mem>>) {add = true}
          %dma_wait3A_209 = arith.constant 0 : i32
          %dma_wait3A_210 = arith.constant 0 : i32
          %dma_wait3A_211 = tpu.memref_slice %arg10[%run_scoped3A, %dma_wait3A_209, %dma_wait3A_210] : memref<4x128x16xf32, #tpu.memory_space<vmem>> -> memref<1x128x16xf32, #tpu.memory_space<vmem>>
          %dma_wait3A_212 = tpu.memref_squeeze %dma_wait3A_211 : memref<1x128x16xf32, #tpu.memory_space<vmem>> -> memref<128x16xf32, #tpu.memory_space<vmem>>
          %dma_wait3A_213 = arith.constant 0 : i32
          %dma_wait3A_214 = tpu.memref_slice %arg9[%add3A_168, %dma_wait3A_213] : memref<80x128xi32, #tpu.memory_space<vmem>> -> memref<1x128xi32, #tpu.memory_space<vmem>>
          %dma_wait3A_215 = tpu.memref_squeeze %dma_wait3A_214 : memref<1x128xi32, #tpu.memory_space<vmem>> -> memref<128xi32, #tpu.memory_space<vmem>>
          %dma_wait3A_216 = arith.constant 0 : i32
          %dma_wait3A_217 = arith.constant 0 : i32
          %dma_wait3A_218 = tpu.memref_slice %arg11[%dma_wait3A_216, %dma_wait3A_217] : memref<10240x16xf32, #tpu.memory_space<vmem_shared>> -> memref<10240x16xf32, #tpu.memory_space<vmem_shared>>
          tpu.wait_indirect_dma semaphore(%run_scoped3A_199 : memref<!tpu.dma_semaphore, #tpu.memory_space<semaphore_mem>>) src(%dma_wait3A_212 : memref<128x16xf32, #tpu.memory_space<vmem>>) dst(%dma_wait3A_218 : memref<10240x16xf32, #tpu.memory_space<vmem_shared>>)
          tpu.yield
        }) : () -> ()
      } else {
      }
      %mul3A_173 = arith.constant 4 : i32
      %mul3A_174 = arith.muli %add3A_125, %mul3A_173 : i32
      %add3A_175 = arith.constant 2 : i32
      %add3A_176 = arith.addi %mul3A_174, %add3A_175 : i32
      %lt3A_177 = arith.cmpi slt, %add3A_176, %select_n3A_67 : i32
      %convert_element_type3A_178 = arith.extui %lt3A_177 : i1 to i32
      %cond3A_179 = arith.constant 0 : i32
      %cond3A_180 = arith.cmpi ne, %convert_element_type3A_178, %cond3A_179 : i32
      scf.if %cond3A_180 {
        %dma_wait3A = arith.constant 2 : i32
        %dma_wait3A_189 = arith.constant 0 : i32
        %dma_wait3A_190 = arith.constant 0 : i32
        %dma_wait3A_191 = tpu.memref_slice %arg10[%dma_wait3A, %dma_wait3A_189, %dma_wait3A_190] : memref<4x128x16xf32, #tpu.memory_space<vmem>> -> memref<1x128x16xf32, #tpu.memory_space<vmem>>
        %dma_wait3A_192 = tpu.memref_squeeze %dma_wait3A_191 : memref<1x128x16xf32, #tpu.memory_space<vmem>> -> memref<128x16xf32, #tpu.memory_space<vmem>>
        %dma_wait3A_193 = arith.constant 0 : i32
        %dma_wait3A_194 = tpu.memref_slice %arg8[%add3A_176, %dma_wait3A_193] : memref<80x128xi32, #tpu.memory_space<vmem>> -> memref<1x128xi32, #tpu.memory_space<vmem>>
        %dma_wait3A_195 = tpu.memref_squeeze %dma_wait3A_194 : memref<1x128xi32, #tpu.memory_space<vmem>> -> memref<128xi32, #tpu.memory_space<vmem>>
        %dma_wait3A_196 = arith.constant 0 : i32
        %dma_wait3A_197 = arith.constant 0 : i32
        %dma_wait3A_198 = tpu.memref_slice %arg2[%dma_wait3A_196, %dma_wait3A_197] : memref<10240x16xf32, #tpu.memory_space<hbm>> -> memref<10240x16xf32, #tpu.memory_space<hbm>>
        tpu.wait_indirect_dma semaphore(%arg13 : memref<!tpu.dma_semaphore, #tpu.memory_space<semaphore_mem>>) src(%dma_wait3A_198 : memref<10240x16xf32, #tpu.memory_space<hbm>>) dst(%dma_wait3A_192 : memref<128x16xf32, #tpu.memory_space<vmem>>)
        %run_scoped3A = arith.constant 2 : i32
        "tpu.region"() ({
          %run_scoped3A_199 = tpu.sem_alloc : memref<!tpu.dma_semaphore, #tpu.memory_space<semaphore_mem>>
          %dma_start3A = arith.constant 0 : i32
          %dma_start3A_200 = arith.constant 0 : i32
          %dma_start3A_201 = tpu.memref_slice %arg10[%run_scoped3A, %dma_start3A, %dma_start3A_200] : memref<4x128x16xf32, #tpu.memory_space<vmem>> -> memref<1x128x16xf32, #tpu.memory_space<vmem>>
          %dma_start3A_202 = tpu.memref_squeeze %dma_start3A_201 : memref<1x128x16xf32, #tpu.memory_space<vmem>> -> memref<128x16xf32, #tpu.memory_space<vmem>>
          %dma_start3A_203 = arith.constant 0 : i32
          %dma_start3A_204 = tpu.memref_slice %arg9[%add3A_176, %dma_start3A_203] : memref<80x128xi32, #tpu.memory_space<vmem>> -> memref<1x128xi32, #tpu.memory_space<vmem>>
          %dma_start3A_205 = tpu.memref_squeeze %dma_start3A_204 : memref<1x128xi32, #tpu.memory_space<vmem>> -> memref<128xi32, #tpu.memory_space<vmem>>
          %dma_start3A_206 = arith.constant 0 : i32
          %dma_start3A_207 = arith.constant 0 : i32
          %dma_start3A_208 = tpu.memref_slice %arg11[%dma_start3A_206, %dma_start3A_207] : memref<10240x16xf32, #tpu.memory_space<vmem_shared>> -> memref<10240x16xf32, #tpu.memory_space<vmem_shared>>
          tpu.enqueue_indirect_dma source(%dma_start3A_202 : memref<128x16xf32, #tpu.memory_space<vmem>>) target(%dma_start3A_208 : memref<10240x16xf32, #tpu.memory_space<vmem_shared>>) offsets(%dma_start3A_205 : memref<128xi32, #tpu.memory_space<vmem>>) semaphore(%run_scoped3A_199 : memref<!tpu.dma_semaphore, #tpu.memory_space<semaphore_mem>>) {add = true}
          %dma_wait3A_209 = arith.constant 0 : i32
          %dma_wait3A_210 = arith.constant 0 : i32
          %dma_wait3A_211 = tpu.memref_slice %arg10[%run_scoped3A, %dma_wait3A_209, %dma_wait3A_210] : memref<4x128x16xf32, #tpu.memory_space<vmem>> -> memref<1x128x16xf32, #tpu.memory_space<vmem>>
          %dma_wait3A_212 = tpu.memref_squeeze %dma_wait3A_211 : memref<1x128x16xf32, #tpu.memory_space<vmem>> -> memref<128x16xf32, #tpu.memory_space<vmem>>
          %dma_wait3A_213 = arith.constant 0 : i32
          %dma_wait3A_214 = tpu.memref_slice %arg9[%add3A_176, %dma_wait3A_213] : memref<80x128xi32, #tpu.memory_space<vmem>> -> memref<1x128xi32, #tpu.memory_space<vmem>>
          %dma_wait3A_215 = tpu.memref_squeeze %dma_wait3A_214 : memref<1x128xi32, #tpu.memory_space<vmem>> -> memref<128xi32, #tpu.memory_space<vmem>>
          %dma_wait3A_216 = arith.constant 0 : i32
          %dma_wait3A_217 = arith.constant 0 : i32
          %dma_wait3A_218 = tpu.memref_slice %arg11[%dma_wait3A_216, %dma_wait3A_217] : memref<10240x16xf32, #tpu.memory_space<vmem_shared>> -> memref<10240x16xf32, #tpu.memory_space<vmem_shared>>
          tpu.wait_indirect_dma semaphore(%run_scoped3A_199 : memref<!tpu.dma_semaphore, #tpu.memory_space<semaphore_mem>>) src(%dma_wait3A_212 : memref<128x16xf32, #tpu.memory_space<vmem>>) dst(%dma_wait3A_218 : memref<10240x16xf32, #tpu.memory_space<vmem_shared>>)
          tpu.yield
        }) : () -> ()
      } else {
      }
      %mul3A_181 = arith.constant 4 : i32
      %mul3A_182 = arith.muli %add3A_125, %mul3A_181 : i32
      %add3A_183 = arith.constant 3 : i32
      %add3A_184 = arith.addi %mul3A_182, %add3A_183 : i32
      %lt3A_185 = arith.cmpi slt, %add3A_184, %select_n3A_67 : i32
      %convert_element_type3A_186 = arith.extui %lt3A_185 : i1 to i32
      %cond3A_187 = arith.constant 0 : i32
      %cond3A_188 = arith.cmpi ne, %convert_element_type3A_186, %cond3A_187 : i32
      scf.if %cond3A_188 {
        %dma_wait3A = arith.constant 3 : i32
        %dma_wait3A_189 = arith.constant 0 : i32
        %dma_wait3A_190 = arith.constant 0 : i32
        %dma_wait3A_191 = tpu.memref_slice %arg10[%dma_wait3A, %dma_wait3A_189, %dma_wait3A_190] : memref<4x128x16xf32, #tpu.memory_space<vmem>> -> memref<1x128x16xf32, #tpu.memory_space<vmem>>
        %dma_wait3A_192 = tpu.memref_squeeze %dma_wait3A_191 : memref<1x128x16xf32, #tpu.memory_space<vmem>> -> memref<128x16xf32, #tpu.memory_space<vmem>>
        %dma_wait3A_193 = arith.constant 0 : i32
        %dma_wait3A_194 = tpu.memref_slice %arg8[%add3A_184, %dma_wait3A_193] : memref<80x128xi32, #tpu.memory_space<vmem>> -> memref<1x128xi32, #tpu.memory_space<vmem>>
        %dma_wait3A_195 = tpu.memref_squeeze %dma_wait3A_194 : memref<1x128xi32, #tpu.memory_space<vmem>> -> memref<128xi32, #tpu.memory_space<vmem>>
        %dma_wait3A_196 = arith.constant 0 : i32
        %dma_wait3A_197 = arith.constant 0 : i32
        %dma_wait3A_198 = tpu.memref_slice %arg2[%dma_wait3A_196, %dma_wait3A_197] : memref<10240x16xf32, #tpu.memory_space<hbm>> -> memref<10240x16xf32, #tpu.memory_space<hbm>>
        tpu.wait_indirect_dma semaphore(%arg13 : memref<!tpu.dma_semaphore, #tpu.memory_space<semaphore_mem>>) src(%dma_wait3A_198 : memref<10240x16xf32, #tpu.memory_space<hbm>>) dst(%dma_wait3A_192 : memref<128x16xf32, #tpu.memory_space<vmem>>)
        %run_scoped3A = arith.constant 3 : i32
        "tpu.region"() ({
          %run_scoped3A_199 = tpu.sem_alloc : memref<!tpu.dma_semaphore, #tpu.memory_space<semaphore_mem>>
          %dma_start3A = arith.constant 0 : i32
          %dma_start3A_200 = arith.constant 0 : i32
          %dma_start3A_201 = tpu.memref_slice %arg10[%run_scoped3A, %dma_start3A, %dma_start3A_200] : memref<4x128x16xf32, #tpu.memory_space<vmem>> -> memref<1x128x16xf32, #tpu.memory_space<vmem>>
          %dma_start3A_202 = tpu.memref_squeeze %dma_start3A_201 : memref<1x128x16xf32, #tpu.memory_space<vmem>> -> memref<128x16xf32, #tpu.memory_space<vmem>>
          %dma_start3A_203 = arith.constant 0 : i32
          %dma_start3A_204 = tpu.memref_slice %arg9[%add3A_184, %dma_start3A_203] : memref<80x128xi32, #tpu.memory_space<vmem>> -> memref<1x128xi32, #tpu.memory_space<vmem>>
          %dma_start3A_205 = tpu.memref_squeeze %dma_start3A_204 : memref<1x128xi32, #tpu.memory_space<vmem>> -> memref<128xi32, #tpu.memory_space<vmem>>
          %dma_start3A_206 = arith.constant 0 : i32
          %dma_start3A_207 = arith.constant 0 : i32
          %dma_start3A_208 = tpu.memref_slice %arg11[%dma_start3A_206, %dma_start3A_207] : memref<10240x16xf32, #tpu.memory_space<vmem_shared>> -> memref<10240x16xf32, #tpu.memory_space<vmem_shared>>
          tpu.enqueue_indirect_dma source(%dma_start3A_202 : memref<128x16xf32, #tpu.memory_space<vmem>>) target(%dma_start3A_208 : memref<10240x16xf32, #tpu.memory_space<vmem_shared>>) offsets(%dma_start3A_205 : memref<128xi32, #tpu.memory_space<vmem>>) semaphore(%run_scoped3A_199 : memref<!tpu.dma_semaphore, #tpu.memory_space<semaphore_mem>>) {add = true}
          %dma_wait3A_209 = arith.constant 0 : i32
          %dma_wait3A_210 = arith.constant 0 : i32
          %dma_wait3A_211 = tpu.memref_slice %arg10[%run_scoped3A, %dma_wait3A_209, %dma_wait3A_210] : memref<4x128x16xf32, #tpu.memory_space<vmem>> -> memref<1x128x16xf32, #tpu.memory_space<vmem>>
          %dma_wait3A_212 = tpu.memref_squeeze %dma_wait3A_211 : memref<1x128x16xf32, #tpu.memory_space<vmem>> -> memref<128x16xf32, #tpu.memory_space<vmem>>
          %dma_wait3A_213 = arith.constant 0 : i32
          %dma_wait3A_214 = tpu.memref_slice %arg9[%add3A_184, %dma_wait3A_213] : memref<80x128xi32, #tpu.memory_space<vmem>> -> memref<1x128xi32, #tpu.memory_space<vmem>>
          %dma_wait3A_215 = tpu.memref_squeeze %dma_wait3A_214 : memref<1x128xi32, #tpu.memory_space<vmem>> -> memref<128xi32, #tpu.memory_space<vmem>>
          %dma_wait3A_216 = arith.constant 0 : i32
          %dma_wait3A_217 = arith.constant 0 : i32
          %dma_wait3A_218 = tpu.memref_slice %arg11[%dma_wait3A_216, %dma_wait3A_217] : memref<10240x16xf32, #tpu.memory_space<vmem_shared>> -> memref<10240x16xf32, #tpu.memory_space<vmem_shared>>
          tpu.wait_indirect_dma semaphore(%run_scoped3A_199 : memref<!tpu.dma_semaphore, #tpu.memory_space<semaphore_mem>>) src(%dma_wait3A_212 : memref<128x16xf32, #tpu.memory_space<vmem>>) dst(%dma_wait3A_218 : memref<10240x16xf32, #tpu.memory_space<vmem_shared>>)
          tpu.yield
        }) : () -> ()
      } else {
      }
    }
    %barrier3A_115 = arith.constant 0 : index
    tpu.barrier barrier_id(%barrier3A_115)
    %eq3A = arith.constant 0 : i32
    %eq3A_116 = arith.cmpi eq, %arg1, %eq3A : i32
    %convert_element_type3A = arith.extui %eq3A_116 : i1 to i32
    %cond3A = arith.constant 0 : i32
    %cond3A_117 = arith.cmpi ne, %convert_element_type3A, %cond3A : i32
    scf.if %cond3A_117 {
      "tpu.region"() ({
        %run_scoped3A = tpu.sem_alloc : memref<!tpu.dma_semaphore, #tpu.memory_space<semaphore_mem>>
        %dma_start3A = arith.constant 0 : i32
        %dma_start3A_123 = arith.constant 0 : i32
        %dma_start3A_124 = tpu.memref_slice %arg7[%arg0, %dma_start3A, %dma_start3A_123] : memref<2x1024x16xf32, #tpu.memory_space<hbm>> -> memref<1x640x16xf32, #tpu.memory_space<hbm>>
        %dma_start3A_125 = tpu.memref_squeeze %dma_start3A_124 : memref<1x640x16xf32, #tpu.memory_space<hbm>> -> memref<640x16xf32, #tpu.memory_space<hbm>>
        %dma_start3A_126 = arith.constant 0 : i32
        %dma_start3A_127 = arith.constant 0 : i32
        %dma_start3A_128 = tpu.memref_slice %arg11[%dma_start3A_126, %dma_start3A_127] : memref<10240x16xf32, #tpu.memory_space<vmem_shared>> -> memref<640x16xf32, #tpu.memory_space<vmem_shared>>
        tpu.enqueue_dma source(%dma_start3A_128 : memref<640x16xf32, #tpu.memory_space<vmem_shared>>) target(%dma_start3A_125 : memref<640x16xf32, #tpu.memory_space<hbm>>) target_semaphore(%run_scoped3A : memref<!tpu.dma_semaphore, #tpu.memory_space<semaphore_mem>>)
        %dma_wait3A = arith.constant 0 : i32
        %dma_wait3A_129 = arith.constant 0 : i32
        %dma_wait3A_130 = tpu.memref_slice %arg7[%arg0, %dma_wait3A, %dma_wait3A_129] : memref<2x1024x16xf32, #tpu.memory_space<hbm>> -> memref<1x640x16xf32, #tpu.memory_space<hbm>>
        %dma_wait3A_131 = tpu.memref_squeeze %dma_wait3A_130 : memref<1x640x16xf32, #tpu.memory_space<hbm>> -> memref<640x16xf32, #tpu.memory_space<hbm>>
        %dma_wait3A_132 = arith.constant 0 : i32
        %dma_wait3A_133 = arith.constant 0 : i32
        %dma_wait3A_134 = tpu.memref_slice %arg11[%dma_wait3A_132, %dma_wait3A_133] : memref<10240x16xf32, #tpu.memory_space<vmem_shared>> -> memref<640x16xf32, #tpu.memory_space<vmem_shared>>
        tpu.wait_dma2 semaphore(%run_scoped3A : memref<!tpu.dma_semaphore, #tpu.memory_space<semaphore_mem>>) src(%dma_wait3A_134 : memref<640x16xf32, #tpu.memory_space<vmem_shared>>) dst(%dma_wait3A_131 : memref<640x16xf32, #tpu.memory_space<hbm>>)
        tpu.yield
      }) : () -> ()
    } else {
    }
    %eq3A_118 = arith.constant 1 : i32
    %eq3A_119 = arith.cmpi eq, %arg1, %eq3A_118 : i32
    %convert_element_type3A_120 = arith.extui %eq3A_119 : i1 to i32
    %cond3A_121 = arith.constant 0 : i32
    %cond3A_122 = arith.cmpi ne, %convert_element_type3A_120, %cond3A_121 : i32
    scf.if %cond3A_122 {
      "tpu.region"() ({
        %run_scoped3A = tpu.sem_alloc : memref<!tpu.dma_semaphore, #tpu.memory_space<semaphore_mem>>
        %dma_start3A = arith.constant 640 : i32
        %dma_start3A_123 = arith.constant 0 : i32
        %dma_start3A_124 = tpu.memref_slice %arg7[%arg0, %dma_start3A, %dma_start3A_123] : memref<2x1024x16xf32, #tpu.memory_space<hbm>> -> memref<1x384x16xf32, #tpu.memory_space<hbm>>
        %dma_start3A_125 = tpu.memref_squeeze %dma_start3A_124 : memref<1x384x16xf32, #tpu.memory_space<hbm>> -> memref<384x16xf32, #tpu.memory_space<hbm>>
        %dma_start3A_126 = arith.constant 640 : i32
        %dma_start3A_127 = arith.constant 0 : i32
        %dma_start3A_128 = tpu.memref_slice %arg11[%dma_start3A_126, %dma_start3A_127] : memref<10240x16xf32, #tpu.memory_space<vmem_shared>> -> memref<384x16xf32, #tpu.memory_space<vmem_shared>>
        tpu.enqueue_dma source(%dma_start3A_128 : memref<384x16xf32, #tpu.memory_space<vmem_shared>>) target(%dma_start3A_125 : memref<384x16xf32, #tpu.memory_space<hbm>>) target_semaphore(%run_scoped3A : memref<!tpu.dma_semaphore, #tpu.memory_space<semaphore_mem>>)
        %dma_wait3A = arith.constant 640 : i32
        %dma_wait3A_129 = arith.constant 0 : i32
        %dma_wait3A_130 = tpu.memref_slice %arg7[%arg0, %dma_wait3A, %dma_wait3A_129] : memref<2x1024x16xf32, #tpu.memory_space<hbm>> -> memref<1x384x16xf32, #tpu.memory_space<hbm>>
        %dma_wait3A_131 = tpu.memref_squeeze %dma_wait3A_130 : memref<1x384x16xf32, #tpu.memory_space<hbm>> -> memref<384x16xf32, #tpu.memory_space<hbm>>
        %dma_wait3A_132 = arith.constant 640 : i32
        %dma_wait3A_133 = arith.constant 0 : i32
        %dma_wait3A_134 = tpu.memref_slice %arg11[%dma_wait3A_132, %dma_wait3A_133] : memref<10240x16xf32, #tpu.memory_space<vmem_shared>> -> memref<384x16xf32, #tpu.memory_space<vmem_shared>>
        tpu.wait_dma2 semaphore(%run_scoped3A : memref<!tpu.dma_semaphore, #tpu.memory_space<semaphore_mem>>) src(%dma_wait3A_134 : memref<384x16xf32, #tpu.memory_space<vmem_shared>>) dst(%dma_wait3A_131 : memref<384x16xf32, #tpu.memory_space<hbm>>)
        tpu.yield
      }) : () -> ()
    } else {
    }
    return
  }
}

#map = affine_map<(d0, d1) -> (0, 0)>
#map1 = affine_map<(d0, d1) -> (0, 0, 0)>
module attributes {stable_mosaic.version = 14 : i64} {
  func.func @_conv1_body(%arg0: i32, %arg1: i32, %arg2: memref<10240x16xf32, #tpu.memory_space<hbm>>, %arg3: memref<32x80x128xi32, #tpu.memory_space<hbm>>, %arg4: memref<32x80x128xi32, #tpu.memory_space<hbm>>, %arg5: memref<640x16xf32, #tpu.memory_space<hbm>>, %arg6: memref<80x128xi32, #tpu.memory_space<hbm>>, %arg7: memref<2x10240x16xf32, #tpu.memory_space<hbm>>, %arg8: memref<32x80x128xi32, #tpu.memory_space<hbm>>, %arg9: memref<32x80x128xi32, #tpu.memory_space<hbm>>, %arg10: memref<32x16xi32, #tpu.memory_space<hbm>>, %arg11: memref<80x128xi32, #tpu.memory_space<vmem>>, %arg12: memref<80x128xi32, #tpu.memory_space<vmem>>, %arg13: memref<8x128x16xf32, #tpu.memory_space<vmem>>, %arg14: memref<10240x16xf32, #tpu.memory_space<vmem_shared>>, %arg15: memref<80x128xi32, #tpu.memory_space<vmem>>, %arg16: memref<80x128xi32, #tpu.memory_space<vmem>>, %arg17: memref<16xi32, #tpu.memory_space<vmem>>, %arg18: memref<!tpu.dma_semaphore, #tpu.memory_space<semaphore_mem>>, %arg19: memref<!tpu.dma_semaphore, #tpu.memory_space<semaphore_mem>>, %arg20: memref<!tpu.dma_semaphore, #tpu.memory_space<semaphore_mem>>, %arg21: memref<!tpu.dma_semaphore, #tpu.memory_space<semaphore_mem>>, %arg22: memref<!tpu.dma_semaphore, #tpu.memory_space<semaphore_mem>>, %arg23: memref<!tpu.dma_semaphore, #tpu.memory_space<semaphore_mem>>, %arg24: memref<!tpu.dma_semaphore, #tpu.memory_space<semaphore_mem>>, %arg25: memref<!tpu.dma_semaphore, #tpu.memory_space<semaphore_mem>>) attributes {dimension_semantics = [#tpu.dimension_semantics<core_parallel>, #tpu.dimension_semantics<subcore_parallel>], iteration_bounds = array<i64: 2, 16>, scalar_prefetch = 0 : i64, scratch_operands = 15 : i64, tpu.core_type = #tpu.core_type<sc_vector_subcore>, window_params = [{transform_indices = #map}, {transform_indices = #map1}, {transform_indices = #map1}, {transform_indices = #map}, {transform_indices = #map}, {transform_indices = #map1}, {transform_indices = #map1}, {transform_indices = #map1}, {transform_indices = #map}]} {
    %mul3A = arith.constant 16 : i32
    %mul3A_0 = arith.muli %arg0, %mul3A : i32
    %add3A = arith.addi %mul3A_0, %arg1 : i32
    "tpu.region"() ({
      %run_scoped3A = tpu.sem_alloc : memref<!tpu.dma_semaphore, #tpu.memory_space<semaphore_mem>>
      %dma_start3A_109 = arith.constant 0 : i32
      %dma_start3A_110 = arith.constant 0 : i32
      %dma_start3A_111 = tpu.memref_slice %arg3[%add3A, %dma_start3A_109, %dma_start3A_110] : memref<32x80x128xi32, #tpu.memory_space<hbm>> -> memref<1x80x128xi32, #tpu.memory_space<hbm>>
      %dma_start3A_112 = tpu.memref_squeeze %dma_start3A_111 : memref<1x80x128xi32, #tpu.memory_space<hbm>> -> memref<80x128xi32, #tpu.memory_space<hbm>>
      %dma_start3A_113 = arith.constant 0 : i32
      %dma_start3A_114 = arith.constant 0 : i32
      %dma_start3A_115 = tpu.memref_slice %arg3[%add3A, %dma_start3A_113, %dma_start3A_114] : memref<32x80x128xi32, #tpu.memory_space<hbm>> -> memref<1x80x128xi32, #tpu.memory_space<hbm>>
      %dma_start3A_116 = tpu.memref_squeeze %dma_start3A_115 : memref<1x80x128xi32, #tpu.memory_space<hbm>> -> memref<80x128xi32, #tpu.memory_space<hbm>>
      tpu.enqueue_dma source(%dma_start3A_116 : memref<80x128xi32, #tpu.memory_space<hbm>>) target(%arg11 : memref<80x128xi32, #tpu.memory_space<vmem>>) target_semaphore(%run_scoped3A : memref<!tpu.dma_semaphore, #tpu.memory_space<semaphore_mem>>)
      %dma_wait3A_117 = arith.constant 0 : i32
      %dma_wait3A_118 = arith.constant 0 : i32
      %dma_wait3A_119 = tpu.memref_slice %arg3[%add3A, %dma_wait3A_117, %dma_wait3A_118] : memref<32x80x128xi32, #tpu.memory_space<hbm>> -> memref<1x80x128xi32, #tpu.memory_space<hbm>>
      %dma_wait3A_120 = tpu.memref_squeeze %dma_wait3A_119 : memref<1x80x128xi32, #tpu.memory_space<hbm>> -> memref<80x128xi32, #tpu.memory_space<hbm>>
      %dma_wait3A_121 = arith.constant 0 : i32
      %dma_wait3A_122 = arith.constant 0 : i32
      %dma_wait3A_123 = tpu.memref_slice %arg3[%add3A, %dma_wait3A_121, %dma_wait3A_122] : memref<32x80x128xi32, #tpu.memory_space<hbm>> -> memref<1x80x128xi32, #tpu.memory_space<hbm>>
      %dma_wait3A_124 = tpu.memref_squeeze %dma_wait3A_123 : memref<1x80x128xi32, #tpu.memory_space<hbm>> -> memref<80x128xi32, #tpu.memory_space<hbm>>
      tpu.wait_dma2 semaphore(%run_scoped3A : memref<!tpu.dma_semaphore, #tpu.memory_space<semaphore_mem>>) src(%dma_wait3A_124 : memref<80x128xi32, #tpu.memory_space<hbm>>) dst(%arg11 : memref<80x128xi32, #tpu.memory_space<vmem>>)
      tpu.yield
    }) : () -> ()
    "tpu.region"() ({
      %run_scoped3A = tpu.sem_alloc : memref<!tpu.dma_semaphore, #tpu.memory_space<semaphore_mem>>
      %dma_start3A_109 = arith.constant 0 : i32
      %dma_start3A_110 = arith.constant 0 : i32
      %dma_start3A_111 = tpu.memref_slice %arg4[%add3A, %dma_start3A_109, %dma_start3A_110] : memref<32x80x128xi32, #tpu.memory_space<hbm>> -> memref<1x80x128xi32, #tpu.memory_space<hbm>>
      %dma_start3A_112 = tpu.memref_squeeze %dma_start3A_111 : memref<1x80x128xi32, #tpu.memory_space<hbm>> -> memref<80x128xi32, #tpu.memory_space<hbm>>
      %dma_start3A_113 = arith.constant 0 : i32
      %dma_start3A_114 = arith.constant 0 : i32
      %dma_start3A_115 = tpu.memref_slice %arg4[%add3A, %dma_start3A_113, %dma_start3A_114] : memref<32x80x128xi32, #tpu.memory_space<hbm>> -> memref<1x80x128xi32, #tpu.memory_space<hbm>>
      %dma_start3A_116 = tpu.memref_squeeze %dma_start3A_115 : memref<1x80x128xi32, #tpu.memory_space<hbm>> -> memref<80x128xi32, #tpu.memory_space<hbm>>
      tpu.enqueue_dma source(%dma_start3A_116 : memref<80x128xi32, #tpu.memory_space<hbm>>) target(%arg12 : memref<80x128xi32, #tpu.memory_space<vmem>>) target_semaphore(%run_scoped3A : memref<!tpu.dma_semaphore, #tpu.memory_space<semaphore_mem>>)
      %dma_wait3A_117 = arith.constant 0 : i32
      %dma_wait3A_118 = arith.constant 0 : i32
      %dma_wait3A_119 = tpu.memref_slice %arg4[%add3A, %dma_wait3A_117, %dma_wait3A_118] : memref<32x80x128xi32, #tpu.memory_space<hbm>> -> memref<1x80x128xi32, #tpu.memory_space<hbm>>
      %dma_wait3A_120 = tpu.memref_squeeze %dma_wait3A_119 : memref<1x80x128xi32, #tpu.memory_space<hbm>> -> memref<80x128xi32, #tpu.memory_space<hbm>>
      %dma_wait3A_121 = arith.constant 0 : i32
      %dma_wait3A_122 = arith.constant 0 : i32
      %dma_wait3A_123 = tpu.memref_slice %arg4[%add3A, %dma_wait3A_121, %dma_wait3A_122] : memref<32x80x128xi32, #tpu.memory_space<hbm>> -> memref<1x80x128xi32, #tpu.memory_space<hbm>>
      %dma_wait3A_124 = tpu.memref_squeeze %dma_wait3A_123 : memref<1x80x128xi32, #tpu.memory_space<hbm>> -> memref<80x128xi32, #tpu.memory_space<hbm>>
      tpu.wait_dma2 semaphore(%run_scoped3A : memref<!tpu.dma_semaphore, #tpu.memory_space<semaphore_mem>>) src(%dma_wait3A_124 : memref<80x128xi32, #tpu.memory_space<hbm>>) dst(%arg12 : memref<80x128xi32, #tpu.memory_space<vmem>>)
      tpu.yield
    }) : () -> ()
    %mul3A_1 = arith.constant 640 : i32
    %mul3A_2 = arith.muli %arg1, %mul3A_1 : i32
    "tpu.region"() ({
      %run_scoped3A = tpu.sem_alloc : memref<!tpu.dma_semaphore, #tpu.memory_space<semaphore_mem>>
      %dma_start3A_109 = arith.constant 0 : i32
      %dma_start3A_110 = tpu.memref_slice %arg14[%mul3A_2, %dma_start3A_109] : memref<10240x16xf32, #tpu.memory_space<vmem_shared>> -> memref<640x16xf32, #tpu.memory_space<vmem_shared>>
      tpu.enqueue_dma source(%arg5 : memref<640x16xf32, #tpu.memory_space<hbm>>) target(%dma_start3A_110 : memref<640x16xf32, #tpu.memory_space<vmem_shared>>) target_semaphore(%run_scoped3A : memref<!tpu.dma_semaphore, #tpu.memory_space<semaphore_mem>>)
      %dma_wait3A_111 = arith.constant 0 : i32
      %dma_wait3A_112 = tpu.memref_slice %arg14[%mul3A_2, %dma_wait3A_111] : memref<10240x16xf32, #tpu.memory_space<vmem_shared>> -> memref<640x16xf32, #tpu.memory_space<vmem_shared>>
      tpu.wait_dma2 semaphore(%run_scoped3A : memref<!tpu.dma_semaphore, #tpu.memory_space<semaphore_mem>>) src(%arg5 : memref<640x16xf32, #tpu.memory_space<hbm>>) dst(%dma_wait3A_112 : memref<640x16xf32, #tpu.memory_space<vmem_shared>>)
      tpu.yield
    }) : () -> ()
    "tpu.region"() ({
      %run_scoped3A = tpu.sem_alloc : memref<!tpu.dma_semaphore, #tpu.memory_space<semaphore_mem>>
      tpu.enqueue_dma source(%arg6 : memref<80x128xi32, #tpu.memory_space<hbm>>) target(%arg15 : memref<80x128xi32, #tpu.memory_space<vmem>>) target_semaphore(%run_scoped3A : memref<!tpu.dma_semaphore, #tpu.memory_space<semaphore_mem>>)
      tpu.wait_dma2 semaphore(%run_scoped3A : memref<!tpu.dma_semaphore, #tpu.memory_space<semaphore_mem>>) src(%arg6 : memref<80x128xi32, #tpu.memory_space<hbm>>) dst(%arg15 : memref<80x128xi32, #tpu.memory_space<vmem>>)
      tpu.yield
    }) : () -> ()
    "tpu.region"() ({
      %run_scoped3A = tpu.sem_alloc : memref<!tpu.dma_semaphore, #tpu.memory_space<semaphore_mem>>
      tpu.enqueue_dma source(%arg6 : memref<80x128xi32, #tpu.memory_space<hbm>>) target(%arg16 : memref<80x128xi32, #tpu.memory_space<vmem>>) target_semaphore(%run_scoped3A : memref<!tpu.dma_semaphore, #tpu.memory_space<semaphore_mem>>)
      tpu.wait_dma2 semaphore(%run_scoped3A : memref<!tpu.dma_semaphore, #tpu.memory_space<semaphore_mem>>) src(%arg6 : memref<80x128xi32, #tpu.memory_space<hbm>>) dst(%arg16 : memref<80x128xi32, #tpu.memory_space<vmem>>)
      tpu.yield
    }) : () -> ()
    %barrier3A = arith.constant 0 : index
    tpu.barrier barrier_id(%barrier3A)
    %dma_start3A = arith.constant 0 : i32
    %dma_start3A_3 = arith.constant 0 : i32
    %dma_start3A_4 = arith.constant 0 : i32
    %dma_start3A_5 = arith.constant 0 : i32
    %dma_start3A_6 = tpu.memref_slice %arg13[%dma_start3A_3, %dma_start3A_4, %dma_start3A_5] : memref<8x128x16xf32, #tpu.memory_space<vmem>> -> memref<1x128x16xf32, #tpu.memory_space<vmem>>
    %dma_start3A_7 = tpu.memref_squeeze %dma_start3A_6 : memref<1x128x16xf32, #tpu.memory_space<vmem>> -> memref<128x16xf32, #tpu.memory_space<vmem>>
    %dma_start3A_8 = arith.constant 0 : i32
    %dma_start3A_9 = tpu.memref_slice %arg11[%dma_start3A, %dma_start3A_8] : memref<80x128xi32, #tpu.memory_space<vmem>> -> memref<1x128xi32, #tpu.memory_space<vmem>>
    %dma_start3A_10 = tpu.memref_squeeze %dma_start3A_9 : memref<1x128xi32, #tpu.memory_space<vmem>> -> memref<128xi32, #tpu.memory_space<vmem>>
    %dma_start3A_11 = arith.constant 0 : i32
    %dma_start3A_12 = arith.constant 0 : i32
    %dma_start3A_13 = tpu.memref_slice %arg2[%dma_start3A_11, %dma_start3A_12] : memref<10240x16xf32, #tpu.memory_space<hbm>> -> memref<10240x16xf32, #tpu.memory_space<hbm>>
    tpu.enqueue_indirect_dma source(%dma_start3A_13 : memref<10240x16xf32, #tpu.memory_space<hbm>>) target(%dma_start3A_7 : memref<128x16xf32, #tpu.memory_space<vmem>>) offsets(%dma_start3A_10 : memref<128xi32, #tpu.memory_space<vmem>>) semaphore(%arg18 : memref<!tpu.dma_semaphore, #tpu.memory_space<semaphore_mem>>)
    %dma_start3A_14 = arith.constant 1 : i32
    %dma_start3A_15 = arith.constant 1 : i32
    %dma_start3A_16 = arith.constant 0 : i32
    %dma_start3A_17 = arith.constant 0 : i32
    %dma_start3A_18 = tpu.memref_slice %arg13[%dma_start3A_15, %dma_start3A_16, %dma_start3A_17] : memref<8x128x16xf32, #tpu.memory_space<vmem>> -> memref<1x128x16xf32, #tpu.memory_space<vmem>>
    %dma_start3A_19 = tpu.memref_squeeze %dma_start3A_18 : memref<1x128x16xf32, #tpu.memory_space<vmem>> -> memref<128x16xf32, #tpu.memory_space<vmem>>
    %dma_start3A_20 = arith.constant 0 : i32
    %dma_start3A_21 = tpu.memref_slice %arg11[%dma_start3A_14, %dma_start3A_20] : memref<80x128xi32, #tpu.memory_space<vmem>> -> memref<1x128xi32, #tpu.memory_space<vmem>>
    %dma_start3A_22 = tpu.memref_squeeze %dma_start3A_21 : memref<1x128xi32, #tpu.memory_space<vmem>> -> memref<128xi32, #tpu.memory_space<vmem>>
    %dma_start3A_23 = arith.constant 0 : i32
    %dma_start3A_24 = arith.constant 0 : i32
    %dma_start3A_25 = tpu.memref_slice %arg2[%dma_start3A_23, %dma_start3A_24] : memref<10240x16xf32, #tpu.memory_space<hbm>> -> memref<10240x16xf32, #tpu.memory_space<hbm>>
    tpu.enqueue_indirect_dma source(%dma_start3A_25 : memref<10240x16xf32, #tpu.memory_space<hbm>>) target(%dma_start3A_19 : memref<128x16xf32, #tpu.memory_space<vmem>>) offsets(%dma_start3A_22 : memref<128xi32, #tpu.memory_space<vmem>>) semaphore(%arg19 : memref<!tpu.dma_semaphore, #tpu.memory_space<semaphore_mem>>)
    %dma_start3A_26 = arith.constant 2 : i32
    %dma_start3A_27 = arith.constant 2 : i32
    %dma_start3A_28 = arith.constant 0 : i32
    %dma_start3A_29 = arith.constant 0 : i32
    %dma_start3A_30 = tpu.memref_slice %arg13[%dma_start3A_27, %dma_start3A_28, %dma_start3A_29] : memref<8x128x16xf32, #tpu.memory_space<vmem>> -> memref<1x128x16xf32, #tpu.memory_space<vmem>>
    %dma_start3A_31 = tpu.memref_squeeze %dma_start3A_30 : memref<1x128x16xf32, #tpu.memory_space<vmem>> -> memref<128x16xf32, #tpu.memory_space<vmem>>
    %dma_start3A_32 = arith.constant 0 : i32
    %dma_start3A_33 = tpu.memref_slice %arg11[%dma_start3A_26, %dma_start3A_32] : memref<80x128xi32, #tpu.memory_space<vmem>> -> memref<1x128xi32, #tpu.memory_space<vmem>>
    %dma_start3A_34 = tpu.memref_squeeze %dma_start3A_33 : memref<1x128xi32, #tpu.memory_space<vmem>> -> memref<128xi32, #tpu.memory_space<vmem>>
    %dma_start3A_35 = arith.constant 0 : i32
    %dma_start3A_36 = arith.constant 0 : i32
    %dma_start3A_37 = tpu.memref_slice %arg2[%dma_start3A_35, %dma_start3A_36] : memref<10240x16xf32, #tpu.memory_space<hbm>> -> memref<10240x16xf32, #tpu.memory_space<hbm>>
    tpu.enqueue_indirect_dma source(%dma_start3A_37 : memref<10240x16xf32, #tpu.memory_space<hbm>>) target(%dma_start3A_31 : memref<128x16xf32, #tpu.memory_space<vmem>>) offsets(%dma_start3A_34 : memref<128xi32, #tpu.memory_space<vmem>>) semaphore(%arg20 : memref<!tpu.dma_semaphore, #tpu.memory_space<semaphore_mem>>)
    %dma_start3A_38 = arith.constant 3 : i32
    %dma_start3A_39 = arith.constant 3 : i32
    %dma_start3A_40 = arith.constant 0 : i32
    %dma_start3A_41 = arith.constant 0 : i32
    %dma_start3A_42 = tpu.memref_slice %arg13[%dma_start3A_39, %dma_start3A_40, %dma_start3A_41] : memref<8x128x16xf32, #tpu.memory_space<vmem>> -> memref<1x128x16xf32, #tpu.memory_space<vmem>>
    %dma_start3A_43 = tpu.memref_squeeze %dma_start3A_42 : memref<1x128x16xf32, #tpu.memory_space<vmem>> -> memref<128x16xf32, #tpu.memory_space<vmem>>
    %dma_start3A_44 = arith.constant 0 : i32
    %dma_start3A_45 = tpu.memref_slice %arg11[%dma_start3A_38, %dma_start3A_44] : memref<80x128xi32, #tpu.memory_space<vmem>> -> memref<1x128xi32, #tpu.memory_space<vmem>>
    %dma_start3A_46 = tpu.memref_squeeze %dma_start3A_45 : memref<1x128xi32, #tpu.memory_space<vmem>> -> memref<128xi32, #tpu.memory_space<vmem>>
    %dma_start3A_47 = arith.constant 0 : i32
    %dma_start3A_48 = arith.constant 0 : i32
    %dma_start3A_49 = tpu.memref_slice %arg2[%dma_start3A_47, %dma_start3A_48] : memref<10240x16xf32, #tpu.memory_space<hbm>> -> memref<10240x16xf32, #tpu.memory_space<hbm>>
    tpu.enqueue_indirect_dma source(%dma_start3A_49 : memref<10240x16xf32, #tpu.memory_space<hbm>>) target(%dma_start3A_43 : memref<128x16xf32, #tpu.memory_space<vmem>>) offsets(%dma_start3A_46 : memref<128xi32, #tpu.memory_space<vmem>>) semaphore(%arg21 : memref<!tpu.dma_semaphore, #tpu.memory_space<semaphore_mem>>)
    %dma_start3A_50 = arith.constant 4 : i32
    %dma_start3A_51 = arith.constant 4 : i32
    %dma_start3A_52 = arith.constant 0 : i32
    %dma_start3A_53 = arith.constant 0 : i32
    %dma_start3A_54 = tpu.memref_slice %arg13[%dma_start3A_51, %dma_start3A_52, %dma_start3A_53] : memref<8x128x16xf32, #tpu.memory_space<vmem>> -> memref<1x128x16xf32, #tpu.memory_space<vmem>>
    %dma_start3A_55 = tpu.memref_squeeze %dma_start3A_54 : memref<1x128x16xf32, #tpu.memory_space<vmem>> -> memref<128x16xf32, #tpu.memory_space<vmem>>
    %dma_start3A_56 = arith.constant 0 : i32
    %dma_start3A_57 = tpu.memref_slice %arg11[%dma_start3A_50, %dma_start3A_56] : memref<80x128xi32, #tpu.memory_space<vmem>> -> memref<1x128xi32, #tpu.memory_space<vmem>>
    %dma_start3A_58 = tpu.memref_squeeze %dma_start3A_57 : memref<1x128xi32, #tpu.memory_space<vmem>> -> memref<128xi32, #tpu.memory_space<vmem>>
    %dma_start3A_59 = arith.constant 0 : i32
    %dma_start3A_60 = arith.constant 0 : i32
    %dma_start3A_61 = tpu.memref_slice %arg2[%dma_start3A_59, %dma_start3A_60] : memref<10240x16xf32, #tpu.memory_space<hbm>> -> memref<10240x16xf32, #tpu.memory_space<hbm>>
    tpu.enqueue_indirect_dma source(%dma_start3A_61 : memref<10240x16xf32, #tpu.memory_space<hbm>>) target(%dma_start3A_55 : memref<128x16xf32, #tpu.memory_space<vmem>>) offsets(%dma_start3A_58 : memref<128xi32, #tpu.memory_space<vmem>>) semaphore(%arg22 : memref<!tpu.dma_semaphore, #tpu.memory_space<semaphore_mem>>)
    %dma_start3A_62 = arith.constant 5 : i32
    %dma_start3A_63 = arith.constant 5 : i32
    %dma_start3A_64 = arith.constant 0 : i32
    %dma_start3A_65 = arith.constant 0 : i32
    %dma_start3A_66 = tpu.memref_slice %arg13[%dma_start3A_63, %dma_start3A_64, %dma_start3A_65] : memref<8x128x16xf32, #tpu.memory_space<vmem>> -> memref<1x128x16xf32, #tpu.memory_space<vmem>>
    %dma_start3A_67 = tpu.memref_squeeze %dma_start3A_66 : memref<1x128x16xf32, #tpu.memory_space<vmem>> -> memref<128x16xf32, #tpu.memory_space<vmem>>
    %dma_start3A_68 = arith.constant 0 : i32
    %dma_start3A_69 = tpu.memref_slice %arg11[%dma_start3A_62, %dma_start3A_68] : memref<80x128xi32, #tpu.memory_space<vmem>> -> memref<1x128xi32, #tpu.memory_space<vmem>>
    %dma_start3A_70 = tpu.memref_squeeze %dma_start3A_69 : memref<1x128xi32, #tpu.memory_space<vmem>> -> memref<128xi32, #tpu.memory_space<vmem>>
    %dma_start3A_71 = arith.constant 0 : i32
    %dma_start3A_72 = arith.constant 0 : i32
    %dma_start3A_73 = tpu.memref_slice %arg2[%dma_start3A_71, %dma_start3A_72] : memref<10240x16xf32, #tpu.memory_space<hbm>> -> memref<10240x16xf32, #tpu.memory_space<hbm>>
    tpu.enqueue_indirect_dma source(%dma_start3A_73 : memref<10240x16xf32, #tpu.memory_space<hbm>>) target(%dma_start3A_67 : memref<128x16xf32, #tpu.memory_space<vmem>>) offsets(%dma_start3A_70 : memref<128xi32, #tpu.memory_space<vmem>>) semaphore(%arg23 : memref<!tpu.dma_semaphore, #tpu.memory_space<semaphore_mem>>)
    %broadcast_in_dim3A = arith.constant 0 : i32
    %broadcast_in_dim3A_74 = vector.broadcast %broadcast_in_dim3A : i32 to vector<16xi32>
    %scan3A = arith.constant 0 : i32
    %scan3A_75 = arith.constant 10 : i32
    %scan3A_76 = arith.addi %scan3A, %scan3A_75 : i32
    %scan3A_77 = arith.constant 1 : i32
    %scan3A_78 = scf.for %scan3A_109 = %scan3A to %scan3A_76 step %scan3A_77 iter_args(%scan3A_110 = %broadcast_in_dim3A_74) -> (vector<16xi32>)  : i32 {
      %mul3A_111 = arith.constant 1 : i32
      %mul3A_112 = arith.muli %scan3A_109, %mul3A_111 : i32
      %add3A_113 = arith.constant 0 : i32
      %add3A_114 = arith.addi %add3A_113, %mul3A_112 : i32
      %mul3A_115 = arith.constant 8 : i32
      %mul3A_116 = arith.muli %add3A_114, %mul3A_115 : i32
      %add3A_117 = arith.constant 0 : i32
      %add3A_118 = arith.addi %mul3A_116, %add3A_117 : i32
      %dma_wait3A_119 = arith.constant 0 : i32
      %dma_wait3A_120 = arith.constant 0 : i32
      %dma_wait3A_121 = arith.constant 0 : i32
      %dma_wait3A_122 = tpu.memref_slice %arg13[%dma_wait3A_119, %dma_wait3A_120, %dma_wait3A_121] : memref<8x128x16xf32, #tpu.memory_space<vmem>> -> memref<1x128x16xf32, #tpu.memory_space<vmem>>
      %dma_wait3A_123 = tpu.memref_squeeze %dma_wait3A_122 : memref<1x128x16xf32, #tpu.memory_space<vmem>> -> memref<128x16xf32, #tpu.memory_space<vmem>>
      %dma_wait3A_124 = arith.constant 0 : i32
      %dma_wait3A_125 = tpu.memref_slice %arg11[%add3A_118, %dma_wait3A_124] : memref<80x128xi32, #tpu.memory_space<vmem>> -> memref<1x128xi32, #tpu.memory_space<vmem>>
      %dma_wait3A_126 = tpu.memref_squeeze %dma_wait3A_125 : memref<1x128xi32, #tpu.memory_space<vmem>> -> memref<128xi32, #tpu.memory_space<vmem>>
      %dma_wait3A_127 = arith.constant 0 : i32
      %dma_wait3A_128 = arith.constant 0 : i32
      %dma_wait3A_129 = tpu.memref_slice %arg2[%dma_wait3A_127, %dma_wait3A_128] : memref<10240x16xf32, #tpu.memory_space<hbm>> -> memref<10240x16xf32, #tpu.memory_space<hbm>>
      tpu.wait_indirect_dma semaphore(%arg18 : memref<!tpu.dma_semaphore, #tpu.memory_space<semaphore_mem>>) src(%dma_wait3A_129 : memref<10240x16xf32, #tpu.memory_space<hbm>>) dst(%dma_wait3A_123 : memref<128x16xf32, #tpu.memory_space<vmem>>)
      %dma_start3A_130 = arith.constant 0 : i32
      %dma_start3A_131 = arith.constant 0 : i32
      %dma_start3A_132 = arith.constant 0 : i32
      %dma_start3A_133 = tpu.memref_slice %arg13[%dma_start3A_130, %dma_start3A_131, %dma_start3A_132] : memref<8x128x16xf32, #tpu.memory_space<vmem>> -> memref<1x128x16xf32, #tpu.memory_space<vmem>>
      %dma_start3A_134 = tpu.memref_squeeze %dma_start3A_133 : memref<1x128x16xf32, #tpu.memory_space<vmem>> -> memref<128x16xf32, #tpu.memory_space<vmem>>
      %dma_start3A_135 = arith.constant 0 : i32
      %dma_start3A_136 = tpu.memref_slice %arg12[%add3A_118, %dma_start3A_135] : memref<80x128xi32, #tpu.memory_space<vmem>> -> memref<1x128xi32, #tpu.memory_space<vmem>>
      %dma_start3A_137 = tpu.memref_squeeze %dma_start3A_136 : memref<1x128xi32, #tpu.memory_space<vmem>> -> memref<128xi32, #tpu.memory_space<vmem>>
      %dma_start3A_138 = arith.constant 0 : i32
      %dma_start3A_139 = arith.constant 0 : i32
      %dma_start3A_140 = tpu.memref_slice %arg14[%dma_start3A_138, %dma_start3A_139] : memref<10240x16xf32, #tpu.memory_space<vmem_shared>> -> memref<10240x16xf32, #tpu.memory_space<vmem_shared>>
      tpu.enqueue_indirect_dma source(%dma_start3A_134 : memref<128x16xf32, #tpu.memory_space<vmem>>) target(%dma_start3A_140 : memref<10240x16xf32, #tpu.memory_space<vmem_shared>>) offsets(%dma_start3A_137 : memref<128xi32, #tpu.memory_space<vmem>>) semaphore(%arg18 : memref<!tpu.dma_semaphore, #tpu.memory_space<semaphore_mem>>) {add = true}
      %ge3A = arith.constant 2 : i32
      %ge3A_141 = arith.cmpi sge, %add3A_118, %ge3A : i32
      %convert_element_type3A = arith.extui %ge3A_141 : i1 to i32
      %cond3A = arith.constant 0 : i32
      %cond3A_142 = arith.cmpi ne, %convert_element_type3A, %cond3A : i32
      scf.if %cond3A_142 {
        %sub3A_1993 = arith.constant 2 : i32
        %sub3A_1994 = arith.subi %add3A_118, %sub3A_1993 : i32
        %dma_wait3A_1995 = arith.constant 6 : i32
        %dma_wait3A_1996 = arith.constant 0 : i32
        %dma_wait3A_1997 = arith.constant 0 : i32
        %dma_wait3A_1998 = tpu.memref_slice %arg13[%dma_wait3A_1995, %dma_wait3A_1996, %dma_wait3A_1997] : memref<8x128x16xf32, #tpu.memory_space<vmem>> -> memref<1x128x16xf32, #tpu.memory_space<vmem>>
        %dma_wait3A_1999 = tpu.memref_squeeze %dma_wait3A_1998 : memref<1x128x16xf32, #tpu.memory_space<vmem>> -> memref<128x16xf32, #tpu.memory_space<vmem>>
        %dma_wait3A_2000 = arith.constant 0 : i32
        %dma_wait3A_2001 = tpu.memref_slice %arg12[%sub3A_1994, %dma_wait3A_2000] : memref<80x128xi32, #tpu.memory_space<vmem>> -> memref<1x128xi32, #tpu.memory_space<vmem>>
        %dma_wait3A_2002 = tpu.memref_squeeze %dma_wait3A_2001 : memref<1x128xi32, #tpu.memory_space<vmem>> -> memref<128xi32, #tpu.memory_space<vmem>>
        %dma_wait3A_2003 = arith.constant 0 : i32
        %dma_wait3A_2004 = arith.constant 0 : i32
        %dma_wait3A_2005 = tpu.memref_slice %arg14[%dma_wait3A_2003, %dma_wait3A_2004] : memref<10240x16xf32, #tpu.memory_space<vmem_shared>> -> memref<10240x16xf32, #tpu.memory_space<vmem_shared>>
        tpu.wait_indirect_dma semaphore(%arg24 : memref<!tpu.dma_semaphore, #tpu.memory_space<semaphore_mem>>) src(%dma_wait3A_1999 : memref<128x16xf32, #tpu.memory_space<vmem>>) dst(%dma_wait3A_2005 : memref<10240x16xf32, #tpu.memory_space<vmem_shared>>)
      } else {
      }
      %lt3A = arith.constant 74 : i32
      %lt3A_143 = arith.cmpi slt, %add3A_118, %lt3A : i32
      %convert_element_type3A_144 = arith.extui %lt3A_143 : i1 to i32
      %cond3A_145 = arith.constant 0 : i32
      %cond3A_146 = arith.cmpi ne, %convert_element_type3A_144, %cond3A_145 : i32
      scf.if %cond3A_146 {
        %add3A_1993 = arith.constant 6 : i32
        %add3A_1994 = arith.addi %add3A_118, %add3A_1993 : i32
        %dma_start3A_1995 = arith.constant 6 : i32
        %dma_start3A_1996 = arith.constant 0 : i32
        %dma_start3A_1997 = arith.constant 0 : i32
        %dma_start3A_1998 = tpu.memref_slice %arg13[%dma_start3A_1995, %dma_start3A_1996, %dma_start3A_1997] : memref<8x128x16xf32, #tpu.memory_space<vmem>> -> memref<1x128x16xf32, #tpu.memory_space<vmem>>
        %dma_start3A_1999 = tpu.memref_squeeze %dma_start3A_1998 : memref<1x128x16xf32, #tpu.memory_space<vmem>> -> memref<128x16xf32, #tpu.memory_space<vmem>>
        %dma_start3A_2000 = arith.constant 0 : i32
        %dma_start3A_2001 = tpu.memref_slice %arg11[%add3A_1994, %dma_start3A_2000] : memref<80x128xi32, #tpu.memory_space<vmem>> -> memref<1x128xi32, #tpu.memory_space<vmem>>
        %dma_start3A_2002 = tpu.memref_squeeze %dma_start3A_2001 : memref<1x128xi32, #tpu.memory_space<vmem>> -> memref<128xi32, #tpu.memory_space<vmem>>
        %dma_start3A_2003 = arith.constant 0 : i32
        %dma_start3A_2004 = arith.constant 0 : i32
        %dma_start3A_2005 = tpu.memref_slice %arg2[%dma_start3A_2003, %dma_start3A_2004] : memref<10240x16xf32, #tpu.memory_space<hbm>> -> memref<10240x16xf32, #tpu.memory_space<hbm>>
        tpu.enqueue_indirect_dma source(%dma_start3A_2005 : memref<10240x16xf32, #tpu.memory_space<hbm>>) target(%dma_start3A_1999 : memref<128x16xf32, #tpu.memory_space<vmem>>) offsets(%dma_start3A_2002 : memref<128xi32, #tpu.memory_space<vmem>>) semaphore(%arg24 : memref<!tpu.dma_semaphore, #tpu.memory_space<semaphore_mem>>)
      } else {
      }
      %get3A = arith.index_cast %add3A_118 : i32 to index
      %get3A_147 = arith.constant 0 : index
      %get3A_148 = tpu.vector_load %arg12[%get3A, %get3A_147] {strides = array<i32>} : memref<80x128xi32, #tpu.memory_space<vmem>>, vector<16xi32>,
      %get3A_149 = arith.index_cast %add3A_118 : i32 to index
      %get3A_150 = arith.constant 0 : index
      %get3A_151 = tpu.vector_load %arg11[%get3A_149, %get3A_150] {strides = array<i32>} : memref<80x128xi32, #tpu.memory_space<vmem>>, vector<16xi32>,
      %lt3A_152 = arith.constant 1024 : i32
      %lt3A_153 = vector.broadcast %lt3A_152 : i32 to vector<16xi32>
      %lt3A_154 = arith.cmpi slt, %get3A_148, %lt3A_153 : vector<16xi32>
      %convert_element_type3A_155 = arith.extui %lt3A_154 : vector<16xi1> to vector<16xi32>
      %broadcast_in_dim3A_156 = arith.constant true
      %broadcast_in_dim3A_157 = vector.broadcast %broadcast_in_dim3A_156 : i1 to vector<16xi1>
      %masked_cumsum3A = tpu.scan <sum>, %convert_element_type3A_155 masked %broadcast_in_dim3A_157 : vector<16xi32>, vector<16xi1> -> vector<16xi32>
      %add3A_158 = arith.addi %scan3A_110, %masked_cumsum3A : vector<16xi32>
      %sub3A = arith.constant 1 : i32
      %sub3A_159 = vector.broadcast %sub3A : i32 to vector<16xi32>
      %sub3A_160 = arith.subi %add3A_158, %sub3A_159 : vector<16xi32>
      %shift_right_arithmetic3A = arith.constant 7 : i32
      %shift_right_arithmetic3A_161 = vector.broadcast %shift_right_arithmetic3A : i32 to vector<16xi32>
      %shift_right_arithmetic3A_162 = arith.shrsi %sub3A_160, %shift_right_arithmetic3A_161 : vector<16xi32>
      %and3A = arith.constant 127 : i32
      %and3A_163 = vector.broadcast %and3A : i32 to vector<16xi32>
      %and3A_164 = arith.andi %sub3A_160, %and3A_163 : vector<16xi32>
      tpu.vector_store_idx %arg16[%shift_right_arithmetic3A_162, %and3A_164], %get3A_148 masked %lt3A_154 : memref<80x128xi32, #tpu.memory_space<vmem>>[vector<16xi32>, vector<16xi32>], vector<16xi32>, vector<16xi1>
      tpu.vector_store_idx %arg15[%shift_right_arithmetic3A_162, %and3A_164], %get3A_151 masked %lt3A_154 : memref<80x128xi32, #tpu.memory_space<vmem>>[vector<16xi32>, vector<16xi32>], vector<16xi32>, vector<16xi1>
      %all_reduce_population_count3A = tpu.all_reduce %lt3A_154 {dim = 0 : i64, kind = #tpu.reduction_kind<sum>} : vector<16xi1> -> vector<16xi32>
      %add3A_165 = arith.addi %scan3A_110, %all_reduce_population_count3A : vector<16xi32>
      %get3A_166 = arith.index_cast %add3A_118 : i32 to index
      %get3A_167 = arith.constant 16 : index
      %get3A_168 = tpu.vector_load %arg12[%get3A_166, %get3A_167] {strides = array<i32>} : memref<80x128xi32, #tpu.memory_space<vmem>>, vector<16xi32>,
      %get3A_169 = arith.index_cast %add3A_118 : i32 to index
      %get3A_170 = arith.constant 16 : index
      %get3A_171 = tpu.vector_load %arg11[%get3A_169, %get3A_170] {strides = array<i32>} : memref<80x128xi32, #tpu.memory_space<vmem>>, vector<16xi32>,
      %lt3A_172 = arith.constant 1024 : i32
      %lt3A_173 = vector.broadcast %lt3A_172 : i32 to vector<16xi32>
      %lt3A_174 = arith.cmpi slt, %get3A_168, %lt3A_173 : vector<16xi32>
      %convert_element_type3A_175 = arith.extui %lt3A_174 : vector<16xi1> to vector<16xi32>
      %broadcast_in_dim3A_176 = arith.constant true
      %broadcast_in_dim3A_177 = vector.broadcast %broadcast_in_dim3A_176 : i1 to vector<16xi1>
      %masked_cumsum3A_178 = tpu.scan <sum>, %convert_element_type3A_175 masked %broadcast_in_dim3A_177 : vector<16xi32>, vector<16xi1> -> vector<16xi32>
      %add3A_179 = arith.addi %add3A_165, %masked_cumsum3A_178 : vector<16xi32>
      %sub3A_180 = arith.constant 1 : i32
      %sub3A_181 = vector.broadcast %sub3A_180 : i32 to vector<16xi32>
      %sub3A_182 = arith.subi %add3A_179, %sub3A_181 : vector<16xi32>
      %shift_right_arithmetic3A_183 = arith.constant 7 : i32
      %shift_right_arithmetic3A_184 = vector.broadcast %shift_right_arithmetic3A_183 : i32 to vector<16xi32>
      %shift_right_arithmetic3A_185 = arith.shrsi %sub3A_182, %shift_right_arithmetic3A_184 : vector<16xi32>
      %and3A_186 = arith.constant 127 : i32
      %and3A_187 = vector.broadcast %and3A_186 : i32 to vector<16xi32>
      %and3A_188 = arith.andi %sub3A_182, %and3A_187 : vector<16xi32>
      tpu.vector_store_idx %arg16[%shift_right_arithmetic3A_185, %and3A_188], %get3A_168 masked %lt3A_174 : memref<80x128xi32, #tpu.memory_space<vmem>>[vector<16xi32>, vector<16xi32>], vector<16xi32>, vector<16xi1>
      tpu.vector_store_idx %arg15[%shift_right_arithmetic3A_185, %and3A_188], %get3A_171 masked %lt3A_174 : memref<80x128xi32, #tpu.memory_space<vmem>>[vector<16xi32>, vector<16xi32>], vector<16xi32>, vector<16xi1>
      %all_reduce_population_count3A_189 = tpu.all_reduce %lt3A_174 {dim = 0 : i64, kind = #tpu.reduction_kind<sum>} : vector<16xi1> -> vector<16xi32>
      %add3A_190 = arith.addi %add3A_165, %all_reduce_population_count3A_189 : vector<16xi32>
      %get3A_191 = arith.index_cast %add3A_118 : i32 to index
      %get3A_192 = arith.constant 32 : index
      %get3A_193 = tpu.vector_load %arg12[%get3A_191, %get3A_192] {strides = array<i32>} : memref<80x128xi32, #tpu.memory_space<vmem>>, vector<16xi32>,
      %get3A_194 = arith.index_cast %add3A_118 : i32 to index
      %get3A_195 = arith.constant 32 : index
      %get3A_196 = tpu.vector_load %arg11[%get3A_194, %get3A_195] {strides = array<i32>} : memref<80x128xi32, #tpu.memory_space<vmem>>, vector<16xi32>,
      %lt3A_197 = arith.constant 1024 : i32
      %lt3A_198 = vector.broadcast %lt3A_197 : i32 to vector<16xi32>
      %lt3A_199 = arith.cmpi slt, %get3A_193, %lt3A_198 : vector<16xi32>
      %convert_element_type3A_200 = arith.extui %lt3A_199 : vector<16xi1> to vector<16xi32>
      %broadcast_in_dim3A_201 = arith.constant true
      %broadcast_in_dim3A_202 = vector.broadcast %broadcast_in_dim3A_201 : i1 to vector<16xi1>
      %masked_cumsum3A_203 = tpu.scan <sum>, %convert_element_type3A_200 masked %broadcast_in_dim3A_202 : vector<16xi32>, vector<16xi1> -> vector<16xi32>
      %add3A_204 = arith.addi %add3A_190, %masked_cumsum3A_203 : vector<16xi32>
      %sub3A_205 = arith.constant 1 : i32
      %sub3A_206 = vector.broadcast %sub3A_205 : i32 to vector<16xi32>
      %sub3A_207 = arith.subi %add3A_204, %sub3A_206 : vector<16xi32>
      %shift_right_arithmetic3A_208 = arith.constant 7 : i32
      %shift_right_arithmetic3A_209 = vector.broadcast %shift_right_arithmetic3A_208 : i32 to vector<16xi32>
      %shift_right_arithmetic3A_210 = arith.shrsi %sub3A_207, %shift_right_arithmetic3A_209 : vector<16xi32>
      %and3A_211 = arith.constant 127 : i32
      %and3A_212 = vector.broadcast %and3A_211 : i32 to vector<16xi32>
      %and3A_213 = arith.andi %sub3A_207, %and3A_212 : vector<16xi32>
      tpu.vector_store_idx %arg16[%shift_right_arithmetic3A_210, %and3A_213], %get3A_193 masked %lt3A_199 : memref<80x128xi32, #tpu.memory_space<vmem>>[vector<16xi32>, vector<16xi32>], vector<16xi32>, vector<16xi1>
      tpu.vector_store_idx %arg15[%shift_right_arithmetic3A_210, %and3A_213], %get3A_196 masked %lt3A_199 : memref<80x128xi32, #tpu.memory_space<vmem>>[vector<16xi32>, vector<16xi32>], vector<16xi32>, vector<16xi1>
      %all_reduce_population_count3A_214 = tpu.all_reduce %lt3A_199 {dim = 0 : i64, kind = #tpu.reduction_kind<sum>} : vector<16xi1> -> vector<16xi32>
      %add3A_215 = arith.addi %add3A_190, %all_reduce_population_count3A_214 : vector<16xi32>
      %get3A_216 = arith.index_cast %add3A_118 : i32 to index
      %get3A_217 = arith.constant 48 : index
      %get3A_218 = tpu.vector_load %arg12[%get3A_216, %get3A_217] {strides = array<i32>} : memref<80x128xi32, #tpu.memory_space<vmem>>, vector<16xi32>,
      %get3A_219 = arith.index_cast %add3A_118 : i32 to index
      %get3A_220 = arith.constant 48 : index
      %get3A_221 = tpu.vector_load %arg11[%get3A_219, %get3A_220] {strides = array<i32>} : memref<80x128xi32, #tpu.memory_space<vmem>>, vector<16xi32>,
      %lt3A_222 = arith.constant 1024 : i32
      %lt3A_223 = vector.broadcast %lt3A_222 : i32 to vector<16xi32>
      %lt3A_224 = arith.cmpi slt, %get3A_218, %lt3A_223 : vector<16xi32>
      %convert_element_type3A_225 = arith.extui %lt3A_224 : vector<16xi1> to vector<16xi32>
      %broadcast_in_dim3A_226 = arith.constant true
      %broadcast_in_dim3A_227 = vector.broadcast %broadcast_in_dim3A_226 : i1 to vector<16xi1>
      %masked_cumsum3A_228 = tpu.scan <sum>, %convert_element_type3A_225 masked %broadcast_in_dim3A_227 : vector<16xi32>, vector<16xi1> -> vector<16xi32>
      %add3A_229 = arith.addi %add3A_215, %masked_cumsum3A_228 : vector<16xi32>
      %sub3A_230 = arith.constant 1 : i32
      %sub3A_231 = vector.broadcast %sub3A_230 : i32 to vector<16xi32>
      %sub3A_232 = arith.subi %add3A_229, %sub3A_231 : vector<16xi32>
      %shift_right_arithmetic3A_233 = arith.constant 7 : i32
      %shift_right_arithmetic3A_234 = vector.broadcast %shift_right_arithmetic3A_233 : i32 to vector<16xi32>
      %shift_right_arithmetic3A_235 = arith.shrsi %sub3A_232, %shift_right_arithmetic3A_234 : vector<16xi32>
      %and3A_236 = arith.constant 127 : i32
      %and3A_237 = vector.broadcast %and3A_236 : i32 to vector<16xi32>
      %and3A_238 = arith.andi %sub3A_232, %and3A_237 : vector<16xi32>
      tpu.vector_store_idx %arg16[%shift_right_arithmetic3A_235, %and3A_238], %get3A_218 masked %lt3A_224 : memref<80x128xi32, #tpu.memory_space<vmem>>[vector<16xi32>, vector<16xi32>], vector<16xi32>, vector<16xi1>
      tpu.vector_store_idx %arg15[%shift_right_arithmetic3A_235, %and3A_238], %get3A_221 masked %lt3A_224 : memref<80x128xi32, #tpu.memory_space<vmem>>[vector<16xi32>, vector<16xi32>], vector<16xi32>, vector<16xi1>
      %all_reduce_population_count3A_239 = tpu.all_reduce %lt3A_224 {dim = 0 : i64, kind = #tpu.reduction_kind<sum>} : vector<16xi1> -> vector<16xi32>
      %add3A_240 = arith.addi %add3A_215, %all_reduce_population_count3A_239 : vector<16xi32>
      %get3A_241 = arith.index_cast %add3A_118 : i32 to index
      %get3A_242 = arith.constant 64 : index
      %get3A_243 = tpu.vector_load %arg12[%get3A_241, %get3A_242] {strides = array<i32>} : memref<80x128xi32, #tpu.memory_space<vmem>>, vector<16xi32>,
      %get3A_244 = arith.index_cast %add3A_118 : i32 to index
      %get3A_245 = arith.constant 64 : index
      %get3A_246 = tpu.vector_load %arg11[%get3A_244, %get3A_245] {strides = array<i32>} : memref<80x128xi32, #tpu.memory_space<vmem>>, vector<16xi32>,
      %lt3A_247 = arith.constant 1024 : i32
      %lt3A_248 = vector.broadcast %lt3A_247 : i32 to vector<16xi32>
      %lt3A_249 = arith.cmpi slt, %get3A_243, %lt3A_248 : vector<16xi32>
      %convert_element_type3A_250 = arith.extui %lt3A_249 : vector<16xi1> to vector<16xi32>
      %broadcast_in_dim3A_251 = arith.constant true
      %broadcast_in_dim3A_252 = vector.broadcast %broadcast_in_dim3A_251 : i1 to vector<16xi1>
      %masked_cumsum3A_253 = tpu.scan <sum>, %convert_element_type3A_250 masked %broadcast_in_dim3A_252 : vector<16xi32>, vector<16xi1> -> vector<16xi32>
      %add3A_254 = arith.addi %add3A_240, %masked_cumsum3A_253 : vector<16xi32>
      %sub3A_255 = arith.constant 1 : i32
      %sub3A_256 = vector.broadcast %sub3A_255 : i32 to vector<16xi32>
      %sub3A_257 = arith.subi %add3A_254, %sub3A_256 : vector<16xi32>
      %shift_right_arithmetic3A_258 = arith.constant 7 : i32
      %shift_right_arithmetic3A_259 = vector.broadcast %shift_right_arithmetic3A_258 : i32 to vector<16xi32>
      %shift_right_arithmetic3A_260 = arith.shrsi %sub3A_257, %shift_right_arithmetic3A_259 : vector<16xi32>
      %and3A_261 = arith.constant 127 : i32
      %and3A_262 = vector.broadcast %and3A_261 : i32 to vector<16xi32>
      %and3A_263 = arith.andi %sub3A_257, %and3A_262 : vector<16xi32>
      tpu.vector_store_idx %arg16[%shift_right_arithmetic3A_260, %and3A_263], %get3A_243 masked %lt3A_249 : memref<80x128xi32, #tpu.memory_space<vmem>>[vector<16xi32>, vector<16xi32>], vector<16xi32>, vector<16xi1>
      tpu.vector_store_idx %arg15[%shift_right_arithmetic3A_260, %and3A_263], %get3A_246 masked %lt3A_249 : memref<80x128xi32, #tpu.memory_space<vmem>>[vector<16xi32>, vector<16xi32>], vector<16xi32>, vector<16xi1>
      %all_reduce_population_count3A_264 = tpu.all_reduce %lt3A_249 {dim = 0 : i64, kind = #tpu.reduction_kind<sum>} : vector<16xi1> -> vector<16xi32>
      %add3A_265 = arith.addi %add3A_240, %all_reduce_population_count3A_264 : vector<16xi32>
      %get3A_266 = arith.index_cast %add3A_118 : i32 to index
      %get3A_267 = arith.constant 80 : index
      %get3A_268 = tpu.vector_load %arg12[%get3A_266, %get3A_267] {strides = array<i32>} : memref<80x128xi32, #tpu.memory_space<vmem>>, vector<16xi32>,
      %get3A_269 = arith.index_cast %add3A_118 : i32 to index
      %get3A_270 = arith.constant 80 : index
      %get3A_271 = tpu.vector_load %arg11[%get3A_269, %get3A_270] {strides = array<i32>} : memref<80x128xi32, #tpu.memory_space<vmem>>, vector<16xi32>,
      %lt3A_272 = arith.constant 1024 : i32
      %lt3A_273 = vector.broadcast %lt3A_272 : i32 to vector<16xi32>
      %lt3A_274 = arith.cmpi slt, %get3A_268, %lt3A_273 : vector<16xi32>
      %convert_element_type3A_275 = arith.extui %lt3A_274 : vector<16xi1> to vector<16xi32>
      %broadcast_in_dim3A_276 = arith.constant true
      %broadcast_in_dim3A_277 = vector.broadcast %broadcast_in_dim3A_276 : i1 to vector<16xi1>
      %masked_cumsum3A_278 = tpu.scan <sum>, %convert_element_type3A_275 masked %broadcast_in_dim3A_277 : vector<16xi32>, vector<16xi1> -> vector<16xi32>
      %add3A_279 = arith.addi %add3A_265, %masked_cumsum3A_278 : vector<16xi32>
      %sub3A_280 = arith.constant 1 : i32
      %sub3A_281 = vector.broadcast %sub3A_280 : i32 to vector<16xi32>
      %sub3A_282 = arith.subi %add3A_279, %sub3A_281 : vector<16xi32>
      %shift_right_arithmetic3A_283 = arith.constant 7 : i32
      %shift_right_arithmetic3A_284 = vector.broadcast %shift_right_arithmetic3A_283 : i32 to vector<16xi32>
      %shift_right_arithmetic3A_285 = arith.shrsi %sub3A_282, %shift_right_arithmetic3A_284 : vector<16xi32>
      %and3A_286 = arith.constant 127 : i32
      %and3A_287 = vector.broadcast %and3A_286 : i32 to vector<16xi32>
      %and3A_288 = arith.andi %sub3A_282, %and3A_287 : vector<16xi32>
      tpu.vector_store_idx %arg16[%shift_right_arithmetic3A_285, %and3A_288], %get3A_268 masked %lt3A_274 : memref<80x128xi32, #tpu.memory_space<vmem>>[vector<16xi32>, vector<16xi32>], vector<16xi32>, vector<16xi1>
      tpu.vector_store_idx %arg15[%shift_right_arithmetic3A_285, %and3A_288], %get3A_271 masked %lt3A_274 : memref<80x128xi32, #tpu.memory_space<vmem>>[vector<16xi32>, vector<16xi32>], vector<16xi32>, vector<16xi1>
      %all_reduce_population_count3A_289 = tpu.all_reduce %lt3A_274 {dim = 0 : i64, kind = #tpu.reduction_kind<sum>} : vector<16xi1> -> vector<16xi32>
      %add3A_290 = arith.addi %add3A_265, %all_reduce_population_count3A_289 : vector<16xi32>
      %get3A_291 = arith.index_cast %add3A_118 : i32 to index
      %get3A_292 = arith.constant 96 : index
      %get3A_293 = tpu.vector_load %arg12[%get3A_291, %get3A_292] {strides = array<i32>} : memref<80x128xi32, #tpu.memory_space<vmem>>, vector<16xi32>,
      %get3A_294 = arith.index_cast %add3A_118 : i32 to index
      %get3A_295 = arith.constant 96 : index
      %get3A_296 = tpu.vector_load %arg11[%get3A_294, %get3A_295] {strides = array<i32>} : memref<80x128xi32, #tpu.memory_space<vmem>>, vector<16xi32>,
      %lt3A_297 = arith.constant 1024 : i32
      %lt3A_298 = vector.broadcast %lt3A_297 : i32 to vector<16xi32>
      %lt3A_299 = arith.cmpi slt, %get3A_293, %lt3A_298 : vector<16xi32>
      %convert_element_type3A_300 = arith.extui %lt3A_299 : vector<16xi1> to vector<16xi32>
      %broadcast_in_dim3A_301 = arith.constant true
      %broadcast_in_dim3A_302 = vector.broadcast %broadcast_in_dim3A_301 : i1 to vector<16xi1>
      %masked_cumsum3A_303 = tpu.scan <sum>, %convert_element_type3A_300 masked %broadcast_in_dim3A_302 : vector<16xi32>, vector<16xi1> -> vector<16xi32>
      %add3A_304 = arith.addi %add3A_290, %masked_cumsum3A_303 : vector<16xi32>
      %sub3A_305 = arith.constant 1 : i32
      %sub3A_306 = vector.broadcast %sub3A_305 : i32 to vector<16xi32>
      %sub3A_307 = arith.subi %add3A_304, %sub3A_306 : vector<16xi32>
      %shift_right_arithmetic3A_308 = arith.constant 7 : i32
      %shift_right_arithmetic3A_309 = vector.broadcast %shift_right_arithmetic3A_308 : i32 to vector<16xi32>
      %shift_right_arithmetic3A_310 = arith.shrsi %sub3A_307, %shift_right_arithmetic3A_309 : vector<16xi32>
      %and3A_311 = arith.constant 127 : i32
      %and3A_312 = vector.broadcast %and3A_311 : i32 to vector<16xi32>
      %and3A_313 = arith.andi %sub3A_307, %and3A_312 : vector<16xi32>
      tpu.vector_store_idx %arg16[%shift_right_arithmetic3A_310, %and3A_313], %get3A_293 masked %lt3A_299 : memref<80x128xi32, #tpu.memory_space<vmem>>[vector<16xi32>, vector<16xi32>], vector<16xi32>, vector<16xi1>
      tpu.vector_store_idx %arg15[%shift_right_arithmetic3A_310, %and3A_313], %get3A_296 masked %lt3A_299 : memref<80x128xi32, #tpu.memory_space<vmem>>[vector<16xi32>, vector<16xi32>], vector<16xi32>, vector<16xi1>
      %all_reduce_population_count3A_314 = tpu.all_reduce %lt3A_299 {dim = 0 : i64, kind = #tpu.reduction_kind<sum>} : vector<16xi1> -> vector<16xi32>
      %add3A_315 = arith.addi %add3A_290, %all_reduce_population_count3A_314 : vector<16xi32>
      %get3A_316 = arith.index_cast %add3A_118 : i32 to index
      %get3A_317 = arith.constant 112 : index
      %get3A_318 = tpu.vector_load %arg12[%get3A_316, %get3A_317] {strides = array<i32>} : memref<80x128xi32, #tpu.memory_space<vmem>>, vector<16xi32>,
      %get3A_319 = arith.index_cast %add3A_118 : i32 to index
      %get3A_320 = arith.constant 112 : index
      %get3A_321 = tpu.vector_load %arg11[%get3A_319, %get3A_320] {strides = array<i32>} : memref<80x128xi32, #tpu.memory_space<vmem>>, vector<16xi32>,
      %lt3A_322 = arith.constant 1024 : i32
      %lt3A_323 = vector.broadcast %lt3A_322 : i32 to vector<16xi32>
      %lt3A_324 = arith.cmpi slt, %get3A_318, %lt3A_323 : vector<16xi32>
      %convert_element_type3A_325 = arith.extui %lt3A_324 : vector<16xi1> to vector<16xi32>
      %broadcast_in_dim3A_326 = arith.constant true
      %broadcast_in_dim3A_327 = vector.broadcast %broadcast_in_dim3A_326 : i1 to vector<16xi1>
      %masked_cumsum3A_328 = tpu.scan <sum>, %convert_element_type3A_325 masked %broadcast_in_dim3A_327 : vector<16xi32>, vector<16xi1> -> vector<16xi32>
      %add3A_329 = arith.addi %add3A_315, %masked_cumsum3A_328 : vector<16xi32>
      %sub3A_330 = arith.constant 1 : i32
      %sub3A_331 = vector.broadcast %sub3A_330 : i32 to vector<16xi32>
      %sub3A_332 = arith.subi %add3A_329, %sub3A_331 : vector<16xi32>
      %shift_right_arithmetic3A_333 = arith.constant 7 : i32
      %shift_right_arithmetic3A_334 = vector.broadcast %shift_right_arithmetic3A_333 : i32 to vector<16xi32>
      %shift_right_arithmetic3A_335 = arith.shrsi %sub3A_332, %shift_right_arithmetic3A_334 : vector<16xi32>
      %and3A_336 = arith.constant 127 : i32
      %and3A_337 = vector.broadcast %and3A_336 : i32 to vector<16xi32>
      %and3A_338 = arith.andi %sub3A_332, %and3A_337 : vector<16xi32>
      tpu.vector_store_idx %arg16[%shift_right_arithmetic3A_335, %and3A_338], %get3A_318 masked %lt3A_324 : memref<80x128xi32, #tpu.memory_space<vmem>>[vector<16xi32>, vector<16xi32>], vector<16xi32>, vector<16xi1>
      tpu.vector_store_idx %arg15[%shift_right_arithmetic3A_335, %and3A_338], %get3A_321 masked %lt3A_324 : memref<80x128xi32, #tpu.memory_space<vmem>>[vector<16xi32>, vector<16xi32>], vector<16xi32>, vector<16xi1>
      %all_reduce_population_count3A_339 = tpu.all_reduce %lt3A_324 {dim = 0 : i64, kind = #tpu.reduction_kind<sum>} : vector<16xi1> -> vector<16xi32>
      %add3A_340 = arith.addi %add3A_315, %all_reduce_population_count3A_339 : vector<16xi32>
      %mul3A_341 = arith.constant 8 : i32
      %mul3A_342 = arith.muli %add3A_114, %mul3A_341 : i32
      %add3A_343 = arith.constant 1 : i32
      %add3A_344 = arith.addi %mul3A_342, %add3A_343 : i32
      %dma_wait3A_345 = arith.constant 1 : i32
      %dma_wait3A_346 = arith.constant 0 : i32
      %dma_wait3A_347 = arith.constant 0 : i32
      %dma_wait3A_348 = tpu.memref_slice %arg13[%dma_wait3A_345, %dma_wait3A_346, %dma_wait3A_347] : memref<8x128x16xf32, #tpu.memory_space<vmem>> -> memref<1x128x16xf32, #tpu.memory_space<vmem>>
      %dma_wait3A_349 = tpu.memref_squeeze %dma_wait3A_348 : memref<1x128x16xf32, #tpu.memory_space<vmem>> -> memref<128x16xf32, #tpu.memory_space<vmem>>
      %dma_wait3A_350 = arith.constant 0 : i32
      %dma_wait3A_351 = tpu.memref_slice %arg11[%add3A_344, %dma_wait3A_350] : memref<80x128xi32, #tpu.memory_space<vmem>> -> memref<1x128xi32, #tpu.memory_space<vmem>>
      %dma_wait3A_352 = tpu.memref_squeeze %dma_wait3A_351 : memref<1x128xi32, #tpu.memory_space<vmem>> -> memref<128xi32, #tpu.memory_space<vmem>>
      %dma_wait3A_353 = arith.constant 0 : i32
      %dma_wait3A_354 = arith.constant 0 : i32
      %dma_wait3A_355 = tpu.memref_slice %arg2[%dma_wait3A_353, %dma_wait3A_354] : memref<10240x16xf32, #tpu.memory_space<hbm>> -> memref<10240x16xf32, #tpu.memory_space<hbm>>
      tpu.wait_indirect_dma semaphore(%arg19 : memref<!tpu.dma_semaphore, #tpu.memory_space<semaphore_mem>>) src(%dma_wait3A_355 : memref<10240x16xf32, #tpu.memory_space<hbm>>) dst(%dma_wait3A_349 : memref<128x16xf32, #tpu.memory_space<vmem>>)
      %dma_start3A_356 = arith.constant 1 : i32
      %dma_start3A_357 = arith.constant 0 : i32
      %dma_start3A_358 = arith.constant 0 : i32
      %dma_start3A_359 = tpu.memref_slice %arg13[%dma_start3A_356, %dma_start3A_357, %dma_start3A_358] : memref<8x128x16xf32, #tpu.memory_space<vmem>> -> memref<1x128x16xf32, #tpu.memory_space<vmem>>
      %dma_start3A_360 = tpu.memref_squeeze %dma_start3A_359 : memref<1x128x16xf32, #tpu.memory_space<vmem>> -> memref<128x16xf32, #tpu.memory_space<vmem>>
      %dma_start3A_361 = arith.constant 0 : i32
      %dma_start3A_362 = tpu.memref_slice %arg12[%add3A_344, %dma_start3A_361] : memref<80x128xi32, #tpu.memory_space<vmem>> -> memref<1x128xi32, #tpu.memory_space<vmem>>
      %dma_start3A_363 = tpu.memref_squeeze %dma_start3A_362 : memref<1x128xi32, #tpu.memory_space<vmem>> -> memref<128xi32, #tpu.memory_space<vmem>>
      %dma_start3A_364 = arith.constant 0 : i32
      %dma_start3A_365 = arith.constant 0 : i32
      %dma_start3A_366 = tpu.memref_slice %arg14[%dma_start3A_364, %dma_start3A_365] : memref<10240x16xf32, #tpu.memory_space<vmem_shared>> -> memref<10240x16xf32, #tpu.memory_space<vmem_shared>>
      tpu.enqueue_indirect_dma source(%dma_start3A_360 : memref<128x16xf32, #tpu.memory_space<vmem>>) target(%dma_start3A_366 : memref<10240x16xf32, #tpu.memory_space<vmem_shared>>) offsets(%dma_start3A_363 : memref<128xi32, #tpu.memory_space<vmem>>) semaphore(%arg19 : memref<!tpu.dma_semaphore, #tpu.memory_space<semaphore_mem>>) {add = true}
      %ge3A_367 = arith.constant 2 : i32
      %ge3A_368 = arith.cmpi sge, %add3A_344, %ge3A_367 : i32
      %convert_element_type3A_369 = arith.extui %ge3A_368 : i1 to i32
      %cond3A_370 = arith.constant 0 : i32
      %cond3A_371 = arith.cmpi ne, %convert_element_type3A_369, %cond3A_370 : i32
      scf.if %cond3A_371 {
        %sub3A_1993 = arith.constant 2 : i32
        %sub3A_1994 = arith.subi %add3A_344, %sub3A_1993 : i32
        %dma_wait3A_1995 = arith.constant 7 : i32
        %dma_wait3A_1996 = arith.constant 0 : i32
        %dma_wait3A_1997 = arith.constant 0 : i32
        %dma_wait3A_1998 = tpu.memref_slice %arg13[%dma_wait3A_1995, %dma_wait3A_1996, %dma_wait3A_1997] : memref<8x128x16xf32, #tpu.memory_space<vmem>> -> memref<1x128x16xf32, #tpu.memory_space<vmem>>
        %dma_wait3A_1999 = tpu.memref_squeeze %dma_wait3A_1998 : memref<1x128x16xf32, #tpu.memory_space<vmem>> -> memref<128x16xf32, #tpu.memory_space<vmem>>
        %dma_wait3A_2000 = arith.constant 0 : i32
        %dma_wait3A_2001 = tpu.memref_slice %arg12[%sub3A_1994, %dma_wait3A_2000] : memref<80x128xi32, #tpu.memory_space<vmem>> -> memref<1x128xi32, #tpu.memory_space<vmem>>
        %dma_wait3A_2002 = tpu.memref_squeeze %dma_wait3A_2001 : memref<1x128xi32, #tpu.memory_space<vmem>> -> memref<128xi32, #tpu.memory_space<vmem>>
        %dma_wait3A_2003 = arith.constant 0 : i32
        %dma_wait3A_2004 = arith.constant 0 : i32
        %dma_wait3A_2005 = tpu.memref_slice %arg14[%dma_wait3A_2003, %dma_wait3A_2004] : memref<10240x16xf32, #tpu.memory_space<vmem_shared>> -> memref<10240x16xf32, #tpu.memory_space<vmem_shared>>
        tpu.wait_indirect_dma semaphore(%arg25 : memref<!tpu.dma_semaphore, #tpu.memory_space<semaphore_mem>>) src(%dma_wait3A_1999 : memref<128x16xf32, #tpu.memory_space<vmem>>) dst(%dma_wait3A_2005 : memref<10240x16xf32, #tpu.memory_space<vmem_shared>>)
      } else {
      }
      %lt3A_372 = arith.constant 74 : i32
      %lt3A_373 = arith.cmpi slt, %add3A_344, %lt3A_372 : i32
      %convert_element_type3A_374 = arith.extui %lt3A_373 : i1 to i32
      %cond3A_375 = arith.constant 0 : i32
      %cond3A_376 = arith.cmpi ne, %convert_element_type3A_374, %cond3A_375 : i32
      scf.if %cond3A_376 {
        %add3A_1993 = arith.constant 6 : i32
        %add3A_1994 = arith.addi %add3A_344, %add3A_1993 : i32
        %dma_start3A_1995 = arith.constant 7 : i32
        %dma_start3A_1996 = arith.constant 0 : i32
        %dma_start3A_1997 = arith.constant 0 : i32
        %dma_start3A_1998 = tpu.memref_slice %arg13[%dma_start3A_1995, %dma_start3A_1996, %dma_start3A_1997] : memref<8x128x16xf32, #tpu.memory_space<vmem>> -> memref<1x128x16xf32, #tpu.memory_space<vmem>>
        %dma_start3A_1999 = tpu.memref_squeeze %dma_start3A_1998 : memref<1x128x16xf32, #tpu.memory_space<vmem>> -> memref<128x16xf32, #tpu.memory_space<vmem>>
        %dma_start3A_2000 = arith.constant 0 : i32
        %dma_start3A_2001 = tpu.memref_slice %arg11[%add3A_1994, %dma_start3A_2000] : memref<80x128xi32, #tpu.memory_space<vmem>> -> memref<1x128xi32, #tpu.memory_space<vmem>>
        %dma_start3A_2002 = tpu.memref_squeeze %dma_start3A_2001 : memref<1x128xi32, #tpu.memory_space<vmem>> -> memref<128xi32, #tpu.memory_space<vmem>>
        %dma_start3A_2003 = arith.constant 0 : i32
        %dma_start3A_2004 = arith.constant 0 : i32
        %dma_start3A_2005 = tpu.memref_slice %arg2[%dma_start3A_2003, %dma_start3A_2004] : memref<10240x16xf32, #tpu.memory_space<hbm>> -> memref<10240x16xf32, #tpu.memory_space<hbm>>
        tpu.enqueue_indirect_dma source(%dma_start3A_2005 : memref<10240x16xf32, #tpu.memory_space<hbm>>) target(%dma_start3A_1999 : memref<128x16xf32, #tpu.memory_space<vmem>>) offsets(%dma_start3A_2002 : memref<128xi32, #tpu.memory_space<vmem>>) semaphore(%arg25 : memref<!tpu.dma_semaphore, #tpu.memory_space<semaphore_mem>>)
      } else {
      }
      %get3A_377 = arith.index_cast %add3A_344 : i32 to index
      %get3A_378 = arith.constant 0 : index
      %get3A_379 = tpu.vector_load %arg12[%get3A_377, %get3A_378] {strides = array<i32>} : memref<80x128xi32, #tpu.memory_space<vmem>>, vector<16xi32>,
      %get3A_380 = arith.index_cast %add3A_344 : i32 to index
      %get3A_381 = arith.constant 0 : index
      %get3A_382 = tpu.vector_load %arg11[%get3A_380, %get3A_381] {strides = array<i32>} : memref<80x128xi32, #tpu.memory_space<vmem>>, vector<16xi32>,
      %lt3A_383 = arith.constant 1024 : i32
      %lt3A_384 = vector.broadcast %lt3A_383 : i32 to vector<16xi32>
      %lt3A_385 = arith.cmpi slt, %get3A_379, %lt3A_384 : vector<16xi32>
      %convert_element_type3A_386 = arith.extui %lt3A_385 : vector<16xi1> to vector<16xi32>
      %broadcast_in_dim3A_387 = arith.constant true
      %broadcast_in_dim3A_388 = vector.broadcast %broadcast_in_dim3A_387 : i1 to vector<16xi1>
      %masked_cumsum3A_389 = tpu.scan <sum>, %convert_element_type3A_386 masked %broadcast_in_dim3A_388 : vector<16xi32>, vector<16xi1> -> vector<16xi32>
      %add3A_390 = arith.addi %add3A_340, %masked_cumsum3A_389 : vector<16xi32>
      %sub3A_391 = arith.constant 1 : i32
      %sub3A_392 = vector.broadcast %sub3A_391 : i32 to vector<16xi32>
      %sub3A_393 = arith.subi %add3A_390, %sub3A_392 : vector<16xi32>
      %shift_right_arithmetic3A_394 = arith.constant 7 : i32
      %shift_right_arithmetic3A_395 = vector.broadcast %shift_right_arithmetic3A_394 : i32 to vector<16xi32>
      %shift_right_arithmetic3A_396 = arith.shrsi %sub3A_393, %shift_right_arithmetic3A_395 : vector<16xi32>
      %and3A_397 = arith.constant 127 : i32
      %and3A_398 = vector.broadcast %and3A_397 : i32 to vector<16xi32>
      %and3A_399 = arith.andi %sub3A_393, %and3A_398 : vector<16xi32>
      tpu.vector_store_idx %arg16[%shift_right_arithmetic3A_396, %and3A_399], %get3A_379 masked %lt3A_385 : memref<80x128xi32, #tpu.memory_space<vmem>>[vector<16xi32>, vector<16xi32>], vector<16xi32>, vector<16xi1>
      tpu.vector_store_idx %arg15[%shift_right_arithmetic3A_396, %and3A_399], %get3A_382 masked %lt3A_385 : memref<80x128xi32, #tpu.memory_space<vmem>>[vector<16xi32>, vector<16xi32>], vector<16xi32>, vector<16xi1>
      %all_reduce_population_count3A_400 = tpu.all_reduce %lt3A_385 {dim = 0 : i64, kind = #tpu.reduction_kind<sum>} : vector<16xi1> -> vector<16xi32>
      %add3A_401 = arith.addi %add3A_340, %all_reduce_population_count3A_400 : vector<16xi32>
      %get3A_402 = arith.index_cast %add3A_344 : i32 to index
      %get3A_403 = arith.constant 16 : index
      %get3A_404 = tpu.vector_load %arg12[%get3A_402, %get3A_403] {strides = array<i32>} : memref<80x128xi32, #tpu.memory_space<vmem>>, vector<16xi32>,
      %get3A_405 = arith.index_cast %add3A_344 : i32 to index
      %get3A_406 = arith.constant 16 : index
      %get3A_407 = tpu.vector_load %arg11[%get3A_405, %get3A_406] {strides = array<i32>} : memref<80x128xi32, #tpu.memory_space<vmem>>, vector<16xi32>,
      %lt3A_408 = arith.constant 1024 : i32
      %lt3A_409 = vector.broadcast %lt3A_408 : i32 to vector<16xi32>
      %lt3A_410 = arith.cmpi slt, %get3A_404, %lt3A_409 : vector<16xi32>
      %convert_element_type3A_411 = arith.extui %lt3A_410 : vector<16xi1> to vector<16xi32>
      %broadcast_in_dim3A_412 = arith.constant true
      %broadcast_in_dim3A_413 = vector.broadcast %broadcast_in_dim3A_412 : i1 to vector<16xi1>
      %masked_cumsum3A_414 = tpu.scan <sum>, %convert_element_type3A_411 masked %broadcast_in_dim3A_413 : vector<16xi32>, vector<16xi1> -> vector<16xi32>
      %add3A_415 = arith.addi %add3A_401, %masked_cumsum3A_414 : vector<16xi32>
      %sub3A_416 = arith.constant 1 : i32
      %sub3A_417 = vector.broadcast %sub3A_416 : i32 to vector<16xi32>
      %sub3A_418 = arith.subi %add3A_415, %sub3A_417 : vector<16xi32>
      %shift_right_arithmetic3A_419 = arith.constant 7 : i32
      %shift_right_arithmetic3A_420 = vector.broadcast %shift_right_arithmetic3A_419 : i32 to vector<16xi32>
      %shift_right_arithmetic3A_421 = arith.shrsi %sub3A_418, %shift_right_arithmetic3A_420 : vector<16xi32>
      %and3A_422 = arith.constant 127 : i32
      %and3A_423 = vector.broadcast %and3A_422 : i32 to vector<16xi32>
      %and3A_424 = arith.andi %sub3A_418, %and3A_423 : vector<16xi32>
      tpu.vector_store_idx %arg16[%shift_right_arithmetic3A_421, %and3A_424], %get3A_404 masked %lt3A_410 : memref<80x128xi32, #tpu.memory_space<vmem>>[vector<16xi32>, vector<16xi32>], vector<16xi32>, vector<16xi1>
      tpu.vector_store_idx %arg15[%shift_right_arithmetic3A_421, %and3A_424], %get3A_407 masked %lt3A_410 : memref<80x128xi32, #tpu.memory_space<vmem>>[vector<16xi32>, vector<16xi32>], vector<16xi32>, vector<16xi1>
      %all_reduce_population_count3A_425 = tpu.all_reduce %lt3A_410 {dim = 0 : i64, kind = #tpu.reduction_kind<sum>} : vector<16xi1> -> vector<16xi32>
      %add3A_426 = arith.addi %add3A_401, %all_reduce_population_count3A_425 : vector<16xi32>
      %get3A_427 = arith.index_cast %add3A_344 : i32 to index
      %get3A_428 = arith.constant 32 : index
      %get3A_429 = tpu.vector_load %arg12[%get3A_427, %get3A_428] {strides = array<i32>} : memref<80x128xi32, #tpu.memory_space<vmem>>, vector<16xi32>,
      %get3A_430 = arith.index_cast %add3A_344 : i32 to index
      %get3A_431 = arith.constant 32 : index
      %get3A_432 = tpu.vector_load %arg11[%get3A_430, %get3A_431] {strides = array<i32>} : memref<80x128xi32, #tpu.memory_space<vmem>>, vector<16xi32>,
      %lt3A_433 = arith.constant 1024 : i32
      %lt3A_434 = vector.broadcast %lt3A_433 : i32 to vector<16xi32>
      %lt3A_435 = arith.cmpi slt, %get3A_429, %lt3A_434 : vector<16xi32>
      %convert_element_type3A_436 = arith.extui %lt3A_435 : vector<16xi1> to vector<16xi32>
      %broadcast_in_dim3A_437 = arith.constant true
      %broadcast_in_dim3A_438 = vector.broadcast %broadcast_in_dim3A_437 : i1 to vector<16xi1>
      %masked_cumsum3A_439 = tpu.scan <sum>, %convert_element_type3A_436 masked %broadcast_in_dim3A_438 : vector<16xi32>, vector<16xi1> -> vector<16xi32>
      %add3A_440 = arith.addi %add3A_426, %masked_cumsum3A_439 : vector<16xi32>
      %sub3A_441 = arith.constant 1 : i32
      %sub3A_442 = vector.broadcast %sub3A_441 : i32 to vector<16xi32>
      %sub3A_443 = arith.subi %add3A_440, %sub3A_442 : vector<16xi32>
      %shift_right_arithmetic3A_444 = arith.constant 7 : i32
      %shift_right_arithmetic3A_445 = vector.broadcast %shift_right_arithmetic3A_444 : i32 to vector<16xi32>
      %shift_right_arithmetic3A_446 = arith.shrsi %sub3A_443, %shift_right_arithmetic3A_445 : vector<16xi32>
      %and3A_447 = arith.constant 127 : i32
      %and3A_448 = vector.broadcast %and3A_447 : i32 to vector<16xi32>
      %and3A_449 = arith.andi %sub3A_443, %and3A_448 : vector<16xi32>
      tpu.vector_store_idx %arg16[%shift_right_arithmetic3A_446, %and3A_449], %get3A_429 masked %lt3A_435 : memref<80x128xi32, #tpu.memory_space<vmem>>[vector<16xi32>, vector<16xi32>], vector<16xi32>, vector<16xi1>
      tpu.vector_store_idx %arg15[%shift_right_arithmetic3A_446, %and3A_449], %get3A_432 masked %lt3A_435 : memref<80x128xi32, #tpu.memory_space<vmem>>[vector<16xi32>, vector<16xi32>], vector<16xi32>, vector<16xi1>
      %all_reduce_population_count3A_450 = tpu.all_reduce %lt3A_435 {dim = 0 : i64, kind = #tpu.reduction_kind<sum>} : vector<16xi1> -> vector<16xi32>
      %add3A_451 = arith.addi %add3A_426, %all_reduce_population_count3A_450 : vector<16xi32>
      %get3A_452 = arith.index_cast %add3A_344 : i32 to index
      %get3A_453 = arith.constant 48 : index
      %get3A_454 = tpu.vector_load %arg12[%get3A_452, %get3A_453] {strides = array<i32>} : memref<80x128xi32, #tpu.memory_space<vmem>>, vector<16xi32>,
      %get3A_455 = arith.index_cast %add3A_344 : i32 to index
      %get3A_456 = arith.constant 48 : index
      %get3A_457 = tpu.vector_load %arg11[%get3A_455, %get3A_456] {strides = array<i32>} : memref<80x128xi32, #tpu.memory_space<vmem>>, vector<16xi32>,
      %lt3A_458 = arith.constant 1024 : i32
      %lt3A_459 = vector.broadcast %lt3A_458 : i32 to vector<16xi32>
      %lt3A_460 = arith.cmpi slt, %get3A_454, %lt3A_459 : vector<16xi32>
      %convert_element_type3A_461 = arith.extui %lt3A_460 : vector<16xi1> to vector<16xi32>
      %broadcast_in_dim3A_462 = arith.constant true
      %broadcast_in_dim3A_463 = vector.broadcast %broadcast_in_dim3A_462 : i1 to vector<16xi1>
      %masked_cumsum3A_464 = tpu.scan <sum>, %convert_element_type3A_461 masked %broadcast_in_dim3A_463 : vector<16xi32>, vector<16xi1> -> vector<16xi32>
      %add3A_465 = arith.addi %add3A_451, %masked_cumsum3A_464 : vector<16xi32>
      %sub3A_466 = arith.constant 1 : i32
      %sub3A_467 = vector.broadcast %sub3A_466 : i32 to vector<16xi32>
      %sub3A_468 = arith.subi %add3A_465, %sub3A_467 : vector<16xi32>
      %shift_right_arithmetic3A_469 = arith.constant 7 : i32
      %shift_right_arithmetic3A_470 = vector.broadcast %shift_right_arithmetic3A_469 : i32 to vector<16xi32>
      %shift_right_arithmetic3A_471 = arith.shrsi %sub3A_468, %shift_right_arithmetic3A_470 : vector<16xi32>
      %and3A_472 = arith.constant 127 : i32
      %and3A_473 = vector.broadcast %and3A_472 : i32 to vector<16xi32>
      %and3A_474 = arith.andi %sub3A_468, %and3A_473 : vector<16xi32>
      tpu.vector_store_idx %arg16[%shift_right_arithmetic3A_471, %and3A_474], %get3A_454 masked %lt3A_460 : memref<80x128xi32, #tpu.memory_space<vmem>>[vector<16xi32>, vector<16xi32>], vector<16xi32>, vector<16xi1>
      tpu.vector_store_idx %arg15[%shift_right_arithmetic3A_471, %and3A_474], %get3A_457 masked %lt3A_460 : memref<80x128xi32, #tpu.memory_space<vmem>>[vector<16xi32>, vector<16xi32>], vector<16xi32>, vector<16xi1>
      %all_reduce_population_count3A_475 = tpu.all_reduce %lt3A_460 {dim = 0 : i64, kind = #tpu.reduction_kind<sum>} : vector<16xi1> -> vector<16xi32>
      %add3A_476 = arith.addi %add3A_451, %all_reduce_population_count3A_475 : vector<16xi32>
      %get3A_477 = arith.index_cast %add3A_344 : i32 to index
      %get3A_478 = arith.constant 64 : index
      %get3A_479 = tpu.vector_load %arg12[%get3A_477, %get3A_478] {strides = array<i32>} : memref<80x128xi32, #tpu.memory_space<vmem>>, vector<16xi32>,
      %get3A_480 = arith.index_cast %add3A_344 : i32 to index
      %get3A_481 = arith.constant 64 : index
      %get3A_482 = tpu.vector_load %arg11[%get3A_480, %get3A_481] {strides = array<i32>} : memref<80x128xi32, #tpu.memory_space<vmem>>, vector<16xi32>,
      %lt3A_483 = arith.constant 1024 : i32
      %lt3A_484 = vector.broadcast %lt3A_483 : i32 to vector<16xi32>
      %lt3A_485 = arith.cmpi slt, %get3A_479, %lt3A_484 : vector<16xi32>
      %convert_element_type3A_486 = arith.extui %lt3A_485 : vector<16xi1> to vector<16xi32>
      %broadcast_in_dim3A_487 = arith.constant true
      %broadcast_in_dim3A_488 = vector.broadcast %broadcast_in_dim3A_487 : i1 to vector<16xi1>
      %masked_cumsum3A_489 = tpu.scan <sum>, %convert_element_type3A_486 masked %broadcast_in_dim3A_488 : vector<16xi32>, vector<16xi1> -> vector<16xi32>
      %add3A_490 = arith.addi %add3A_476, %masked_cumsum3A_489 : vector<16xi32>
      %sub3A_491 = arith.constant 1 : i32
      %sub3A_492 = vector.broadcast %sub3A_491 : i32 to vector<16xi32>
      %sub3A_493 = arith.subi %add3A_490, %sub3A_492 : vector<16xi32>
      %shift_right_arithmetic3A_494 = arith.constant 7 : i32
      %shift_right_arithmetic3A_495 = vector.broadcast %shift_right_arithmetic3A_494 : i32 to vector<16xi32>
      %shift_right_arithmetic3A_496 = arith.shrsi %sub3A_493, %shift_right_arithmetic3A_495 : vector<16xi32>
      %and3A_497 = arith.constant 127 : i32
      %and3A_498 = vector.broadcast %and3A_497 : i32 to vector<16xi32>
      %and3A_499 = arith.andi %sub3A_493, %and3A_498 : vector<16xi32>
      tpu.vector_store_idx %arg16[%shift_right_arithmetic3A_496, %and3A_499], %get3A_479 masked %lt3A_485 : memref<80x128xi32, #tpu.memory_space<vmem>>[vector<16xi32>, vector<16xi32>], vector<16xi32>, vector<16xi1>
      tpu.vector_store_idx %arg15[%shift_right_arithmetic3A_496, %and3A_499], %get3A_482 masked %lt3A_485 : memref<80x128xi32, #tpu.memory_space<vmem>>[vector<16xi32>, vector<16xi32>], vector<16xi32>, vector<16xi1>
      %all_reduce_population_count3A_500 = tpu.all_reduce %lt3A_485 {dim = 0 : i64, kind = #tpu.reduction_kind<sum>} : vector<16xi1> -> vector<16xi32>
      %add3A_501 = arith.addi %add3A_476, %all_reduce_population_count3A_500 : vector<16xi32>
      %get3A_502 = arith.index_cast %add3A_344 : i32 to index
      %get3A_503 = arith.constant 80 : index
      %get3A_504 = tpu.vector_load %arg12[%get3A_502, %get3A_503] {strides = array<i32>} : memref<80x128xi32, #tpu.memory_space<vmem>>, vector<16xi32>,
      %get3A_505 = arith.index_cast %add3A_344 : i32 to index
      %get3A_506 = arith.constant 80 : index
      %get3A_507 = tpu.vector_load %arg11[%get3A_505, %get3A_506] {strides = array<i32>} : memref<80x128xi32, #tpu.memory_space<vmem>>, vector<16xi32>,
      %lt3A_508 = arith.constant 1024 : i32
      %lt3A_509 = vector.broadcast %lt3A_508 : i32 to vector<16xi32>
      %lt3A_510 = arith.cmpi slt, %get3A_504, %lt3A_509 : vector<16xi32>
      %convert_element_type3A_511 = arith.extui %lt3A_510 : vector<16xi1> to vector<16xi32>
      %broadcast_in_dim3A_512 = arith.constant true
      %broadcast_in_dim3A_513 = vector.broadcast %broadcast_in_dim3A_512 : i1 to vector<16xi1>
      %masked_cumsum3A_514 = tpu.scan <sum>, %convert_element_type3A_511 masked %broadcast_in_dim3A_513 : vector<16xi32>, vector<16xi1> -> vector<16xi32>
      %add3A_515 = arith.addi %add3A_501, %masked_cumsum3A_514 : vector<16xi32>
      %sub3A_516 = arith.constant 1 : i32
      %sub3A_517 = vector.broadcast %sub3A_516 : i32 to vector<16xi32>
      %sub3A_518 = arith.subi %add3A_515, %sub3A_517 : vector<16xi32>
      %shift_right_arithmetic3A_519 = arith.constant 7 : i32
      %shift_right_arithmetic3A_520 = vector.broadcast %shift_right_arithmetic3A_519 : i32 to vector<16xi32>
      %shift_right_arithmetic3A_521 = arith.shrsi %sub3A_518, %shift_right_arithmetic3A_520 : vector<16xi32>
      %and3A_522 = arith.constant 127 : i32
      %and3A_523 = vector.broadcast %and3A_522 : i32 to vector<16xi32>
      %and3A_524 = arith.andi %sub3A_518, %and3A_523 : vector<16xi32>
      tpu.vector_store_idx %arg16[%shift_right_arithmetic3A_521, %and3A_524], %get3A_504 masked %lt3A_510 : memref<80x128xi32, #tpu.memory_space<vmem>>[vector<16xi32>, vector<16xi32>], vector<16xi32>, vector<16xi1>
      tpu.vector_store_idx %arg15[%shift_right_arithmetic3A_521, %and3A_524], %get3A_507 masked %lt3A_510 : memref<80x128xi32, #tpu.memory_space<vmem>>[vector<16xi32>, vector<16xi32>], vector<16xi32>, vector<16xi1>
      %all_reduce_population_count3A_525 = tpu.all_reduce %lt3A_510 {dim = 0 : i64, kind = #tpu.reduction_kind<sum>} : vector<16xi1> -> vector<16xi32>
      %add3A_526 = arith.addi %add3A_501, %all_reduce_population_count3A_525 : vector<16xi32>
      %get3A_527 = arith.index_cast %add3A_344 : i32 to index
      %get3A_528 = arith.constant 96 : index
      %get3A_529 = tpu.vector_load %arg12[%get3A_527, %get3A_528] {strides = array<i32>} : memref<80x128xi32, #tpu.memory_space<vmem>>, vector<16xi32>,
      %get3A_530 = arith.index_cast %add3A_344 : i32 to index
      %get3A_531 = arith.constant 96 : index
      %get3A_532 = tpu.vector_load %arg11[%get3A_530, %get3A_531] {strides = array<i32>} : memref<80x128xi32, #tpu.memory_space<vmem>>, vector<16xi32>,
      %lt3A_533 = arith.constant 1024 : i32
      %lt3A_534 = vector.broadcast %lt3A_533 : i32 to vector<16xi32>
      %lt3A_535 = arith.cmpi slt, %get3A_529, %lt3A_534 : vector<16xi32>
      %convert_element_type3A_536 = arith.extui %lt3A_535 : vector<16xi1> to vector<16xi32>
      %broadcast_in_dim3A_537 = arith.constant true
      %broadcast_in_dim3A_538 = vector.broadcast %broadcast_in_dim3A_537 : i1 to vector<16xi1>
      %masked_cumsum3A_539 = tpu.scan <sum>, %convert_element_type3A_536 masked %broadcast_in_dim3A_538 : vector<16xi32>, vector<16xi1> -> vector<16xi32>
      %add3A_540 = arith.addi %add3A_526, %masked_cumsum3A_539 : vector<16xi32>
      %sub3A_541 = arith.constant 1 : i32
      %sub3A_542 = vector.broadcast %sub3A_541 : i32 to vector<16xi32>
      %sub3A_543 = arith.subi %add3A_540, %sub3A_542 : vector<16xi32>
      %shift_right_arithmetic3A_544 = arith.constant 7 : i32
      %shift_right_arithmetic3A_545 = vector.broadcast %shift_right_arithmetic3A_544 : i32 to vector<16xi32>
      %shift_right_arithmetic3A_546 = arith.shrsi %sub3A_543, %shift_right_arithmetic3A_545 : vector<16xi32>
      %and3A_547 = arith.constant 127 : i32
      %and3A_548 = vector.broadcast %and3A_547 : i32 to vector<16xi32>
      %and3A_549 = arith.andi %sub3A_543, %and3A_548 : vector<16xi32>
      tpu.vector_store_idx %arg16[%shift_right_arithmetic3A_546, %and3A_549], %get3A_529 masked %lt3A_535 : memref<80x128xi32, #tpu.memory_space<vmem>>[vector<16xi32>, vector<16xi32>], vector<16xi32>, vector<16xi1>
      tpu.vector_store_idx %arg15[%shift_right_arithmetic3A_546, %and3A_549], %get3A_532 masked %lt3A_535 : memref<80x128xi32, #tpu.memory_space<vmem>>[vector<16xi32>, vector<16xi32>], vector<16xi32>, vector<16xi1>
      %all_reduce_population_count3A_550 = tpu.all_reduce %lt3A_535 {dim = 0 : i64, kind = #tpu.reduction_kind<sum>} : vector<16xi1> -> vector<16xi32>
      %add3A_551 = arith.addi %add3A_526, %all_reduce_population_count3A_550 : vector<16xi32>
      %get3A_552 = arith.index_cast %add3A_344 : i32 to index
      %get3A_553 = arith.constant 112 : index
      %get3A_554 = tpu.vector_load %arg12[%get3A_552, %get3A_553] {strides = array<i32>} : memref<80x128xi32, #tpu.memory_space<vmem>>, vector<16xi32>,
      %get3A_555 = arith.index_cast %add3A_344 : i32 to index
      %get3A_556 = arith.constant 112 : index
      %get3A_557 = tpu.vector_load %arg11[%get3A_555, %get3A_556] {strides = array<i32>} : memref<80x128xi32, #tpu.memory_space<vmem>>, vector<16xi32>,
      %lt3A_558 = arith.constant 1024 : i32
      %lt3A_559 = vector.broadcast %lt3A_558 : i32 to vector<16xi32>
      %lt3A_560 = arith.cmpi slt, %get3A_554, %lt3A_559 : vector<16xi32>
      %convert_element_type3A_561 = arith.extui %lt3A_560 : vector<16xi1> to vector<16xi32>
      %broadcast_in_dim3A_562 = arith.constant true
      %broadcast_in_dim3A_563 = vector.broadcast %broadcast_in_dim3A_562 : i1 to vector<16xi1>
      %masked_cumsum3A_564 = tpu.scan <sum>, %convert_element_type3A_561 masked %broadcast_in_dim3A_563 : vector<16xi32>, vector<16xi1> -> vector<16xi32>
      %add3A_565 = arith.addi %add3A_551, %masked_cumsum3A_564 : vector<16xi32>
      %sub3A_566 = arith.constant 1 : i32
      %sub3A_567 = vector.broadcast %sub3A_566 : i32 to vector<16xi32>
      %sub3A_568 = arith.subi %add3A_565, %sub3A_567 : vector<16xi32>
      %shift_right_arithmetic3A_569 = arith.constant 7 : i32
      %shift_right_arithmetic3A_570 = vector.broadcast %shift_right_arithmetic3A_569 : i32 to vector<16xi32>
      %shift_right_arithmetic3A_571 = arith.shrsi %sub3A_568, %shift_right_arithmetic3A_570 : vector<16xi32>
      %and3A_572 = arith.constant 127 : i32
      %and3A_573 = vector.broadcast %and3A_572 : i32 to vector<16xi32>
      %and3A_574 = arith.andi %sub3A_568, %and3A_573 : vector<16xi32>
      tpu.vector_store_idx %arg16[%shift_right_arithmetic3A_571, %and3A_574], %get3A_554 masked %lt3A_560 : memref<80x128xi32, #tpu.memory_space<vmem>>[vector<16xi32>, vector<16xi32>], vector<16xi32>, vector<16xi1>
      tpu.vector_store_idx %arg15[%shift_right_arithmetic3A_571, %and3A_574], %get3A_557 masked %lt3A_560 : memref<80x128xi32, #tpu.memory_space<vmem>>[vector<16xi32>, vector<16xi32>], vector<16xi32>, vector<16xi1>
      %all_reduce_population_count3A_575 = tpu.all_reduce %lt3A_560 {dim = 0 : i64, kind = #tpu.reduction_kind<sum>} : vector<16xi1> -> vector<16xi32>
      %add3A_576 = arith.addi %add3A_551, %all_reduce_population_count3A_575 : vector<16xi32>
      %mul3A_577 = arith.constant 8 : i32
      %mul3A_578 = arith.muli %add3A_114, %mul3A_577 : i32
      %add3A_579 = arith.constant 2 : i32
      %add3A_580 = arith.addi %mul3A_578, %add3A_579 : i32
      %dma_wait3A_581 = arith.constant 2 : i32
      %dma_wait3A_582 = arith.constant 0 : i32
      %dma_wait3A_583 = arith.constant 0 : i32
      %dma_wait3A_584 = tpu.memref_slice %arg13[%dma_wait3A_581, %dma_wait3A_582, %dma_wait3A_583] : memref<8x128x16xf32, #tpu.memory_space<vmem>> -> memref<1x128x16xf32, #tpu.memory_space<vmem>>
      %dma_wait3A_585 = tpu.memref_squeeze %dma_wait3A_584 : memref<1x128x16xf32, #tpu.memory_space<vmem>> -> memref<128x16xf32, #tpu.memory_space<vmem>>
      %dma_wait3A_586 = arith.constant 0 : i32
      %dma_wait3A_587 = tpu.memref_slice %arg11[%add3A_580, %dma_wait3A_586] : memref<80x128xi32, #tpu.memory_space<vmem>> -> memref<1x128xi32, #tpu.memory_space<vmem>>
      %dma_wait3A_588 = tpu.memref_squeeze %dma_wait3A_587 : memref<1x128xi32, #tpu.memory_space<vmem>> -> memref<128xi32, #tpu.memory_space<vmem>>
      %dma_wait3A_589 = arith.constant 0 : i32
      %dma_wait3A_590 = arith.constant 0 : i32
      %dma_wait3A_591 = tpu.memref_slice %arg2[%dma_wait3A_589, %dma_wait3A_590] : memref<10240x16xf32, #tpu.memory_space<hbm>> -> memref<10240x16xf32, #tpu.memory_space<hbm>>
      tpu.wait_indirect_dma semaphore(%arg20 : memref<!tpu.dma_semaphore, #tpu.memory_space<semaphore_mem>>) src(%dma_wait3A_591 : memref<10240x16xf32, #tpu.memory_space<hbm>>) dst(%dma_wait3A_585 : memref<128x16xf32, #tpu.memory_space<vmem>>)
      %dma_start3A_592 = arith.constant 2 : i32
      %dma_start3A_593 = arith.constant 0 : i32
      %dma_start3A_594 = arith.constant 0 : i32
      %dma_start3A_595 = tpu.memref_slice %arg13[%dma_start3A_592, %dma_start3A_593, %dma_start3A_594] : memref<8x128x16xf32, #tpu.memory_space<vmem>> -> memref<1x128x16xf32, #tpu.memory_space<vmem>>
      %dma_start3A_596 = tpu.memref_squeeze %dma_start3A_595 : memref<1x128x16xf32, #tpu.memory_space<vmem>> -> memref<128x16xf32, #tpu.memory_space<vmem>>
      %dma_start3A_597 = arith.constant 0 : i32
      %dma_start3A_598 = tpu.memref_slice %arg12[%add3A_580, %dma_start3A_597] : memref<80x128xi32, #tpu.memory_space<vmem>> -> memref<1x128xi32, #tpu.memory_space<vmem>>
      %dma_start3A_599 = tpu.memref_squeeze %dma_start3A_598 : memref<1x128xi32, #tpu.memory_space<vmem>> -> memref<128xi32, #tpu.memory_space<vmem>>
      %dma_start3A_600 = arith.constant 0 : i32
      %dma_start3A_601 = arith.constant 0 : i32
      %dma_start3A_602 = tpu.memref_slice %arg14[%dma_start3A_600, %dma_start3A_601] : memref<10240x16xf32, #tpu.memory_space<vmem_shared>> -> memref<10240x16xf32, #tpu.memory_space<vmem_shared>>
      tpu.enqueue_indirect_dma source(%dma_start3A_596 : memref<128x16xf32, #tpu.memory_space<vmem>>) target(%dma_start3A_602 : memref<10240x16xf32, #tpu.memory_space<vmem_shared>>) offsets(%dma_start3A_599 : memref<128xi32, #tpu.memory_space<vmem>>) semaphore(%arg20 : memref<!tpu.dma_semaphore, #tpu.memory_space<semaphore_mem>>) {add = true}
      %ge3A_603 = arith.constant 2 : i32
      %ge3A_604 = arith.cmpi sge, %add3A_580, %ge3A_603 : i32
      %convert_element_type3A_605 = arith.extui %ge3A_604 : i1 to i32
      %cond3A_606 = arith.constant 0 : i32
      %cond3A_607 = arith.cmpi ne, %convert_element_type3A_605, %cond3A_606 : i32
      scf.if %cond3A_607 {
        %sub3A_1993 = arith.constant 2 : i32
        %sub3A_1994 = arith.subi %add3A_580, %sub3A_1993 : i32
        %dma_wait3A_1995 = arith.constant 0 : i32
        %dma_wait3A_1996 = arith.constant 0 : i32
        %dma_wait3A_1997 = arith.constant 0 : i32
        %dma_wait3A_1998 = tpu.memref_slice %arg13[%dma_wait3A_1995, %dma_wait3A_1996, %dma_wait3A_1997] : memref<8x128x16xf32, #tpu.memory_space<vmem>> -> memref<1x128x16xf32, #tpu.memory_space<vmem>>
        %dma_wait3A_1999 = tpu.memref_squeeze %dma_wait3A_1998 : memref<1x128x16xf32, #tpu.memory_space<vmem>> -> memref<128x16xf32, #tpu.memory_space<vmem>>
        %dma_wait3A_2000 = arith.constant 0 : i32
        %dma_wait3A_2001 = tpu.memref_slice %arg12[%sub3A_1994, %dma_wait3A_2000] : memref<80x128xi32, #tpu.memory_space<vmem>> -> memref<1x128xi32, #tpu.memory_space<vmem>>
        %dma_wait3A_2002 = tpu.memref_squeeze %dma_wait3A_2001 : memref<1x128xi32, #tpu.memory_space<vmem>> -> memref<128xi32, #tpu.memory_space<vmem>>
        %dma_wait3A_2003 = arith.constant 0 : i32
        %dma_wait3A_2004 = arith.constant 0 : i32
        %dma_wait3A_2005 = tpu.memref_slice %arg14[%dma_wait3A_2003, %dma_wait3A_2004] : memref<10240x16xf32, #tpu.memory_space<vmem_shared>> -> memref<10240x16xf32, #tpu.memory_space<vmem_shared>>
        tpu.wait_indirect_dma semaphore(%arg18 : memref<!tpu.dma_semaphore, #tpu.memory_space<semaphore_mem>>) src(%dma_wait3A_1999 : memref<128x16xf32, #tpu.memory_space<vmem>>) dst(%dma_wait3A_2005 : memref<10240x16xf32, #tpu.memory_space<vmem_shared>>)
      } else {
      }
      %lt3A_608 = arith.constant 74 : i32
      %lt3A_609 = arith.cmpi slt, %add3A_580, %lt3A_608 : i32
      %convert_element_type3A_610 = arith.extui %lt3A_609 : i1 to i32
      %cond3A_611 = arith.constant 0 : i32
      %cond3A_612 = arith.cmpi ne, %convert_element_type3A_610, %cond3A_611 : i32
      scf.if %cond3A_612 {
        %add3A_1993 = arith.constant 6 : i32
        %add3A_1994 = arith.addi %add3A_580, %add3A_1993 : i32
        %dma_start3A_1995 = arith.constant 0 : i32
        %dma_start3A_1996 = arith.constant 0 : i32
        %dma_start3A_1997 = arith.constant 0 : i32
        %dma_start3A_1998 = tpu.memref_slice %arg13[%dma_start3A_1995, %dma_start3A_1996, %dma_start3A_1997] : memref<8x128x16xf32, #tpu.memory_space<vmem>> -> memref<1x128x16xf32, #tpu.memory_space<vmem>>
        %dma_start3A_1999 = tpu.memref_squeeze %dma_start3A_1998 : memref<1x128x16xf32, #tpu.memory_space<vmem>> -> memref<128x16xf32, #tpu.memory_space<vmem>>
        %dma_start3A_2000 = arith.constant 0 : i32
        %dma_start3A_2001 = tpu.memref_slice %arg11[%add3A_1994, %dma_start3A_2000] : memref<80x128xi32, #tpu.memory_space<vmem>> -> memref<1x128xi32, #tpu.memory_space<vmem>>
        %dma_start3A_2002 = tpu.memref_squeeze %dma_start3A_2001 : memref<1x128xi32, #tpu.memory_space<vmem>> -> memref<128xi32, #tpu.memory_space<vmem>>
        %dma_start3A_2003 = arith.constant 0 : i32
        %dma_start3A_2004 = arith.constant 0 : i32
        %dma_start3A_2005 = tpu.memref_slice %arg2[%dma_start3A_2003, %dma_start3A_2004] : memref<10240x16xf32, #tpu.memory_space<hbm>> -> memref<10240x16xf32, #tpu.memory_space<hbm>>
        tpu.enqueue_indirect_dma source(%dma_start3A_2005 : memref<10240x16xf32, #tpu.memory_space<hbm>>) target(%dma_start3A_1999 : memref<128x16xf32, #tpu.memory_space<vmem>>) offsets(%dma_start3A_2002 : memref<128xi32, #tpu.memory_space<vmem>>) semaphore(%arg18 : memref<!tpu.dma_semaphore, #tpu.memory_space<semaphore_mem>>)
      } else {
      }
      %get3A_613 = arith.index_cast %add3A_580 : i32 to index
      %get3A_614 = arith.constant 0 : index
      %get3A_615 = tpu.vector_load %arg12[%get3A_613, %get3A_614] {strides = array<i32>} : memref<80x128xi32, #tpu.memory_space<vmem>>, vector<16xi32>,
      %get3A_616 = arith.index_cast %add3A_580 : i32 to index
      %get3A_617 = arith.constant 0 : index
      %get3A_618 = tpu.vector_load %arg11[%get3A_616, %get3A_617] {strides = array<i32>} : memref<80x128xi32, #tpu.memory_space<vmem>>, vector<16xi32>,
      %lt3A_619 = arith.constant 1024 : i32
      %lt3A_620 = vector.broadcast %lt3A_619 : i32 to vector<16xi32>
      %lt3A_621 = arith.cmpi slt, %get3A_615, %lt3A_620 : vector<16xi32>
      %convert_element_type3A_622 = arith.extui %lt3A_621 : vector<16xi1> to vector<16xi32>
      %broadcast_in_dim3A_623 = arith.constant true
      %broadcast_in_dim3A_624 = vector.broadcast %broadcast_in_dim3A_623 : i1 to vector<16xi1>
      %masked_cumsum3A_625 = tpu.scan <sum>, %convert_element_type3A_622 masked %broadcast_in_dim3A_624 : vector<16xi32>, vector<16xi1> -> vector<16xi32>
      %add3A_626 = arith.addi %add3A_576, %masked_cumsum3A_625 : vector<16xi32>
      %sub3A_627 = arith.constant 1 : i32
      %sub3A_628 = vector.broadcast %sub3A_627 : i32 to vector<16xi32>
      %sub3A_629 = arith.subi %add3A_626, %sub3A_628 : vector<16xi32>
      %shift_right_arithmetic3A_630 = arith.constant 7 : i32
      %shift_right_arithmetic3A_631 = vector.broadcast %shift_right_arithmetic3A_630 : i32 to vector<16xi32>
      %shift_right_arithmetic3A_632 = arith.shrsi %sub3A_629, %shift_right_arithmetic3A_631 : vector<16xi32>
      %and3A_633 = arith.constant 127 : i32
      %and3A_634 = vector.broadcast %and3A_633 : i32 to vector<16xi32>
      %and3A_635 = arith.andi %sub3A_629, %and3A_634 : vector<16xi32>
      tpu.vector_store_idx %arg16[%shift_right_arithmetic3A_632, %and3A_635], %get3A_615 masked %lt3A_621 : memref<80x128xi32, #tpu.memory_space<vmem>>[vector<16xi32>, vector<16xi32>], vector<16xi32>, vector<16xi1>
      tpu.vector_store_idx %arg15[%shift_right_arithmetic3A_632, %and3A_635], %get3A_618 masked %lt3A_621 : memref<80x128xi32, #tpu.memory_space<vmem>>[vector<16xi32>, vector<16xi32>], vector<16xi32>, vector<16xi1>
      %all_reduce_population_count3A_636 = tpu.all_reduce %lt3A_621 {dim = 0 : i64, kind = #tpu.reduction_kind<sum>} : vector<16xi1> -> vector<16xi32>
      %add3A_637 = arith.addi %add3A_576, %all_reduce_population_count3A_636 : vector<16xi32>
      %get3A_638 = arith.index_cast %add3A_580 : i32 to index
      %get3A_639 = arith.constant 16 : index
      %get3A_640 = tpu.vector_load %arg12[%get3A_638, %get3A_639] {strides = array<i32>} : memref<80x128xi32, #tpu.memory_space<vmem>>, vector<16xi32>,
      %get3A_641 = arith.index_cast %add3A_580 : i32 to index
      %get3A_642 = arith.constant 16 : index
      %get3A_643 = tpu.vector_load %arg11[%get3A_641, %get3A_642] {strides = array<i32>} : memref<80x128xi32, #tpu.memory_space<vmem>>, vector<16xi32>,
      %lt3A_644 = arith.constant 1024 : i32
      %lt3A_645 = vector.broadcast %lt3A_644 : i32 to vector<16xi32>
      %lt3A_646 = arith.cmpi slt, %get3A_640, %lt3A_645 : vector<16xi32>
      %convert_element_type3A_647 = arith.extui %lt3A_646 : vector<16xi1> to vector<16xi32>
      %broadcast_in_dim3A_648 = arith.constant true
      %broadcast_in_dim3A_649 = vector.broadcast %broadcast_in_dim3A_648 : i1 to vector<16xi1>
      %masked_cumsum3A_650 = tpu.scan <sum>, %convert_element_type3A_647 masked %broadcast_in_dim3A_649 : vector<16xi32>, vector<16xi1> -> vector<16xi32>
      %add3A_651 = arith.addi %add3A_637, %masked_cumsum3A_650 : vector<16xi32>
      %sub3A_652 = arith.constant 1 : i32
      %sub3A_653 = vector.broadcast %sub3A_652 : i32 to vector<16xi32>
      %sub3A_654 = arith.subi %add3A_651, %sub3A_653 : vector<16xi32>
      %shift_right_arithmetic3A_655 = arith.constant 7 : i32
      %shift_right_arithmetic3A_656 = vector.broadcast %shift_right_arithmetic3A_655 : i32 to vector<16xi32>
      %shift_right_arithmetic3A_657 = arith.shrsi %sub3A_654, %shift_right_arithmetic3A_656 : vector<16xi32>
      %and3A_658 = arith.constant 127 : i32
      %and3A_659 = vector.broadcast %and3A_658 : i32 to vector<16xi32>
      %and3A_660 = arith.andi %sub3A_654, %and3A_659 : vector<16xi32>
      tpu.vector_store_idx %arg16[%shift_right_arithmetic3A_657, %and3A_660], %get3A_640 masked %lt3A_646 : memref<80x128xi32, #tpu.memory_space<vmem>>[vector<16xi32>, vector<16xi32>], vector<16xi32>, vector<16xi1>
      tpu.vector_store_idx %arg15[%shift_right_arithmetic3A_657, %and3A_660], %get3A_643 masked %lt3A_646 : memref<80x128xi32, #tpu.memory_space<vmem>>[vector<16xi32>, vector<16xi32>], vector<16xi32>, vector<16xi1>
      %all_reduce_population_count3A_661 = tpu.all_reduce %lt3A_646 {dim = 0 : i64, kind = #tpu.reduction_kind<sum>} : vector<16xi1> -> vector<16xi32>
      %add3A_662 = arith.addi %add3A_637, %all_reduce_population_count3A_661 : vector<16xi32>
      %get3A_663 = arith.index_cast %add3A_580 : i32 to index
      %get3A_664 = arith.constant 32 : index
      %get3A_665 = tpu.vector_load %arg12[%get3A_663, %get3A_664] {strides = array<i32>} : memref<80x128xi32, #tpu.memory_space<vmem>>, vector<16xi32>,
      %get3A_666 = arith.index_cast %add3A_580 : i32 to index
      %get3A_667 = arith.constant 32 : index
      %get3A_668 = tpu.vector_load %arg11[%get3A_666, %get3A_667] {strides = array<i32>} : memref<80x128xi32, #tpu.memory_space<vmem>>, vector<16xi32>,
      %lt3A_669 = arith.constant 1024 : i32
      %lt3A_670 = vector.broadcast %lt3A_669 : i32 to vector<16xi32>
      %lt3A_671 = arith.cmpi slt, %get3A_665, %lt3A_670 : vector<16xi32>
      %convert_element_type3A_672 = arith.extui %lt3A_671 : vector<16xi1> to vector<16xi32>
      %broadcast_in_dim3A_673 = arith.constant true
      %broadcast_in_dim3A_674 = vector.broadcast %broadcast_in_dim3A_673 : i1 to vector<16xi1>
      %masked_cumsum3A_675 = tpu.scan <sum>, %convert_element_type3A_672 masked %broadcast_in_dim3A_674 : vector<16xi32>, vector<16xi1> -> vector<16xi32>
      %add3A_676 = arith.addi %add3A_662, %masked_cumsum3A_675 : vector<16xi32>
      %sub3A_677 = arith.constant 1 : i32
      %sub3A_678 = vector.broadcast %sub3A_677 : i32 to vector<16xi32>
      %sub3A_679 = arith.subi %add3A_676, %sub3A_678 : vector<16xi32>
      %shift_right_arithmetic3A_680 = arith.constant 7 : i32
      %shift_right_arithmetic3A_681 = vector.broadcast %shift_right_arithmetic3A_680 : i32 to vector<16xi32>
      %shift_right_arithmetic3A_682 = arith.shrsi %sub3A_679, %shift_right_arithmetic3A_681 : vector<16xi32>
      %and3A_683 = arith.constant 127 : i32
      %and3A_684 = vector.broadcast %and3A_683 : i32 to vector<16xi32>
      %and3A_685 = arith.andi %sub3A_679, %and3A_684 : vector<16xi32>
      tpu.vector_store_idx %arg16[%shift_right_arithmetic3A_682, %and3A_685], %get3A_665 masked %lt3A_671 : memref<80x128xi32, #tpu.memory_space<vmem>>[vector<16xi32>, vector<16xi32>], vector<16xi32>, vector<16xi1>
      tpu.vector_store_idx %arg15[%shift_right_arithmetic3A_682, %and3A_685], %get3A_668 masked %lt3A_671 : memref<80x128xi32, #tpu.memory_space<vmem>>[vector<16xi32>, vector<16xi32>], vector<16xi32>, vector<16xi1>
      %all_reduce_population_count3A_686 = tpu.all_reduce %lt3A_671 {dim = 0 : i64, kind = #tpu.reduction_kind<sum>} : vector<16xi1> -> vector<16xi32>
      %add3A_687 = arith.addi %add3A_662, %all_reduce_population_count3A_686 : vector<16xi32>
      %get3A_688 = arith.index_cast %add3A_580 : i32 to index
      %get3A_689 = arith.constant 48 : index
      %get3A_690 = tpu.vector_load %arg12[%get3A_688, %get3A_689] {strides = array<i32>} : memref<80x128xi32, #tpu.memory_space<vmem>>, vector<16xi32>,
      %get3A_691 = arith.index_cast %add3A_580 : i32 to index
      %get3A_692 = arith.constant 48 : index
      %get3A_693 = tpu.vector_load %arg11[%get3A_691, %get3A_692] {strides = array<i32>} : memref<80x128xi32, #tpu.memory_space<vmem>>, vector<16xi32>,
      %lt3A_694 = arith.constant 1024 : i32
      %lt3A_695 = vector.broadcast %lt3A_694 : i32 to vector<16xi32>
      %lt3A_696 = arith.cmpi slt, %get3A_690, %lt3A_695 : vector<16xi32>
      %convert_element_type3A_697 = arith.extui %lt3A_696 : vector<16xi1> to vector<16xi32>
      %broadcast_in_dim3A_698 = arith.constant true
      %broadcast_in_dim3A_699 = vector.broadcast %broadcast_in_dim3A_698 : i1 to vector<16xi1>
      %masked_cumsum3A_700 = tpu.scan <sum>, %convert_element_type3A_697 masked %broadcast_in_dim3A_699 : vector<16xi32>, vector<16xi1> -> vector<16xi32>
      %add3A_701 = arith.addi %add3A_687, %masked_cumsum3A_700 : vector<16xi32>
      %sub3A_702 = arith.constant 1 : i32
      %sub3A_703 = vector.broadcast %sub3A_702 : i32 to vector<16xi32>
      %sub3A_704 = arith.subi %add3A_701, %sub3A_703 : vector<16xi32>
      %shift_right_arithmetic3A_705 = arith.constant 7 : i32
      %shift_right_arithmetic3A_706 = vector.broadcast %shift_right_arithmetic3A_705 : i32 to vector<16xi32>
      %shift_right_arithmetic3A_707 = arith.shrsi %sub3A_704, %shift_right_arithmetic3A_706 : vector<16xi32>
      %and3A_708 = arith.constant 127 : i32
      %and3A_709 = vector.broadcast %and3A_708 : i32 to vector<16xi32>
      %and3A_710 = arith.andi %sub3A_704, %and3A_709 : vector<16xi32>
      tpu.vector_store_idx %arg16[%shift_right_arithmetic3A_707, %and3A_710], %get3A_690 masked %lt3A_696 : memref<80x128xi32, #tpu.memory_space<vmem>>[vector<16xi32>, vector<16xi32>], vector<16xi32>, vector<16xi1>
      tpu.vector_store_idx %arg15[%shift_right_arithmetic3A_707, %and3A_710], %get3A_693 masked %lt3A_696 : memref<80x128xi32, #tpu.memory_space<vmem>>[vector<16xi32>, vector<16xi32>], vector<16xi32>, vector<16xi1>
      %all_reduce_population_count3A_711 = tpu.all_reduce %lt3A_696 {dim = 0 : i64, kind = #tpu.reduction_kind<sum>} : vector<16xi1> -> vector<16xi32>
      %add3A_712 = arith.addi %add3A_687, %all_reduce_population_count3A_711 : vector<16xi32>
      %get3A_713 = arith.index_cast %add3A_580 : i32 to index
      %get3A_714 = arith.constant 64 : index
      %get3A_715 = tpu.vector_load %arg12[%get3A_713, %get3A_714] {strides = array<i32>} : memref<80x128xi32, #tpu.memory_space<vmem>>, vector<16xi32>,
      %get3A_716 = arith.index_cast %add3A_580 : i32 to index
      %get3A_717 = arith.constant 64 : index
      %get3A_718 = tpu.vector_load %arg11[%get3A_716, %get3A_717] {strides = array<i32>} : memref<80x128xi32, #tpu.memory_space<vmem>>, vector<16xi32>,
      %lt3A_719 = arith.constant 1024 : i32
      %lt3A_720 = vector.broadcast %lt3A_719 : i32 to vector<16xi32>
      %lt3A_721 = arith.cmpi slt, %get3A_715, %lt3A_720 : vector<16xi32>
      %convert_element_type3A_722 = arith.extui %lt3A_721 : vector<16xi1> to vector<16xi32>
      %broadcast_in_dim3A_723 = arith.constant true
      %broadcast_in_dim3A_724 = vector.broadcast %broadcast_in_dim3A_723 : i1 to vector<16xi1>
      %masked_cumsum3A_725 = tpu.scan <sum>, %convert_element_type3A_722 masked %broadcast_in_dim3A_724 : vector<16xi32>, vector<16xi1> -> vector<16xi32>
      %add3A_726 = arith.addi %add3A_712, %masked_cumsum3A_725 : vector<16xi32>
      %sub3A_727 = arith.constant 1 : i32
      %sub3A_728 = vector.broadcast %sub3A_727 : i32 to vector<16xi32>
      %sub3A_729 = arith.subi %add3A_726, %sub3A_728 : vector<16xi32>
      %shift_right_arithmetic3A_730 = arith.constant 7 : i32
      %shift_right_arithmetic3A_731 = vector.broadcast %shift_right_arithmetic3A_730 : i32 to vector<16xi32>
      %shift_right_arithmetic3A_732 = arith.shrsi %sub3A_729, %shift_right_arithmetic3A_731 : vector<16xi32>
      %and3A_733 = arith.constant 127 : i32
      %and3A_734 = vector.broadcast %and3A_733 : i32 to vector<16xi32>
      %and3A_735 = arith.andi %sub3A_729, %and3A_734 : vector<16xi32>
      tpu.vector_store_idx %arg16[%shift_right_arithmetic3A_732, %and3A_735], %get3A_715 masked %lt3A_721 : memref<80x128xi32, #tpu.memory_space<vmem>>[vector<16xi32>, vector<16xi32>], vector<16xi32>, vector<16xi1>
      tpu.vector_store_idx %arg15[%shift_right_arithmetic3A_732, %and3A_735], %get3A_718 masked %lt3A_721 : memref<80x128xi32, #tpu.memory_space<vmem>>[vector<16xi32>, vector<16xi32>], vector<16xi32>, vector<16xi1>
      %all_reduce_population_count3A_736 = tpu.all_reduce %lt3A_721 {dim = 0 : i64, kind = #tpu.reduction_kind<sum>} : vector<16xi1> -> vector<16xi32>
      %add3A_737 = arith.addi %add3A_712, %all_reduce_population_count3A_736 : vector<16xi32>
      %get3A_738 = arith.index_cast %add3A_580 : i32 to index
      %get3A_739 = arith.constant 80 : index
      %get3A_740 = tpu.vector_load %arg12[%get3A_738, %get3A_739] {strides = array<i32>} : memref<80x128xi32, #tpu.memory_space<vmem>>, vector<16xi32>,
      %get3A_741 = arith.index_cast %add3A_580 : i32 to index
      %get3A_742 = arith.constant 80 : index
      %get3A_743 = tpu.vector_load %arg11[%get3A_741, %get3A_742] {strides = array<i32>} : memref<80x128xi32, #tpu.memory_space<vmem>>, vector<16xi32>,
      %lt3A_744 = arith.constant 1024 : i32
      %lt3A_745 = vector.broadcast %lt3A_744 : i32 to vector<16xi32>
      %lt3A_746 = arith.cmpi slt, %get3A_740, %lt3A_745 : vector<16xi32>
      %convert_element_type3A_747 = arith.extui %lt3A_746 : vector<16xi1> to vector<16xi32>
      %broadcast_in_dim3A_748 = arith.constant true
      %broadcast_in_dim3A_749 = vector.broadcast %broadcast_in_dim3A_748 : i1 to vector<16xi1>
      %masked_cumsum3A_750 = tpu.scan <sum>, %convert_element_type3A_747 masked %broadcast_in_dim3A_749 : vector<16xi32>, vector<16xi1> -> vector<16xi32>
      %add3A_751 = arith.addi %add3A_737, %masked_cumsum3A_750 : vector<16xi32>
      %sub3A_752 = arith.constant 1 : i32
      %sub3A_753 = vector.broadcast %sub3A_752 : i32 to vector<16xi32>
      %sub3A_754 = arith.subi %add3A_751, %sub3A_753 : vector<16xi32>
      %shift_right_arithmetic3A_755 = arith.constant 7 : i32
      %shift_right_arithmetic3A_756 = vector.broadcast %shift_right_arithmetic3A_755 : i32 to vector<16xi32>
      %shift_right_arithmetic3A_757 = arith.shrsi %sub3A_754, %shift_right_arithmetic3A_756 : vector<16xi32>
      %and3A_758 = arith.constant 127 : i32
      %and3A_759 = vector.broadcast %and3A_758 : i32 to vector<16xi32>
      %and3A_760 = arith.andi %sub3A_754, %and3A_759 : vector<16xi32>
      tpu.vector_store_idx %arg16[%shift_right_arithmetic3A_757, %and3A_760], %get3A_740 masked %lt3A_746 : memref<80x128xi32, #tpu.memory_space<vmem>>[vector<16xi32>, vector<16xi32>], vector<16xi32>, vector<16xi1>
      tpu.vector_store_idx %arg15[%shift_right_arithmetic3A_757, %and3A_760], %get3A_743 masked %lt3A_746 : memref<80x128xi32, #tpu.memory_space<vmem>>[vector<16xi32>, vector<16xi32>], vector<16xi32>, vector<16xi1>
      %all_reduce_population_count3A_761 = tpu.all_reduce %lt3A_746 {dim = 0 : i64, kind = #tpu.reduction_kind<sum>} : vector<16xi1> -> vector<16xi32>
      %add3A_762 = arith.addi %add3A_737, %all_reduce_population_count3A_761 : vector<16xi32>
      %get3A_763 = arith.index_cast %add3A_580 : i32 to index
      %get3A_764 = arith.constant 96 : index
      %get3A_765 = tpu.vector_load %arg12[%get3A_763, %get3A_764] {strides = array<i32>} : memref<80x128xi32, #tpu.memory_space<vmem>>, vector<16xi32>,
      %get3A_766 = arith.index_cast %add3A_580 : i32 to index
      %get3A_767 = arith.constant 96 : index
      %get3A_768 = tpu.vector_load %arg11[%get3A_766, %get3A_767] {strides = array<i32>} : memref<80x128xi32, #tpu.memory_space<vmem>>, vector<16xi32>,
      %lt3A_769 = arith.constant 1024 : i32
      %lt3A_770 = vector.broadcast %lt3A_769 : i32 to vector<16xi32>
      %lt3A_771 = arith.cmpi slt, %get3A_765, %lt3A_770 : vector<16xi32>
      %convert_element_type3A_772 = arith.extui %lt3A_771 : vector<16xi1> to vector<16xi32>
      %broadcast_in_dim3A_773 = arith.constant true
      %broadcast_in_dim3A_774 = vector.broadcast %broadcast_in_dim3A_773 : i1 to vector<16xi1>
      %masked_cumsum3A_775 = tpu.scan <sum>, %convert_element_type3A_772 masked %broadcast_in_dim3A_774 : vector<16xi32>, vector<16xi1> -> vector<16xi32>
      %add3A_776 = arith.addi %add3A_762, %masked_cumsum3A_775 : vector<16xi32>
      %sub3A_777 = arith.constant 1 : i32
      %sub3A_778 = vector.broadcast %sub3A_777 : i32 to vector<16xi32>
      %sub3A_779 = arith.subi %add3A_776, %sub3A_778 : vector<16xi32>
      %shift_right_arithmetic3A_780 = arith.constant 7 : i32
      %shift_right_arithmetic3A_781 = vector.broadcast %shift_right_arithmetic3A_780 : i32 to vector<16xi32>
      %shift_right_arithmetic3A_782 = arith.shrsi %sub3A_779, %shift_right_arithmetic3A_781 : vector<16xi32>
      %and3A_783 = arith.constant 127 : i32
      %and3A_784 = vector.broadcast %and3A_783 : i32 to vector<16xi32>
      %and3A_785 = arith.andi %sub3A_779, %and3A_784 : vector<16xi32>
      tpu.vector_store_idx %arg16[%shift_right_arithmetic3A_782, %and3A_785], %get3A_765 masked %lt3A_771 : memref<80x128xi32, #tpu.memory_space<vmem>>[vector<16xi32>, vector<16xi32>], vector<16xi32>, vector<16xi1>
      tpu.vector_store_idx %arg15[%shift_right_arithmetic3A_782, %and3A_785], %get3A_768 masked %lt3A_771 : memref<80x128xi32, #tpu.memory_space<vmem>>[vector<16xi32>, vector<16xi32>], vector<16xi32>, vector<16xi1>
      %all_reduce_population_count3A_786 = tpu.all_reduce %lt3A_771 {dim = 0 : i64, kind = #tpu.reduction_kind<sum>} : vector<16xi1> -> vector<16xi32>
      %add3A_787 = arith.addi %add3A_762, %all_reduce_population_count3A_786 : vector<16xi32>
      %get3A_788 = arith.index_cast %add3A_580 : i32 to index
      %get3A_789 = arith.constant 112 : index
      %get3A_790 = tpu.vector_load %arg12[%get3A_788, %get3A_789] {strides = array<i32>} : memref<80x128xi32, #tpu.memory_space<vmem>>, vector<16xi32>,
      %get3A_791 = arith.index_cast %add3A_580 : i32 to index
      %get3A_792 = arith.constant 112 : index
      %get3A_793 = tpu.vector_load %arg11[%get3A_791, %get3A_792] {strides = array<i32>} : memref<80x128xi32, #tpu.memory_space<vmem>>, vector<16xi32>,
      %lt3A_794 = arith.constant 1024 : i32
      %lt3A_795 = vector.broadcast %lt3A_794 : i32 to vector<16xi32>
      %lt3A_796 = arith.cmpi slt, %get3A_790, %lt3A_795 : vector<16xi32>
      %convert_element_type3A_797 = arith.extui %lt3A_796 : vector<16xi1> to vector<16xi32>
      %broadcast_in_dim3A_798 = arith.constant true
      %broadcast_in_dim3A_799 = vector.broadcast %broadcast_in_dim3A_798 : i1 to vector<16xi1>
      %masked_cumsum3A_800 = tpu.scan <sum>, %convert_element_type3A_797 masked %broadcast_in_dim3A_799 : vector<16xi32>, vector<16xi1> -> vector<16xi32>
      %add3A_801 = arith.addi %add3A_787, %masked_cumsum3A_800 : vector<16xi32>
      %sub3A_802 = arith.constant 1 : i32
      %sub3A_803 = vector.broadcast %sub3A_802 : i32 to vector<16xi32>
      %sub3A_804 = arith.subi %add3A_801, %sub3A_803 : vector<16xi32>
      %shift_right_arithmetic3A_805 = arith.constant 7 : i32
      %shift_right_arithmetic3A_806 = vector.broadcast %shift_right_arithmetic3A_805 : i32 to vector<16xi32>
      %shift_right_arithmetic3A_807 = arith.shrsi %sub3A_804, %shift_right_arithmetic3A_806 : vector<16xi32>
      %and3A_808 = arith.constant 127 : i32
      %and3A_809 = vector.broadcast %and3A_808 : i32 to vector<16xi32>
      %and3A_810 = arith.andi %sub3A_804, %and3A_809 : vector<16xi32>
      tpu.vector_store_idx %arg16[%shift_right_arithmetic3A_807, %and3A_810], %get3A_790 masked %lt3A_796 : memref<80x128xi32, #tpu.memory_space<vmem>>[vector<16xi32>, vector<16xi32>], vector<16xi32>, vector<16xi1>
      tpu.vector_store_idx %arg15[%shift_right_arithmetic3A_807, %and3A_810], %get3A_793 masked %lt3A_796 : memref<80x128xi32, #tpu.memory_space<vmem>>[vector<16xi32>, vector<16xi32>], vector<16xi32>, vector<16xi1>
      %all_reduce_population_count3A_811 = tpu.all_reduce %lt3A_796 {dim = 0 : i64, kind = #tpu.reduction_kind<sum>} : vector<16xi1> -> vector<16xi32>
      %add3A_812 = arith.addi %add3A_787, %all_reduce_population_count3A_811 : vector<16xi32>
      %mul3A_813 = arith.constant 8 : i32
      %mul3A_814 = arith.muli %add3A_114, %mul3A_813 : i32
      %add3A_815 = arith.constant 3 : i32
      %add3A_816 = arith.addi %mul3A_814, %add3A_815 : i32
      %dma_wait3A_817 = arith.constant 3 : i32
      %dma_wait3A_818 = arith.constant 0 : i32
      %dma_wait3A_819 = arith.constant 0 : i32
      %dma_wait3A_820 = tpu.memref_slice %arg13[%dma_wait3A_817, %dma_wait3A_818, %dma_wait3A_819] : memref<8x128x16xf32, #tpu.memory_space<vmem>> -> memref<1x128x16xf32, #tpu.memory_space<vmem>>
      %dma_wait3A_821 = tpu.memref_squeeze %dma_wait3A_820 : memref<1x128x16xf32, #tpu.memory_space<vmem>> -> memref<128x16xf32, #tpu.memory_space<vmem>>
      %dma_wait3A_822 = arith.constant 0 : i32
      %dma_wait3A_823 = tpu.memref_slice %arg11[%add3A_816, %dma_wait3A_822] : memref<80x128xi32, #tpu.memory_space<vmem>> -> memref<1x128xi32, #tpu.memory_space<vmem>>
      %dma_wait3A_824 = tpu.memref_squeeze %dma_wait3A_823 : memref<1x128xi32, #tpu.memory_space<vmem>> -> memref<128xi32, #tpu.memory_space<vmem>>
      %dma_wait3A_825 = arith.constant 0 : i32
      %dma_wait3A_826 = arith.constant 0 : i32
      %dma_wait3A_827 = tpu.memref_slice %arg2[%dma_wait3A_825, %dma_wait3A_826] : memref<10240x16xf32, #tpu.memory_space<hbm>> -> memref<10240x16xf32, #tpu.memory_space<hbm>>
      tpu.wait_indirect_dma semaphore(%arg21 : memref<!tpu.dma_semaphore, #tpu.memory_space<semaphore_mem>>) src(%dma_wait3A_827 : memref<10240x16xf32, #tpu.memory_space<hbm>>) dst(%dma_wait3A_821 : memref<128x16xf32, #tpu.memory_space<vmem>>)
      %dma_start3A_828 = arith.constant 3 : i32
      %dma_start3A_829 = arith.constant 0 : i32
      %dma_start3A_830 = arith.constant 0 : i32
      %dma_start3A_831 = tpu.memref_slice %arg13[%dma_start3A_828, %dma_start3A_829, %dma_start3A_830] : memref<8x128x16xf32, #tpu.memory_space<vmem>> -> memref<1x128x16xf32, #tpu.memory_space<vmem>>
      %dma_start3A_832 = tpu.memref_squeeze %dma_start3A_831 : memref<1x128x16xf32, #tpu.memory_space<vmem>> -> memref<128x16xf32, #tpu.memory_space<vmem>>
      %dma_start3A_833 = arith.constant 0 : i32
      %dma_start3A_834 = tpu.memref_slice %arg12[%add3A_816, %dma_start3A_833] : memref<80x128xi32, #tpu.memory_space<vmem>> -> memref<1x128xi32, #tpu.memory_space<vmem>>
      %dma_start3A_835 = tpu.memref_squeeze %dma_start3A_834 : memref<1x128xi32, #tpu.memory_space<vmem>> -> memref<128xi32, #tpu.memory_space<vmem>>
      %dma_start3A_836 = arith.constant 0 : i32
      %dma_start3A_837 = arith.constant 0 : i32
      %dma_start3A_838 = tpu.memref_slice %arg14[%dma_start3A_836, %dma_start3A_837] : memref<10240x16xf32, #tpu.memory_space<vmem_shared>> -> memref<10240x16xf32, #tpu.memory_space<vmem_shared>>
      tpu.enqueue_indirect_dma source(%dma_start3A_832 : memref<128x16xf32, #tpu.memory_space<vmem>>) target(%dma_start3A_838 : memref<10240x16xf32, #tpu.memory_space<vmem_shared>>) offsets(%dma_start3A_835 : memref<128xi32, #tpu.memory_space<vmem>>) semaphore(%arg21 : memref<!tpu.dma_semaphore, #tpu.memory_space<semaphore_mem>>) {add = true}
      %ge3A_839 = arith.constant 2 : i32
      %ge3A_840 = arith.cmpi sge, %add3A_816, %ge3A_839 : i32
      %convert_element_type3A_841 = arith.extui %ge3A_840 : i1 to i32
      %cond3A_842 = arith.constant 0 : i32
      %cond3A_843 = arith.cmpi ne, %convert_element_type3A_841, %cond3A_842 : i32
      scf.if %cond3A_843 {
        %sub3A_1993 = arith.constant 2 : i32
        %sub3A_1994 = arith.subi %add3A_816, %sub3A_1993 : i32
        %dma_wait3A_1995 = arith.constant 1 : i32
        %dma_wait3A_1996 = arith.constant 0 : i32
        %dma_wait3A_1997 = arith.constant 0 : i32
        %dma_wait3A_1998 = tpu.memref_slice %arg13[%dma_wait3A_1995, %dma_wait3A_1996, %dma_wait3A_1997] : memref<8x128x16xf32, #tpu.memory_space<vmem>> -> memref<1x128x16xf32, #tpu.memory_space<vmem>>
        %dma_wait3A_1999 = tpu.memref_squeeze %dma_wait3A_1998 : memref<1x128x16xf32, #tpu.memory_space<vmem>> -> memref<128x16xf32, #tpu.memory_space<vmem>>
        %dma_wait3A_2000 = arith.constant 0 : i32
        %dma_wait3A_2001 = tpu.memref_slice %arg12[%sub3A_1994, %dma_wait3A_2000] : memref<80x128xi32, #tpu.memory_space<vmem>> -> memref<1x128xi32, #tpu.memory_space<vmem>>
        %dma_wait3A_2002 = tpu.memref_squeeze %dma_wait3A_2001 : memref<1x128xi32, #tpu.memory_space<vmem>> -> memref<128xi32, #tpu.memory_space<vmem>>
        %dma_wait3A_2003 = arith.constant 0 : i32
        %dma_wait3A_2004 = arith.constant 0 : i32
        %dma_wait3A_2005 = tpu.memref_slice %arg14[%dma_wait3A_2003, %dma_wait3A_2004] : memref<10240x16xf32, #tpu.memory_space<vmem_shared>> -> memref<10240x16xf32, #tpu.memory_space<vmem_shared>>
        tpu.wait_indirect_dma semaphore(%arg19 : memref<!tpu.dma_semaphore, #tpu.memory_space<semaphore_mem>>) src(%dma_wait3A_1999 : memref<128x16xf32, #tpu.memory_space<vmem>>) dst(%dma_wait3A_2005 : memref<10240x16xf32, #tpu.memory_space<vmem_shared>>)
      } else {
      }
      %lt3A_844 = arith.constant 74 : i32
      %lt3A_845 = arith.cmpi slt, %add3A_816, %lt3A_844 : i32
      %convert_element_type3A_846 = arith.extui %lt3A_845 : i1 to i32
      %cond3A_847 = arith.constant 0 : i32
      %cond3A_848 = arith.cmpi ne, %convert_element_type3A_846, %cond3A_847 : i32
      scf.if %cond3A_848 {
        %add3A_1993 = arith.constant 6 : i32
        %add3A_1994 = arith.addi %add3A_816, %add3A_1993 : i32
        %dma_start3A_1995 = arith.constant 1 : i32
        %dma_start3A_1996 = arith.constant 0 : i32
        %dma_start3A_1997 = arith.constant 0 : i32
        %dma_start3A_1998 = tpu.memref_slice %arg13[%dma_start3A_1995, %dma_start3A_1996, %dma_start3A_1997] : memref<8x128x16xf32, #tpu.memory_space<vmem>> -> memref<1x128x16xf32, #tpu.memory_space<vmem>>
        %dma_start3A_1999 = tpu.memref_squeeze %dma_start3A_1998 : memref<1x128x16xf32, #tpu.memory_space<vmem>> -> memref<128x16xf32, #tpu.memory_space<vmem>>
        %dma_start3A_2000 = arith.constant 0 : i32
        %dma_start3A_2001 = tpu.memref_slice %arg11[%add3A_1994, %dma_start3A_2000] : memref<80x128xi32, #tpu.memory_space<vmem>> -> memref<1x128xi32, #tpu.memory_space<vmem>>
        %dma_start3A_2002 = tpu.memref_squeeze %dma_start3A_2001 : memref<1x128xi32, #tpu.memory_space<vmem>> -> memref<128xi32, #tpu.memory_space<vmem>>
        %dma_start3A_2003 = arith.constant 0 : i32
        %dma_start3A_2004 = arith.constant 0 : i32
        %dma_start3A_2005 = tpu.memref_slice %arg2[%dma_start3A_2003, %dma_start3A_2004] : memref<10240x16xf32, #tpu.memory_space<hbm>> -> memref<10240x16xf32, #tpu.memory_space<hbm>>
        tpu.enqueue_indirect_dma source(%dma_start3A_2005 : memref<10240x16xf32, #tpu.memory_space<hbm>>) target(%dma_start3A_1999 : memref<128x16xf32, #tpu.memory_space<vmem>>) offsets(%dma_start3A_2002 : memref<128xi32, #tpu.memory_space<vmem>>) semaphore(%arg19 : memref<!tpu.dma_semaphore, #tpu.memory_space<semaphore_mem>>)
      } else {
      }
      %get3A_849 = arith.index_cast %add3A_816 : i32 to index
      %get3A_850 = arith.constant 0 : index
      %get3A_851 = tpu.vector_load %arg12[%get3A_849, %get3A_850] {strides = array<i32>} : memref<80x128xi32, #tpu.memory_space<vmem>>, vector<16xi32>,
      %get3A_852 = arith.index_cast %add3A_816 : i32 to index
      %get3A_853 = arith.constant 0 : index
      %get3A_854 = tpu.vector_load %arg11[%get3A_852, %get3A_853] {strides = array<i32>} : memref<80x128xi32, #tpu.memory_space<vmem>>, vector<16xi32>,
      %lt3A_855 = arith.constant 1024 : i32
      %lt3A_856 = vector.broadcast %lt3A_855 : i32 to vector<16xi32>
      %lt3A_857 = arith.cmpi slt, %get3A_851, %lt3A_856 : vector<16xi32>
      %convert_element_type3A_858 = arith.extui %lt3A_857 : vector<16xi1> to vector<16xi32>
      %broadcast_in_dim3A_859 = arith.constant true
      %broadcast_in_dim3A_860 = vector.broadcast %broadcast_in_dim3A_859 : i1 to vector<16xi1>
      %masked_cumsum3A_861 = tpu.scan <sum>, %convert_element_type3A_858 masked %broadcast_in_dim3A_860 : vector<16xi32>, vector<16xi1> -> vector<16xi32>
      %add3A_862 = arith.addi %add3A_812, %masked_cumsum3A_861 : vector<16xi32>
      %sub3A_863 = arith.constant 1 : i32
      %sub3A_864 = vector.broadcast %sub3A_863 : i32 to vector<16xi32>
      %sub3A_865 = arith.subi %add3A_862, %sub3A_864 : vector<16xi32>
      %shift_right_arithmetic3A_866 = arith.constant 7 : i32
      %shift_right_arithmetic3A_867 = vector.broadcast %shift_right_arithmetic3A_866 : i32 to vector<16xi32>
      %shift_right_arithmetic3A_868 = arith.shrsi %sub3A_865, %shift_right_arithmetic3A_867 : vector<16xi32>
      %and3A_869 = arith.constant 127 : i32
      %and3A_870 = vector.broadcast %and3A_869 : i32 to vector<16xi32>
      %and3A_871 = arith.andi %sub3A_865, %and3A_870 : vector<16xi32>
      tpu.vector_store_idx %arg16[%shift_right_arithmetic3A_868, %and3A_871], %get3A_851 masked %lt3A_857 : memref<80x128xi32, #tpu.memory_space<vmem>>[vector<16xi32>, vector<16xi32>], vector<16xi32>, vector<16xi1>
      tpu.vector_store_idx %arg15[%shift_right_arithmetic3A_868, %and3A_871], %get3A_854 masked %lt3A_857 : memref<80x128xi32, #tpu.memory_space<vmem>>[vector<16xi32>, vector<16xi32>], vector<16xi32>, vector<16xi1>
      %all_reduce_population_count3A_872 = tpu.all_reduce %lt3A_857 {dim = 0 : i64, kind = #tpu.reduction_kind<sum>} : vector<16xi1> -> vector<16xi32>
      %add3A_873 = arith.addi %add3A_812, %all_reduce_population_count3A_872 : vector<16xi32>
      %get3A_874 = arith.index_cast %add3A_816 : i32 to index
      %get3A_875 = arith.constant 16 : index
      %get3A_876 = tpu.vector_load %arg12[%get3A_874, %get3A_875] {strides = array<i32>} : memref<80x128xi32, #tpu.memory_space<vmem>>, vector<16xi32>,
      %get3A_877 = arith.index_cast %add3A_816 : i32 to index
      %get3A_878 = arith.constant 16 : index
      %get3A_879 = tpu.vector_load %arg11[%get3A_877, %get3A_878] {strides = array<i32>} : memref<80x128xi32, #tpu.memory_space<vmem>>, vector<16xi32>,
      %lt3A_880 = arith.constant 1024 : i32
      %lt3A_881 = vector.broadcast %lt3A_880 : i32 to vector<16xi32>
      %lt3A_882 = arith.cmpi slt, %get3A_876, %lt3A_881 : vector<16xi32>
      %convert_element_type3A_883 = arith.extui %lt3A_882 : vector<16xi1> to vector<16xi32>
      %broadcast_in_dim3A_884 = arith.constant true
      %broadcast_in_dim3A_885 = vector.broadcast %broadcast_in_dim3A_884 : i1 to vector<16xi1>
      %masked_cumsum3A_886 = tpu.scan <sum>, %convert_element_type3A_883 masked %broadcast_in_dim3A_885 : vector<16xi32>, vector<16xi1> -> vector<16xi32>
      %add3A_887 = arith.addi %add3A_873, %masked_cumsum3A_886 : vector<16xi32>
      %sub3A_888 = arith.constant 1 : i32
      %sub3A_889 = vector.broadcast %sub3A_888 : i32 to vector<16xi32>
      %sub3A_890 = arith.subi %add3A_887, %sub3A_889 : vector<16xi32>
      %shift_right_arithmetic3A_891 = arith.constant 7 : i32
      %shift_right_arithmetic3A_892 = vector.broadcast %shift_right_arithmetic3A_891 : i32 to vector<16xi32>
      %shift_right_arithmetic3A_893 = arith.shrsi %sub3A_890, %shift_right_arithmetic3A_892 : vector<16xi32>
      %and3A_894 = arith.constant 127 : i32
      %and3A_895 = vector.broadcast %and3A_894 : i32 to vector<16xi32>
      %and3A_896 = arith.andi %sub3A_890, %and3A_895 : vector<16xi32>
      tpu.vector_store_idx %arg16[%shift_right_arithmetic3A_893, %and3A_896], %get3A_876 masked %lt3A_882 : memref<80x128xi32, #tpu.memory_space<vmem>>[vector<16xi32>, vector<16xi32>], vector<16xi32>, vector<16xi1>
      tpu.vector_store_idx %arg15[%shift_right_arithmetic3A_893, %and3A_896], %get3A_879 masked %lt3A_882 : memref<80x128xi32, #tpu.memory_space<vmem>>[vector<16xi32>, vector<16xi32>], vector<16xi32>, vector<16xi1>
      %all_reduce_population_count3A_897 = tpu.all_reduce %lt3A_882 {dim = 0 : i64, kind = #tpu.reduction_kind<sum>} : vector<16xi1> -> vector<16xi32>
      %add3A_898 = arith.addi %add3A_873, %all_reduce_population_count3A_897 : vector<16xi32>
      %get3A_899 = arith.index_cast %add3A_816 : i32 to index
      %get3A_900 = arith.constant 32 : index
      %get3A_901 = tpu.vector_load %arg12[%get3A_899, %get3A_900] {strides = array<i32>} : memref<80x128xi32, #tpu.memory_space<vmem>>, vector<16xi32>,
      %get3A_902 = arith.index_cast %add3A_816 : i32 to index
      %get3A_903 = arith.constant 32 : index
      %get3A_904 = tpu.vector_load %arg11[%get3A_902, %get3A_903] {strides = array<i32>} : memref<80x128xi32, #tpu.memory_space<vmem>>, vector<16xi32>,
      %lt3A_905 = arith.constant 1024 : i32
      %lt3A_906 = vector.broadcast %lt3A_905 : i32 to vector<16xi32>
      %lt3A_907 = arith.cmpi slt, %get3A_901, %lt3A_906 : vector<16xi32>
      %convert_element_type3A_908 = arith.extui %lt3A_907 : vector<16xi1> to vector<16xi32>
      %broadcast_in_dim3A_909 = arith.constant true
      %broadcast_in_dim3A_910 = vector.broadcast %broadcast_in_dim3A_909 : i1 to vector<16xi1>
      %masked_cumsum3A_911 = tpu.scan <sum>, %convert_element_type3A_908 masked %broadcast_in_dim3A_910 : vector<16xi32>, vector<16xi1> -> vector<16xi32>
      %add3A_912 = arith.addi %add3A_898, %masked_cumsum3A_911 : vector<16xi32>
      %sub3A_913 = arith.constant 1 : i32
      %sub3A_914 = vector.broadcast %sub3A_913 : i32 to vector<16xi32>
      %sub3A_915 = arith.subi %add3A_912, %sub3A_914 : vector<16xi32>
      %shift_right_arithmetic3A_916 = arith.constant 7 : i32
      %shift_right_arithmetic3A_917 = vector.broadcast %shift_right_arithmetic3A_916 : i32 to vector<16xi32>
      %shift_right_arithmetic3A_918 = arith.shrsi %sub3A_915, %shift_right_arithmetic3A_917 : vector<16xi32>
      %and3A_919 = arith.constant 127 : i32
      %and3A_920 = vector.broadcast %and3A_919 : i32 to vector<16xi32>
      %and3A_921 = arith.andi %sub3A_915, %and3A_920 : vector<16xi32>
      tpu.vector_store_idx %arg16[%shift_right_arithmetic3A_918, %and3A_921], %get3A_901 masked %lt3A_907 : memref<80x128xi32, #tpu.memory_space<vmem>>[vector<16xi32>, vector<16xi32>], vector<16xi32>, vector<16xi1>
      tpu.vector_store_idx %arg15[%shift_right_arithmetic3A_918, %and3A_921], %get3A_904 masked %lt3A_907 : memref<80x128xi32, #tpu.memory_space<vmem>>[vector<16xi32>, vector<16xi32>], vector<16xi32>, vector<16xi1>
      %all_reduce_population_count3A_922 = tpu.all_reduce %lt3A_907 {dim = 0 : i64, kind = #tpu.reduction_kind<sum>} : vector<16xi1> -> vector<16xi32>
      %add3A_923 = arith.addi %add3A_898, %all_reduce_population_count3A_922 : vector<16xi32>
      %get3A_924 = arith.index_cast %add3A_816 : i32 to index
      %get3A_925 = arith.constant 48 : index
      %get3A_926 = tpu.vector_load %arg12[%get3A_924, %get3A_925] {strides = array<i32>} : memref<80x128xi32, #tpu.memory_space<vmem>>, vector<16xi32>,
      %get3A_927 = arith.index_cast %add3A_816 : i32 to index
      %get3A_928 = arith.constant 48 : index
      %get3A_929 = tpu.vector_load %arg11[%get3A_927, %get3A_928] {strides = array<i32>} : memref<80x128xi32, #tpu.memory_space<vmem>>, vector<16xi32>,
      %lt3A_930 = arith.constant 1024 : i32
      %lt3A_931 = vector.broadcast %lt3A_930 : i32 to vector<16xi32>
      %lt3A_932 = arith.cmpi slt, %get3A_926, %lt3A_931 : vector<16xi32>
      %convert_element_type3A_933 = arith.extui %lt3A_932 : vector<16xi1> to vector<16xi32>
      %broadcast_in_dim3A_934 = arith.constant true
      %broadcast_in_dim3A_935 = vector.broadcast %broadcast_in_dim3A_934 : i1 to vector<16xi1>
      %masked_cumsum3A_936 = tpu.scan <sum>, %convert_element_type3A_933 masked %broadcast_in_dim3A_935 : vector<16xi32>, vector<16xi1> -> vector<16xi32>
      %add3A_937 = arith.addi %add3A_923, %masked_cumsum3A_936 : vector<16xi32>
      %sub3A_938 = arith.constant 1 : i32
      %sub3A_939 = vector.broadcast %sub3A_938 : i32 to vector<16xi32>
      %sub3A_940 = arith.subi %add3A_937, %sub3A_939 : vector<16xi32>
      %shift_right_arithmetic3A_941 = arith.constant 7 : i32
      %shift_right_arithmetic3A_942 = vector.broadcast %shift_right_arithmetic3A_941 : i32 to vector<16xi32>
      %shift_right_arithmetic3A_943 = arith.shrsi %sub3A_940, %shift_right_arithmetic3A_942 : vector<16xi32>
      %and3A_944 = arith.constant 127 : i32
      %and3A_945 = vector.broadcast %and3A_944 : i32 to vector<16xi32>
      %and3A_946 = arith.andi %sub3A_940, %and3A_945 : vector<16xi32>
      tpu.vector_store_idx %arg16[%shift_right_arithmetic3A_943, %and3A_946], %get3A_926 masked %lt3A_932 : memref<80x128xi32, #tpu.memory_space<vmem>>[vector<16xi32>, vector<16xi32>], vector<16xi32>, vector<16xi1>
      tpu.vector_store_idx %arg15[%shift_right_arithmetic3A_943, %and3A_946], %get3A_929 masked %lt3A_932 : memref<80x128xi32, #tpu.memory_space<vmem>>[vector<16xi32>, vector<16xi32>], vector<16xi32>, vector<16xi1>
      %all_reduce_population_count3A_947 = tpu.all_reduce %lt3A_932 {dim = 0 : i64, kind = #tpu.reduction_kind<sum>} : vector<16xi1> -> vector<16xi32>
      %add3A_948 = arith.addi %add3A_923, %all_reduce_population_count3A_947 : vector<16xi32>
      %get3A_949 = arith.index_cast %add3A_816 : i32 to index
      %get3A_950 = arith.constant 64 : index
      %get3A_951 = tpu.vector_load %arg12[%get3A_949, %get3A_950] {strides = array<i32>} : memref<80x128xi32, #tpu.memory_space<vmem>>, vector<16xi32>,
      %get3A_952 = arith.index_cast %add3A_816 : i32 to index
      %get3A_953 = arith.constant 64 : index
      %get3A_954 = tpu.vector_load %arg11[%get3A_952, %get3A_953] {strides = array<i32>} : memref<80x128xi32, #tpu.memory_space<vmem>>, vector<16xi32>,
      %lt3A_955 = arith.constant 1024 : i32
      %lt3A_956 = vector.broadcast %lt3A_955 : i32 to vector<16xi32>
      %lt3A_957 = arith.cmpi slt, %get3A_951, %lt3A_956 : vector<16xi32>
      %convert_element_type3A_958 = arith.extui %lt3A_957 : vector<16xi1> to vector<16xi32>
      %broadcast_in_dim3A_959 = arith.constant true
      %broadcast_in_dim3A_960 = vector.broadcast %broadcast_in_dim3A_959 : i1 to vector<16xi1>
      %masked_cumsum3A_961 = tpu.scan <sum>, %convert_element_type3A_958 masked %broadcast_in_dim3A_960 : vector<16xi32>, vector<16xi1> -> vector<16xi32>
      %add3A_962 = arith.addi %add3A_948, %masked_cumsum3A_961 : vector<16xi32>
      %sub3A_963 = arith.constant 1 : i32
      %sub3A_964 = vector.broadcast %sub3A_963 : i32 to vector<16xi32>
      %sub3A_965 = arith.subi %add3A_962, %sub3A_964 : vector<16xi32>
      %shift_right_arithmetic3A_966 = arith.constant 7 : i32
      %shift_right_arithmetic3A_967 = vector.broadcast %shift_right_arithmetic3A_966 : i32 to vector<16xi32>
      %shift_right_arithmetic3A_968 = arith.shrsi %sub3A_965, %shift_right_arithmetic3A_967 : vector<16xi32>
      %and3A_969 = arith.constant 127 : i32
      %and3A_970 = vector.broadcast %and3A_969 : i32 to vector<16xi32>
      %and3A_971 = arith.andi %sub3A_965, %and3A_970 : vector<16xi32>
      tpu.vector_store_idx %arg16[%shift_right_arithmetic3A_968, %and3A_971], %get3A_951 masked %lt3A_957 : memref<80x128xi32, #tpu.memory_space<vmem>>[vector<16xi32>, vector<16xi32>], vector<16xi32>, vector<16xi1>
      tpu.vector_store_idx %arg15[%shift_right_arithmetic3A_968, %and3A_971], %get3A_954 masked %lt3A_957 : memref<80x128xi32, #tpu.memory_space<vmem>>[vector<16xi32>, vector<16xi32>], vector<16xi32>, vector<16xi1>
      %all_reduce_population_count3A_972 = tpu.all_reduce %lt3A_957 {dim = 0 : i64, kind = #tpu.reduction_kind<sum>} : vector<16xi1> -> vector<16xi32>
      %add3A_973 = arith.addi %add3A_948, %all_reduce_population_count3A_972 : vector<16xi32>
      %get3A_974 = arith.index_cast %add3A_816 : i32 to index
      %get3A_975 = arith.constant 80 : index
      %get3A_976 = tpu.vector_load %arg12[%get3A_974, %get3A_975] {strides = array<i32>} : memref<80x128xi32, #tpu.memory_space<vmem>>, vector<16xi32>,
      %get3A_977 = arith.index_cast %add3A_816 : i32 to index
      %get3A_978 = arith.constant 80 : index
      %get3A_979 = tpu.vector_load %arg11[%get3A_977, %get3A_978] {strides = array<i32>} : memref<80x128xi32, #tpu.memory_space<vmem>>, vector<16xi32>,
      %lt3A_980 = arith.constant 1024 : i32
      %lt3A_981 = vector.broadcast %lt3A_980 : i32 to vector<16xi32>
      %lt3A_982 = arith.cmpi slt, %get3A_976, %lt3A_981 : vector<16xi32>
      %convert_element_type3A_983 = arith.extui %lt3A_982 : vector<16xi1> to vector<16xi32>
      %broadcast_in_dim3A_984 = arith.constant true
      %broadcast_in_dim3A_985 = vector.broadcast %broadcast_in_dim3A_984 : i1 to vector<16xi1>
      %masked_cumsum3A_986 = tpu.scan <sum>, %convert_element_type3A_983 masked %broadcast_in_dim3A_985 : vector<16xi32>, vector<16xi1> -> vector<16xi32>
      %add3A_987 = arith.addi %add3A_973, %masked_cumsum3A_986 : vector<16xi32>
      %sub3A_988 = arith.constant 1 : i32
      %sub3A_989 = vector.broadcast %sub3A_988 : i32 to vector<16xi32>
      %sub3A_990 = arith.subi %add3A_987, %sub3A_989 : vector<16xi32>
      %shift_right_arithmetic3A_991 = arith.constant 7 : i32
      %shift_right_arithmetic3A_992 = vector.broadcast %shift_right_arithmetic3A_991 : i32 to vector<16xi32>
      %shift_right_arithmetic3A_993 = arith.shrsi %sub3A_990, %shift_right_arithmetic3A_992 : vector<16xi32>
      %and3A_994 = arith.constant 127 : i32
      %and3A_995 = vector.broadcast %and3A_994 : i32 to vector<16xi32>
      %and3A_996 = arith.andi %sub3A_990, %and3A_995 : vector<16xi32>
      tpu.vector_store_idx %arg16[%shift_right_arithmetic3A_993, %and3A_996], %get3A_976 masked %lt3A_982 : memref<80x128xi32, #tpu.memory_space<vmem>>[vector<16xi32>, vector<16xi32>], vector<16xi32>, vector<16xi1>
      tpu.vector_store_idx %arg15[%shift_right_arithmetic3A_993, %and3A_996], %get3A_979 masked %lt3A_982 : memref<80x128xi32, #tpu.memory_space<vmem>>[vector<16xi32>, vector<16xi32>], vector<16xi32>, vector<16xi1>
      %all_reduce_population_count3A_997 = tpu.all_reduce %lt3A_982 {dim = 0 : i64, kind = #tpu.reduction_kind<sum>} : vector<16xi1> -> vector<16xi32>
      %add3A_998 = arith.addi %add3A_973, %all_reduce_population_count3A_997 : vector<16xi32>
      %get3A_999 = arith.index_cast %add3A_816 : i32 to index
      %get3A_1000 = arith.constant 96 : index
      %get3A_1001 = tpu.vector_load %arg12[%get3A_999, %get3A_1000] {strides = array<i32>} : memref<80x128xi32, #tpu.memory_space<vmem>>, vector<16xi32>,
      %get3A_1002 = arith.index_cast %add3A_816 : i32 to index
      %get3A_1003 = arith.constant 96 : index
      %get3A_1004 = tpu.vector_load %arg11[%get3A_1002, %get3A_1003] {strides = array<i32>} : memref<80x128xi32, #tpu.memory_space<vmem>>, vector<16xi32>,
      %lt3A_1005 = arith.constant 1024 : i32
      %lt3A_1006 = vector.broadcast %lt3A_1005 : i32 to vector<16xi32>
      %lt3A_1007 = arith.cmpi slt, %get3A_1001, %lt3A_1006 : vector<16xi32>
      %convert_element_type3A_1008 = arith.extui %lt3A_1007 : vector<16xi1> to vector<16xi32>
      %broadcast_in_dim3A_1009 = arith.constant true
      %broadcast_in_dim3A_1010 = vector.broadcast %broadcast_in_dim3A_1009 : i1 to vector<16xi1>
      %masked_cumsum3A_1011 = tpu.scan <sum>, %convert_element_type3A_1008 masked %broadcast_in_dim3A_1010 : vector<16xi32>, vector<16xi1> -> vector<16xi32>
      %add3A_1012 = arith.addi %add3A_998, %masked_cumsum3A_1011 : vector<16xi32>
      %sub3A_1013 = arith.constant 1 : i32
      %sub3A_1014 = vector.broadcast %sub3A_1013 : i32 to vector<16xi32>
      %sub3A_1015 = arith.subi %add3A_1012, %sub3A_1014 : vector<16xi32>
      %shift_right_arithmetic3A_1016 = arith.constant 7 : i32
      %shift_right_arithmetic3A_1017 = vector.broadcast %shift_right_arithmetic3A_1016 : i32 to vector<16xi32>
      %shift_right_arithmetic3A_1018 = arith.shrsi %sub3A_1015, %shift_right_arithmetic3A_1017 : vector<16xi32>
      %and3A_1019 = arith.constant 127 : i32
      %and3A_1020 = vector.broadcast %and3A_1019 : i32 to vector<16xi32>
      %and3A_1021 = arith.andi %sub3A_1015, %and3A_1020 : vector<16xi32>
      tpu.vector_store_idx %arg16[%shift_right_arithmetic3A_1018, %and3A_1021], %get3A_1001 masked %lt3A_1007 : memref<80x128xi32, #tpu.memory_space<vmem>>[vector<16xi32>, vector<16xi32>], vector<16xi32>, vector<16xi1>
      tpu.vector_store_idx %arg15[%shift_right_arithmetic3A_1018, %and3A_1021], %get3A_1004 masked %lt3A_1007 : memref<80x128xi32, #tpu.memory_space<vmem>>[vector<16xi32>, vector<16xi32>], vector<16xi32>, vector<16xi1>
      %all_reduce_population_count3A_1022 = tpu.all_reduce %lt3A_1007 {dim = 0 : i64, kind = #tpu.reduction_kind<sum>} : vector<16xi1> -> vector<16xi32>
      %add3A_1023 = arith.addi %add3A_998, %all_reduce_population_count3A_1022 : vector<16xi32>
      %get3A_1024 = arith.index_cast %add3A_816 : i32 to index
      %get3A_1025 = arith.constant 112 : index
      %get3A_1026 = tpu.vector_load %arg12[%get3A_1024, %get3A_1025] {strides = array<i32>} : memref<80x128xi32, #tpu.memory_space<vmem>>, vector<16xi32>,
      %get3A_1027 = arith.index_cast %add3A_816 : i32 to index
      %get3A_1028 = arith.constant 112 : index
      %get3A_1029 = tpu.vector_load %arg11[%get3A_1027, %get3A_1028] {strides = array<i32>} : memref<80x128xi32, #tpu.memory_space<vmem>>, vector<16xi32>,
      %lt3A_1030 = arith.constant 1024 : i32
      %lt3A_1031 = vector.broadcast %lt3A_1030 : i32 to vector<16xi32>
      %lt3A_1032 = arith.cmpi slt, %get3A_1026, %lt3A_1031 : vector<16xi32>
      %convert_element_type3A_1033 = arith.extui %lt3A_1032 : vector<16xi1> to vector<16xi32>
      %broadcast_in_dim3A_1034 = arith.constant true
      %broadcast_in_dim3A_1035 = vector.broadcast %broadcast_in_dim3A_1034 : i1 to vector<16xi1>
      %masked_cumsum3A_1036 = tpu.scan <sum>, %convert_element_type3A_1033 masked %broadcast_in_dim3A_1035 : vector<16xi32>, vector<16xi1> -> vector<16xi32>
      %add3A_1037 = arith.addi %add3A_1023, %masked_cumsum3A_1036 : vector<16xi32>
      %sub3A_1038 = arith.constant 1 : i32
      %sub3A_1039 = vector.broadcast %sub3A_1038 : i32 to vector<16xi32>
      %sub3A_1040 = arith.subi %add3A_1037, %sub3A_1039 : vector<16xi32>
      %shift_right_arithmetic3A_1041 = arith.constant 7 : i32
      %shift_right_arithmetic3A_1042 = vector.broadcast %shift_right_arithmetic3A_1041 : i32 to vector<16xi32>
      %shift_right_arithmetic3A_1043 = arith.shrsi %sub3A_1040, %shift_right_arithmetic3A_1042 : vector<16xi32>
      %and3A_1044 = arith.constant 127 : i32
      %and3A_1045 = vector.broadcast %and3A_1044 : i32 to vector<16xi32>
      %and3A_1046 = arith.andi %sub3A_1040, %and3A_1045 : vector<16xi32>
      tpu.vector_store_idx %arg16[%shift_right_arithmetic3A_1043, %and3A_1046], %get3A_1026 masked %lt3A_1032 : memref<80x128xi32, #tpu.memory_space<vmem>>[vector<16xi32>, vector<16xi32>], vector<16xi32>, vector<16xi1>
      tpu.vector_store_idx %arg15[%shift_right_arithmetic3A_1043, %and3A_1046], %get3A_1029 masked %lt3A_1032 : memref<80x128xi32, #tpu.memory_space<vmem>>[vector<16xi32>, vector<16xi32>], vector<16xi32>, vector<16xi1>
      %all_reduce_population_count3A_1047 = tpu.all_reduce %lt3A_1032 {dim = 0 : i64, kind = #tpu.reduction_kind<sum>} : vector<16xi1> -> vector<16xi32>
      %add3A_1048 = arith.addi %add3A_1023, %all_reduce_population_count3A_1047 : vector<16xi32>
      %mul3A_1049 = arith.constant 8 : i32
      %mul3A_1050 = arith.muli %add3A_114, %mul3A_1049 : i32
      %add3A_1051 = arith.constant 4 : i32
      %add3A_1052 = arith.addi %mul3A_1050, %add3A_1051 : i32
      %dma_wait3A_1053 = arith.constant 4 : i32
      %dma_wait3A_1054 = arith.constant 0 : i32
      %dma_wait3A_1055 = arith.constant 0 : i32
      %dma_wait3A_1056 = tpu.memref_slice %arg13[%dma_wait3A_1053, %dma_wait3A_1054, %dma_wait3A_1055] : memref<8x128x16xf32, #tpu.memory_space<vmem>> -> memref<1x128x16xf32, #tpu.memory_space<vmem>>
      %dma_wait3A_1057 = tpu.memref_squeeze %dma_wait3A_1056 : memref<1x128x16xf32, #tpu.memory_space<vmem>> -> memref<128x16xf32, #tpu.memory_space<vmem>>
      %dma_wait3A_1058 = arith.constant 0 : i32
      %dma_wait3A_1059 = tpu.memref_slice %arg11[%add3A_1052, %dma_wait3A_1058] : memref<80x128xi32, #tpu.memory_space<vmem>> -> memref<1x128xi32, #tpu.memory_space<vmem>>
      %dma_wait3A_1060 = tpu.memref_squeeze %dma_wait3A_1059 : memref<1x128xi32, #tpu.memory_space<vmem>> -> memref<128xi32, #tpu.memory_space<vmem>>
      %dma_wait3A_1061 = arith.constant 0 : i32
      %dma_wait3A_1062 = arith.constant 0 : i32
      %dma_wait3A_1063 = tpu.memref_slice %arg2[%dma_wait3A_1061, %dma_wait3A_1062] : memref<10240x16xf32, #tpu.memory_space<hbm>> -> memref<10240x16xf32, #tpu.memory_space<hbm>>
      tpu.wait_indirect_dma semaphore(%arg22 : memref<!tpu.dma_semaphore, #tpu.memory_space<semaphore_mem>>) src(%dma_wait3A_1063 : memref<10240x16xf32, #tpu.memory_space<hbm>>) dst(%dma_wait3A_1057 : memref<128x16xf32, #tpu.memory_space<vmem>>)
      %dma_start3A_1064 = arith.constant 4 : i32
      %dma_start3A_1065 = arith.constant 0 : i32
      %dma_start3A_1066 = arith.constant 0 : i32
      %dma_start3A_1067 = tpu.memref_slice %arg13[%dma_start3A_1064, %dma_start3A_1065, %dma_start3A_1066] : memref<8x128x16xf32, #tpu.memory_space<vmem>> -> memref<1x128x16xf32, #tpu.memory_space<vmem>>
      %dma_start3A_1068 = tpu.memref_squeeze %dma_start3A_1067 : memref<1x128x16xf32, #tpu.memory_space<vmem>> -> memref<128x16xf32, #tpu.memory_space<vmem>>
      %dma_start3A_1069 = arith.constant 0 : i32
      %dma_start3A_1070 = tpu.memref_slice %arg12[%add3A_1052, %dma_start3A_1069] : memref<80x128xi32, #tpu.memory_space<vmem>> -> memref<1x128xi32, #tpu.memory_space<vmem>>
      %dma_start3A_1071 = tpu.memref_squeeze %dma_start3A_1070 : memref<1x128xi32, #tpu.memory_space<vmem>> -> memref<128xi32, #tpu.memory_space<vmem>>
      %dma_start3A_1072 = arith.constant 0 : i32
      %dma_start3A_1073 = arith.constant 0 : i32
      %dma_start3A_1074 = tpu.memref_slice %arg14[%dma_start3A_1072, %dma_start3A_1073] : memref<10240x16xf32, #tpu.memory_space<vmem_shared>> -> memref<10240x16xf32, #tpu.memory_space<vmem_shared>>
      tpu.enqueue_indirect_dma source(%dma_start3A_1068 : memref<128x16xf32, #tpu.memory_space<vmem>>) target(%dma_start3A_1074 : memref<10240x16xf32, #tpu.memory_space<vmem_shared>>) offsets(%dma_start3A_1071 : memref<128xi32, #tpu.memory_space<vmem>>) semaphore(%arg22 : memref<!tpu.dma_semaphore, #tpu.memory_space<semaphore_mem>>) {add = true}
      %ge3A_1075 = arith.constant 2 : i32
      %ge3A_1076 = arith.cmpi sge, %add3A_1052, %ge3A_1075 : i32
      %convert_element_type3A_1077 = arith.extui %ge3A_1076 : i1 to i32
      %cond3A_1078 = arith.constant 0 : i32
      %cond3A_1079 = arith.cmpi ne, %convert_element_type3A_1077, %cond3A_1078 : i32
      scf.if %cond3A_1079 {
        %sub3A_1993 = arith.constant 2 : i32
        %sub3A_1994 = arith.subi %add3A_1052, %sub3A_1993 : i32
        %dma_wait3A_1995 = arith.constant 2 : i32
        %dma_wait3A_1996 = arith.constant 0 : i32
        %dma_wait3A_1997 = arith.constant 0 : i32
        %dma_wait3A_1998 = tpu.memref_slice %arg13[%dma_wait3A_1995, %dma_wait3A_1996, %dma_wait3A_1997] : memref<8x128x16xf32, #tpu.memory_space<vmem>> -> memref<1x128x16xf32, #tpu.memory_space<vmem>>
        %dma_wait3A_1999 = tpu.memref_squeeze %dma_wait3A_1998 : memref<1x128x16xf32, #tpu.memory_space<vmem>> -> memref<128x16xf32, #tpu.memory_space<vmem>>
        %dma_wait3A_2000 = arith.constant 0 : i32
        %dma_wait3A_2001 = tpu.memref_slice %arg12[%sub3A_1994, %dma_wait3A_2000] : memref<80x128xi32, #tpu.memory_space<vmem>> -> memref<1x128xi32, #tpu.memory_space<vmem>>
        %dma_wait3A_2002 = tpu.memref_squeeze %dma_wait3A_2001 : memref<1x128xi32, #tpu.memory_space<vmem>> -> memref<128xi32, #tpu.memory_space<vmem>>
        %dma_wait3A_2003 = arith.constant 0 : i32
        %dma_wait3A_2004 = arith.constant 0 : i32
        %dma_wait3A_2005 = tpu.memref_slice %arg14[%dma_wait3A_2003, %dma_wait3A_2004] : memref<10240x16xf32, #tpu.memory_space<vmem_shared>> -> memref<10240x16xf32, #tpu.memory_space<vmem_shared>>
        tpu.wait_indirect_dma semaphore(%arg20 : memref<!tpu.dma_semaphore, #tpu.memory_space<semaphore_mem>>) src(%dma_wait3A_1999 : memref<128x16xf32, #tpu.memory_space<vmem>>) dst(%dma_wait3A_2005 : memref<10240x16xf32, #tpu.memory_space<vmem_shared>>)
      } else {
      }
      %lt3A_1080 = arith.constant 74 : i32
      %lt3A_1081 = arith.cmpi slt, %add3A_1052, %lt3A_1080 : i32
      %convert_element_type3A_1082 = arith.extui %lt3A_1081 : i1 to i32
      %cond3A_1083 = arith.constant 0 : i32
      %cond3A_1084 = arith.cmpi ne, %convert_element_type3A_1082, %cond3A_1083 : i32
      scf.if %cond3A_1084 {
        %add3A_1993 = arith.constant 6 : i32
        %add3A_1994 = arith.addi %add3A_1052, %add3A_1993 : i32
        %dma_start3A_1995 = arith.constant 2 : i32
        %dma_start3A_1996 = arith.constant 0 : i32
        %dma_start3A_1997 = arith.constant 0 : i32
        %dma_start3A_1998 = tpu.memref_slice %arg13[%dma_start3A_1995, %dma_start3A_1996, %dma_start3A_1997] : memref<8x128x16xf32, #tpu.memory_space<vmem>> -> memref<1x128x16xf32, #tpu.memory_space<vmem>>
        %dma_start3A_1999 = tpu.memref_squeeze %dma_start3A_1998 : memref<1x128x16xf32, #tpu.memory_space<vmem>> -> memref<128x16xf32, #tpu.memory_space<vmem>>
        %dma_start3A_2000 = arith.constant 0 : i32
        %dma_start3A_2001 = tpu.memref_slice %arg11[%add3A_1994, %dma_start3A_2000] : memref<80x128xi32, #tpu.memory_space<vmem>> -> memref<1x128xi32, #tpu.memory_space<vmem>>
        %dma_start3A_2002 = tpu.memref_squeeze %dma_start3A_2001 : memref<1x128xi32, #tpu.memory_space<vmem>> -> memref<128xi32, #tpu.memory_space<vmem>>
        %dma_start3A_2003 = arith.constant 0 : i32
        %dma_start3A_2004 = arith.constant 0 : i32
        %dma_start3A_2005 = tpu.memref_slice %arg2[%dma_start3A_2003, %dma_start3A_2004] : memref<10240x16xf32, #tpu.memory_space<hbm>> -> memref<10240x16xf32, #tpu.memory_space<hbm>>
        tpu.enqueue_indirect_dma source(%dma_start3A_2005 : memref<10240x16xf32, #tpu.memory_space<hbm>>) target(%dma_start3A_1999 : memref<128x16xf32, #tpu.memory_space<vmem>>) offsets(%dma_start3A_2002 : memref<128xi32, #tpu.memory_space<vmem>>) semaphore(%arg20 : memref<!tpu.dma_semaphore, #tpu.memory_space<semaphore_mem>>)
      } else {
      }
      %get3A_1085 = arith.index_cast %add3A_1052 : i32 to index
      %get3A_1086 = arith.constant 0 : index
      %get3A_1087 = tpu.vector_load %arg12[%get3A_1085, %get3A_1086] {strides = array<i32>} : memref<80x128xi32, #tpu.memory_space<vmem>>, vector<16xi32>,
      %get3A_1088 = arith.index_cast %add3A_1052 : i32 to index
      %get3A_1089 = arith.constant 0 : index
      %get3A_1090 = tpu.vector_load %arg11[%get3A_1088, %get3A_1089] {strides = array<i32>} : memref<80x128xi32, #tpu.memory_space<vmem>>, vector<16xi32>,
      %lt3A_1091 = arith.constant 1024 : i32
      %lt3A_1092 = vector.broadcast %lt3A_1091 : i32 to vector<16xi32>
      %lt3A_1093 = arith.cmpi slt, %get3A_1087, %lt3A_1092 : vector<16xi32>
      %convert_element_type3A_1094 = arith.extui %lt3A_1093 : vector<16xi1> to vector<16xi32>
      %broadcast_in_dim3A_1095 = arith.constant true
      %broadcast_in_dim3A_1096 = vector.broadcast %broadcast_in_dim3A_1095 : i1 to vector<16xi1>
      %masked_cumsum3A_1097 = tpu.scan <sum>, %convert_element_type3A_1094 masked %broadcast_in_dim3A_1096 : vector<16xi32>, vector<16xi1> -> vector<16xi32>
      %add3A_1098 = arith.addi %add3A_1048, %masked_cumsum3A_1097 : vector<16xi32>
      %sub3A_1099 = arith.constant 1 : i32
      %sub3A_1100 = vector.broadcast %sub3A_1099 : i32 to vector<16xi32>
      %sub3A_1101 = arith.subi %add3A_1098, %sub3A_1100 : vector<16xi32>
      %shift_right_arithmetic3A_1102 = arith.constant 7 : i32
      %shift_right_arithmetic3A_1103 = vector.broadcast %shift_right_arithmetic3A_1102 : i32 to vector<16xi32>
      %shift_right_arithmetic3A_1104 = arith.shrsi %sub3A_1101, %shift_right_arithmetic3A_1103 : vector<16xi32>
      %and3A_1105 = arith.constant 127 : i32
      %and3A_1106 = vector.broadcast %and3A_1105 : i32 to vector<16xi32>
      %and3A_1107 = arith.andi %sub3A_1101, %and3A_1106 : vector<16xi32>
      tpu.vector_store_idx %arg16[%shift_right_arithmetic3A_1104, %and3A_1107], %get3A_1087 masked %lt3A_1093 : memref<80x128xi32, #tpu.memory_space<vmem>>[vector<16xi32>, vector<16xi32>], vector<16xi32>, vector<16xi1>
      tpu.vector_store_idx %arg15[%shift_right_arithmetic3A_1104, %and3A_1107], %get3A_1090 masked %lt3A_1093 : memref<80x128xi32, #tpu.memory_space<vmem>>[vector<16xi32>, vector<16xi32>], vector<16xi32>, vector<16xi1>
      %all_reduce_population_count3A_1108 = tpu.all_reduce %lt3A_1093 {dim = 0 : i64, kind = #tpu.reduction_kind<sum>} : vector<16xi1> -> vector<16xi32>
      %add3A_1109 = arith.addi %add3A_1048, %all_reduce_population_count3A_1108 : vector<16xi32>
      %get3A_1110 = arith.index_cast %add3A_1052 : i32 to index
      %get3A_1111 = arith.constant 16 : index
      %get3A_1112 = tpu.vector_load %arg12[%get3A_1110, %get3A_1111] {strides = array<i32>} : memref<80x128xi32, #tpu.memory_space<vmem>>, vector<16xi32>,
      %get3A_1113 = arith.index_cast %add3A_1052 : i32 to index
      %get3A_1114 = arith.constant 16 : index
      %get3A_1115 = tpu.vector_load %arg11[%get3A_1113, %get3A_1114] {strides = array<i32>} : memref<80x128xi32, #tpu.memory_space<vmem>>, vector<16xi32>,
      %lt3A_1116 = arith.constant 1024 : i32
      %lt3A_1117 = vector.broadcast %lt3A_1116 : i32 to vector<16xi32>
      %lt3A_1118 = arith.cmpi slt, %get3A_1112, %lt3A_1117 : vector<16xi32>
      %convert_element_type3A_1119 = arith.extui %lt3A_1118 : vector<16xi1> to vector<16xi32>
      %broadcast_in_dim3A_1120 = arith.constant true
      %broadcast_in_dim3A_1121 = vector.broadcast %broadcast_in_dim3A_1120 : i1 to vector<16xi1>
      %masked_cumsum3A_1122 = tpu.scan <sum>, %convert_element_type3A_1119 masked %broadcast_in_dim3A_1121 : vector<16xi32>, vector<16xi1> -> vector<16xi32>
      %add3A_1123 = arith.addi %add3A_1109, %masked_cumsum3A_1122 : vector<16xi32>
      %sub3A_1124 = arith.constant 1 : i32
      %sub3A_1125 = vector.broadcast %sub3A_1124 : i32 to vector<16xi32>
      %sub3A_1126 = arith.subi %add3A_1123, %sub3A_1125 : vector<16xi32>
      %shift_right_arithmetic3A_1127 = arith.constant 7 : i32
      %shift_right_arithmetic3A_1128 = vector.broadcast %shift_right_arithmetic3A_1127 : i32 to vector<16xi32>
      %shift_right_arithmetic3A_1129 = arith.shrsi %sub3A_1126, %shift_right_arithmetic3A_1128 : vector<16xi32>
      %and3A_1130 = arith.constant 127 : i32
      %and3A_1131 = vector.broadcast %and3A_1130 : i32 to vector<16xi32>
      %and3A_1132 = arith.andi %sub3A_1126, %and3A_1131 : vector<16xi32>
      tpu.vector_store_idx %arg16[%shift_right_arithmetic3A_1129, %and3A_1132], %get3A_1112 masked %lt3A_1118 : memref<80x128xi32, #tpu.memory_space<vmem>>[vector<16xi32>, vector<16xi32>], vector<16xi32>, vector<16xi1>
      tpu.vector_store_idx %arg15[%shift_right_arithmetic3A_1129, %and3A_1132], %get3A_1115 masked %lt3A_1118 : memref<80x128xi32, #tpu.memory_space<vmem>>[vector<16xi32>, vector<16xi32>], vector<16xi32>, vector<16xi1>
      %all_reduce_population_count3A_1133 = tpu.all_reduce %lt3A_1118 {dim = 0 : i64, kind = #tpu.reduction_kind<sum>} : vector<16xi1> -> vector<16xi32>
      %add3A_1134 = arith.addi %add3A_1109, %all_reduce_population_count3A_1133 : vector<16xi32>
      %get3A_1135 = arith.index_cast %add3A_1052 : i32 to index
      %get3A_1136 = arith.constant 32 : index
      %get3A_1137 = tpu.vector_load %arg12[%get3A_1135, %get3A_1136] {strides = array<i32>} : memref<80x128xi32, #tpu.memory_space<vmem>>, vector<16xi32>,
      %get3A_1138 = arith.index_cast %add3A_1052 : i32 to index
      %get3A_1139 = arith.constant 32 : index
      %get3A_1140 = tpu.vector_load %arg11[%get3A_1138, %get3A_1139] {strides = array<i32>} : memref<80x128xi32, #tpu.memory_space<vmem>>, vector<16xi32>,
      %lt3A_1141 = arith.constant 1024 : i32
      %lt3A_1142 = vector.broadcast %lt3A_1141 : i32 to vector<16xi32>
      %lt3A_1143 = arith.cmpi slt, %get3A_1137, %lt3A_1142 : vector<16xi32>
      %convert_element_type3A_1144 = arith.extui %lt3A_1143 : vector<16xi1> to vector<16xi32>
      %broadcast_in_dim3A_1145 = arith.constant true
      %broadcast_in_dim3A_1146 = vector.broadcast %broadcast_in_dim3A_1145 : i1 to vector<16xi1>
      %masked_cumsum3A_1147 = tpu.scan <sum>, %convert_element_type3A_1144 masked %broadcast_in_dim3A_1146 : vector<16xi32>, vector<16xi1> -> vector<16xi32>
      %add3A_1148 = arith.addi %add3A_1134, %masked_cumsum3A_1147 : vector<16xi32>
      %sub3A_1149 = arith.constant 1 : i32
      %sub3A_1150 = vector.broadcast %sub3A_1149 : i32 to vector<16xi32>
      %sub3A_1151 = arith.subi %add3A_1148, %sub3A_1150 : vector<16xi32>
      %shift_right_arithmetic3A_1152 = arith.constant 7 : i32
      %shift_right_arithmetic3A_1153 = vector.broadcast %shift_right_arithmetic3A_1152 : i32 to vector<16xi32>
      %shift_right_arithmetic3A_1154 = arith.shrsi %sub3A_1151, %shift_right_arithmetic3A_1153 : vector<16xi32>
      %and3A_1155 = arith.constant 127 : i32
      %and3A_1156 = vector.broadcast %and3A_1155 : i32 to vector<16xi32>
      %and3A_1157 = arith.andi %sub3A_1151, %and3A_1156 : vector<16xi32>
      tpu.vector_store_idx %arg16[%shift_right_arithmetic3A_1154, %and3A_1157], %get3A_1137 masked %lt3A_1143 : memref<80x128xi32, #tpu.memory_space<vmem>>[vector<16xi32>, vector<16xi32>], vector<16xi32>, vector<16xi1>
      tpu.vector_store_idx %arg15[%shift_right_arithmetic3A_1154, %and3A_1157], %get3A_1140 masked %lt3A_1143 : memref<80x128xi32, #tpu.memory_space<vmem>>[vector<16xi32>, vector<16xi32>], vector<16xi32>, vector<16xi1>
      %all_reduce_population_count3A_1158 = tpu.all_reduce %lt3A_1143 {dim = 0 : i64, kind = #tpu.reduction_kind<sum>} : vector<16xi1> -> vector<16xi32>
      %add3A_1159 = arith.addi %add3A_1134, %all_reduce_population_count3A_1158 : vector<16xi32>
      %get3A_1160 = arith.index_cast %add3A_1052 : i32 to index
      %get3A_1161 = arith.constant 48 : index
      %get3A_1162 = tpu.vector_load %arg12[%get3A_1160, %get3A_1161] {strides = array<i32>} : memref<80x128xi32, #tpu.memory_space<vmem>>, vector<16xi32>,
      %get3A_1163 = arith.index_cast %add3A_1052 : i32 to index
      %get3A_1164 = arith.constant 48 : index
      %get3A_1165 = tpu.vector_load %arg11[%get3A_1163, %get3A_1164] {strides = array<i32>} : memref<80x128xi32, #tpu.memory_space<vmem>>, vector<16xi32>,
      %lt3A_1166 = arith.constant 1024 : i32
      %lt3A_1167 = vector.broadcast %lt3A_1166 : i32 to vector<16xi32>
      %lt3A_1168 = arith.cmpi slt, %get3A_1162, %lt3A_1167 : vector<16xi32>
      %convert_element_type3A_1169 = arith.extui %lt3A_1168 : vector<16xi1> to vector<16xi32>
      %broadcast_in_dim3A_1170 = arith.constant true
      %broadcast_in_dim3A_1171 = vector.broadcast %broadcast_in_dim3A_1170 : i1 to vector<16xi1>
      %masked_cumsum3A_1172 = tpu.scan <sum>, %convert_element_type3A_1169 masked %broadcast_in_dim3A_1171 : vector<16xi32>, vector<16xi1> -> vector<16xi32>
      %add3A_1173 = arith.addi %add3A_1159, %masked_cumsum3A_1172 : vector<16xi32>
      %sub3A_1174 = arith.constant 1 : i32
      %sub3A_1175 = vector.broadcast %sub3A_1174 : i32 to vector<16xi32>
      %sub3A_1176 = arith.subi %add3A_1173, %sub3A_1175 : vector<16xi32>
      %shift_right_arithmetic3A_1177 = arith.constant 7 : i32
      %shift_right_arithmetic3A_1178 = vector.broadcast %shift_right_arithmetic3A_1177 : i32 to vector<16xi32>
      %shift_right_arithmetic3A_1179 = arith.shrsi %sub3A_1176, %shift_right_arithmetic3A_1178 : vector<16xi32>
      %and3A_1180 = arith.constant 127 : i32
      %and3A_1181 = vector.broadcast %and3A_1180 : i32 to vector<16xi32>
      %and3A_1182 = arith.andi %sub3A_1176, %and3A_1181 : vector<16xi32>
      tpu.vector_store_idx %arg16[%shift_right_arithmetic3A_1179, %and3A_1182], %get3A_1162 masked %lt3A_1168 : memref<80x128xi32, #tpu.memory_space<vmem>>[vector<16xi32>, vector<16xi32>], vector<16xi32>, vector<16xi1>
      tpu.vector_store_idx %arg15[%shift_right_arithmetic3A_1179, %and3A_1182], %get3A_1165 masked %lt3A_1168 : memref<80x128xi32, #tpu.memory_space<vmem>>[vector<16xi32>, vector<16xi32>], vector<16xi32>, vector<16xi1>
      %all_reduce_population_count3A_1183 = tpu.all_reduce %lt3A_1168 {dim = 0 : i64, kind = #tpu.reduction_kind<sum>} : vector<16xi1> -> vector<16xi32>
      %add3A_1184 = arith.addi %add3A_1159, %all_reduce_population_count3A_1183 : vector<16xi32>
      %get3A_1185 = arith.index_cast %add3A_1052 : i32 to index
      %get3A_1186 = arith.constant 64 : index
      %get3A_1187 = tpu.vector_load %arg12[%get3A_1185, %get3A_1186] {strides = array<i32>} : memref<80x128xi32, #tpu.memory_space<vmem>>, vector<16xi32>,
      %get3A_1188 = arith.index_cast %add3A_1052 : i32 to index
      %get3A_1189 = arith.constant 64 : index
      %get3A_1190 = tpu.vector_load %arg11[%get3A_1188, %get3A_1189] {strides = array<i32>} : memref<80x128xi32, #tpu.memory_space<vmem>>, vector<16xi32>,
      %lt3A_1191 = arith.constant 1024 : i32
      %lt3A_1192 = vector.broadcast %lt3A_1191 : i32 to vector<16xi32>
      %lt3A_1193 = arith.cmpi slt, %get3A_1187, %lt3A_1192 : vector<16xi32>
      %convert_element_type3A_1194 = arith.extui %lt3A_1193 : vector<16xi1> to vector<16xi32>
      %broadcast_in_dim3A_1195 = arith.constant true
      %broadcast_in_dim3A_1196 = vector.broadcast %broadcast_in_dim3A_1195 : i1 to vector<16xi1>
      %masked_cumsum3A_1197 = tpu.scan <sum>, %convert_element_type3A_1194 masked %broadcast_in_dim3A_1196 : vector<16xi32>, vector<16xi1> -> vector<16xi32>
      %add3A_1198 = arith.addi %add3A_1184, %masked_cumsum3A_1197 : vector<16xi32>
      %sub3A_1199 = arith.constant 1 : i32
      %sub3A_1200 = vector.broadcast %sub3A_1199 : i32 to vector<16xi32>
      %sub3A_1201 = arith.subi %add3A_1198, %sub3A_1200 : vector<16xi32>
      %shift_right_arithmetic3A_1202 = arith.constant 7 : i32
      %shift_right_arithmetic3A_1203 = vector.broadcast %shift_right_arithmetic3A_1202 : i32 to vector<16xi32>
      %shift_right_arithmetic3A_1204 = arith.shrsi %sub3A_1201, %shift_right_arithmetic3A_1203 : vector<16xi32>
      %and3A_1205 = arith.constant 127 : i32
      %and3A_1206 = vector.broadcast %and3A_1205 : i32 to vector<16xi32>
      %and3A_1207 = arith.andi %sub3A_1201, %and3A_1206 : vector<16xi32>
      tpu.vector_store_idx %arg16[%shift_right_arithmetic3A_1204, %and3A_1207], %get3A_1187 masked %lt3A_1193 : memref<80x128xi32, #tpu.memory_space<vmem>>[vector<16xi32>, vector<16xi32>], vector<16xi32>, vector<16xi1>
      tpu.vector_store_idx %arg15[%shift_right_arithmetic3A_1204, %and3A_1207], %get3A_1190 masked %lt3A_1193 : memref<80x128xi32, #tpu.memory_space<vmem>>[vector<16xi32>, vector<16xi32>], vector<16xi32>, vector<16xi1>
      %all_reduce_population_count3A_1208 = tpu.all_reduce %lt3A_1193 {dim = 0 : i64, kind = #tpu.reduction_kind<sum>} : vector<16xi1> -> vector<16xi32>
      %add3A_1209 = arith.addi %add3A_1184, %all_reduce_population_count3A_1208 : vector<16xi32>
      %get3A_1210 = arith.index_cast %add3A_1052 : i32 to index
      %get3A_1211 = arith.constant 80 : index
      %get3A_1212 = tpu.vector_load %arg12[%get3A_1210, %get3A_1211] {strides = array<i32>} : memref<80x128xi32, #tpu.memory_space<vmem>>, vector<16xi32>,
      %get3A_1213 = arith.index_cast %add3A_1052 : i32 to index
      %get3A_1214 = arith.constant 80 : index
      %get3A_1215 = tpu.vector_load %arg11[%get3A_1213, %get3A_1214] {strides = array<i32>} : memref<80x128xi32, #tpu.memory_space<vmem>>, vector<16xi32>,
      %lt3A_1216 = arith.constant 1024 : i32
      %lt3A_1217 = vector.broadcast %lt3A_1216 : i32 to vector<16xi32>
      %lt3A_1218 = arith.cmpi slt, %get3A_1212, %lt3A_1217 : vector<16xi32>
      %convert_element_type3A_1219 = arith.extui %lt3A_1218 : vector<16xi1> to vector<16xi32>
      %broadcast_in_dim3A_1220 = arith.constant true
      %broadcast_in_dim3A_1221 = vector.broadcast %broadcast_in_dim3A_1220 : i1 to vector<16xi1>
      %masked_cumsum3A_1222 = tpu.scan <sum>, %convert_element_type3A_1219 masked %broadcast_in_dim3A_1221 : vector<16xi32>, vector<16xi1> -> vector<16xi32>
      %add3A_1223 = arith.addi %add3A_1209, %masked_cumsum3A_1222 : vector<16xi32>
      %sub3A_1224 = arith.constant 1 : i32
      %sub3A_1225 = vector.broadcast %sub3A_1224 : i32 to vector<16xi32>
      %sub3A_1226 = arith.subi %add3A_1223, %sub3A_1225 : vector<16xi32>
      %shift_right_arithmetic3A_1227 = arith.constant 7 : i32
      %shift_right_arithmetic3A_1228 = vector.broadcast %shift_right_arithmetic3A_1227 : i32 to vector<16xi32>
      %shift_right_arithmetic3A_1229 = arith.shrsi %sub3A_1226, %shift_right_arithmetic3A_1228 : vector<16xi32>
      %and3A_1230 = arith.constant 127 : i32
      %and3A_1231 = vector.broadcast %and3A_1230 : i32 to vector<16xi32>
      %and3A_1232 = arith.andi %sub3A_1226, %and3A_1231 : vector<16xi32>
      tpu.vector_store_idx %arg16[%shift_right_arithmetic3A_1229, %and3A_1232], %get3A_1212 masked %lt3A_1218 : memref<80x128xi32, #tpu.memory_space<vmem>>[vector<16xi32>, vector<16xi32>], vector<16xi32>, vector<16xi1>
      tpu.vector_store_idx %arg15[%shift_right_arithmetic3A_1229, %and3A_1232], %get3A_1215 masked %lt3A_1218 : memref<80x128xi32, #tpu.memory_space<vmem>>[vector<16xi32>, vector<16xi32>], vector<16xi32>, vector<16xi1>
      %all_reduce_population_count3A_1233 = tpu.all_reduce %lt3A_1218 {dim = 0 : i64, kind = #tpu.reduction_kind<sum>} : vector<16xi1> -> vector<16xi32>
      %add3A_1234 = arith.addi %add3A_1209, %all_reduce_population_count3A_1233 : vector<16xi32>
      %get3A_1235 = arith.index_cast %add3A_1052 : i32 to index
      %get3A_1236 = arith.constant 96 : index
      %get3A_1237 = tpu.vector_load %arg12[%get3A_1235, %get3A_1236] {strides = array<i32>} : memref<80x128xi32, #tpu.memory_space<vmem>>, vector<16xi32>,
      %get3A_1238 = arith.index_cast %add3A_1052 : i32 to index
      %get3A_1239 = arith.constant 96 : index
      %get3A_1240 = tpu.vector_load %arg11[%get3A_1238, %get3A_1239] {strides = array<i32>} : memref<80x128xi32, #tpu.memory_space<vmem>>, vector<16xi32>,
      %lt3A_1241 = arith.constant 1024 : i32
      %lt3A_1242 = vector.broadcast %lt3A_1241 : i32 to vector<16xi32>
      %lt3A_1243 = arith.cmpi slt, %get3A_1237, %lt3A_1242 : vector<16xi32>
      %convert_element_type3A_1244 = arith.extui %lt3A_1243 : vector<16xi1> to vector<16xi32>
      %broadcast_in_dim3A_1245 = arith.constant true
      %broadcast_in_dim3A_1246 = vector.broadcast %broadcast_in_dim3A_1245 : i1 to vector<16xi1>
      %masked_cumsum3A_1247 = tpu.scan <sum>, %convert_element_type3A_1244 masked %broadcast_in_dim3A_1246 : vector<16xi32>, vector<16xi1> -> vector<16xi32>
      %add3A_1248 = arith.addi %add3A_1234, %masked_cumsum3A_1247 : vector<16xi32>
      %sub3A_1249 = arith.constant 1 : i32
      %sub3A_1250 = vector.broadcast %sub3A_1249 : i32 to vector<16xi32>
      %sub3A_1251 = arith.subi %add3A_1248, %sub3A_1250 : vector<16xi32>
      %shift_right_arithmetic3A_1252 = arith.constant 7 : i32
      %shift_right_arithmetic3A_1253 = vector.broadcast %shift_right_arithmetic3A_1252 : i32 to vector<16xi32>
      %shift_right_arithmetic3A_1254 = arith.shrsi %sub3A_1251, %shift_right_arithmetic3A_1253 : vector<16xi32>
      %and3A_1255 = arith.constant 127 : i32
      %and3A_1256 = vector.broadcast %and3A_1255 : i32 to vector<16xi32>
      %and3A_1257 = arith.andi %sub3A_1251, %and3A_1256 : vector<16xi32>
      tpu.vector_store_idx %arg16[%shift_right_arithmetic3A_1254, %and3A_1257], %get3A_1237 masked %lt3A_1243 : memref<80x128xi32, #tpu.memory_space<vmem>>[vector<16xi32>, vector<16xi32>], vector<16xi32>, vector<16xi1>
      tpu.vector_store_idx %arg15[%shift_right_arithmetic3A_1254, %and3A_1257], %get3A_1240 masked %lt3A_1243 : memref<80x128xi32, #tpu.memory_space<vmem>>[vector<16xi32>, vector<16xi32>], vector<16xi32>, vector<16xi1>
      %all_reduce_population_count3A_1258 = tpu.all_reduce %lt3A_1243 {dim = 0 : i64, kind = #tpu.reduction_kind<sum>} : vector<16xi1> -> vector<16xi32>
      %add3A_1259 = arith.addi %add3A_1234, %all_reduce_population_count3A_1258 : vector<16xi32>
      %get3A_1260 = arith.index_cast %add3A_1052 : i32 to index
      %get3A_1261 = arith.constant 112 : index
      %get3A_1262 = tpu.vector_load %arg12[%get3A_1260, %get3A_1261] {strides = array<i32>} : memref<80x128xi32, #tpu.memory_space<vmem>>, vector<16xi32>,
      %get3A_1263 = arith.index_cast %add3A_1052 : i32 to index
      %get3A_1264 = arith.constant 112 : index
      %get3A_1265 = tpu.vector_load %arg11[%get3A_1263, %get3A_1264] {strides = array<i32>} : memref<80x128xi32, #tpu.memory_space<vmem>>, vector<16xi32>,
      %lt3A_1266 = arith.constant 1024 : i32
      %lt3A_1267 = vector.broadcast %lt3A_1266 : i32 to vector<16xi32>
      %lt3A_1268 = arith.cmpi slt, %get3A_1262, %lt3A_1267 : vector<16xi32>
      %convert_element_type3A_1269 = arith.extui %lt3A_1268 : vector<16xi1> to vector<16xi32>
      %broadcast_in_dim3A_1270 = arith.constant true
      %broadcast_in_dim3A_1271 = vector.broadcast %broadcast_in_dim3A_1270 : i1 to vector<16xi1>
      %masked_cumsum3A_1272 = tpu.scan <sum>, %convert_element_type3A_1269 masked %broadcast_in_dim3A_1271 : vector<16xi32>, vector<16xi1> -> vector<16xi32>
      %add3A_1273 = arith.addi %add3A_1259, %masked_cumsum3A_1272 : vector<16xi32>
      %sub3A_1274 = arith.constant 1 : i32
      %sub3A_1275 = vector.broadcast %sub3A_1274 : i32 to vector<16xi32>
      %sub3A_1276 = arith.subi %add3A_1273, %sub3A_1275 : vector<16xi32>
      %shift_right_arithmetic3A_1277 = arith.constant 7 : i32
      %shift_right_arithmetic3A_1278 = vector.broadcast %shift_right_arithmetic3A_1277 : i32 to vector<16xi32>
      %shift_right_arithmetic3A_1279 = arith.shrsi %sub3A_1276, %shift_right_arithmetic3A_1278 : vector<16xi32>
      %and3A_1280 = arith.constant 127 : i32
      %and3A_1281 = vector.broadcast %and3A_1280 : i32 to vector<16xi32>
      %and3A_1282 = arith.andi %sub3A_1276, %and3A_1281 : vector<16xi32>
      tpu.vector_store_idx %arg16[%shift_right_arithmetic3A_1279, %and3A_1282], %get3A_1262 masked %lt3A_1268 : memref<80x128xi32, #tpu.memory_space<vmem>>[vector<16xi32>, vector<16xi32>], vector<16xi32>, vector<16xi1>
      tpu.vector_store_idx %arg15[%shift_right_arithmetic3A_1279, %and3A_1282], %get3A_1265 masked %lt3A_1268 : memref<80x128xi32, #tpu.memory_space<vmem>>[vector<16xi32>, vector<16xi32>], vector<16xi32>, vector<16xi1>
      %all_reduce_population_count3A_1283 = tpu.all_reduce %lt3A_1268 {dim = 0 : i64, kind = #tpu.reduction_kind<sum>} : vector<16xi1> -> vector<16xi32>
      %add3A_1284 = arith.addi %add3A_1259, %all_reduce_population_count3A_1283 : vector<16xi32>
      %mul3A_1285 = arith.constant 8 : i32
      %mul3A_1286 = arith.muli %add3A_114, %mul3A_1285 : i32
      %add3A_1287 = arith.constant 5 : i32
      %add3A_1288 = arith.addi %mul3A_1286, %add3A_1287 : i32
      %dma_wait3A_1289 = arith.constant 5 : i32
      %dma_wait3A_1290 = arith.constant 0 : i32
      %dma_wait3A_1291 = arith.constant 0 : i32
      %dma_wait3A_1292 = tpu.memref_slice %arg13[%dma_wait3A_1289, %dma_wait3A_1290, %dma_wait3A_1291] : memref<8x128x16xf32, #tpu.memory_space<vmem>> -> memref<1x128x16xf32, #tpu.memory_space<vmem>>
      %dma_wait3A_1293 = tpu.memref_squeeze %dma_wait3A_1292 : memref<1x128x16xf32, #tpu.memory_space<vmem>> -> memref<128x16xf32, #tpu.memory_space<vmem>>
      %dma_wait3A_1294 = arith.constant 0 : i32
      %dma_wait3A_1295 = tpu.memref_slice %arg11[%add3A_1288, %dma_wait3A_1294] : memref<80x128xi32, #tpu.memory_space<vmem>> -> memref<1x128xi32, #tpu.memory_space<vmem>>
      %dma_wait3A_1296 = tpu.memref_squeeze %dma_wait3A_1295 : memref<1x128xi32, #tpu.memory_space<vmem>> -> memref<128xi32, #tpu.memory_space<vmem>>
      %dma_wait3A_1297 = arith.constant 0 : i32
      %dma_wait3A_1298 = arith.constant 0 : i32
      %dma_wait3A_1299 = tpu.memref_slice %arg2[%dma_wait3A_1297, %dma_wait3A_1298] : memref<10240x16xf32, #tpu.memory_space<hbm>> -> memref<10240x16xf32, #tpu.memory_space<hbm>>
      tpu.wait_indirect_dma semaphore(%arg23 : memref<!tpu.dma_semaphore, #tpu.memory_space<semaphore_mem>>) src(%dma_wait3A_1299 : memref<10240x16xf32, #tpu.memory_space<hbm>>) dst(%dma_wait3A_1293 : memref<128x16xf32, #tpu.memory_space<vmem>>)
      %dma_start3A_1300 = arith.constant 5 : i32
      %dma_start3A_1301 = arith.constant 0 : i32
      %dma_start3A_1302 = arith.constant 0 : i32
      %dma_start3A_1303 = tpu.memref_slice %arg13[%dma_start3A_1300, %dma_start3A_1301, %dma_start3A_1302] : memref<8x128x16xf32, #tpu.memory_space<vmem>> -> memref<1x128x16xf32, #tpu.memory_space<vmem>>
      %dma_start3A_1304 = tpu.memref_squeeze %dma_start3A_1303 : memref<1x128x16xf32, #tpu.memory_space<vmem>> -> memref<128x16xf32, #tpu.memory_space<vmem>>
      %dma_start3A_1305 = arith.constant 0 : i32
      %dma_start3A_1306 = tpu.memref_slice %arg12[%add3A_1288, %dma_start3A_1305] : memref<80x128xi32, #tpu.memory_space<vmem>> -> memref<1x128xi32, #tpu.memory_space<vmem>>
      %dma_start3A_1307 = tpu.memref_squeeze %dma_start3A_1306 : memref<1x128xi32, #tpu.memory_space<vmem>> -> memref<128xi32, #tpu.memory_space<vmem>>
      %dma_start3A_1308 = arith.constant 0 : i32
      %dma_start3A_1309 = arith.constant 0 : i32
      %dma_start3A_1310 = tpu.memref_slice %arg14[%dma_start3A_1308, %dma_start3A_1309] : memref<10240x16xf32, #tpu.memory_space<vmem_shared>> -> memref<10240x16xf32, #tpu.memory_space<vmem_shared>>
      tpu.enqueue_indirect_dma source(%dma_start3A_1304 : memref<128x16xf32, #tpu.memory_space<vmem>>) target(%dma_start3A_1310 : memref<10240x16xf32, #tpu.memory_space<vmem_shared>>) offsets(%dma_start3A_1307 : memref<128xi32, #tpu.memory_space<vmem>>) semaphore(%arg23 : memref<!tpu.dma_semaphore, #tpu.memory_space<semaphore_mem>>) {add = true}
      %ge3A_1311 = arith.constant 2 : i32
      %ge3A_1312 = arith.cmpi sge, %add3A_1288, %ge3A_1311 : i32
      %convert_element_type3A_1313 = arith.extui %ge3A_1312 : i1 to i32
      %cond3A_1314 = arith.constant 0 : i32
      %cond3A_1315 = arith.cmpi ne, %convert_element_type3A_1313, %cond3A_1314 : i32
      scf.if %cond3A_1315 {
        %sub3A_1993 = arith.constant 2 : i32
        %sub3A_1994 = arith.subi %add3A_1288, %sub3A_1993 : i32
        %dma_wait3A_1995 = arith.constant 3 : i32
        %dma_wait3A_1996 = arith.constant 0 : i32
        %dma_wait3A_1997 = arith.constant 0 : i32
        %dma_wait3A_1998 = tpu.memref_slice %arg13[%dma_wait3A_1995, %dma_wait3A_1996, %dma_wait3A_1997] : memref<8x128x16xf32, #tpu.memory_space<vmem>> -> memref<1x128x16xf32, #tpu.memory_space<vmem>>
        %dma_wait3A_1999 = tpu.memref_squeeze %dma_wait3A_1998 : memref<1x128x16xf32, #tpu.memory_space<vmem>> -> memref<128x16xf32, #tpu.memory_space<vmem>>
        %dma_wait3A_2000 = arith.constant 0 : i32
        %dma_wait3A_2001 = tpu.memref_slice %arg12[%sub3A_1994, %dma_wait3A_2000] : memref<80x128xi32, #tpu.memory_space<vmem>> -> memref<1x128xi32, #tpu.memory_space<vmem>>
        %dma_wait3A_2002 = tpu.memref_squeeze %dma_wait3A_2001 : memref<1x128xi32, #tpu.memory_space<vmem>> -> memref<128xi32, #tpu.memory_space<vmem>>
        %dma_wait3A_2003 = arith.constant 0 : i32
        %dma_wait3A_2004 = arith.constant 0 : i32
        %dma_wait3A_2005 = tpu.memref_slice %arg14[%dma_wait3A_2003, %dma_wait3A_2004] : memref<10240x16xf32, #tpu.memory_space<vmem_shared>> -> memref<10240x16xf32, #tpu.memory_space<vmem_shared>>
        tpu.wait_indirect_dma semaphore(%arg21 : memref<!tpu.dma_semaphore, #tpu.memory_space<semaphore_mem>>) src(%dma_wait3A_1999 : memref<128x16xf32, #tpu.memory_space<vmem>>) dst(%dma_wait3A_2005 : memref<10240x16xf32, #tpu.memory_space<vmem_shared>>)
      } else {
      }
      %lt3A_1316 = arith.constant 74 : i32
      %lt3A_1317 = arith.cmpi slt, %add3A_1288, %lt3A_1316 : i32
      %convert_element_type3A_1318 = arith.extui %lt3A_1317 : i1 to i32
      %cond3A_1319 = arith.constant 0 : i32
      %cond3A_1320 = arith.cmpi ne, %convert_element_type3A_1318, %cond3A_1319 : i32
      scf.if %cond3A_1320 {
        %add3A_1993 = arith.constant 6 : i32
        %add3A_1994 = arith.addi %add3A_1288, %add3A_1993 : i32
        %dma_start3A_1995 = arith.constant 3 : i32
        %dma_start3A_1996 = arith.constant 0 : i32
        %dma_start3A_1997 = arith.constant 0 : i32
        %dma_start3A_1998 = tpu.memref_slice %arg13[%dma_start3A_1995, %dma_start3A_1996, %dma_start3A_1997] : memref<8x128x16xf32, #tpu.memory_space<vmem>> -> memref<1x128x16xf32, #tpu.memory_space<vmem>>
        %dma_start3A_1999 = tpu.memref_squeeze %dma_start3A_1998 : memref<1x128x16xf32, #tpu.memory_space<vmem>> -> memref<128x16xf32, #tpu.memory_space<vmem>>
        %dma_start3A_2000 = arith.constant 0 : i32
        %dma_start3A_2001 = tpu.memref_slice %arg11[%add3A_1994, %dma_start3A_2000] : memref<80x128xi32, #tpu.memory_space<vmem>> -> memref<1x128xi32, #tpu.memory_space<vmem>>
        %dma_start3A_2002 = tpu.memref_squeeze %dma_start3A_2001 : memref<1x128xi32, #tpu.memory_space<vmem>> -> memref<128xi32, #tpu.memory_space<vmem>>
        %dma_start3A_2003 = arith.constant 0 : i32
        %dma_start3A_2004 = arith.constant 0 : i32
        %dma_start3A_2005 = tpu.memref_slice %arg2[%dma_start3A_2003, %dma_start3A_2004] : memref<10240x16xf32, #tpu.memory_space<hbm>> -> memref<10240x16xf32, #tpu.memory_space<hbm>>
        tpu.enqueue_indirect_dma source(%dma_start3A_2005 : memref<10240x16xf32, #tpu.memory_space<hbm>>) target(%dma_start3A_1999 : memref<128x16xf32, #tpu.memory_space<vmem>>) offsets(%dma_start3A_2002 : memref<128xi32, #tpu.memory_space<vmem>>) semaphore(%arg21 : memref<!tpu.dma_semaphore, #tpu.memory_space<semaphore_mem>>)
      } else {
      }
      %get3A_1321 = arith.index_cast %add3A_1288 : i32 to index
      %get3A_1322 = arith.constant 0 : index
      %get3A_1323 = tpu.vector_load %arg12[%get3A_1321, %get3A_1322] {strides = array<i32>} : memref<80x128xi32, #tpu.memory_space<vmem>>, vector<16xi32>,
      %get3A_1324 = arith.index_cast %add3A_1288 : i32 to index
      %get3A_1325 = arith.constant 0 : index
      %get3A_1326 = tpu.vector_load %arg11[%get3A_1324, %get3A_1325] {strides = array<i32>} : memref<80x128xi32, #tpu.memory_space<vmem>>, vector<16xi32>,
      %lt3A_1327 = arith.constant 1024 : i32
      %lt3A_1328 = vector.broadcast %lt3A_1327 : i32 to vector<16xi32>
      %lt3A_1329 = arith.cmpi slt, %get3A_1323, %lt3A_1328 : vector<16xi32>
      %convert_element_type3A_1330 = arith.extui %lt3A_1329 : vector<16xi1> to vector<16xi32>
      %broadcast_in_dim3A_1331 = arith.constant true
      %broadcast_in_dim3A_1332 = vector.broadcast %broadcast_in_dim3A_1331 : i1 to vector<16xi1>
      %masked_cumsum3A_1333 = tpu.scan <sum>, %convert_element_type3A_1330 masked %broadcast_in_dim3A_1332 : vector<16xi32>, vector<16xi1> -> vector<16xi32>
      %add3A_1334 = arith.addi %add3A_1284, %masked_cumsum3A_1333 : vector<16xi32>
      %sub3A_1335 = arith.constant 1 : i32
      %sub3A_1336 = vector.broadcast %sub3A_1335 : i32 to vector<16xi32>
      %sub3A_1337 = arith.subi %add3A_1334, %sub3A_1336 : vector<16xi32>
      %shift_right_arithmetic3A_1338 = arith.constant 7 : i32
      %shift_right_arithmetic3A_1339 = vector.broadcast %shift_right_arithmetic3A_1338 : i32 to vector<16xi32>
      %shift_right_arithmetic3A_1340 = arith.shrsi %sub3A_1337, %shift_right_arithmetic3A_1339 : vector<16xi32>
      %and3A_1341 = arith.constant 127 : i32
      %and3A_1342 = vector.broadcast %and3A_1341 : i32 to vector<16xi32>
      %and3A_1343 = arith.andi %sub3A_1337, %and3A_1342 : vector<16xi32>
      tpu.vector_store_idx %arg16[%shift_right_arithmetic3A_1340, %and3A_1343], %get3A_1323 masked %lt3A_1329 : memref<80x128xi32, #tpu.memory_space<vmem>>[vector<16xi32>, vector<16xi32>], vector<16xi32>, vector<16xi1>
      tpu.vector_store_idx %arg15[%shift_right_arithmetic3A_1340, %and3A_1343], %get3A_1326 masked %lt3A_1329 : memref<80x128xi32, #tpu.memory_space<vmem>>[vector<16xi32>, vector<16xi32>], vector<16xi32>, vector<16xi1>
      %all_reduce_population_count3A_1344 = tpu.all_reduce %lt3A_1329 {dim = 0 : i64, kind = #tpu.reduction_kind<sum>} : vector<16xi1> -> vector<16xi32>
      %add3A_1345 = arith.addi %add3A_1284, %all_reduce_population_count3A_1344 : vector<16xi32>
      %get3A_1346 = arith.index_cast %add3A_1288 : i32 to index
      %get3A_1347 = arith.constant 16 : index
      %get3A_1348 = tpu.vector_load %arg12[%get3A_1346, %get3A_1347] {strides = array<i32>} : memref<80x128xi32, #tpu.memory_space<vmem>>, vector<16xi32>,
      %get3A_1349 = arith.index_cast %add3A_1288 : i32 to index
      %get3A_1350 = arith.constant 16 : index
      %get3A_1351 = tpu.vector_load %arg11[%get3A_1349, %get3A_1350] {strides = array<i32>} : memref<80x128xi32, #tpu.memory_space<vmem>>, vector<16xi32>,
      %lt3A_1352 = arith.constant 1024 : i32
      %lt3A_1353 = vector.broadcast %lt3A_1352 : i32 to vector<16xi32>
      %lt3A_1354 = arith.cmpi slt, %get3A_1348, %lt3A_1353 : vector<16xi32>
      %convert_element_type3A_1355 = arith.extui %lt3A_1354 : vector<16xi1> to vector<16xi32>
      %broadcast_in_dim3A_1356 = arith.constant true
      %broadcast_in_dim3A_1357 = vector.broadcast %broadcast_in_dim3A_1356 : i1 to vector<16xi1>
      %masked_cumsum3A_1358 = tpu.scan <sum>, %convert_element_type3A_1355 masked %broadcast_in_dim3A_1357 : vector<16xi32>, vector<16xi1> -> vector<16xi32>
      %add3A_1359 = arith.addi %add3A_1345, %masked_cumsum3A_1358 : vector<16xi32>
      %sub3A_1360 = arith.constant 1 : i32
      %sub3A_1361 = vector.broadcast %sub3A_1360 : i32 to vector<16xi32>
      %sub3A_1362 = arith.subi %add3A_1359, %sub3A_1361 : vector<16xi32>
      %shift_right_arithmetic3A_1363 = arith.constant 7 : i32
      %shift_right_arithmetic3A_1364 = vector.broadcast %shift_right_arithmetic3A_1363 : i32 to vector<16xi32>
      %shift_right_arithmetic3A_1365 = arith.shrsi %sub3A_1362, %shift_right_arithmetic3A_1364 : vector<16xi32>
      %and3A_1366 = arith.constant 127 : i32
      %and3A_1367 = vector.broadcast %and3A_1366 : i32 to vector<16xi32>
      %and3A_1368 = arith.andi %sub3A_1362, %and3A_1367 : vector<16xi32>
      tpu.vector_store_idx %arg16[%shift_right_arithmetic3A_1365, %and3A_1368], %get3A_1348 masked %lt3A_1354 : memref<80x128xi32, #tpu.memory_space<vmem>>[vector<16xi32>, vector<16xi32>], vector<16xi32>, vector<16xi1>
      tpu.vector_store_idx %arg15[%shift_right_arithmetic3A_1365, %and3A_1368], %get3A_1351 masked %lt3A_1354 : memref<80x128xi32, #tpu.memory_space<vmem>>[vector<16xi32>, vector<16xi32>], vector<16xi32>, vector<16xi1>
      %all_reduce_population_count3A_1369 = tpu.all_reduce %lt3A_1354 {dim = 0 : i64, kind = #tpu.reduction_kind<sum>} : vector<16xi1> -> vector<16xi32>
      %add3A_1370 = arith.addi %add3A_1345, %all_reduce_population_count3A_1369 : vector<16xi32>
      %get3A_1371 = arith.index_cast %add3A_1288 : i32 to index
      %get3A_1372 = arith.constant 32 : index
      %get3A_1373 = tpu.vector_load %arg12[%get3A_1371, %get3A_1372] {strides = array<i32>} : memref<80x128xi32, #tpu.memory_space<vmem>>, vector<16xi32>,
      %get3A_1374 = arith.index_cast %add3A_1288 : i32 to index
      %get3A_1375 = arith.constant 32 : index
      %get3A_1376 = tpu.vector_load %arg11[%get3A_1374, %get3A_1375] {strides = array<i32>} : memref<80x128xi32, #tpu.memory_space<vmem>>, vector<16xi32>,
      %lt3A_1377 = arith.constant 1024 : i32
      %lt3A_1378 = vector.broadcast %lt3A_1377 : i32 to vector<16xi32>
      %lt3A_1379 = arith.cmpi slt, %get3A_1373, %lt3A_1378 : vector<16xi32>
      %convert_element_type3A_1380 = arith.extui %lt3A_1379 : vector<16xi1> to vector<16xi32>
      %broadcast_in_dim3A_1381 = arith.constant true
      %broadcast_in_dim3A_1382 = vector.broadcast %broadcast_in_dim3A_1381 : i1 to vector<16xi1>
      %masked_cumsum3A_1383 = tpu.scan <sum>, %convert_element_type3A_1380 masked %broadcast_in_dim3A_1382 : vector<16xi32>, vector<16xi1> -> vector<16xi32>
      %add3A_1384 = arith.addi %add3A_1370, %masked_cumsum3A_1383 : vector<16xi32>
      %sub3A_1385 = arith.constant 1 : i32
      %sub3A_1386 = vector.broadcast %sub3A_1385 : i32 to vector<16xi32>
      %sub3A_1387 = arith.subi %add3A_1384, %sub3A_1386 : vector<16xi32>
      %shift_right_arithmetic3A_1388 = arith.constant 7 : i32
      %shift_right_arithmetic3A_1389 = vector.broadcast %shift_right_arithmetic3A_1388 : i32 to vector<16xi32>
      %shift_right_arithmetic3A_1390 = arith.shrsi %sub3A_1387, %shift_right_arithmetic3A_1389 : vector<16xi32>
      %and3A_1391 = arith.constant 127 : i32
      %and3A_1392 = vector.broadcast %and3A_1391 : i32 to vector<16xi32>
      %and3A_1393 = arith.andi %sub3A_1387, %and3A_1392 : vector<16xi32>
      tpu.vector_store_idx %arg16[%shift_right_arithmetic3A_1390, %and3A_1393], %get3A_1373 masked %lt3A_1379 : memref<80x128xi32, #tpu.memory_space<vmem>>[vector<16xi32>, vector<16xi32>], vector<16xi32>, vector<16xi1>
      tpu.vector_store_idx %arg15[%shift_right_arithmetic3A_1390, %and3A_1393], %get3A_1376 masked %lt3A_1379 : memref<80x128xi32, #tpu.memory_space<vmem>>[vector<16xi32>, vector<16xi32>], vector<16xi32>, vector<16xi1>
      %all_reduce_population_count3A_1394 = tpu.all_reduce %lt3A_1379 {dim = 0 : i64, kind = #tpu.reduction_kind<sum>} : vector<16xi1> -> vector<16xi32>
      %add3A_1395 = arith.addi %add3A_1370, %all_reduce_population_count3A_1394 : vector<16xi32>
      %get3A_1396 = arith.index_cast %add3A_1288 : i32 to index
      %get3A_1397 = arith.constant 48 : index
      %get3A_1398 = tpu.vector_load %arg12[%get3A_1396, %get3A_1397] {strides = array<i32>} : memref<80x128xi32, #tpu.memory_space<vmem>>, vector<16xi32>,
      %get3A_1399 = arith.index_cast %add3A_1288 : i32 to index
      %get3A_1400 = arith.constant 48 : index
      %get3A_1401 = tpu.vector_load %arg11[%get3A_1399, %get3A_1400] {strides = array<i32>} : memref<80x128xi32, #tpu.memory_space<vmem>>, vector<16xi32>,
      %lt3A_1402 = arith.constant 1024 : i32
      %lt3A_1403 = vector.broadcast %lt3A_1402 : i32 to vector<16xi32>
      %lt3A_1404 = arith.cmpi slt, %get3A_1398, %lt3A_1403 : vector<16xi32>
      %convert_element_type3A_1405 = arith.extui %lt3A_1404 : vector<16xi1> to vector<16xi32>
      %broadcast_in_dim3A_1406 = arith.constant true
      %broadcast_in_dim3A_1407 = vector.broadcast %broadcast_in_dim3A_1406 : i1 to vector<16xi1>
      %masked_cumsum3A_1408 = tpu.scan <sum>, %convert_element_type3A_1405 masked %broadcast_in_dim3A_1407 : vector<16xi32>, vector<16xi1> -> vector<16xi32>
      %add3A_1409 = arith.addi %add3A_1395, %masked_cumsum3A_1408 : vector<16xi32>
      %sub3A_1410 = arith.constant 1 : i32
      %sub3A_1411 = vector.broadcast %sub3A_1410 : i32 to vector<16xi32>
      %sub3A_1412 = arith.subi %add3A_1409, %sub3A_1411 : vector<16xi32>
      %shift_right_arithmetic3A_1413 = arith.constant 7 : i32
      %shift_right_arithmetic3A_1414 = vector.broadcast %shift_right_arithmetic3A_1413 : i32 to vector<16xi32>
      %shift_right_arithmetic3A_1415 = arith.shrsi %sub3A_1412, %shift_right_arithmetic3A_1414 : vector<16xi32>
      %and3A_1416 = arith.constant 127 : i32
      %and3A_1417 = vector.broadcast %and3A_1416 : i32 to vector<16xi32>
      %and3A_1418 = arith.andi %sub3A_1412, %and3A_1417 : vector<16xi32>
      tpu.vector_store_idx %arg16[%shift_right_arithmetic3A_1415, %and3A_1418], %get3A_1398 masked %lt3A_1404 : memref<80x128xi32, #tpu.memory_space<vmem>>[vector<16xi32>, vector<16xi32>], vector<16xi32>, vector<16xi1>
      tpu.vector_store_idx %arg15[%shift_right_arithmetic3A_1415, %and3A_1418], %get3A_1401 masked %lt3A_1404 : memref<80x128xi32, #tpu.memory_space<vmem>>[vector<16xi32>, vector<16xi32>], vector<16xi32>, vector<16xi1>
      %all_reduce_population_count3A_1419 = tpu.all_reduce %lt3A_1404 {dim = 0 : i64, kind = #tpu.reduction_kind<sum>} : vector<16xi1> -> vector<16xi32>
      %add3A_1420 = arith.addi %add3A_1395, %all_reduce_population_count3A_1419 : vector<16xi32>
      %get3A_1421 = arith.index_cast %add3A_1288 : i32 to index
      %get3A_1422 = arith.constant 64 : index
      %get3A_1423 = tpu.vector_load %arg12[%get3A_1421, %get3A_1422] {strides = array<i32>} : memref<80x128xi32, #tpu.memory_space<vmem>>, vector<16xi32>,
      %get3A_1424 = arith.index_cast %add3A_1288 : i32 to index
      %get3A_1425 = arith.constant 64 : index
      %get3A_1426 = tpu.vector_load %arg11[%get3A_1424, %get3A_1425] {strides = array<i32>} : memref<80x128xi32, #tpu.memory_space<vmem>>, vector<16xi32>,
      %lt3A_1427 = arith.constant 1024 : i32
      %lt3A_1428 = vector.broadcast %lt3A_1427 : i32 to vector<16xi32>
      %lt3A_1429 = arith.cmpi slt, %get3A_1423, %lt3A_1428 : vector<16xi32>
      %convert_element_type3A_1430 = arith.extui %lt3A_1429 : vector<16xi1> to vector<16xi32>
      %broadcast_in_dim3A_1431 = arith.constant true
      %broadcast_in_dim3A_1432 = vector.broadcast %broadcast_in_dim3A_1431 : i1 to vector<16xi1>
      %masked_cumsum3A_1433 = tpu.scan <sum>, %convert_element_type3A_1430 masked %broadcast_in_dim3A_1432 : vector<16xi32>, vector<16xi1> -> vector<16xi32>
      %add3A_1434 = arith.addi %add3A_1420, %masked_cumsum3A_1433 : vector<16xi32>
      %sub3A_1435 = arith.constant 1 : i32
      %sub3A_1436 = vector.broadcast %sub3A_1435 : i32 to vector<16xi32>
      %sub3A_1437 = arith.subi %add3A_1434, %sub3A_1436 : vector<16xi32>
      %shift_right_arithmetic3A_1438 = arith.constant 7 : i32
      %shift_right_arithmetic3A_1439 = vector.broadcast %shift_right_arithmetic3A_1438 : i32 to vector<16xi32>
      %shift_right_arithmetic3A_1440 = arith.shrsi %sub3A_1437, %shift_right_arithmetic3A_1439 : vector<16xi32>
      %and3A_1441 = arith.constant 127 : i32
      %and3A_1442 = vector.broadcast %and3A_1441 : i32 to vector<16xi32>
      %and3A_1443 = arith.andi %sub3A_1437, %and3A_1442 : vector<16xi32>
      tpu.vector_store_idx %arg16[%shift_right_arithmetic3A_1440, %and3A_1443], %get3A_1423 masked %lt3A_1429 : memref<80x128xi32, #tpu.memory_space<vmem>>[vector<16xi32>, vector<16xi32>], vector<16xi32>, vector<16xi1>
      tpu.vector_store_idx %arg15[%shift_right_arithmetic3A_1440, %and3A_1443], %get3A_1426 masked %lt3A_1429 : memref<80x128xi32, #tpu.memory_space<vmem>>[vector<16xi32>, vector<16xi32>], vector<16xi32>, vector<16xi1>
      %all_reduce_population_count3A_1444 = tpu.all_reduce %lt3A_1429 {dim = 0 : i64, kind = #tpu.reduction_kind<sum>} : vector<16xi1> -> vector<16xi32>
      %add3A_1445 = arith.addi %add3A_1420, %all_reduce_population_count3A_1444 : vector<16xi32>
      %get3A_1446 = arith.index_cast %add3A_1288 : i32 to index
      %get3A_1447 = arith.constant 80 : index
      %get3A_1448 = tpu.vector_load %arg12[%get3A_1446, %get3A_1447] {strides = array<i32>} : memref<80x128xi32, #tpu.memory_space<vmem>>, vector<16xi32>,
      %get3A_1449 = arith.index_cast %add3A_1288 : i32 to index
      %get3A_1450 = arith.constant 80 : index
      %get3A_1451 = tpu.vector_load %arg11[%get3A_1449, %get3A_1450] {strides = array<i32>} : memref<80x128xi32, #tpu.memory_space<vmem>>, vector<16xi32>,
      %lt3A_1452 = arith.constant 1024 : i32
      %lt3A_1453 = vector.broadcast %lt3A_1452 : i32 to vector<16xi32>
      %lt3A_1454 = arith.cmpi slt, %get3A_1448, %lt3A_1453 : vector<16xi32>
      %convert_element_type3A_1455 = arith.extui %lt3A_1454 : vector<16xi1> to vector<16xi32>
      %broadcast_in_dim3A_1456 = arith.constant true
      %broadcast_in_dim3A_1457 = vector.broadcast %broadcast_in_dim3A_1456 : i1 to vector<16xi1>
      %masked_cumsum3A_1458 = tpu.scan <sum>, %convert_element_type3A_1455 masked %broadcast_in_dim3A_1457 : vector<16xi32>, vector<16xi1> -> vector<16xi32>
      %add3A_1459 = arith.addi %add3A_1445, %masked_cumsum3A_1458 : vector<16xi32>
      %sub3A_1460 = arith.constant 1 : i32
      %sub3A_1461 = vector.broadcast %sub3A_1460 : i32 to vector<16xi32>
      %sub3A_1462 = arith.subi %add3A_1459, %sub3A_1461 : vector<16xi32>
      %shift_right_arithmetic3A_1463 = arith.constant 7 : i32
      %shift_right_arithmetic3A_1464 = vector.broadcast %shift_right_arithmetic3A_1463 : i32 to vector<16xi32>
      %shift_right_arithmetic3A_1465 = arith.shrsi %sub3A_1462, %shift_right_arithmetic3A_1464 : vector<16xi32>
      %and3A_1466 = arith.constant 127 : i32
      %and3A_1467 = vector.broadcast %and3A_1466 : i32 to vector<16xi32>
      %and3A_1468 = arith.andi %sub3A_1462, %and3A_1467 : vector<16xi32>
      tpu.vector_store_idx %arg16[%shift_right_arithmetic3A_1465, %and3A_1468], %get3A_1448 masked %lt3A_1454 : memref<80x128xi32, #tpu.memory_space<vmem>>[vector<16xi32>, vector<16xi32>], vector<16xi32>, vector<16xi1>
      tpu.vector_store_idx %arg15[%shift_right_arithmetic3A_1465, %and3A_1468], %get3A_1451 masked %lt3A_1454 : memref<80x128xi32, #tpu.memory_space<vmem>>[vector<16xi32>, vector<16xi32>], vector<16xi32>, vector<16xi1>
      %all_reduce_population_count3A_1469 = tpu.all_reduce %lt3A_1454 {dim = 0 : i64, kind = #tpu.reduction_kind<sum>} : vector<16xi1> -> vector<16xi32>
      %add3A_1470 = arith.addi %add3A_1445, %all_reduce_population_count3A_1469 : vector<16xi32>
      %get3A_1471 = arith.index_cast %add3A_1288 : i32 to index
      %get3A_1472 = arith.constant 96 : index
      %get3A_1473 = tpu.vector_load %arg12[%get3A_1471, %get3A_1472] {strides = array<i32>} : memref<80x128xi32, #tpu.memory_space<vmem>>, vector<16xi32>,
      %get3A_1474 = arith.index_cast %add3A_1288 : i32 to index
      %get3A_1475 = arith.constant 96 : index
      %get3A_1476 = tpu.vector_load %arg11[%get3A_1474, %get3A_1475] {strides = array<i32>} : memref<80x128xi32, #tpu.memory_space<vmem>>, vector<16xi32>,
      %lt3A_1477 = arith.constant 1024 : i32
      %lt3A_1478 = vector.broadcast %lt3A_1477 : i32 to vector<16xi32>
      %lt3A_1479 = arith.cmpi slt, %get3A_1473, %lt3A_1478 : vector<16xi32>
      %convert_element_type3A_1480 = arith.extui %lt3A_1479 : vector<16xi1> to vector<16xi32>
      %broadcast_in_dim3A_1481 = arith.constant true
      %broadcast_in_dim3A_1482 = vector.broadcast %broadcast_in_dim3A_1481 : i1 to vector<16xi1>
      %masked_cumsum3A_1483 = tpu.scan <sum>, %convert_element_type3A_1480 masked %broadcast_in_dim3A_1482 : vector<16xi32>, vector<16xi1> -> vector<16xi32>
      %add3A_1484 = arith.addi %add3A_1470, %masked_cumsum3A_1483 : vector<16xi32>
      %sub3A_1485 = arith.constant 1 : i32
      %sub3A_1486 = vector.broadcast %sub3A_1485 : i32 to vector<16xi32>
      %sub3A_1487 = arith.subi %add3A_1484, %sub3A_1486 : vector<16xi32>
      %shift_right_arithmetic3A_1488 = arith.constant 7 : i32
      %shift_right_arithmetic3A_1489 = vector.broadcast %shift_right_arithmetic3A_1488 : i32 to vector<16xi32>
      %shift_right_arithmetic3A_1490 = arith.shrsi %sub3A_1487, %shift_right_arithmetic3A_1489 : vector<16xi32>
      %and3A_1491 = arith.constant 127 : i32
      %and3A_1492 = vector.broadcast %and3A_1491 : i32 to vector<16xi32>
      %and3A_1493 = arith.andi %sub3A_1487, %and3A_1492 : vector<16xi32>
      tpu.vector_store_idx %arg16[%shift_right_arithmetic3A_1490, %and3A_1493], %get3A_1473 masked %lt3A_1479 : memref<80x128xi32, #tpu.memory_space<vmem>>[vector<16xi32>, vector<16xi32>], vector<16xi32>, vector<16xi1>
      tpu.vector_store_idx %arg15[%shift_right_arithmetic3A_1490, %and3A_1493], %get3A_1476 masked %lt3A_1479 : memref<80x128xi32, #tpu.memory_space<vmem>>[vector<16xi32>, vector<16xi32>], vector<16xi32>, vector<16xi1>
      %all_reduce_population_count3A_1494 = tpu.all_reduce %lt3A_1479 {dim = 0 : i64, kind = #tpu.reduction_kind<sum>} : vector<16xi1> -> vector<16xi32>
      %add3A_1495 = arith.addi %add3A_1470, %all_reduce_population_count3A_1494 : vector<16xi32>
      %get3A_1496 = arith.index_cast %add3A_1288 : i32 to index
      %get3A_1497 = arith.constant 112 : index
      %get3A_1498 = tpu.vector_load %arg12[%get3A_1496, %get3A_1497] {strides = array<i32>} : memref<80x128xi32, #tpu.memory_space<vmem>>, vector<16xi32>,
      %get3A_1499 = arith.index_cast %add3A_1288 : i32 to index
      %get3A_1500 = arith.constant 112 : index
      %get3A_1501 = tpu.vector_load %arg11[%get3A_1499, %get3A_1500] {strides = array<i32>} : memref<80x128xi32, #tpu.memory_space<vmem>>, vector<16xi32>,
      %lt3A_1502 = arith.constant 1024 : i32
      %lt3A_1503 = vector.broadcast %lt3A_1502 : i32 to vector<16xi32>
      %lt3A_1504 = arith.cmpi slt, %get3A_1498, %lt3A_1503 : vector<16xi32>
      %convert_element_type3A_1505 = arith.extui %lt3A_1504 : vector<16xi1> to vector<16xi32>
      %broadcast_in_dim3A_1506 = arith.constant true
      %broadcast_in_dim3A_1507 = vector.broadcast %broadcast_in_dim3A_1506 : i1 to vector<16xi1>
      %masked_cumsum3A_1508 = tpu.scan <sum>, %convert_element_type3A_1505 masked %broadcast_in_dim3A_1507 : vector<16xi32>, vector<16xi1> -> vector<16xi32>
      %add3A_1509 = arith.addi %add3A_1495, %masked_cumsum3A_1508 : vector<16xi32>
      %sub3A_1510 = arith.constant 1 : i32
      %sub3A_1511 = vector.broadcast %sub3A_1510 : i32 to vector<16xi32>
      %sub3A_1512 = arith.subi %add3A_1509, %sub3A_1511 : vector<16xi32>
      %shift_right_arithmetic3A_1513 = arith.constant 7 : i32
      %shift_right_arithmetic3A_1514 = vector.broadcast %shift_right_arithmetic3A_1513 : i32 to vector<16xi32>
      %shift_right_arithmetic3A_1515 = arith.shrsi %sub3A_1512, %shift_right_arithmetic3A_1514 : vector<16xi32>
      %and3A_1516 = arith.constant 127 : i32
      %and3A_1517 = vector.broadcast %and3A_1516 : i32 to vector<16xi32>
      %and3A_1518 = arith.andi %sub3A_1512, %and3A_1517 : vector<16xi32>
      tpu.vector_store_idx %arg16[%shift_right_arithmetic3A_1515, %and3A_1518], %get3A_1498 masked %lt3A_1504 : memref<80x128xi32, #tpu.memory_space<vmem>>[vector<16xi32>, vector<16xi32>], vector<16xi32>, vector<16xi1>
      tpu.vector_store_idx %arg15[%shift_right_arithmetic3A_1515, %and3A_1518], %get3A_1501 masked %lt3A_1504 : memref<80x128xi32, #tpu.memory_space<vmem>>[vector<16xi32>, vector<16xi32>], vector<16xi32>, vector<16xi1>
      %all_reduce_population_count3A_1519 = tpu.all_reduce %lt3A_1504 {dim = 0 : i64, kind = #tpu.reduction_kind<sum>} : vector<16xi1> -> vector<16xi32>
      %add3A_1520 = arith.addi %add3A_1495, %all_reduce_population_count3A_1519 : vector<16xi32>
      %mul3A_1521 = arith.constant 8 : i32
      %mul3A_1522 = arith.muli %add3A_114, %mul3A_1521 : i32
      %add3A_1523 = arith.constant 6 : i32
      %add3A_1524 = arith.addi %mul3A_1522, %add3A_1523 : i32
      %dma_wait3A_1525 = arith.constant 6 : i32
      %dma_wait3A_1526 = arith.constant 0 : i32
      %dma_wait3A_1527 = arith.constant 0 : i32
      %dma_wait3A_1528 = tpu.memref_slice %arg13[%dma_wait3A_1525, %dma_wait3A_1526, %dma_wait3A_1527] : memref<8x128x16xf32, #tpu.memory_space<vmem>> -> memref<1x128x16xf32, #tpu.memory_space<vmem>>
      %dma_wait3A_1529 = tpu.memref_squeeze %dma_wait3A_1528 : memref<1x128x16xf32, #tpu.memory_space<vmem>> -> memref<128x16xf32, #tpu.memory_space<vmem>>
      %dma_wait3A_1530 = arith.constant 0 : i32
      %dma_wait3A_1531 = tpu.memref_slice %arg11[%add3A_1524, %dma_wait3A_1530] : memref<80x128xi32, #tpu.memory_space<vmem>> -> memref<1x128xi32, #tpu.memory_space<vmem>>
      %dma_wait3A_1532 = tpu.memref_squeeze %dma_wait3A_1531 : memref<1x128xi32, #tpu.memory_space<vmem>> -> memref<128xi32, #tpu.memory_space<vmem>>
      %dma_wait3A_1533 = arith.constant 0 : i32
      %dma_wait3A_1534 = arith.constant 0 : i32
      %dma_wait3A_1535 = tpu.memref_slice %arg2[%dma_wait3A_1533, %dma_wait3A_1534] : memref<10240x16xf32, #tpu.memory_space<hbm>> -> memref<10240x16xf32, #tpu.memory_space<hbm>>
      tpu.wait_indirect_dma semaphore(%arg24 : memref<!tpu.dma_semaphore, #tpu.memory_space<semaphore_mem>>) src(%dma_wait3A_1535 : memref<10240x16xf32, #tpu.memory_space<hbm>>) dst(%dma_wait3A_1529 : memref<128x16xf32, #tpu.memory_space<vmem>>)
      %dma_start3A_1536 = arith.constant 6 : i32
      %dma_start3A_1537 = arith.constant 0 : i32
      %dma_start3A_1538 = arith.constant 0 : i32
      %dma_start3A_1539 = tpu.memref_slice %arg13[%dma_start3A_1536, %dma_start3A_1537, %dma_start3A_1538] : memref<8x128x16xf32, #tpu.memory_space<vmem>> -> memref<1x128x16xf32, #tpu.memory_space<vmem>>
      %dma_start3A_1540 = tpu.memref_squeeze %dma_start3A_1539 : memref<1x128x16xf32, #tpu.memory_space<vmem>> -> memref<128x16xf32, #tpu.memory_space<vmem>>
      %dma_start3A_1541 = arith.constant 0 : i32
      %dma_start3A_1542 = tpu.memref_slice %arg12[%add3A_1524, %dma_start3A_1541] : memref<80x128xi32, #tpu.memory_space<vmem>> -> memref<1x128xi32, #tpu.memory_space<vmem>>
      %dma_start3A_1543 = tpu.memref_squeeze %dma_start3A_1542 : memref<1x128xi32, #tpu.memory_space<vmem>> -> memref<128xi32, #tpu.memory_space<vmem>>
      %dma_start3A_1544 = arith.constant 0 : i32
      %dma_start3A_1545 = arith.constant 0 : i32
      %dma_start3A_1546 = tpu.memref_slice %arg14[%dma_start3A_1544, %dma_start3A_1545] : memref<10240x16xf32, #tpu.memory_space<vmem_shared>> -> memref<10240x16xf32, #tpu.memory_space<vmem_shared>>
      tpu.enqueue_indirect_dma source(%dma_start3A_1540 : memref<128x16xf32, #tpu.memory_space<vmem>>) target(%dma_start3A_1546 : memref<10240x16xf32, #tpu.memory_space<vmem_shared>>) offsets(%dma_start3A_1543 : memref<128xi32, #tpu.memory_space<vmem>>) semaphore(%arg24 : memref<!tpu.dma_semaphore, #tpu.memory_space<semaphore_mem>>) {add = true}
      %ge3A_1547 = arith.constant 2 : i32
      %ge3A_1548 = arith.cmpi sge, %add3A_1524, %ge3A_1547 : i32
      %convert_element_type3A_1549 = arith.extui %ge3A_1548 : i1 to i32
      %cond3A_1550 = arith.constant 0 : i32
      %cond3A_1551 = arith.cmpi ne, %convert_element_type3A_1549, %cond3A_1550 : i32
      scf.if %cond3A_1551 {
        %sub3A_1993 = arith.constant 2 : i32
        %sub3A_1994 = arith.subi %add3A_1524, %sub3A_1993 : i32
        %dma_wait3A_1995 = arith.constant 4 : i32
        %dma_wait3A_1996 = arith.constant 0 : i32
        %dma_wait3A_1997 = arith.constant 0 : i32
        %dma_wait3A_1998 = tpu.memref_slice %arg13[%dma_wait3A_1995, %dma_wait3A_1996, %dma_wait3A_1997] : memref<8x128x16xf32, #tpu.memory_space<vmem>> -> memref<1x128x16xf32, #tpu.memory_space<vmem>>
        %dma_wait3A_1999 = tpu.memref_squeeze %dma_wait3A_1998 : memref<1x128x16xf32, #tpu.memory_space<vmem>> -> memref<128x16xf32, #tpu.memory_space<vmem>>
        %dma_wait3A_2000 = arith.constant 0 : i32
        %dma_wait3A_2001 = tpu.memref_slice %arg12[%sub3A_1994, %dma_wait3A_2000] : memref<80x128xi32, #tpu.memory_space<vmem>> -> memref<1x128xi32, #tpu.memory_space<vmem>>
        %dma_wait3A_2002 = tpu.memref_squeeze %dma_wait3A_2001 : memref<1x128xi32, #tpu.memory_space<vmem>> -> memref<128xi32, #tpu.memory_space<vmem>>
        %dma_wait3A_2003 = arith.constant 0 : i32
        %dma_wait3A_2004 = arith.constant 0 : i32
        %dma_wait3A_2005 = tpu.memref_slice %arg14[%dma_wait3A_2003, %dma_wait3A_2004] : memref<10240x16xf32, #tpu.memory_space<vmem_shared>> -> memref<10240x16xf32, #tpu.memory_space<vmem_shared>>
        tpu.wait_indirect_dma semaphore(%arg22 : memref<!tpu.dma_semaphore, #tpu.memory_space<semaphore_mem>>) src(%dma_wait3A_1999 : memref<128x16xf32, #tpu.memory_space<vmem>>) dst(%dma_wait3A_2005 : memref<10240x16xf32, #tpu.memory_space<vmem_shared>>)
      } else {
      }
      %lt3A_1552 = arith.constant 74 : i32
      %lt3A_1553 = arith.cmpi slt, %add3A_1524, %lt3A_1552 : i32
      %convert_element_type3A_1554 = arith.extui %lt3A_1553 : i1 to i32
      %cond3A_1555 = arith.constant 0 : i32
      %cond3A_1556 = arith.cmpi ne, %convert_element_type3A_1554, %cond3A_1555 : i32
      scf.if %cond3A_1556 {
        %add3A_1993 = arith.constant 6 : i32
        %add3A_1994 = arith.addi %add3A_1524, %add3A_1993 : i32
        %dma_start3A_1995 = arith.constant 4 : i32
        %dma_start3A_1996 = arith.constant 0 : i32
        %dma_start3A_1997 = arith.constant 0 : i32
        %dma_start3A_1998 = tpu.memref_slice %arg13[%dma_start3A_1995, %dma_start3A_1996, %dma_start3A_1997] : memref<8x128x16xf32, #tpu.memory_space<vmem>> -> memref<1x128x16xf32, #tpu.memory_space<vmem>>
        %dma_start3A_1999 = tpu.memref_squeeze %dma_start3A_1998 : memref<1x128x16xf32, #tpu.memory_space<vmem>> -> memref<128x16xf32, #tpu.memory_space<vmem>>
        %dma_start3A_2000 = arith.constant 0 : i32
        %dma_start3A_2001 = tpu.memref_slice %arg11[%add3A_1994, %dma_start3A_2000] : memref<80x128xi32, #tpu.memory_space<vmem>> -> memref<1x128xi32, #tpu.memory_space<vmem>>
        %dma_start3A_2002 = tpu.memref_squeeze %dma_start3A_2001 : memref<1x128xi32, #tpu.memory_space<vmem>> -> memref<128xi32, #tpu.memory_space<vmem>>
        %dma_start3A_2003 = arith.constant 0 : i32
        %dma_start3A_2004 = arith.constant 0 : i32
        %dma_start3A_2005 = tpu.memref_slice %arg2[%dma_start3A_2003, %dma_start3A_2004] : memref<10240x16xf32, #tpu.memory_space<hbm>> -> memref<10240x16xf32, #tpu.memory_space<hbm>>
        tpu.enqueue_indirect_dma source(%dma_start3A_2005 : memref<10240x16xf32, #tpu.memory_space<hbm>>) target(%dma_start3A_1999 : memref<128x16xf32, #tpu.memory_space<vmem>>) offsets(%dma_start3A_2002 : memref<128xi32, #tpu.memory_space<vmem>>) semaphore(%arg22 : memref<!tpu.dma_semaphore, #tpu.memory_space<semaphore_mem>>)
      } else {
      }
      %get3A_1557 = arith.index_cast %add3A_1524 : i32 to index
      %get3A_1558 = arith.constant 0 : index
      %get3A_1559 = tpu.vector_load %arg12[%get3A_1557, %get3A_1558] {strides = array<i32>} : memref<80x128xi32, #tpu.memory_space<vmem>>, vector<16xi32>,
      %get3A_1560 = arith.index_cast %add3A_1524 : i32 to index
      %get3A_1561 = arith.constant 0 : index
      %get3A_1562 = tpu.vector_load %arg11[%get3A_1560, %get3A_1561] {strides = array<i32>} : memref<80x128xi32, #tpu.memory_space<vmem>>, vector<16xi32>,
      %lt3A_1563 = arith.constant 1024 : i32
      %lt3A_1564 = vector.broadcast %lt3A_1563 : i32 to vector<16xi32>
      %lt3A_1565 = arith.cmpi slt, %get3A_1559, %lt3A_1564 : vector<16xi32>
      %convert_element_type3A_1566 = arith.extui %lt3A_1565 : vector<16xi1> to vector<16xi32>
      %broadcast_in_dim3A_1567 = arith.constant true
      %broadcast_in_dim3A_1568 = vector.broadcast %broadcast_in_dim3A_1567 : i1 to vector<16xi1>
      %masked_cumsum3A_1569 = tpu.scan <sum>, %convert_element_type3A_1566 masked %broadcast_in_dim3A_1568 : vector<16xi32>, vector<16xi1> -> vector<16xi32>
      %add3A_1570 = arith.addi %add3A_1520, %masked_cumsum3A_1569 : vector<16xi32>
      %sub3A_1571 = arith.constant 1 : i32
      %sub3A_1572 = vector.broadcast %sub3A_1571 : i32 to vector<16xi32>
      %sub3A_1573 = arith.subi %add3A_1570, %sub3A_1572 : vector<16xi32>
      %shift_right_arithmetic3A_1574 = arith.constant 7 : i32
      %shift_right_arithmetic3A_1575 = vector.broadcast %shift_right_arithmetic3A_1574 : i32 to vector<16xi32>
      %shift_right_arithmetic3A_1576 = arith.shrsi %sub3A_1573, %shift_right_arithmetic3A_1575 : vector<16xi32>
      %and3A_1577 = arith.constant 127 : i32
      %and3A_1578 = vector.broadcast %and3A_1577 : i32 to vector<16xi32>
      %and3A_1579 = arith.andi %sub3A_1573, %and3A_1578 : vector<16xi32>
      tpu.vector_store_idx %arg16[%shift_right_arithmetic3A_1576, %and3A_1579], %get3A_1559 masked %lt3A_1565 : memref<80x128xi32, #tpu.memory_space<vmem>>[vector<16xi32>, vector<16xi32>], vector<16xi32>, vector<16xi1>
      tpu.vector_store_idx %arg15[%shift_right_arithmetic3A_1576, %and3A_1579], %get3A_1562 masked %lt3A_1565 : memref<80x128xi32, #tpu.memory_space<vmem>>[vector<16xi32>, vector<16xi32>], vector<16xi32>, vector<16xi1>
      %all_reduce_population_count3A_1580 = tpu.all_reduce %lt3A_1565 {dim = 0 : i64, kind = #tpu.reduction_kind<sum>} : vector<16xi1> -> vector<16xi32>
      %add3A_1581 = arith.addi %add3A_1520, %all_reduce_population_count3A_1580 : vector<16xi32>
      %get3A_1582 = arith.index_cast %add3A_1524 : i32 to index
      %get3A_1583 = arith.constant 16 : index
      %get3A_1584 = tpu.vector_load %arg12[%get3A_1582, %get3A_1583] {strides = array<i32>} : memref<80x128xi32, #tpu.memory_space<vmem>>, vector<16xi32>,
      %get3A_1585 = arith.index_cast %add3A_1524 : i32 to index
      %get3A_1586 = arith.constant 16 : index
      %get3A_1587 = tpu.vector_load %arg11[%get3A_1585, %get3A_1586] {strides = array<i32>} : memref<80x128xi32, #tpu.memory_space<vmem>>, vector<16xi32>,
      %lt3A_1588 = arith.constant 1024 : i32
      %lt3A_1589 = vector.broadcast %lt3A_1588 : i32 to vector<16xi32>
      %lt3A_1590 = arith.cmpi slt, %get3A_1584, %lt3A_1589 : vector<16xi32>
      %convert_element_type3A_1591 = arith.extui %lt3A_1590 : vector<16xi1> to vector<16xi32>
      %broadcast_in_dim3A_1592 = arith.constant true
      %broadcast_in_dim3A_1593 = vector.broadcast %broadcast_in_dim3A_1592 : i1 to vector<16xi1>
      %masked_cumsum3A_1594 = tpu.scan <sum>, %convert_element_type3A_1591 masked %broadcast_in_dim3A_1593 : vector<16xi32>, vector<16xi1> -> vector<16xi32>
      %add3A_1595 = arith.addi %add3A_1581, %masked_cumsum3A_1594 : vector<16xi32>
      %sub3A_1596 = arith.constant 1 : i32
      %sub3A_1597 = vector.broadcast %sub3A_1596 : i32 to vector<16xi32>
      %sub3A_1598 = arith.subi %add3A_1595, %sub3A_1597 : vector<16xi32>
      %shift_right_arithmetic3A_1599 = arith.constant 7 : i32
      %shift_right_arithmetic3A_1600 = vector.broadcast %shift_right_arithmetic3A_1599 : i32 to vector<16xi32>
      %shift_right_arithmetic3A_1601 = arith.shrsi %sub3A_1598, %shift_right_arithmetic3A_1600 : vector<16xi32>
      %and3A_1602 = arith.constant 127 : i32
      %and3A_1603 = vector.broadcast %and3A_1602 : i32 to vector<16xi32>
      %and3A_1604 = arith.andi %sub3A_1598, %and3A_1603 : vector<16xi32>
      tpu.vector_store_idx %arg16[%shift_right_arithmetic3A_1601, %and3A_1604], %get3A_1584 masked %lt3A_1590 : memref<80x128xi32, #tpu.memory_space<vmem>>[vector<16xi32>, vector<16xi32>], vector<16xi32>, vector<16xi1>
      tpu.vector_store_idx %arg15[%shift_right_arithmetic3A_1601, %and3A_1604], %get3A_1587 masked %lt3A_1590 : memref<80x128xi32, #tpu.memory_space<vmem>>[vector<16xi32>, vector<16xi32>], vector<16xi32>, vector<16xi1>
      %all_reduce_population_count3A_1605 = tpu.all_reduce %lt3A_1590 {dim = 0 : i64, kind = #tpu.reduction_kind<sum>} : vector<16xi1> -> vector<16xi32>
      %add3A_1606 = arith.addi %add3A_1581, %all_reduce_population_count3A_1605 : vector<16xi32>
      %get3A_1607 = arith.index_cast %add3A_1524 : i32 to index
      %get3A_1608 = arith.constant 32 : index
      %get3A_1609 = tpu.vector_load %arg12[%get3A_1607, %get3A_1608] {strides = array<i32>} : memref<80x128xi32, #tpu.memory_space<vmem>>, vector<16xi32>,
      %get3A_1610 = arith.index_cast %add3A_1524 : i32 to index
      %get3A_1611 = arith.constant 32 : index
      %get3A_1612 = tpu.vector_load %arg11[%get3A_1610, %get3A_1611] {strides = array<i32>} : memref<80x128xi32, #tpu.memory_space<vmem>>, vector<16xi32>,
      %lt3A_1613 = arith.constant 1024 : i32
      %lt3A_1614 = vector.broadcast %lt3A_1613 : i32 to vector<16xi32>
      %lt3A_1615 = arith.cmpi slt, %get3A_1609, %lt3A_1614 : vector<16xi32>
      %convert_element_type3A_1616 = arith.extui %lt3A_1615 : vector<16xi1> to vector<16xi32>
      %broadcast_in_dim3A_1617 = arith.constant true
      %broadcast_in_dim3A_1618 = vector.broadcast %broadcast_in_dim3A_1617 : i1 to vector<16xi1>
      %masked_cumsum3A_1619 = tpu.scan <sum>, %convert_element_type3A_1616 masked %broadcast_in_dim3A_1618 : vector<16xi32>, vector<16xi1> -> vector<16xi32>
      %add3A_1620 = arith.addi %add3A_1606, %masked_cumsum3A_1619 : vector<16xi32>
      %sub3A_1621 = arith.constant 1 : i32
      %sub3A_1622 = vector.broadcast %sub3A_1621 : i32 to vector<16xi32>
      %sub3A_1623 = arith.subi %add3A_1620, %sub3A_1622 : vector<16xi32>
      %shift_right_arithmetic3A_1624 = arith.constant 7 : i32
      %shift_right_arithmetic3A_1625 = vector.broadcast %shift_right_arithmetic3A_1624 : i32 to vector<16xi32>
      %shift_right_arithmetic3A_1626 = arith.shrsi %sub3A_1623, %shift_right_arithmetic3A_1625 : vector<16xi32>
      %and3A_1627 = arith.constant 127 : i32
      %and3A_1628 = vector.broadcast %and3A_1627 : i32 to vector<16xi32>
      %and3A_1629 = arith.andi %sub3A_1623, %and3A_1628 : vector<16xi32>
      tpu.vector_store_idx %arg16[%shift_right_arithmetic3A_1626, %and3A_1629], %get3A_1609 masked %lt3A_1615 : memref<80x128xi32, #tpu.memory_space<vmem>>[vector<16xi32>, vector<16xi32>], vector<16xi32>, vector<16xi1>
      tpu.vector_store_idx %arg15[%shift_right_arithmetic3A_1626, %and3A_1629], %get3A_1612 masked %lt3A_1615 : memref<80x128xi32, #tpu.memory_space<vmem>>[vector<16xi32>, vector<16xi32>], vector<16xi32>, vector<16xi1>
      %all_reduce_population_count3A_1630 = tpu.all_reduce %lt3A_1615 {dim = 0 : i64, kind = #tpu.reduction_kind<sum>} : vector<16xi1> -> vector<16xi32>
      %add3A_1631 = arith.addi %add3A_1606, %all_reduce_population_count3A_1630 : vector<16xi32>
      %get3A_1632 = arith.index_cast %add3A_1524 : i32 to index
      %get3A_1633 = arith.constant 48 : index
      %get3A_1634 = tpu.vector_load %arg12[%get3A_1632, %get3A_1633] {strides = array<i32>} : memref<80x128xi32, #tpu.memory_space<vmem>>, vector<16xi32>,
      %get3A_1635 = arith.index_cast %add3A_1524 : i32 to index
      %get3A_1636 = arith.constant 48 : index
      %get3A_1637 = tpu.vector_load %arg11[%get3A_1635, %get3A_1636] {strides = array<i32>} : memref<80x128xi32, #tpu.memory_space<vmem>>, vector<16xi32>,
      %lt3A_1638 = arith.constant 1024 : i32
      %lt3A_1639 = vector.broadcast %lt3A_1638 : i32 to vector<16xi32>
      %lt3A_1640 = arith.cmpi slt, %get3A_1634, %lt3A_1639 : vector<16xi32>
      %convert_element_type3A_1641 = arith.extui %lt3A_1640 : vector<16xi1> to vector<16xi32>
      %broadcast_in_dim3A_1642 = arith.constant true
      %broadcast_in_dim3A_1643 = vector.broadcast %broadcast_in_dim3A_1642 : i1 to vector<16xi1>
      %masked_cumsum3A_1644 = tpu.scan <sum>, %convert_element_type3A_1641 masked %broadcast_in_dim3A_1643 : vector<16xi32>, vector<16xi1> -> vector<16xi32>
      %add3A_1645 = arith.addi %add3A_1631, %masked_cumsum3A_1644 : vector<16xi32>
      %sub3A_1646 = arith.constant 1 : i32
      %sub3A_1647 = vector.broadcast %sub3A_1646 : i32 to vector<16xi32>
      %sub3A_1648 = arith.subi %add3A_1645, %sub3A_1647 : vector<16xi32>
      %shift_right_arithmetic3A_1649 = arith.constant 7 : i32
      %shift_right_arithmetic3A_1650 = vector.broadcast %shift_right_arithmetic3A_1649 : i32 to vector<16xi32>
      %shift_right_arithmetic3A_1651 = arith.shrsi %sub3A_1648, %shift_right_arithmetic3A_1650 : vector<16xi32>
      %and3A_1652 = arith.constant 127 : i32
      %and3A_1653 = vector.broadcast %and3A_1652 : i32 to vector<16xi32>
      %and3A_1654 = arith.andi %sub3A_1648, %and3A_1653 : vector<16xi32>
      tpu.vector_store_idx %arg16[%shift_right_arithmetic3A_1651, %and3A_1654], %get3A_1634 masked %lt3A_1640 : memref<80x128xi32, #tpu.memory_space<vmem>>[vector<16xi32>, vector<16xi32>], vector<16xi32>, vector<16xi1>
      tpu.vector_store_idx %arg15[%shift_right_arithmetic3A_1651, %and3A_1654], %get3A_1637 masked %lt3A_1640 : memref<80x128xi32, #tpu.memory_space<vmem>>[vector<16xi32>, vector<16xi32>], vector<16xi32>, vector<16xi1>
      %all_reduce_population_count3A_1655 = tpu.all_reduce %lt3A_1640 {dim = 0 : i64, kind = #tpu.reduction_kind<sum>} : vector<16xi1> -> vector<16xi32>
      %add3A_1656 = arith.addi %add3A_1631, %all_reduce_population_count3A_1655 : vector<16xi32>
      %get3A_1657 = arith.index_cast %add3A_1524 : i32 to index
      %get3A_1658 = arith.constant 64 : index
      %get3A_1659 = tpu.vector_load %arg12[%get3A_1657, %get3A_1658] {strides = array<i32>} : memref<80x128xi32, #tpu.memory_space<vmem>>, vector<16xi32>,
      %get3A_1660 = arith.index_cast %add3A_1524 : i32 to index
      %get3A_1661 = arith.constant 64 : index
      %get3A_1662 = tpu.vector_load %arg11[%get3A_1660, %get3A_1661] {strides = array<i32>} : memref<80x128xi32, #tpu.memory_space<vmem>>, vector<16xi32>,
      %lt3A_1663 = arith.constant 1024 : i32
      %lt3A_1664 = vector.broadcast %lt3A_1663 : i32 to vector<16xi32>
      %lt3A_1665 = arith.cmpi slt, %get3A_1659, %lt3A_1664 : vector<16xi32>
      %convert_element_type3A_1666 = arith.extui %lt3A_1665 : vector<16xi1> to vector<16xi32>
      %broadcast_in_dim3A_1667 = arith.constant true
      %broadcast_in_dim3A_1668 = vector.broadcast %broadcast_in_dim3A_1667 : i1 to vector<16xi1>
      %masked_cumsum3A_1669 = tpu.scan <sum>, %convert_element_type3A_1666 masked %broadcast_in_dim3A_1668 : vector<16xi32>, vector<16xi1> -> vector<16xi32>
      %add3A_1670 = arith.addi %add3A_1656, %masked_cumsum3A_1669 : vector<16xi32>
      %sub3A_1671 = arith.constant 1 : i32
      %sub3A_1672 = vector.broadcast %sub3A_1671 : i32 to vector<16xi32>
      %sub3A_1673 = arith.subi %add3A_1670, %sub3A_1672 : vector<16xi32>
      %shift_right_arithmetic3A_1674 = arith.constant 7 : i32
      %shift_right_arithmetic3A_1675 = vector.broadcast %shift_right_arithmetic3A_1674 : i32 to vector<16xi32>
      %shift_right_arithmetic3A_1676 = arith.shrsi %sub3A_1673, %shift_right_arithmetic3A_1675 : vector<16xi32>
      %and3A_1677 = arith.constant 127 : i32
      %and3A_1678 = vector.broadcast %and3A_1677 : i32 to vector<16xi32>
      %and3A_1679 = arith.andi %sub3A_1673, %and3A_1678 : vector<16xi32>
      tpu.vector_store_idx %arg16[%shift_right_arithmetic3A_1676, %and3A_1679], %get3A_1659 masked %lt3A_1665 : memref<80x128xi32, #tpu.memory_space<vmem>>[vector<16xi32>, vector<16xi32>], vector<16xi32>, vector<16xi1>
      tpu.vector_store_idx %arg15[%shift_right_arithmetic3A_1676, %and3A_1679], %get3A_1662 masked %lt3A_1665 : memref<80x128xi32, #tpu.memory_space<vmem>>[vector<16xi32>, vector<16xi32>], vector<16xi32>, vector<16xi1>
      %all_reduce_population_count3A_1680 = tpu.all_reduce %lt3A_1665 {dim = 0 : i64, kind = #tpu.reduction_kind<sum>} : vector<16xi1> -> vector<16xi32>
      %add3A_1681 = arith.addi %add3A_1656, %all_reduce_population_count3A_1680 : vector<16xi32>
      %get3A_1682 = arith.index_cast %add3A_1524 : i32 to index
      %get3A_1683 = arith.constant 80 : index
      %get3A_1684 = tpu.vector_load %arg12[%get3A_1682, %get3A_1683] {strides = array<i32>} : memref<80x128xi32, #tpu.memory_space<vmem>>, vector<16xi32>,
      %get3A_1685 = arith.index_cast %add3A_1524 : i32 to index
      %get3A_1686 = arith.constant 80 : index
      %get3A_1687 = tpu.vector_load %arg11[%get3A_1685, %get3A_1686] {strides = array<i32>} : memref<80x128xi32, #tpu.memory_space<vmem>>, vector<16xi32>,
      %lt3A_1688 = arith.constant 1024 : i32
      %lt3A_1689 = vector.broadcast %lt3A_1688 : i32 to vector<16xi32>
      %lt3A_1690 = arith.cmpi slt, %get3A_1684, %lt3A_1689 : vector<16xi32>
      %convert_element_type3A_1691 = arith.extui %lt3A_1690 : vector<16xi1> to vector<16xi32>
      %broadcast_in_dim3A_1692 = arith.constant true
      %broadcast_in_dim3A_1693 = vector.broadcast %broadcast_in_dim3A_1692 : i1 to vector<16xi1>
      %masked_cumsum3A_1694 = tpu.scan <sum>, %convert_element_type3A_1691 masked %broadcast_in_dim3A_1693 : vector<16xi32>, vector<16xi1> -> vector<16xi32>
      %add3A_1695 = arith.addi %add3A_1681, %masked_cumsum3A_1694 : vector<16xi32>
      %sub3A_1696 = arith.constant 1 : i32
      %sub3A_1697 = vector.broadcast %sub3A_1696 : i32 to vector<16xi32>
      %sub3A_1698 = arith.subi %add3A_1695, %sub3A_1697 : vector<16xi32>
      %shift_right_arithmetic3A_1699 = arith.constant 7 : i32
      %shift_right_arithmetic3A_1700 = vector.broadcast %shift_right_arithmetic3A_1699 : i32 to vector<16xi32>
      %shift_right_arithmetic3A_1701 = arith.shrsi %sub3A_1698, %shift_right_arithmetic3A_1700 : vector<16xi32>
      %and3A_1702 = arith.constant 127 : i32
      %and3A_1703 = vector.broadcast %and3A_1702 : i32 to vector<16xi32>
      %and3A_1704 = arith.andi %sub3A_1698, %and3A_1703 : vector<16xi32>
      tpu.vector_store_idx %arg16[%shift_right_arithmetic3A_1701, %and3A_1704], %get3A_1684 masked %lt3A_1690 : memref<80x128xi32, #tpu.memory_space<vmem>>[vector<16xi32>, vector<16xi32>], vector<16xi32>, vector<16xi1>
      tpu.vector_store_idx %arg15[%shift_right_arithmetic3A_1701, %and3A_1704], %get3A_1687 masked %lt3A_1690 : memref<80x128xi32, #tpu.memory_space<vmem>>[vector<16xi32>, vector<16xi32>], vector<16xi32>, vector<16xi1>
      %all_reduce_population_count3A_1705 = tpu.all_reduce %lt3A_1690 {dim = 0 : i64, kind = #tpu.reduction_kind<sum>} : vector<16xi1> -> vector<16xi32>
      %add3A_1706 = arith.addi %add3A_1681, %all_reduce_population_count3A_1705 : vector<16xi32>
      %get3A_1707 = arith.index_cast %add3A_1524 : i32 to index
      %get3A_1708 = arith.constant 96 : index
      %get3A_1709 = tpu.vector_load %arg12[%get3A_1707, %get3A_1708] {strides = array<i32>} : memref<80x128xi32, #tpu.memory_space<vmem>>, vector<16xi32>,
      %get3A_1710 = arith.index_cast %add3A_1524 : i32 to index
      %get3A_1711 = arith.constant 96 : index
      %get3A_1712 = tpu.vector_load %arg11[%get3A_1710, %get3A_1711] {strides = array<i32>} : memref<80x128xi32, #tpu.memory_space<vmem>>, vector<16xi32>,
      %lt3A_1713 = arith.constant 1024 : i32
      %lt3A_1714 = vector.broadcast %lt3A_1713 : i32 to vector<16xi32>
      %lt3A_1715 = arith.cmpi slt, %get3A_1709, %lt3A_1714 : vector<16xi32>
      %convert_element_type3A_1716 = arith.extui %lt3A_1715 : vector<16xi1> to vector<16xi32>
      %broadcast_in_dim3A_1717 = arith.constant true
      %broadcast_in_dim3A_1718 = vector.broadcast %broadcast_in_dim3A_1717 : i1 to vector<16xi1>
      %masked_cumsum3A_1719 = tpu.scan <sum>, %convert_element_type3A_1716 masked %broadcast_in_dim3A_1718 : vector<16xi32>, vector<16xi1> -> vector<16xi32>
      %add3A_1720 = arith.addi %add3A_1706, %masked_cumsum3A_1719 : vector<16xi32>
      %sub3A_1721 = arith.constant 1 : i32
      %sub3A_1722 = vector.broadcast %sub3A_1721 : i32 to vector<16xi32>
      %sub3A_1723 = arith.subi %add3A_1720, %sub3A_1722 : vector<16xi32>
      %shift_right_arithmetic3A_1724 = arith.constant 7 : i32
      %shift_right_arithmetic3A_1725 = vector.broadcast %shift_right_arithmetic3A_1724 : i32 to vector<16xi32>
      %shift_right_arithmetic3A_1726 = arith.shrsi %sub3A_1723, %shift_right_arithmetic3A_1725 : vector<16xi32>
      %and3A_1727 = arith.constant 127 : i32
      %and3A_1728 = vector.broadcast %and3A_1727 : i32 to vector<16xi32>
      %and3A_1729 = arith.andi %sub3A_1723, %and3A_1728 : vector<16xi32>
      tpu.vector_store_idx %arg16[%shift_right_arithmetic3A_1726, %and3A_1729], %get3A_1709 masked %lt3A_1715 : memref<80x128xi32, #tpu.memory_space<vmem>>[vector<16xi32>, vector<16xi32>], vector<16xi32>, vector<16xi1>
      tpu.vector_store_idx %arg15[%shift_right_arithmetic3A_1726, %and3A_1729], %get3A_1712 masked %lt3A_1715 : memref<80x128xi32, #tpu.memory_space<vmem>>[vector<16xi32>, vector<16xi32>], vector<16xi32>, vector<16xi1>
      %all_reduce_population_count3A_1730 = tpu.all_reduce %lt3A_1715 {dim = 0 : i64, kind = #tpu.reduction_kind<sum>} : vector<16xi1> -> vector<16xi32>
      %add3A_1731 = arith.addi %add3A_1706, %all_reduce_population_count3A_1730 : vector<16xi32>
      %get3A_1732 = arith.index_cast %add3A_1524 : i32 to index
      %get3A_1733 = arith.constant 112 : index
      %get3A_1734 = tpu.vector_load %arg12[%get3A_1732, %get3A_1733] {strides = array<i32>} : memref<80x128xi32, #tpu.memory_space<vmem>>, vector<16xi32>,
      %get3A_1735 = arith.index_cast %add3A_1524 : i32 to index
      %get3A_1736 = arith.constant 112 : index
      %get3A_1737 = tpu.vector_load %arg11[%get3A_1735, %get3A_1736] {strides = array<i32>} : memref<80x128xi32, #tpu.memory_space<vmem>>, vector<16xi32>,
      %lt3A_1738 = arith.constant 1024 : i32
      %lt3A_1739 = vector.broadcast %lt3A_1738 : i32 to vector<16xi32>
      %lt3A_1740 = arith.cmpi slt, %get3A_1734, %lt3A_1739 : vector<16xi32>
      %convert_element_type3A_1741 = arith.extui %lt3A_1740 : vector<16xi1> to vector<16xi32>
      %broadcast_in_dim3A_1742 = arith.constant true
      %broadcast_in_dim3A_1743 = vector.broadcast %broadcast_in_dim3A_1742 : i1 to vector<16xi1>
      %masked_cumsum3A_1744 = tpu.scan <sum>, %convert_element_type3A_1741 masked %broadcast_in_dim3A_1743 : vector<16xi32>, vector<16xi1> -> vector<16xi32>
      %add3A_1745 = arith.addi %add3A_1731, %masked_cumsum3A_1744 : vector<16xi32>
      %sub3A_1746 = arith.constant 1 : i32
      %sub3A_1747 = vector.broadcast %sub3A_1746 : i32 to vector<16xi32>
      %sub3A_1748 = arith.subi %add3A_1745, %sub3A_1747 : vector<16xi32>
      %shift_right_arithmetic3A_1749 = arith.constant 7 : i32
      %shift_right_arithmetic3A_1750 = vector.broadcast %shift_right_arithmetic3A_1749 : i32 to vector<16xi32>
      %shift_right_arithmetic3A_1751 = arith.shrsi %sub3A_1748, %shift_right_arithmetic3A_1750 : vector<16xi32>
      %and3A_1752 = arith.constant 127 : i32
      %and3A_1753 = vector.broadcast %and3A_1752 : i32 to vector<16xi32>
      %and3A_1754 = arith.andi %sub3A_1748, %and3A_1753 : vector<16xi32>
      tpu.vector_store_idx %arg16[%shift_right_arithmetic3A_1751, %and3A_1754], %get3A_1734 masked %lt3A_1740 : memref<80x128xi32, #tpu.memory_space<vmem>>[vector<16xi32>, vector<16xi32>], vector<16xi32>, vector<16xi1>
      tpu.vector_store_idx %arg15[%shift_right_arithmetic3A_1751, %and3A_1754], %get3A_1737 masked %lt3A_1740 : memref<80x128xi32, #tpu.memory_space<vmem>>[vector<16xi32>, vector<16xi32>], vector<16xi32>, vector<16xi1>
      %all_reduce_population_count3A_1755 = tpu.all_reduce %lt3A_1740 {dim = 0 : i64, kind = #tpu.reduction_kind<sum>} : vector<16xi1> -> vector<16xi32>
      %add3A_1756 = arith.addi %add3A_1731, %all_reduce_population_count3A_1755 : vector<16xi32>
      %mul3A_1757 = arith.constant 8 : i32
      %mul3A_1758 = arith.muli %add3A_114, %mul3A_1757 : i32
      %add3A_1759 = arith.constant 7 : i32
      %add3A_1760 = arith.addi %mul3A_1758, %add3A_1759 : i32
      %dma_wait3A_1761 = arith.constant 7 : i32
      %dma_wait3A_1762 = arith.constant 0 : i32
      %dma_wait3A_1763 = arith.constant 0 : i32
      %dma_wait3A_1764 = tpu.memref_slice %arg13[%dma_wait3A_1761, %dma_wait3A_1762, %dma_wait3A_1763] : memref<8x128x16xf32, #tpu.memory_space<vmem>> -> memref<1x128x16xf32, #tpu.memory_space<vmem>>
      %dma_wait3A_1765 = tpu.memref_squeeze %dma_wait3A_1764 : memref<1x128x16xf32, #tpu.memory_space<vmem>> -> memref<128x16xf32, #tpu.memory_space<vmem>>
      %dma_wait3A_1766 = arith.constant 0 : i32
      %dma_wait3A_1767 = tpu.memref_slice %arg11[%add3A_1760, %dma_wait3A_1766] : memref<80x128xi32, #tpu.memory_space<vmem>> -> memref<1x128xi32, #tpu.memory_space<vmem>>
      %dma_wait3A_1768 = tpu.memref_squeeze %dma_wait3A_1767 : memref<1x128xi32, #tpu.memory_space<vmem>> -> memref<128xi32, #tpu.memory_space<vmem>>
      %dma_wait3A_1769 = arith.constant 0 : i32
      %dma_wait3A_1770 = arith.constant 0 : i32
      %dma_wait3A_1771 = tpu.memref_slice %arg2[%dma_wait3A_1769, %dma_wait3A_1770] : memref<10240x16xf32, #tpu.memory_space<hbm>> -> memref<10240x16xf32, #tpu.memory_space<hbm>>
      tpu.wait_indirect_dma semaphore(%arg25 : memref<!tpu.dma_semaphore, #tpu.memory_space<semaphore_mem>>) src(%dma_wait3A_1771 : memref<10240x16xf32, #tpu.memory_space<hbm>>) dst(%dma_wait3A_1765 : memref<128x16xf32, #tpu.memory_space<vmem>>)
      %dma_start3A_1772 = arith.constant 7 : i32
      %dma_start3A_1773 = arith.constant 0 : i32
      %dma_start3A_1774 = arith.constant 0 : i32
      %dma_start3A_1775 = tpu.memref_slice %arg13[%dma_start3A_1772, %dma_start3A_1773, %dma_start3A_1774] : memref<8x128x16xf32, #tpu.memory_space<vmem>> -> memref<1x128x16xf32, #tpu.memory_space<vmem>>
      %dma_start3A_1776 = tpu.memref_squeeze %dma_start3A_1775 : memref<1x128x16xf32, #tpu.memory_space<vmem>> -> memref<128x16xf32, #tpu.memory_space<vmem>>
      %dma_start3A_1777 = arith.constant 0 : i32
      %dma_start3A_1778 = tpu.memref_slice %arg12[%add3A_1760, %dma_start3A_1777] : memref<80x128xi32, #tpu.memory_space<vmem>> -> memref<1x128xi32, #tpu.memory_space<vmem>>
      %dma_start3A_1779 = tpu.memref_squeeze %dma_start3A_1778 : memref<1x128xi32, #tpu.memory_space<vmem>> -> memref<128xi32, #tpu.memory_space<vmem>>
      %dma_start3A_1780 = arith.constant 0 : i32
      %dma_start3A_1781 = arith.constant 0 : i32
      %dma_start3A_1782 = tpu.memref_slice %arg14[%dma_start3A_1780, %dma_start3A_1781] : memref<10240x16xf32, #tpu.memory_space<vmem_shared>> -> memref<10240x16xf32, #tpu.memory_space<vmem_shared>>
      tpu.enqueue_indirect_dma source(%dma_start3A_1776 : memref<128x16xf32, #tpu.memory_space<vmem>>) target(%dma_start3A_1782 : memref<10240x16xf32, #tpu.memory_space<vmem_shared>>) offsets(%dma_start3A_1779 : memref<128xi32, #tpu.memory_space<vmem>>) semaphore(%arg25 : memref<!tpu.dma_semaphore, #tpu.memory_space<semaphore_mem>>) {add = true}
      %ge3A_1783 = arith.constant 2 : i32
      %ge3A_1784 = arith.cmpi sge, %add3A_1760, %ge3A_1783 : i32
      %convert_element_type3A_1785 = arith.extui %ge3A_1784 : i1 to i32
      %cond3A_1786 = arith.constant 0 : i32
      %cond3A_1787 = arith.cmpi ne, %convert_element_type3A_1785, %cond3A_1786 : i32
      scf.if %cond3A_1787 {
        %sub3A_1993 = arith.constant 2 : i32
        %sub3A_1994 = arith.subi %add3A_1760, %sub3A_1993 : i32
        %dma_wait3A_1995 = arith.constant 5 : i32
        %dma_wait3A_1996 = arith.constant 0 : i32
        %dma_wait3A_1997 = arith.constant 0 : i32
        %dma_wait3A_1998 = tpu.memref_slice %arg13[%dma_wait3A_1995, %dma_wait3A_1996, %dma_wait3A_1997] : memref<8x128x16xf32, #tpu.memory_space<vmem>> -> memref<1x128x16xf32, #tpu.memory_space<vmem>>
        %dma_wait3A_1999 = tpu.memref_squeeze %dma_wait3A_1998 : memref<1x128x16xf32, #tpu.memory_space<vmem>> -> memref<128x16xf32, #tpu.memory_space<vmem>>
        %dma_wait3A_2000 = arith.constant 0 : i32
        %dma_wait3A_2001 = tpu.memref_slice %arg12[%sub3A_1994, %dma_wait3A_2000] : memref<80x128xi32, #tpu.memory_space<vmem>> -> memref<1x128xi32, #tpu.memory_space<vmem>>
        %dma_wait3A_2002 = tpu.memref_squeeze %dma_wait3A_2001 : memref<1x128xi32, #tpu.memory_space<vmem>> -> memref<128xi32, #tpu.memory_space<vmem>>
        %dma_wait3A_2003 = arith.constant 0 : i32
        %dma_wait3A_2004 = arith.constant 0 : i32
        %dma_wait3A_2005 = tpu.memref_slice %arg14[%dma_wait3A_2003, %dma_wait3A_2004] : memref<10240x16xf32, #tpu.memory_space<vmem_shared>> -> memref<10240x16xf32, #tpu.memory_space<vmem_shared>>
        tpu.wait_indirect_dma semaphore(%arg23 : memref<!tpu.dma_semaphore, #tpu.memory_space<semaphore_mem>>) src(%dma_wait3A_1999 : memref<128x16xf32, #tpu.memory_space<vmem>>) dst(%dma_wait3A_2005 : memref<10240x16xf32, #tpu.memory_space<vmem_shared>>)
      } else {
      }
      %lt3A_1788 = arith.constant 74 : i32
      %lt3A_1789 = arith.cmpi slt, %add3A_1760, %lt3A_1788 : i32
      %convert_element_type3A_1790 = arith.extui %lt3A_1789 : i1 to i32
      %cond3A_1791 = arith.constant 0 : i32
      %cond3A_1792 = arith.cmpi ne, %convert_element_type3A_1790, %cond3A_1791 : i32
      scf.if %cond3A_1792 {
        %add3A_1993 = arith.constant 6 : i32
        %add3A_1994 = arith.addi %add3A_1760, %add3A_1993 : i32
        %dma_start3A_1995 = arith.constant 5 : i32
        %dma_start3A_1996 = arith.constant 0 : i32
        %dma_start3A_1997 = arith.constant 0 : i32
        %dma_start3A_1998 = tpu.memref_slice %arg13[%dma_start3A_1995, %dma_start3A_1996, %dma_start3A_1997] : memref<8x128x16xf32, #tpu.memory_space<vmem>> -> memref<1x128x16xf32, #tpu.memory_space<vmem>>
        %dma_start3A_1999 = tpu.memref_squeeze %dma_start3A_1998 : memref<1x128x16xf32, #tpu.memory_space<vmem>> -> memref<128x16xf32, #tpu.memory_space<vmem>>
        %dma_start3A_2000 = arith.constant 0 : i32
        %dma_start3A_2001 = tpu.memref_slice %arg11[%add3A_1994, %dma_start3A_2000] : memref<80x128xi32, #tpu.memory_space<vmem>> -> memref<1x128xi32, #tpu.memory_space<vmem>>
        %dma_start3A_2002 = tpu.memref_squeeze %dma_start3A_2001 : memref<1x128xi32, #tpu.memory_space<vmem>> -> memref<128xi32, #tpu.memory_space<vmem>>
        %dma_start3A_2003 = arith.constant 0 : i32
        %dma_start3A_2004 = arith.constant 0 : i32
        %dma_start3A_2005 = tpu.memref_slice %arg2[%dma_start3A_2003, %dma_start3A_2004] : memref<10240x16xf32, #tpu.memory_space<hbm>> -> memref<10240x16xf32, #tpu.memory_space<hbm>>
        tpu.enqueue_indirect_dma source(%dma_start3A_2005 : memref<10240x16xf32, #tpu.memory_space<hbm>>) target(%dma_start3A_1999 : memref<128x16xf32, #tpu.memory_space<vmem>>) offsets(%dma_start3A_2002 : memref<128xi32, #tpu.memory_space<vmem>>) semaphore(%arg23 : memref<!tpu.dma_semaphore, #tpu.memory_space<semaphore_mem>>)
      } else {
      }
      %get3A_1793 = arith.index_cast %add3A_1760 : i32 to index
      %get3A_1794 = arith.constant 0 : index
      %get3A_1795 = tpu.vector_load %arg12[%get3A_1793, %get3A_1794] {strides = array<i32>} : memref<80x128xi32, #tpu.memory_space<vmem>>, vector<16xi32>,
      %get3A_1796 = arith.index_cast %add3A_1760 : i32 to index
      %get3A_1797 = arith.constant 0 : index
      %get3A_1798 = tpu.vector_load %arg11[%get3A_1796, %get3A_1797] {strides = array<i32>} : memref<80x128xi32, #tpu.memory_space<vmem>>, vector<16xi32>,
      %lt3A_1799 = arith.constant 1024 : i32
      %lt3A_1800 = vector.broadcast %lt3A_1799 : i32 to vector<16xi32>
      %lt3A_1801 = arith.cmpi slt, %get3A_1795, %lt3A_1800 : vector<16xi32>
      %convert_element_type3A_1802 = arith.extui %lt3A_1801 : vector<16xi1> to vector<16xi32>
      %broadcast_in_dim3A_1803 = arith.constant true
      %broadcast_in_dim3A_1804 = vector.broadcast %broadcast_in_dim3A_1803 : i1 to vector<16xi1>
      %masked_cumsum3A_1805 = tpu.scan <sum>, %convert_element_type3A_1802 masked %broadcast_in_dim3A_1804 : vector<16xi32>, vector<16xi1> -> vector<16xi32>
      %add3A_1806 = arith.addi %add3A_1756, %masked_cumsum3A_1805 : vector<16xi32>
      %sub3A_1807 = arith.constant 1 : i32
      %sub3A_1808 = vector.broadcast %sub3A_1807 : i32 to vector<16xi32>
      %sub3A_1809 = arith.subi %add3A_1806, %sub3A_1808 : vector<16xi32>
      %shift_right_arithmetic3A_1810 = arith.constant 7 : i32
      %shift_right_arithmetic3A_1811 = vector.broadcast %shift_right_arithmetic3A_1810 : i32 to vector<16xi32>
      %shift_right_arithmetic3A_1812 = arith.shrsi %sub3A_1809, %shift_right_arithmetic3A_1811 : vector<16xi32>
      %and3A_1813 = arith.constant 127 : i32
      %and3A_1814 = vector.broadcast %and3A_1813 : i32 to vector<16xi32>
      %and3A_1815 = arith.andi %sub3A_1809, %and3A_1814 : vector<16xi32>
      tpu.vector_store_idx %arg16[%shift_right_arithmetic3A_1812, %and3A_1815], %get3A_1795 masked %lt3A_1801 : memref<80x128xi32, #tpu.memory_space<vmem>>[vector<16xi32>, vector<16xi32>], vector<16xi32>, vector<16xi1>
      tpu.vector_store_idx %arg15[%shift_right_arithmetic3A_1812, %and3A_1815], %get3A_1798 masked %lt3A_1801 : memref<80x128xi32, #tpu.memory_space<vmem>>[vector<16xi32>, vector<16xi32>], vector<16xi32>, vector<16xi1>
      %all_reduce_population_count3A_1816 = tpu.all_reduce %lt3A_1801 {dim = 0 : i64, kind = #tpu.reduction_kind<sum>} : vector<16xi1> -> vector<16xi32>
      %add3A_1817 = arith.addi %add3A_1756, %all_reduce_population_count3A_1816 : vector<16xi32>
      %get3A_1818 = arith.index_cast %add3A_1760 : i32 to index
      %get3A_1819 = arith.constant 16 : index
      %get3A_1820 = tpu.vector_load %arg12[%get3A_1818, %get3A_1819] {strides = array<i32>} : memref<80x128xi32, #tpu.memory_space<vmem>>, vector<16xi32>,
      %get3A_1821 = arith.index_cast %add3A_1760 : i32 to index
      %get3A_1822 = arith.constant 16 : index
      %get3A_1823 = tpu.vector_load %arg11[%get3A_1821, %get3A_1822] {strides = array<i32>} : memref<80x128xi32, #tpu.memory_space<vmem>>, vector<16xi32>,
      %lt3A_1824 = arith.constant 1024 : i32
      %lt3A_1825 = vector.broadcast %lt3A_1824 : i32 to vector<16xi32>
      %lt3A_1826 = arith.cmpi slt, %get3A_1820, %lt3A_1825 : vector<16xi32>
      %convert_element_type3A_1827 = arith.extui %lt3A_1826 : vector<16xi1> to vector<16xi32>
      %broadcast_in_dim3A_1828 = arith.constant true
      %broadcast_in_dim3A_1829 = vector.broadcast %broadcast_in_dim3A_1828 : i1 to vector<16xi1>
      %masked_cumsum3A_1830 = tpu.scan <sum>, %convert_element_type3A_1827 masked %broadcast_in_dim3A_1829 : vector<16xi32>, vector<16xi1> -> vector<16xi32>
      %add3A_1831 = arith.addi %add3A_1817, %masked_cumsum3A_1830 : vector<16xi32>
      %sub3A_1832 = arith.constant 1 : i32
      %sub3A_1833 = vector.broadcast %sub3A_1832 : i32 to vector<16xi32>
      %sub3A_1834 = arith.subi %add3A_1831, %sub3A_1833 : vector<16xi32>
      %shift_right_arithmetic3A_1835 = arith.constant 7 : i32
      %shift_right_arithmetic3A_1836 = vector.broadcast %shift_right_arithmetic3A_1835 : i32 to vector<16xi32>
      %shift_right_arithmetic3A_1837 = arith.shrsi %sub3A_1834, %shift_right_arithmetic3A_1836 : vector<16xi32>
      %and3A_1838 = arith.constant 127 : i32
      %and3A_1839 = vector.broadcast %and3A_1838 : i32 to vector<16xi32>
      %and3A_1840 = arith.andi %sub3A_1834, %and3A_1839 : vector<16xi32>
      tpu.vector_store_idx %arg16[%shift_right_arithmetic3A_1837, %and3A_1840], %get3A_1820 masked %lt3A_1826 : memref<80x128xi32, #tpu.memory_space<vmem>>[vector<16xi32>, vector<16xi32>], vector<16xi32>, vector<16xi1>
      tpu.vector_store_idx %arg15[%shift_right_arithmetic3A_1837, %and3A_1840], %get3A_1823 masked %lt3A_1826 : memref<80x128xi32, #tpu.memory_space<vmem>>[vector<16xi32>, vector<16xi32>], vector<16xi32>, vector<16xi1>
      %all_reduce_population_count3A_1841 = tpu.all_reduce %lt3A_1826 {dim = 0 : i64, kind = #tpu.reduction_kind<sum>} : vector<16xi1> -> vector<16xi32>
      %add3A_1842 = arith.addi %add3A_1817, %all_reduce_population_count3A_1841 : vector<16xi32>
      %get3A_1843 = arith.index_cast %add3A_1760 : i32 to index
      %get3A_1844 = arith.constant 32 : index
      %get3A_1845 = tpu.vector_load %arg12[%get3A_1843, %get3A_1844] {strides = array<i32>} : memref<80x128xi32, #tpu.memory_space<vmem>>, vector<16xi32>,
      %get3A_1846 = arith.index_cast %add3A_1760 : i32 to index
      %get3A_1847 = arith.constant 32 : index
      %get3A_1848 = tpu.vector_load %arg11[%get3A_1846, %get3A_1847] {strides = array<i32>} : memref<80x128xi32, #tpu.memory_space<vmem>>, vector<16xi32>,
      %lt3A_1849 = arith.constant 1024 : i32
      %lt3A_1850 = vector.broadcast %lt3A_1849 : i32 to vector<16xi32>
      %lt3A_1851 = arith.cmpi slt, %get3A_1845, %lt3A_1850 : vector<16xi32>
      %convert_element_type3A_1852 = arith.extui %lt3A_1851 : vector<16xi1> to vector<16xi32>
      %broadcast_in_dim3A_1853 = arith.constant true
      %broadcast_in_dim3A_1854 = vector.broadcast %broadcast_in_dim3A_1853 : i1 to vector<16xi1>
      %masked_cumsum3A_1855 = tpu.scan <sum>, %convert_element_type3A_1852 masked %broadcast_in_dim3A_1854 : vector<16xi32>, vector<16xi1> -> vector<16xi32>
      %add3A_1856 = arith.addi %add3A_1842, %masked_cumsum3A_1855 : vector<16xi32>
      %sub3A_1857 = arith.constant 1 : i32
      %sub3A_1858 = vector.broadcast %sub3A_1857 : i32 to vector<16xi32>
      %sub3A_1859 = arith.subi %add3A_1856, %sub3A_1858 : vector<16xi32>
      %shift_right_arithmetic3A_1860 = arith.constant 7 : i32
      %shift_right_arithmetic3A_1861 = vector.broadcast %shift_right_arithmetic3A_1860 : i32 to vector<16xi32>
      %shift_right_arithmetic3A_1862 = arith.shrsi %sub3A_1859, %shift_right_arithmetic3A_1861 : vector<16xi32>
      %and3A_1863 = arith.constant 127 : i32
      %and3A_1864 = vector.broadcast %and3A_1863 : i32 to vector<16xi32>
      %and3A_1865 = arith.andi %sub3A_1859, %and3A_1864 : vector<16xi32>
      tpu.vector_store_idx %arg16[%shift_right_arithmetic3A_1862, %and3A_1865], %get3A_1845 masked %lt3A_1851 : memref<80x128xi32, #tpu.memory_space<vmem>>[vector<16xi32>, vector<16xi32>], vector<16xi32>, vector<16xi1>
      tpu.vector_store_idx %arg15[%shift_right_arithmetic3A_1862, %and3A_1865], %get3A_1848 masked %lt3A_1851 : memref<80x128xi32, #tpu.memory_space<vmem>>[vector<16xi32>, vector<16xi32>], vector<16xi32>, vector<16xi1>
      %all_reduce_population_count3A_1866 = tpu.all_reduce %lt3A_1851 {dim = 0 : i64, kind = #tpu.reduction_kind<sum>} : vector<16xi1> -> vector<16xi32>
      %add3A_1867 = arith.addi %add3A_1842, %all_reduce_population_count3A_1866 : vector<16xi32>
      %get3A_1868 = arith.index_cast %add3A_1760 : i32 to index
      %get3A_1869 = arith.constant 48 : index
      %get3A_1870 = tpu.vector_load %arg12[%get3A_1868, %get3A_1869] {strides = array<i32>} : memref<80x128xi32, #tpu.memory_space<vmem>>, vector<16xi32>,
      %get3A_1871 = arith.index_cast %add3A_1760 : i32 to index
      %get3A_1872 = arith.constant 48 : index
      %get3A_1873 = tpu.vector_load %arg11[%get3A_1871, %get3A_1872] {strides = array<i32>} : memref<80x128xi32, #tpu.memory_space<vmem>>, vector<16xi32>,
      %lt3A_1874 = arith.constant 1024 : i32
      %lt3A_1875 = vector.broadcast %lt3A_1874 : i32 to vector<16xi32>
      %lt3A_1876 = arith.cmpi slt, %get3A_1870, %lt3A_1875 : vector<16xi32>
      %convert_element_type3A_1877 = arith.extui %lt3A_1876 : vector<16xi1> to vector<16xi32>
      %broadcast_in_dim3A_1878 = arith.constant true
      %broadcast_in_dim3A_1879 = vector.broadcast %broadcast_in_dim3A_1878 : i1 to vector<16xi1>
      %masked_cumsum3A_1880 = tpu.scan <sum>, %convert_element_type3A_1877 masked %broadcast_in_dim3A_1879 : vector<16xi32>, vector<16xi1> -> vector<16xi32>
      %add3A_1881 = arith.addi %add3A_1867, %masked_cumsum3A_1880 : vector<16xi32>
      %sub3A_1882 = arith.constant 1 : i32
      %sub3A_1883 = vector.broadcast %sub3A_1882 : i32 to vector<16xi32>
      %sub3A_1884 = arith.subi %add3A_1881, %sub3A_1883 : vector<16xi32>
      %shift_right_arithmetic3A_1885 = arith.constant 7 : i32
      %shift_right_arithmetic3A_1886 = vector.broadcast %shift_right_arithmetic3A_1885 : i32 to vector<16xi32>
      %shift_right_arithmetic3A_1887 = arith.shrsi %sub3A_1884, %shift_right_arithmetic3A_1886 : vector<16xi32>
      %and3A_1888 = arith.constant 127 : i32
      %and3A_1889 = vector.broadcast %and3A_1888 : i32 to vector<16xi32>
      %and3A_1890 = arith.andi %sub3A_1884, %and3A_1889 : vector<16xi32>
      tpu.vector_store_idx %arg16[%shift_right_arithmetic3A_1887, %and3A_1890], %get3A_1870 masked %lt3A_1876 : memref<80x128xi32, #tpu.memory_space<vmem>>[vector<16xi32>, vector<16xi32>], vector<16xi32>, vector<16xi1>
      tpu.vector_store_idx %arg15[%shift_right_arithmetic3A_1887, %and3A_1890], %get3A_1873 masked %lt3A_1876 : memref<80x128xi32, #tpu.memory_space<vmem>>[vector<16xi32>, vector<16xi32>], vector<16xi32>, vector<16xi1>
      %all_reduce_population_count3A_1891 = tpu.all_reduce %lt3A_1876 {dim = 0 : i64, kind = #tpu.reduction_kind<sum>} : vector<16xi1> -> vector<16xi32>
      %add3A_1892 = arith.addi %add3A_1867, %all_reduce_population_count3A_1891 : vector<16xi32>
      %get3A_1893 = arith.index_cast %add3A_1760 : i32 to index
      %get3A_1894 = arith.constant 64 : index
      %get3A_1895 = tpu.vector_load %arg12[%get3A_1893, %get3A_1894] {strides = array<i32>} : memref<80x128xi32, #tpu.memory_space<vmem>>, vector<16xi32>,
      %get3A_1896 = arith.index_cast %add3A_1760 : i32 to index
      %get3A_1897 = arith.constant 64 : index
      %get3A_1898 = tpu.vector_load %arg11[%get3A_1896, %get3A_1897] {strides = array<i32>} : memref<80x128xi32, #tpu.memory_space<vmem>>, vector<16xi32>,
      %lt3A_1899 = arith.constant 1024 : i32
      %lt3A_1900 = vector.broadcast %lt3A_1899 : i32 to vector<16xi32>
      %lt3A_1901 = arith.cmpi slt, %get3A_1895, %lt3A_1900 : vector<16xi32>
      %convert_element_type3A_1902 = arith.extui %lt3A_1901 : vector<16xi1> to vector<16xi32>
      %broadcast_in_dim3A_1903 = arith.constant true
      %broadcast_in_dim3A_1904 = vector.broadcast %broadcast_in_dim3A_1903 : i1 to vector<16xi1>
      %masked_cumsum3A_1905 = tpu.scan <sum>, %convert_element_type3A_1902 masked %broadcast_in_dim3A_1904 : vector<16xi32>, vector<16xi1> -> vector<16xi32>
      %add3A_1906 = arith.addi %add3A_1892, %masked_cumsum3A_1905 : vector<16xi32>
      %sub3A_1907 = arith.constant 1 : i32
      %sub3A_1908 = vector.broadcast %sub3A_1907 : i32 to vector<16xi32>
      %sub3A_1909 = arith.subi %add3A_1906, %sub3A_1908 : vector<16xi32>
      %shift_right_arithmetic3A_1910 = arith.constant 7 : i32
      %shift_right_arithmetic3A_1911 = vector.broadcast %shift_right_arithmetic3A_1910 : i32 to vector<16xi32>
      %shift_right_arithmetic3A_1912 = arith.shrsi %sub3A_1909, %shift_right_arithmetic3A_1911 : vector<16xi32>
      %and3A_1913 = arith.constant 127 : i32
      %and3A_1914 = vector.broadcast %and3A_1913 : i32 to vector<16xi32>
      %and3A_1915 = arith.andi %sub3A_1909, %and3A_1914 : vector<16xi32>
      tpu.vector_store_idx %arg16[%shift_right_arithmetic3A_1912, %and3A_1915], %get3A_1895 masked %lt3A_1901 : memref<80x128xi32, #tpu.memory_space<vmem>>[vector<16xi32>, vector<16xi32>], vector<16xi32>, vector<16xi1>
      tpu.vector_store_idx %arg15[%shift_right_arithmetic3A_1912, %and3A_1915], %get3A_1898 masked %lt3A_1901 : memref<80x128xi32, #tpu.memory_space<vmem>>[vector<16xi32>, vector<16xi32>], vector<16xi32>, vector<16xi1>
      %all_reduce_population_count3A_1916 = tpu.all_reduce %lt3A_1901 {dim = 0 : i64, kind = #tpu.reduction_kind<sum>} : vector<16xi1> -> vector<16xi32>
      %add3A_1917 = arith.addi %add3A_1892, %all_reduce_population_count3A_1916 : vector<16xi32>
      %get3A_1918 = arith.index_cast %add3A_1760 : i32 to index
      %get3A_1919 = arith.constant 80 : index
      %get3A_1920 = tpu.vector_load %arg12[%get3A_1918, %get3A_1919] {strides = array<i32>} : memref<80x128xi32, #tpu.memory_space<vmem>>, vector<16xi32>,
      %get3A_1921 = arith.index_cast %add3A_1760 : i32 to index
      %get3A_1922 = arith.constant 80 : index
      %get3A_1923 = tpu.vector_load %arg11[%get3A_1921, %get3A_1922] {strides = array<i32>} : memref<80x128xi32, #tpu.memory_space<vmem>>, vector<16xi32>,
      %lt3A_1924 = arith.constant 1024 : i32
      %lt3A_1925 = vector.broadcast %lt3A_1924 : i32 to vector<16xi32>
      %lt3A_1926 = arith.cmpi slt, %get3A_1920, %lt3A_1925 : vector<16xi32>
      %convert_element_type3A_1927 = arith.extui %lt3A_1926 : vector<16xi1> to vector<16xi32>
      %broadcast_in_dim3A_1928 = arith.constant true
      %broadcast_in_dim3A_1929 = vector.broadcast %broadcast_in_dim3A_1928 : i1 to vector<16xi1>
      %masked_cumsum3A_1930 = tpu.scan <sum>, %convert_element_type3A_1927 masked %broadcast_in_dim3A_1929 : vector<16xi32>, vector<16xi1> -> vector<16xi32>
      %add3A_1931 = arith.addi %add3A_1917, %masked_cumsum3A_1930 : vector<16xi32>
      %sub3A_1932 = arith.constant 1 : i32
      %sub3A_1933 = vector.broadcast %sub3A_1932 : i32 to vector<16xi32>
      %sub3A_1934 = arith.subi %add3A_1931, %sub3A_1933 : vector<16xi32>
      %shift_right_arithmetic3A_1935 = arith.constant 7 : i32
      %shift_right_arithmetic3A_1936 = vector.broadcast %shift_right_arithmetic3A_1935 : i32 to vector<16xi32>
      %shift_right_arithmetic3A_1937 = arith.shrsi %sub3A_1934, %shift_right_arithmetic3A_1936 : vector<16xi32>
      %and3A_1938 = arith.constant 127 : i32
      %and3A_1939 = vector.broadcast %and3A_1938 : i32 to vector<16xi32>
      %and3A_1940 = arith.andi %sub3A_1934, %and3A_1939 : vector<16xi32>
      tpu.vector_store_idx %arg16[%shift_right_arithmetic3A_1937, %and3A_1940], %get3A_1920 masked %lt3A_1926 : memref<80x128xi32, #tpu.memory_space<vmem>>[vector<16xi32>, vector<16xi32>], vector<16xi32>, vector<16xi1>
      tpu.vector_store_idx %arg15[%shift_right_arithmetic3A_1937, %and3A_1940], %get3A_1923 masked %lt3A_1926 : memref<80x128xi32, #tpu.memory_space<vmem>>[vector<16xi32>, vector<16xi32>], vector<16xi32>, vector<16xi1>
      %all_reduce_population_count3A_1941 = tpu.all_reduce %lt3A_1926 {dim = 0 : i64, kind = #tpu.reduction_kind<sum>} : vector<16xi1> -> vector<16xi32>
      %add3A_1942 = arith.addi %add3A_1917, %all_reduce_population_count3A_1941 : vector<16xi32>
      %get3A_1943 = arith.index_cast %add3A_1760 : i32 to index
      %get3A_1944 = arith.constant 96 : index
      %get3A_1945 = tpu.vector_load %arg12[%get3A_1943, %get3A_1944] {strides = array<i32>} : memref<80x128xi32, #tpu.memory_space<vmem>>, vector<16xi32>,
      %get3A_1946 = arith.index_cast %add3A_1760 : i32 to index
      %get3A_1947 = arith.constant 96 : index
      %get3A_1948 = tpu.vector_load %arg11[%get3A_1946, %get3A_1947] {strides = array<i32>} : memref<80x128xi32, #tpu.memory_space<vmem>>, vector<16xi32>,
      %lt3A_1949 = arith.constant 1024 : i32
      %lt3A_1950 = vector.broadcast %lt3A_1949 : i32 to vector<16xi32>
      %lt3A_1951 = arith.cmpi slt, %get3A_1945, %lt3A_1950 : vector<16xi32>
      %convert_element_type3A_1952 = arith.extui %lt3A_1951 : vector<16xi1> to vector<16xi32>
      %broadcast_in_dim3A_1953 = arith.constant true
      %broadcast_in_dim3A_1954 = vector.broadcast %broadcast_in_dim3A_1953 : i1 to vector<16xi1>
      %masked_cumsum3A_1955 = tpu.scan <sum>, %convert_element_type3A_1952 masked %broadcast_in_dim3A_1954 : vector<16xi32>, vector<16xi1> -> vector<16xi32>
      %add3A_1956 = arith.addi %add3A_1942, %masked_cumsum3A_1955 : vector<16xi32>
      %sub3A_1957 = arith.constant 1 : i32
      %sub3A_1958 = vector.broadcast %sub3A_1957 : i32 to vector<16xi32>
      %sub3A_1959 = arith.subi %add3A_1956, %sub3A_1958 : vector<16xi32>
      %shift_right_arithmetic3A_1960 = arith.constant 7 : i32
      %shift_right_arithmetic3A_1961 = vector.broadcast %shift_right_arithmetic3A_1960 : i32 to vector<16xi32>
      %shift_right_arithmetic3A_1962 = arith.shrsi %sub3A_1959, %shift_right_arithmetic3A_1961 : vector<16xi32>
      %and3A_1963 = arith.constant 127 : i32
      %and3A_1964 = vector.broadcast %and3A_1963 : i32 to vector<16xi32>
      %and3A_1965 = arith.andi %sub3A_1959, %and3A_1964 : vector<16xi32>
      tpu.vector_store_idx %arg16[%shift_right_arithmetic3A_1962, %and3A_1965], %get3A_1945 masked %lt3A_1951 : memref<80x128xi32, #tpu.memory_space<vmem>>[vector<16xi32>, vector<16xi32>], vector<16xi32>, vector<16xi1>
      tpu.vector_store_idx %arg15[%shift_right_arithmetic3A_1962, %and3A_1965], %get3A_1948 masked %lt3A_1951 : memref<80x128xi32, #tpu.memory_space<vmem>>[vector<16xi32>, vector<16xi32>], vector<16xi32>, vector<16xi1>
      %all_reduce_population_count3A_1966 = tpu.all_reduce %lt3A_1951 {dim = 0 : i64, kind = #tpu.reduction_kind<sum>} : vector<16xi1> -> vector<16xi32>
      %add3A_1967 = arith.addi %add3A_1942, %all_reduce_population_count3A_1966 : vector<16xi32>
      %get3A_1968 = arith.index_cast %add3A_1760 : i32 to index
      %get3A_1969 = arith.constant 112 : index
      %get3A_1970 = tpu.vector_load %arg12[%get3A_1968, %get3A_1969] {strides = array<i32>} : memref<80x128xi32, #tpu.memory_space<vmem>>, vector<16xi32>,
      %get3A_1971 = arith.index_cast %add3A_1760 : i32 to index
      %get3A_1972 = arith.constant 112 : index
      %get3A_1973 = tpu.vector_load %arg11[%get3A_1971, %get3A_1972] {strides = array<i32>} : memref<80x128xi32, #tpu.memory_space<vmem>>, vector<16xi32>,
      %lt3A_1974 = arith.constant 1024 : i32
      %lt3A_1975 = vector.broadcast %lt3A_1974 : i32 to vector<16xi32>
      %lt3A_1976 = arith.cmpi slt, %get3A_1970, %lt3A_1975 : vector<16xi32>
      %convert_element_type3A_1977 = arith.extui %lt3A_1976 : vector<16xi1> to vector<16xi32>
      %broadcast_in_dim3A_1978 = arith.constant true
      %broadcast_in_dim3A_1979 = vector.broadcast %broadcast_in_dim3A_1978 : i1 to vector<16xi1>
      %masked_cumsum3A_1980 = tpu.scan <sum>, %convert_element_type3A_1977 masked %broadcast_in_dim3A_1979 : vector<16xi32>, vector<16xi1> -> vector<16xi32>
      %add3A_1981 = arith.addi %add3A_1967, %masked_cumsum3A_1980 : vector<16xi32>
      %sub3A_1982 = arith.constant 1 : i32
      %sub3A_1983 = vector.broadcast %sub3A_1982 : i32 to vector<16xi32>
      %sub3A_1984 = arith.subi %add3A_1981, %sub3A_1983 : vector<16xi32>
      %shift_right_arithmetic3A_1985 = arith.constant 7 : i32
      %shift_right_arithmetic3A_1986 = vector.broadcast %shift_right_arithmetic3A_1985 : i32 to vector<16xi32>
      %shift_right_arithmetic3A_1987 = arith.shrsi %sub3A_1984, %shift_right_arithmetic3A_1986 : vector<16xi32>
      %and3A_1988 = arith.constant 127 : i32
      %and3A_1989 = vector.broadcast %and3A_1988 : i32 to vector<16xi32>
      %and3A_1990 = arith.andi %sub3A_1984, %and3A_1989 : vector<16xi32>
      tpu.vector_store_idx %arg16[%shift_right_arithmetic3A_1987, %and3A_1990], %get3A_1970 masked %lt3A_1976 : memref<80x128xi32, #tpu.memory_space<vmem>>[vector<16xi32>, vector<16xi32>], vector<16xi32>, vector<16xi1>
      tpu.vector_store_idx %arg15[%shift_right_arithmetic3A_1987, %and3A_1990], %get3A_1973 masked %lt3A_1976 : memref<80x128xi32, #tpu.memory_space<vmem>>[vector<16xi32>, vector<16xi32>], vector<16xi32>, vector<16xi1>
      %all_reduce_population_count3A_1991 = tpu.all_reduce %lt3A_1976 {dim = 0 : i64, kind = #tpu.reduction_kind<sum>} : vector<16xi1> -> vector<16xi32>
      %add3A_1992 = arith.addi %add3A_1967, %all_reduce_population_count3A_1991 : vector<16xi32>
      scf.yield %add3A_1992 : vector<16xi32>
    }
    %scan3A_79 = arith.constant 10 : i32
    %dma_wait3A = arith.constant 6 : i32
    %dma_wait3A_80 = arith.constant 78 : i32
    %dma_wait3A_81 = arith.constant 0 : i32
    %dma_wait3A_82 = arith.constant 0 : i32
    %dma_wait3A_83 = tpu.memref_slice %arg13[%dma_wait3A, %dma_wait3A_81, %dma_wait3A_82] : memref<8x128x16xf32, #tpu.memory_space<vmem>> -> memref<1x128x16xf32, #tpu.memory_space<vmem>>
    %dma_wait3A_84 = tpu.memref_squeeze %dma_wait3A_83 : memref<1x128x16xf32, #tpu.memory_space<vmem>> -> memref<128x16xf32, #tpu.memory_space<vmem>>
    %dma_wait3A_85 = arith.constant 0 : i32
    %dma_wait3A_86 = tpu.memref_slice %arg12[%dma_wait3A_80, %dma_wait3A_85] : memref<80x128xi32, #tpu.memory_space<vmem>> -> memref<1x128xi32, #tpu.memory_space<vmem>>
    %dma_wait3A_87 = tpu.memref_squeeze %dma_wait3A_86 : memref<1x128xi32, #tpu.memory_space<vmem>> -> memref<128xi32, #tpu.memory_space<vmem>>
    %dma_wait3A_88 = arith.constant 0 : i32
    %dma_wait3A_89 = arith.constant 0 : i32
    %dma_wait3A_90 = tpu.memref_slice %arg14[%dma_wait3A_88, %dma_wait3A_89] : memref<10240x16xf32, #tpu.memory_space<vmem_shared>> -> memref<10240x16xf32, #tpu.memory_space<vmem_shared>>
    tpu.wait_indirect_dma semaphore(%arg24 : memref<!tpu.dma_semaphore, #tpu.memory_space<semaphore_mem>>) src(%dma_wait3A_84 : memref<128x16xf32, #tpu.memory_space<vmem>>) dst(%dma_wait3A_90 : memref<10240x16xf32, #tpu.memory_space<vmem_shared>>)
    %dma_wait3A_91 = arith.constant 7 : i32
    %dma_wait3A_92 = arith.constant 79 : i32
    %dma_wait3A_93 = arith.constant 0 : i32
    %dma_wait3A_94 = arith.constant 0 : i32
    %dma_wait3A_95 = tpu.memref_slice %arg13[%dma_wait3A_91, %dma_wait3A_93, %dma_wait3A_94] : memref<8x128x16xf32, #tpu.memory_space<vmem>> -> memref<1x128x16xf32, #tpu.memory_space<vmem>>
    %dma_wait3A_96 = tpu.memref_squeeze %dma_wait3A_95 : memref<1x128x16xf32, #tpu.memory_space<vmem>> -> memref<128x16xf32, #tpu.memory_space<vmem>>
    %dma_wait3A_97 = arith.constant 0 : i32
    %dma_wait3A_98 = tpu.memref_slice %arg12[%dma_wait3A_92, %dma_wait3A_97] : memref<80x128xi32, #tpu.memory_space<vmem>> -> memref<1x128xi32, #tpu.memory_space<vmem>>
    %dma_wait3A_99 = tpu.memref_squeeze %dma_wait3A_98 : memref<1x128xi32, #tpu.memory_space<vmem>> -> memref<128xi32, #tpu.memory_space<vmem>>
    %dma_wait3A_100 = arith.constant 0 : i32
    %dma_wait3A_101 = arith.constant 0 : i32
    %dma_wait3A_102 = tpu.memref_slice %arg14[%dma_wait3A_100, %dma_wait3A_101] : memref<10240x16xf32, #tpu.memory_space<vmem_shared>> -> memref<10240x16xf32, #tpu.memory_space<vmem_shared>>
    tpu.wait_indirect_dma semaphore(%arg25 : memref<!tpu.dma_semaphore, #tpu.memory_space<semaphore_mem>>) src(%dma_wait3A_96 : memref<128x16xf32, #tpu.memory_space<vmem>>) dst(%dma_wait3A_102 : memref<10240x16xf32, #tpu.memory_space<vmem_shared>>)
    %swap3A = arith.constant 0 : index
    %swap3A_103 = tpu.vector_load %arg17[%swap3A] {strides = array<i32>} : memref<16xi32, #tpu.memory_space<vmem>>, vector<16xi32>,
    tpu.vector_store %arg17[%swap3A], %scan3A_78 {strides = array<i32>} : memref<16xi32, #tpu.memory_space<vmem>>, vector<16xi32>,
    "tpu.region"() ({
      %run_scoped3A = tpu.sem_alloc : memref<!tpu.dma_semaphore, #tpu.memory_space<semaphore_mem>>
      %dma_start3A_109 = arith.constant 0 : i32
      %dma_start3A_110 = tpu.memref_slice %arg10[%add3A, %dma_start3A_109] : memref<32x16xi32, #tpu.memory_space<hbm>> -> memref<1x16xi32, #tpu.memory_space<hbm>>
      %dma_start3A_111 = tpu.memref_squeeze %dma_start3A_110 : memref<1x16xi32, #tpu.memory_space<hbm>> -> memref<16xi32, #tpu.memory_space<hbm>>
      %dma_start3A_112 = arith.constant 0 : i32
      %dma_start3A_113 = tpu.memref_slice %arg10[%add3A, %dma_start3A_112] : memref<32x16xi32, #tpu.memory_space<hbm>> -> memref<1x16xi32, #tpu.memory_space<hbm>>
      %dma_start3A_114 = tpu.memref_squeeze %dma_start3A_113 : memref<1x16xi32, #tpu.memory_space<hbm>> -> memref<16xi32, #tpu.memory_space<hbm>>
      tpu.enqueue_dma source(%arg17 : memref<16xi32, #tpu.memory_space<vmem>>) target(%dma_start3A_114 : memref<16xi32, #tpu.memory_space<hbm>>) target_semaphore(%run_scoped3A : memref<!tpu.dma_semaphore, #tpu.memory_space<semaphore_mem>>)
      %dma_wait3A_115 = arith.constant 0 : i32
      %dma_wait3A_116 = tpu.memref_slice %arg10[%add3A, %dma_wait3A_115] : memref<32x16xi32, #tpu.memory_space<hbm>> -> memref<1x16xi32, #tpu.memory_space<hbm>>
      %dma_wait3A_117 = tpu.memref_squeeze %dma_wait3A_116 : memref<1x16xi32, #tpu.memory_space<hbm>> -> memref<16xi32, #tpu.memory_space<hbm>>
      %dma_wait3A_118 = arith.constant 0 : i32
      %dma_wait3A_119 = tpu.memref_slice %arg10[%add3A, %dma_wait3A_118] : memref<32x16xi32, #tpu.memory_space<hbm>> -> memref<1x16xi32, #tpu.memory_space<hbm>>
      %dma_wait3A_120 = tpu.memref_squeeze %dma_wait3A_119 : memref<1x16xi32, #tpu.memory_space<hbm>> -> memref<16xi32, #tpu.memory_space<hbm>>
      tpu.wait_dma2 semaphore(%run_scoped3A : memref<!tpu.dma_semaphore, #tpu.memory_space<semaphore_mem>>) src(%arg17 : memref<16xi32, #tpu.memory_space<vmem>>) dst(%dma_wait3A_120 : memref<16xi32, #tpu.memory_space<hbm>>)
      tpu.yield
    }) : () -> ()
    "tpu.region"() ({
      %run_scoped3A = tpu.sem_alloc : memref<!tpu.dma_semaphore, #tpu.memory_space<semaphore_mem>>
      %dma_start3A_109 = arith.constant 0 : i32
      %dma_start3A_110 = arith.constant 0 : i32
      %dma_start3A_111 = tpu.memref_slice %arg8[%add3A, %dma_start3A_109, %dma_start3A_110] : memref<32x80x128xi32, #tpu.memory_space<hbm>> -> memref<1x80x128xi32, #tpu.memory_space<hbm>>
      %dma_start3A_112 = tpu.memref_squeeze %dma_start3A_111 : memref<1x80x128xi32, #tpu.memory_space<hbm>> -> memref<80x128xi32, #tpu.memory_space<hbm>>
      %dma_start3A_113 = arith.constant 0 : i32
      %dma_start3A_114 = arith.constant 0 : i32
      %dma_start3A_115 = tpu.memref_slice %arg8[%add3A, %dma_start3A_113, %dma_start3A_114] : memref<32x80x128xi32, #tpu.memory_space<hbm>> -> memref<1x80x128xi32, #tpu.memory_space<hbm>>
      %dma_start3A_116 = tpu.memref_squeeze %dma_start3A_115 : memref<1x80x128xi32, #tpu.memory_space<hbm>> -> memref<80x128xi32, #tpu.memory_space<hbm>>
      tpu.enqueue_dma source(%arg15 : memref<80x128xi32, #tpu.memory_space<vmem>>) target(%dma_start3A_116 : memref<80x128xi32, #tpu.memory_space<hbm>>) target_semaphore(%run_scoped3A : memref<!tpu.dma_semaphore, #tpu.memory_space<semaphore_mem>>)
      %dma_wait3A_117 = arith.constant 0 : i32
      %dma_wait3A_118 = arith.constant 0 : i32
      %dma_wait3A_119 = tpu.memref_slice %arg8[%add3A, %dma_wait3A_117, %dma_wait3A_118] : memref<32x80x128xi32, #tpu.memory_space<hbm>> -> memref<1x80x128xi32, #tpu.memory_space<hbm>>
      %dma_wait3A_120 = tpu.memref_squeeze %dma_wait3A_119 : memref<1x80x128xi32, #tpu.memory_space<hbm>> -> memref<80x128xi32, #tpu.memory_space<hbm>>
      %dma_wait3A_121 = arith.constant 0 : i32
      %dma_wait3A_122 = arith.constant 0 : i32
      %dma_wait3A_123 = tpu.memref_slice %arg8[%add3A, %dma_wait3A_121, %dma_wait3A_122] : memref<32x80x128xi32, #tpu.memory_space<hbm>> -> memref<1x80x128xi32, #tpu.memory_space<hbm>>
      %dma_wait3A_124 = tpu.memref_squeeze %dma_wait3A_123 : memref<1x80x128xi32, #tpu.memory_space<hbm>> -> memref<80x128xi32, #tpu.memory_space<hbm>>
      tpu.wait_dma2 semaphore(%run_scoped3A : memref<!tpu.dma_semaphore, #tpu.memory_space<semaphore_mem>>) src(%arg15 : memref<80x128xi32, #tpu.memory_space<vmem>>) dst(%dma_wait3A_124 : memref<80x128xi32, #tpu.memory_space<hbm>>)
      tpu.yield
    }) : () -> ()
    "tpu.region"() ({
      %run_scoped3A = tpu.sem_alloc : memref<!tpu.dma_semaphore, #tpu.memory_space<semaphore_mem>>
      %dma_start3A_109 = arith.constant 0 : i32
      %dma_start3A_110 = arith.constant 0 : i32
      %dma_start3A_111 = tpu.memref_slice %arg9[%add3A, %dma_start3A_109, %dma_start3A_110] : memref<32x80x128xi32, #tpu.memory_space<hbm>> -> memref<1x80x128xi32, #tpu.memory_space<hbm>>
      %dma_start3A_112 = tpu.memref_squeeze %dma_start3A_111 : memref<1x80x128xi32, #tpu.memory_space<hbm>> -> memref<80x128xi32, #tpu.memory_space<hbm>>
      %dma_start3A_113 = arith.constant 0 : i32
      %dma_start3A_114 = arith.constant 0 : i32
      %dma_start3A_115 = tpu.memref_slice %arg9[%add3A, %dma_start3A_113, %dma_start3A_114] : memref<32x80x128xi32, #tpu.memory_space<hbm>> -> memref<1x80x128xi32, #tpu.memory_space<hbm>>
      %dma_start3A_116 = tpu.memref_squeeze %dma_start3A_115 : memref<1x80x128xi32, #tpu.memory_space<hbm>> -> memref<80x128xi32, #tpu.memory_space<hbm>>
      tpu.enqueue_dma source(%arg16 : memref<80x128xi32, #tpu.memory_space<vmem>>) target(%dma_start3A_116 : memref<80x128xi32, #tpu.memory_space<hbm>>) target_semaphore(%run_scoped3A : memref<!tpu.dma_semaphore, #tpu.memory_space<semaphore_mem>>)
      %dma_wait3A_117 = arith.constant 0 : i32
      %dma_wait3A_118 = arith.constant 0 : i32
      %dma_wait3A_119 = tpu.memref_slice %arg9[%add3A, %dma_wait3A_117, %dma_wait3A_118] : memref<32x80x128xi32, #tpu.memory_space<hbm>> -> memref<1x80x128xi32, #tpu.memory_space<hbm>>
      %dma_wait3A_120 = tpu.memref_squeeze %dma_wait3A_119 : memref<1x80x128xi32, #tpu.memory_space<hbm>> -> memref<80x128xi32, #tpu.memory_space<hbm>>
      %dma_wait3A_121 = arith.constant 0 : i32
      %dma_wait3A_122 = arith.constant 0 : i32
      %dma_wait3A_123 = tpu.memref_slice %arg9[%add3A, %dma_wait3A_121, %dma_wait3A_122] : memref<32x80x128xi32, #tpu.memory_space<hbm>> -> memref<1x80x128xi32, #tpu.memory_space<hbm>>
      %dma_wait3A_124 = tpu.memref_squeeze %dma_wait3A_123 : memref<1x80x128xi32, #tpu.memory_space<hbm>> -> memref<80x128xi32, #tpu.memory_space<hbm>>
      tpu.wait_dma2 semaphore(%run_scoped3A : memref<!tpu.dma_semaphore, #tpu.memory_space<semaphore_mem>>) src(%arg16 : memref<80x128xi32, #tpu.memory_space<vmem>>) dst(%dma_wait3A_124 : memref<80x128xi32, #tpu.memory_space<hbm>>)
      tpu.yield
    }) : () -> ()
    %barrier3A_104 = arith.constant 0 : index
    tpu.barrier barrier_id(%barrier3A_104)
    %mul3A_105 = arith.constant 640 : i32
    %mul3A_106 = arith.muli %arg1, %mul3A_105 : i32
    %mul3A_107 = arith.constant 640 : i32
    %mul3A_108 = arith.muli %arg1, %mul3A_107 : i32
    "tpu.region"() ({
      %run_scoped3A = tpu.sem_alloc : memref<!tpu.dma_semaphore, #tpu.memory_space<semaphore_mem>>
      %dma_start3A_109 = arith.constant 0 : i32
      %dma_start3A_110 = tpu.memref_slice %arg7[%arg0, %mul3A_108, %dma_start3A_109] : memref<2x10240x16xf32, #tpu.memory_space<hbm>> -> memref<1x640x16xf32, #tpu.memory_space<hbm>>
      %dma_start3A_111 = tpu.memref_squeeze %dma_start3A_110 : memref<1x640x16xf32, #tpu.memory_space<hbm>> -> memref<640x16xf32, #tpu.memory_space<hbm>>
      %dma_start3A_112 = arith.constant 0 : i32
      %dma_start3A_113 = tpu.memref_slice %arg14[%mul3A_106, %dma_start3A_112] : memref<10240x16xf32, #tpu.memory_space<vmem_shared>> -> memref<640x16xf32, #tpu.memory_space<vmem_shared>>
      tpu.enqueue_dma source(%dma_start3A_113 : memref<640x16xf32, #tpu.memory_space<vmem_shared>>) target(%dma_start3A_111 : memref<640x16xf32, #tpu.memory_space<hbm>>) target_semaphore(%run_scoped3A : memref<!tpu.dma_semaphore, #tpu.memory_space<semaphore_mem>>)
      %dma_wait3A_114 = arith.constant 0 : i32
      %dma_wait3A_115 = tpu.memref_slice %arg7[%arg0, %mul3A_108, %dma_wait3A_114] : memref<2x10240x16xf32, #tpu.memory_space<hbm>> -> memref<1x640x16xf32, #tpu.memory_space<hbm>>
      %dma_wait3A_116 = tpu.memref_squeeze %dma_wait3A_115 : memref<1x640x16xf32, #tpu.memory_space<hbm>> -> memref<640x16xf32, #tpu.memory_space<hbm>>
      %dma_wait3A_117 = arith.constant 0 : i32
      %dma_wait3A_118 = tpu.memref_slice %arg14[%mul3A_106, %dma_wait3A_117] : memref<10240x16xf32, #tpu.memory_space<vmem_shared>> -> memref<640x16xf32, #tpu.memory_space<vmem_shared>>
      tpu.wait_dma2 semaphore(%run_scoped3A : memref<!tpu.dma_semaphore, #tpu.memory_space<semaphore_mem>>) src(%dma_wait3A_118 : memref<640x16xf32, #tpu.memory_space<vmem_shared>>) dst(%dma_wait3A_116 : memref<640x16xf32, #tpu.memory_space<hbm>>)
      tpu.yield
    }) : () -> ()
    return
  }
}

module attributes {stable_mosaic.version = 14 : i64} {
  func.func @_eprep_rows_body(%arg0: memref<2x320000xi32, #tpu.memory_space<vmem>>, %arg1: memref<32x80x128xi32, #tpu.memory_space<vmem>>) attributes {dimension_semantics = [], scalar_prefetch = 0 : i64, scratch_operands = 0 : i64, tpu.core_type = #tpu.core_type<tc>} {
    %iota3A = tpu.iota {dimensions = array<i32: 0>} : vector<60x128xi32>
    %iota3A_0 = tpu.iota {dimensions = array<i32: 1>} : vector<60x128xi32>
    %mul3A = arith.constant 128 : i32
    %mul3A_1 = vector.broadcast %mul3A : i32 to vector<60x128xi32>
    %mul3A_2 = arith.muli %iota3A, %mul3A_1 : vector<60x128xi32>
    %add3A = arith.addi %mul3A_2, %iota3A_0 : vector<60x128xi32>
    %jit3A = arith.constant 240 : i32
    %eq3A = arith.constant 0 : i32
    %eq3A_3 = arith.cmpi eq, %jit3A, %eq3A : i32
    %jit3A_4 = arith.constant 1 : i32
    %select_n3A = arith.select %eq3A_3, %jit3A_4, %jit3A : i32
    %rem3A = vector.broadcast %select_n3A : i32 to vector<60x128xi32>
    %rem3A_5 = arith.remsi %add3A, %rem3A : vector<60x128xi32>
    %ne3A = arith.constant 0 : i32
    %ne3A_6 = vector.broadcast %ne3A : i32 to vector<60x128xi32>
    %ne3A_7 = arith.cmpi ne, %rem3A_5, %ne3A_6 : vector<60x128xi32>
    %lt3A = arith.constant 0 : i32
    %lt3A_8 = vector.broadcast %lt3A : i32 to vector<60x128xi32>
    %lt3A_9 = arith.cmpi slt, %rem3A_5, %lt3A_8 : vector<60x128xi32>
    %lt3A_10 = arith.constant 0 : i32
    %lt3A_11 = arith.cmpi slt, %select_n3A, %lt3A_10 : i32
    %ne3A_12 = vector.broadcast %lt3A_11 : i1 to vector<60x128xi1>
    %ne3A_13 = vector.broadcast %ne3A_12 : vector<60x128xi1> to vector<60x128xi1>
    %ne3A_14 = arith.xori %lt3A_9, %ne3A_13 : vector<60x128xi1>
    %and3A = arith.andi %ne3A_14, %ne3A_7 : vector<60x128xi1>
    %add3A_15 = vector.broadcast %select_n3A : i32 to vector<60x128xi32>
    %add3A_16 = arith.addi %rem3A_5, %add3A_15 : vector<60x128xi32>
    %select_n3A_17 = arith.select %and3A, %add3A_16, %rem3A_5 : vector<60x128xi1>, vector<60x128xi32>
    %add3A_18 = arith.constant 10000 : i32
    %add3A_19 = vector.broadcast %add3A_18 : i32 to vector<60x128xi32>
    %add3A_20 = arith.addi %add3A_19, %select_n3A_17 : vector<60x128xi32>
    %get3A = arith.constant 0 : index
    %get3A_21 = arith.constant 0 : index
    %get3A_22 = vector.load %arg0[%get3A, %get3A_21] : memref<2x320000xi32, #tpu.memory_space<vmem>>, vector<1x320000xi32>
    %get3A_23 = vector.shape_cast %get3A_22 : vector<1x320000xi32> to vector<320000xi32>
    %reshape3A = vector.shape_cast %get3A_23 : vector<320000xi32> to vector<2500x128xi32>
    %concatenate3A = tpu.concatenate %reshape3A, %add3A_20 in 0 : vector<2500x128xi32>, vector<60x128xi32> -> vector<2560x128xi32>
    %reshape3A_24 = vector.shape_cast %concatenate3A : vector<2560x128xi32> to vector<32x80x128xi32>
    %swap3A = arith.constant 0 : index
    %swap3A_25 = arith.constant 0 : index
    %swap3A_26 = arith.constant 0 : index
    %swap3A_27 = vector.load %arg1[%swap3A, %swap3A_25, %swap3A_26] : memref<32x80x128xi32, #tpu.memory_space<vmem>>, vector<32x80x128xi32>
    tpu.vector_store %arg1[%swap3A, %swap3A_25, %swap3A_26], %reshape3A_24 {strides = array<i32>} : memref<32x80x128xi32, #tpu.memory_space<vmem>>, vector<32x80x128xi32>,
    return
  }
}

module attributes {stable_mosaic.version = 14 : i64} {
  func.func @_eprep_cols_body(%arg0: memref<2x320000xi32, #tpu.memory_space<vmem>>, %arg1: memref<32x80x128xi32, #tpu.memory_space<vmem>>, %arg2: memref<80x128xi32, #tpu.memory_space<vmem>>) attributes {dimension_semantics = [], scalar_prefetch = 0 : i64, scratch_operands = 0 : i64, tpu.core_type = #tpu.core_type<tc>} {
    %iota3A = tpu.iota {dimensions = array<i32: 0>} : vector<60x128xi32>
    %iota3A_0 = tpu.iota {dimensions = array<i32: 1>} : vector<60x128xi32>
    %mul3A = arith.constant 128 : i32
    %mul3A_1 = vector.broadcast %mul3A : i32 to vector<60x128xi32>
    %mul3A_2 = arith.muli %iota3A, %mul3A_1 : vector<60x128xi32>
    %add3A = arith.addi %mul3A_2, %iota3A_0 : vector<60x128xi32>
    %jit3A = arith.constant 240 : i32
    %eq3A = arith.constant 0 : i32
    %eq3A_3 = arith.cmpi eq, %jit3A, %eq3A : i32
    %jit3A_4 = arith.constant 1 : i32
    %select_n3A = arith.select %eq3A_3, %jit3A_4, %jit3A : i32
    %rem3A = vector.broadcast %select_n3A : i32 to vector<60x128xi32>
    %rem3A_5 = arith.remsi %add3A, %rem3A : vector<60x128xi32>
    %ne3A = arith.constant 0 : i32
    %ne3A_6 = vector.broadcast %ne3A : i32 to vector<60x128xi32>
    %ne3A_7 = arith.cmpi ne, %rem3A_5, %ne3A_6 : vector<60x128xi32>
    %lt3A = arith.constant 0 : i32
    %lt3A_8 = vector.broadcast %lt3A : i32 to vector<60x128xi32>
    %lt3A_9 = arith.cmpi slt, %rem3A_5, %lt3A_8 : vector<60x128xi32>
    %lt3A_10 = arith.constant 0 : i32
    %lt3A_11 = arith.cmpi slt, %select_n3A, %lt3A_10 : i32
    %ne3A_12 = vector.broadcast %lt3A_11 : i1 to vector<60x128xi1>
    %ne3A_13 = vector.broadcast %ne3A_12 : vector<60x128xi1> to vector<60x128xi1>
    %ne3A_14 = arith.xori %lt3A_9, %ne3A_13 : vector<60x128xi1>
    %and3A = arith.andi %ne3A_14, %ne3A_7 : vector<60x128xi1>
    %add3A_15 = vector.broadcast %select_n3A : i32 to vector<60x128xi32>
    %add3A_16 = arith.addi %rem3A_5, %add3A_15 : vector<60x128xi32>
    %select_n3A_17 = arith.select %and3A, %add3A_16, %rem3A_5 : vector<60x128xi1>, vector<60x128xi32>
    %add3A_18 = arith.constant 10000 : i32
    %add3A_19 = vector.broadcast %add3A_18 : i32 to vector<60x128xi32>
    %add3A_20 = arith.addi %add3A_19, %select_n3A_17 : vector<60x128xi32>
    %get3A = arith.constant 1 : index
    %get3A_21 = arith.constant 0 : index
    %get3A_22 = vector.load %arg0[%get3A, %get3A_21] : memref<2x320000xi32, #tpu.memory_space<vmem>>, vector<1x320000xi32>
    %get3A_23 = vector.shape_cast %get3A_22 : vector<1x320000xi32> to vector<320000xi32>
    %reshape3A = vector.shape_cast %get3A_23 : vector<320000xi32> to vector<2500x128xi32>
    %concatenate3A = tpu.concatenate %reshape3A, %add3A_20 in 0 : vector<2500x128xi32>, vector<60x128xi32> -> vector<2560x128xi32>
    %reshape3A_24 = vector.shape_cast %concatenate3A : vector<2560x128xi32> to vector<32x80x128xi32>
    %swap3A = arith.constant 0 : index
    %swap3A_25 = arith.constant 0 : index
    %swap3A_26 = arith.constant 0 : index
    %swap3A_27 = vector.load %arg1[%swap3A, %swap3A_25, %swap3A_26] : memref<32x80x128xi32, #tpu.memory_space<vmem>>, vector<32x80x128xi32>
    tpu.vector_store %arg1[%swap3A, %swap3A_25, %swap3A_26], %reshape3A_24 {strides = array<i32>} : memref<32x80x128xi32, #tpu.memory_space<vmem>>, vector<32x80x128xi32>,
    %iota3A_28 = tpu.iota {dimensions = array<i32: 0>} : vector<80x128xi32>
    %iota3A_29 = tpu.iota {dimensions = array<i32: 1>} : vector<80x128xi32>
    %mul3A_30 = arith.constant 128 : i32
    %mul3A_31 = vector.broadcast %mul3A_30 : i32 to vector<80x128xi32>
    %mul3A_32 = arith.muli %iota3A_28, %mul3A_31 : vector<80x128xi32>
    %add3A_33 = arith.addi %mul3A_32, %iota3A_29 : vector<80x128xi32>
    %jit3A_34 = arith.constant 240 : i32
    %eq3A_35 = arith.constant 0 : i32
    %eq3A_36 = arith.cmpi eq, %jit3A_34, %eq3A_35 : i32
    %jit3A_37 = arith.constant 1 : i32
    %select_n3A_38 = arith.select %eq3A_36, %jit3A_37, %jit3A_34 : i32
    %rem3A_39 = vector.broadcast %select_n3A_38 : i32 to vector<80x128xi32>
    %rem3A_40 = arith.remsi %add3A_33, %rem3A_39 : vector<80x128xi32>
    %ne3A_41 = arith.constant 0 : i32
    %ne3A_42 = vector.broadcast %ne3A_41 : i32 to vector<80x128xi32>
    %ne3A_43 = arith.cmpi ne, %rem3A_40, %ne3A_42 : vector<80x128xi32>
    %lt3A_44 = arith.constant 0 : i32
    %lt3A_45 = vector.broadcast %lt3A_44 : i32 to vector<80x128xi32>
    %lt3A_46 = arith.cmpi slt, %rem3A_40, %lt3A_45 : vector<80x128xi32>
    %lt3A_47 = arith.constant 0 : i32
    %lt3A_48 = arith.cmpi slt, %select_n3A_38, %lt3A_47 : i32
    %ne3A_49 = vector.broadcast %lt3A_48 : i1 to vector<80x128xi1>
    %ne3A_50 = vector.broadcast %ne3A_49 : vector<80x128xi1> to vector<80x128xi1>
    %ne3A_51 = arith.xori %lt3A_46, %ne3A_50 : vector<80x128xi1>
    %and3A_52 = arith.andi %ne3A_51, %ne3A_43 : vector<80x128xi1>
    %add3A_53 = vector.broadcast %select_n3A_38 : i32 to vector<80x128xi32>
    %add3A_54 = arith.addi %rem3A_40, %add3A_53 : vector<80x128xi32>
    %select_n3A_55 = arith.select %and3A_52, %add3A_54, %rem3A_40 : vector<80x128xi1>, vector<80x128xi32>
    %add3A_56 = arith.constant 10000 : i32
    %add3A_57 = vector.broadcast %add3A_56 : i32 to vector<80x128xi32>
    %add3A_58 = arith.addi %add3A_57, %select_n3A_55 : vector<80x128xi32>
    %swap3A_59 = arith.constant 0 : index
    %swap3A_60 = arith.constant 0 : index
    %swap3A_61 = vector.load %arg2[%swap3A_59, %swap3A_60] : memref<80x128xi32, #tpu.memory_space<vmem>>, vector<80x128xi32>
    tpu.vector_store %arg2[%swap3A_59, %swap3A_60], %add3A_58 {strides = array<i32>} : memref<80x128xi32, #tpu.memory_space<vmem>>, vector<80x128xi32>,
    return
  }
}

module attributes {stable_mosaic.version = 14 : i64} {
  func.func @_xw_body(%arg0: memref<10000x128xf32, #tpu.memory_space<vmem>>, %arg1: memref<128x16xf32, #tpu.memory_space<vmem>>, %arg2: memref<1280x128xf32, #tpu.memory_space<vmem>>) attributes {dimension_semantics = [], scalar_prefetch = 0 : i64, scratch_operands = 0 : i64, tpu.core_type = #tpu.core_type<tc>} {
    %get3A = arith.constant 0 : index
    %get3A_0 = arith.constant 0 : index
    %get3A_1 = vector.load %arg0[%get3A, %get3A_0] : memref<10000x128xf32, #tpu.memory_space<vmem>>, vector<10000x128xf32>
    %reshape3A = vector.shape_cast %get3A_1 : vector<10000x128xf32> to vector<1250x8x128xf32>
    %broadcast_in_dim3A = arith.constant 0.000000e+00 : f32
    %broadcast_in_dim3A_2 = vector.broadcast %broadcast_in_dim3A : f32 to vector<32x128xf32>
    %swap3A = arith.constant 1248 : index
    %swap3A_3 = arith.constant 0 : index
    %swap3A_4 = vector.load %arg2[%swap3A, %swap3A_3] : memref<1280x128xf32, #tpu.memory_space<vmem>>, vector<32x128xf32>
    tpu.vector_store %arg2[%swap3A, %swap3A_3], %broadcast_in_dim3A_2 {strides = array<i32>} : memref<1280x128xf32, #tpu.memory_space<vmem>>, vector<32x128xf32>,
    %slice3A = vector.extract_strided_slice %reshape3A {offsets = [0, 0, 0], sizes = [1250, 1, 128], strides = [1, 1, 1]} : vector<1250x8x128xf32> to vector<1250x1x128xf32>
    %squeeze3A = vector.shape_cast %slice3A : vector<1250x1x128xf32> to vector<1250x128xf32>
    %get3A_5 = arith.constant 0 : index
    %get3A_6 = arith.constant 0 : index
    %get3A_7 = vector.load %arg1[%get3A_5, %get3A_6] : memref<128x16xf32, #tpu.memory_space<vmem>>, vector<128x16xf32>
    %dot_general3A = arith.constant dense<0.000000e+00> : vector<1250x16xf32>
    %dot_general3A_8 = tpu.matmul %squeeze3A, %get3A_7, %dot_general3A {dimension_numbers = #tpu.dot_dimension_numbers<[1], [0], [0], [1], [0, 0, 1, 1], [], []>, transpose_lhs_hint = false} : vector<1250x128xf32>, vector<128x16xf32>, vector<1250x16xf32> -> vector<1250x16xf32>
    %slice3A_9 = vector.extract_strided_slice %reshape3A {offsets = [0, 1, 0], sizes = [1250, 1, 128], strides = [1, 1, 1]} : vector<1250x8x128xf32> to vector<1250x1x128xf32>
    %squeeze3A_10 = vector.shape_cast %slice3A_9 : vector<1250x1x128xf32> to vector<1250x128xf32>
    %get3A_11 = arith.constant 0 : index
    %get3A_12 = arith.constant 0 : index
    %get3A_13 = vector.load %arg1[%get3A_11, %get3A_12] : memref<128x16xf32, #tpu.memory_space<vmem>>, vector<128x16xf32>
    %dot_general3A_14 = arith.constant dense<0.000000e+00> : vector<1250x16xf32>
    %dot_general3A_15 = tpu.matmul %squeeze3A_10, %get3A_13, %dot_general3A_14 {dimension_numbers = #tpu.dot_dimension_numbers<[1], [0], [0], [1], [0, 0, 1, 1], [], []>, transpose_lhs_hint = false} : vector<1250x128xf32>, vector<128x16xf32>, vector<1250x16xf32> -> vector<1250x16xf32>
    %slice3A_16 = vector.extract_strided_slice %reshape3A {offsets = [0, 2, 0], sizes = [1250, 1, 128], strides = [1, 1, 1]} : vector<1250x8x128xf32> to vector<1250x1x128xf32>
    %squeeze3A_17 = vector.shape_cast %slice3A_16 : vector<1250x1x128xf32> to vector<1250x128xf32>
    %get3A_18 = arith.constant 0 : index
    %get3A_19 = arith.constant 0 : index
    %get3A_20 = vector.load %arg1[%get3A_18, %get3A_19] : memref<128x16xf32, #tpu.memory_space<vmem>>, vector<128x16xf32>
    %dot_general3A_21 = arith.constant dense<0.000000e+00> : vector<1250x16xf32>
    %dot_general3A_22 = tpu.matmul %squeeze3A_17, %get3A_20, %dot_general3A_21 {dimension_numbers = #tpu.dot_dimension_numbers<[1], [0], [0], [1], [0, 0, 1, 1], [], []>, transpose_lhs_hint = false} : vector<1250x128xf32>, vector<128x16xf32>, vector<1250x16xf32> -> vector<1250x16xf32>
    %slice3A_23 = vector.extract_strided_slice %reshape3A {offsets = [0, 3, 0], sizes = [1250, 1, 128], strides = [1, 1, 1]} : vector<1250x8x128xf32> to vector<1250x1x128xf32>
    %squeeze3A_24 = vector.shape_cast %slice3A_23 : vector<1250x1x128xf32> to vector<1250x128xf32>
    %get3A_25 = arith.constant 0 : index
    %get3A_26 = arith.constant 0 : index
    %get3A_27 = vector.load %arg1[%get3A_25, %get3A_26] : memref<128x16xf32, #tpu.memory_space<vmem>>, vector<128x16xf32>
    %dot_general3A_28 = arith.constant dense<0.000000e+00> : vector<1250x16xf32>
    %dot_general3A_29 = tpu.matmul %squeeze3A_24, %get3A_27, %dot_general3A_28 {dimension_numbers = #tpu.dot_dimension_numbers<[1], [0], [0], [1], [0, 0, 1, 1], [], []>, transpose_lhs_hint = false} : vector<1250x128xf32>, vector<128x16xf32>, vector<1250x16xf32> -> vector<1250x16xf32>
    %slice3A_30 = vector.extract_strided_slice %reshape3A {offsets = [0, 4, 0], sizes = [1250, 1, 128], strides = [1, 1, 1]} : vector<1250x8x128xf32> to vector<1250x1x128xf32>
    %squeeze3A_31 = vector.shape_cast %slice3A_30 : vector<1250x1x128xf32> to vector<1250x128xf32>
    %get3A_32 = arith.constant 0 : index
    %get3A_33 = arith.constant 0 : index
    %get3A_34 = vector.load %arg1[%get3A_32, %get3A_33] : memref<128x16xf32, #tpu.memory_space<vmem>>, vector<128x16xf32>
    %dot_general3A_35 = arith.constant dense<0.000000e+00> : vector<1250x16xf32>
    %dot_general3A_36 = tpu.matmul %squeeze3A_31, %get3A_34, %dot_general3A_35 {dimension_numbers = #tpu.dot_dimension_numbers<[1], [0], [0], [1], [0, 0, 1, 1], [], []>, transpose_lhs_hint = false} : vector<1250x128xf32>, vector<128x16xf32>, vector<1250x16xf32> -> vector<1250x16xf32>
    %slice3A_37 = vector.extract_strided_slice %reshape3A {offsets = [0, 5, 0], sizes = [1250, 1, 128], strides = [1, 1, 1]} : vector<1250x8x128xf32> to vector<1250x1x128xf32>
    %squeeze3A_38 = vector.shape_cast %slice3A_37 : vector<1250x1x128xf32> to vector<1250x128xf32>
    %get3A_39 = arith.constant 0 : index
    %get3A_40 = arith.constant 0 : index
    %get3A_41 = vector.load %arg1[%get3A_39, %get3A_40] : memref<128x16xf32, #tpu.memory_space<vmem>>, vector<128x16xf32>
    %dot_general3A_42 = arith.constant dense<0.000000e+00> : vector<1250x16xf32>
    %dot_general3A_43 = tpu.matmul %squeeze3A_38, %get3A_41, %dot_general3A_42 {dimension_numbers = #tpu.dot_dimension_numbers<[1], [0], [0], [1], [0, 0, 1, 1], [], []>, transpose_lhs_hint = false} : vector<1250x128xf32>, vector<128x16xf32>, vector<1250x16xf32> -> vector<1250x16xf32>
    %slice3A_44 = vector.extract_strided_slice %reshape3A {offsets = [0, 6, 0], sizes = [1250, 1, 128], strides = [1, 1, 1]} : vector<1250x8x128xf32> to vector<1250x1x128xf32>
    %squeeze3A_45 = vector.shape_cast %slice3A_44 : vector<1250x1x128xf32> to vector<1250x128xf32>
    %get3A_46 = arith.constant 0 : index
    %get3A_47 = arith.constant 0 : index
    %get3A_48 = vector.load %arg1[%get3A_46, %get3A_47] : memref<128x16xf32, #tpu.memory_space<vmem>>, vector<128x16xf32>
    %dot_general3A_49 = arith.constant dense<0.000000e+00> : vector<1250x16xf32>
    %dot_general3A_50 = tpu.matmul %squeeze3A_45, %get3A_48, %dot_general3A_49 {dimension_numbers = #tpu.dot_dimension_numbers<[1], [0], [0], [1], [0, 0, 1, 1], [], []>, transpose_lhs_hint = false} : vector<1250x128xf32>, vector<128x16xf32>, vector<1250x16xf32> -> vector<1250x16xf32>
    %slice3A_51 = vector.extract_strided_slice %reshape3A {offsets = [0, 7, 0], sizes = [1250, 1, 128], strides = [1, 1, 1]} : vector<1250x8x128xf32> to vector<1250x1x128xf32>
    %squeeze3A_52 = vector.shape_cast %slice3A_51 : vector<1250x1x128xf32> to vector<1250x128xf32>
    %get3A_53 = arith.constant 0 : index
    %get3A_54 = arith.constant 0 : index
    %get3A_55 = vector.load %arg1[%get3A_53, %get3A_54] : memref<128x16xf32, #tpu.memory_space<vmem>>, vector<128x16xf32>
    %dot_general3A_56 = arith.constant dense<0.000000e+00> : vector<1250x16xf32>
    %dot_general3A_57 = tpu.matmul %squeeze3A_52, %get3A_55, %dot_general3A_56 {dimension_numbers = #tpu.dot_dimension_numbers<[1], [0], [0], [1], [0, 0, 1, 1], [], []>, transpose_lhs_hint = false} : vector<1250x128xf32>, vector<128x16xf32>, vector<1250x16xf32> -> vector<1250x16xf32>
    %concatenate3A = tpu.concatenate %dot_general3A_8, %dot_general3A_15, %dot_general3A_22, %dot_general3A_29, %dot_general3A_36, %dot_general3A_43, %dot_general3A_50, %dot_general3A_57 in 1 : vector<1250x16xf32>, vector<1250x16xf32>, vector<1250x16xf32>, vector<1250x16xf32>, vector<1250x16xf32>, vector<1250x16xf32>, vector<1250x16xf32>, vector<1250x16xf32> -> vector<1250x128xf32>
    %swap3A_58 = arith.constant 0 : index
    %swap3A_59 = arith.constant 0 : index
    %swap3A_60 = vector.load %arg2[%swap3A_58, %swap3A_59] : memref<1280x128xf32, #tpu.memory_space<vmem>>, vector<1250x128xf32>
    tpu.vector_store %arg2[%swap3A_58, %swap3A_59], %concatenate3A {strides = array<i32>} : memref<1280x128xf32, #tpu.memory_space<vmem>>, vector<1250x128xf32>,
    return
  }
}

module attributes {stable_mosaic.version = 14 : i64} {
  func.func @_y1_body(%arg0: memref<2x1280x128xf32, #tpu.memory_space<vmem>>, %arg1: memref<1280x128xf32, #tpu.memory_space<vmem>>, %arg2: memref<1280x128xf32, #tpu.memory_space<vmem>>) attributes {dimension_semantics = [], scalar_prefetch = 0 : i64, scratch_operands = 0 : i64, tpu.core_type = #tpu.core_type<tc>} {
    %get3A = arith.constant 0 : index
    %get3A_0 = arith.constant 0 : index
    %get3A_1 = arith.constant 0 : index
    %get3A_2 = vector.load %arg0[%get3A, %get3A_0, %get3A_1] : memref<2x1280x128xf32, #tpu.memory_space<vmem>>, vector<1x1280x128xf32>
    %get3A_3 = vector.shape_cast %get3A_2 : vector<1x1280x128xf32> to vector<1280x128xf32>
    %get3A_4 = arith.constant 1 : index
    %get3A_5 = arith.constant 0 : index
    %get3A_6 = arith.constant 0 : index
    %get3A_7 = vector.load %arg0[%get3A_4, %get3A_5, %get3A_6] : memref<2x1280x128xf32, #tpu.memory_space<vmem>>, vector<1x1280x128xf32>
    %get3A_8 = vector.shape_cast %get3A_7 : vector<1x1280x128xf32> to vector<1280x128xf32>
    %add3A = arith.addf %get3A_3, %get3A_8 : vector<1280x128xf32>
    %add3A_9 = arith.constant 1.000000e+00 : f32
    %add3A_10 = vector.broadcast %add3A_9 : f32 to vector<1280x128xf32>
    %add3A_11 = arith.addf %add3A, %add3A_10 : vector<1280x128xf32>
    %rsqrt3A = math.rsqrt %add3A_11 : vector<1280x128xf32>
    %get3A_12 = arith.constant 0 : index
    %get3A_13 = arith.constant 0 : index
    %get3A_14 = vector.load %arg1[%get3A_12, %get3A_13] : memref<1280x128xf32, #tpu.memory_space<vmem>>, vector<1280x128xf32>
    %mul3A = arith.mulf %rsqrt3A, %get3A_14 : vector<1280x128xf32>
    %swap3A = arith.constant 0 : index
    %swap3A_15 = arith.constant 0 : index
    %swap3A_16 = vector.load %arg2[%swap3A, %swap3A_15] : memref<1280x128xf32, #tpu.memory_space<vmem>>, vector<1280x128xf32>
    tpu.vector_store %arg2[%swap3A, %swap3A_15], %mul3A {strides = array<i32>} : memref<1280x128xf32, #tpu.memory_space<vmem>>, vector<1280x128xf32>,
    return
  }
}

module attributes {stable_mosaic.version = 14 : i64} {
  func.func @_h1_body(%arg0: memref<2x1280x128xf32, #tpu.memory_space<vmem>>, %arg1: memref<1280x128xf32, #tpu.memory_space<vmem>>, %arg2: memref<2x1280x128xf32, #tpu.memory_space<vmem>>, %arg3: memref<128x128xf32, #tpu.memory_space<vmem>>, %arg4: memref<1x128xf32, #tpu.memory_space<vmem>>, %arg5: memref<1280x128xf32, #tpu.memory_space<vmem>>, %arg6: memref<1280x128xf32, #tpu.memory_space<vmem>>) attributes {dimension_semantics = [], scalar_prefetch = 0 : i64, scratch_operands = 0 : i64, tpu.core_type = #tpu.core_type<tc>} {
    %get3A = arith.constant 0 : index
    %get3A_0 = arith.constant 0 : index
    %get3A_1 = arith.constant 0 : index
    %get3A_2 = vector.load %arg2[%get3A, %get3A_0, %get3A_1] : memref<2x1280x128xf32, #tpu.memory_space<vmem>>, vector<1x1280x128xf32>
    %get3A_3 = vector.shape_cast %get3A_2 : vector<1x1280x128xf32> to vector<1280x128xf32>
    %get3A_4 = arith.constant 1 : index
    %get3A_5 = arith.constant 0 : index
    %get3A_6 = arith.constant 0 : index
    %get3A_7 = vector.load %arg2[%get3A_4, %get3A_5, %get3A_6] : memref<2x1280x128xf32, #tpu.memory_space<vmem>>, vector<1x1280x128xf32>
    %get3A_8 = vector.shape_cast %get3A_7 : vector<1x1280x128xf32> to vector<1280x128xf32>
    %add3A = arith.addf %get3A_3, %get3A_8 : vector<1280x128xf32>
    %add3A_9 = arith.constant 1.000000e+00 : f32
    %add3A_10 = vector.broadcast %add3A_9 : f32 to vector<1280x128xf32>
    %add3A_11 = arith.addf %add3A, %add3A_10 : vector<1280x128xf32>
    %rsqrt3A = math.rsqrt %add3A_11 : vector<1280x128xf32>
    %get3A_12 = arith.constant 0 : index
    %get3A_13 = arith.constant 0 : index
    %get3A_14 = arith.constant 0 : index
    %get3A_15 = vector.load %arg0[%get3A_12, %get3A_13, %get3A_14] : memref<2x1280x128xf32, #tpu.memory_space<vmem>>, vector<1x1280x128xf32>
    %get3A_16 = vector.shape_cast %get3A_15 : vector<1x1280x128xf32> to vector<1280x128xf32>
    %get3A_17 = arith.constant 1 : index
    %get3A_18 = arith.constant 0 : index
    %get3A_19 = arith.constant 0 : index
    %get3A_20 = vector.load %arg0[%get3A_17, %get3A_18, %get3A_19] : memref<2x1280x128xf32, #tpu.memory_space<vmem>>, vector<1x1280x128xf32>
    %get3A_21 = vector.shape_cast %get3A_20 : vector<1x1280x128xf32> to vector<1280x128xf32>
    %add3A_22 = arith.addf %get3A_16, %get3A_21 : vector<1280x128xf32>
    %get3A_23 = arith.constant 0 : index
    %get3A_24 = arith.constant 0 : index
    %get3A_25 = vector.load %arg1[%get3A_23, %get3A_24] : memref<1280x128xf32, #tpu.memory_space<vmem>>, vector<1280x128xf32>
    %add3A_26 = arith.addf %add3A_22, %get3A_25 : vector<1280x128xf32>
    %mul3A = arith.mulf %rsqrt3A, %add3A_26 : vector<1280x128xf32>
    %get3A_27 = arith.constant 0 : index
    %get3A_28 = arith.constant 0 : index
    %get3A_29 = vector.load %arg4[%get3A_27, %get3A_28] : memref<1x128xf32, #tpu.memory_space<vmem>>, vector<1x128xf32>
    %add3A_30 = vector.broadcast %get3A_29 : vector<1x128xf32> to vector<1280x128xf32>
    %add3A_31 = arith.addf %mul3A, %add3A_30 : vector<1280x128xf32>
    %max3A = arith.constant 0.000000e+00 : f32
    %max3A_32 = vector.broadcast %max3A : f32 to vector<1280x128xf32>
    %max3A_33 = arith.maximumf %add3A_31, %max3A_32 : vector<1280x128xf32>
    %swap3A = arith.constant 0 : index
    %swap3A_34 = arith.constant 0 : index
    %swap3A_35 = vector.load %arg5[%swap3A, %swap3A_34] : memref<1280x128xf32, #tpu.memory_space<vmem>>, vector<1280x128xf32>
    tpu.vector_store %arg5[%swap3A, %swap3A_34], %max3A_33 {strides = array<i32>} : memref<1280x128xf32, #tpu.memory_space<vmem>>, vector<1280x128xf32>,
    %get3A_36 = arith.constant 0 : index
    %get3A_37 = arith.constant 0 : index
    %get3A_38 = vector.load %arg3[%get3A_36, %get3A_37] : memref<128x128xf32, #tpu.memory_space<vmem>>, vector<128x128xf32>
    %dot_general3A = arith.constant dense<0.000000e+00> : vector<1280x128xf32>
    %dot_general3A_39 = tpu.matmul %max3A_33, %get3A_38, %dot_general3A {dimension_numbers = #tpu.dot_dimension_numbers<[1], [0], [0], [1], [0, 0, 1, 1], [], []>, transpose_lhs_hint = false} : vector<1280x128xf32>, vector<128x128xf32>, vector<1280x128xf32> -> vector<1280x128xf32>
    %mul3A_40 = arith.mulf %rsqrt3A, %dot_general3A_39 : vector<1280x128xf32>
    %swap3A_41 = arith.constant 0 : index
    %swap3A_42 = arith.constant 0 : index
    %swap3A_43 = vector.load %arg6[%swap3A_41, %swap3A_42] : memref<1280x128xf32, #tpu.memory_space<vmem>>, vector<1280x128xf32>
    tpu.vector_store %arg6[%swap3A_41, %swap3A_42], %mul3A_40 {strides = array<i32>} : memref<1280x128xf32, #tpu.memory_space<vmem>>, vector<1280x128xf32>,
    return
  }
}

module attributes {stable_mosaic.version = 14 : i64} {
  func.func @_fin_body(%arg0: memref<1024x128xf32, #tpu.memory_space<vmem>>, %arg1: memref<128x128xf32, #tpu.memory_space<vmem>>, %arg2: memref<128x128xf32, #tpu.memory_space<vmem>>, %arg3: memref<2x128x128xf32, #tpu.memory_space<vmem>>, %arg4: memref<2x128x128xf32, #tpu.memory_space<vmem>>, %arg5: memref<1x128xf32, #tpu.memory_space<vmem>>, %arg6: memref<128x16xf32, #tpu.memory_space<vmem>>, %arg7: memref<128x128xf32, #tpu.memory_space<vmem>>, %arg8: memref<128x128xf32, #tpu.memory_space<vmem>>, %arg9: memref<1x128xf32, #tpu.memory_space<vmem>>, %arg10: memref<128x128xf32, #tpu.memory_space<vmem>>, %arg11: memref<1x128xf32, #tpu.memory_space<vmem>>, %arg12: memref<128x8xf32, #tpu.memory_space<vmem>>, %arg13: memref<8x128xf32, #tpu.memory_space<vmem>>, %arg14: memref<128x128xf32, #tpu.memory_space<vmem>>) attributes {dimension_semantics = [], scalar_prefetch = 0 : i64, scratch_operands = 0 : i64, tpu.core_type = #tpu.core_type<tc>} {
    %get3A = arith.constant 0 : index
    %get3A_0 = arith.constant 0 : index
    %get3A_1 = arith.constant 0 : index
    %get3A_2 = vector.load %arg3[%get3A, %get3A_0, %get3A_1] : memref<2x128x128xf32, #tpu.memory_space<vmem>>, vector<1x128x128xf32>
    %get3A_3 = vector.shape_cast %get3A_2 : vector<1x128x128xf32> to vector<128x128xf32>
    %get3A_4 = arith.constant 1 : index
    %get3A_5 = arith.constant 0 : index
    %get3A_6 = arith.constant 0 : index
    %get3A_7 = vector.load %arg3[%get3A_4, %get3A_5, %get3A_6] : memref<2x128x128xf32, #tpu.memory_space<vmem>>, vector<1x128x128xf32>
    %get3A_8 = vector.shape_cast %get3A_7 : vector<1x128x128xf32> to vector<128x128xf32>
    %add3A = arith.addf %get3A_3, %get3A_8 : vector<128x128xf32>
    %add3A_9 = arith.constant 1.000000e+00 : f32
    %add3A_10 = vector.broadcast %add3A_9 : f32 to vector<128x128xf32>
    %add3A_11 = arith.addf %add3A, %add3A_10 : vector<128x128xf32>
    %rsqrt3A = math.rsqrt %add3A_11 : vector<128x128xf32>
    %get3A_12 = arith.constant 0 : index
    %get3A_13 = arith.constant 0 : index
    %get3A_14 = arith.constant 0 : index
    %get3A_15 = vector.load %arg4[%get3A_12, %get3A_13, %get3A_14] : memref<2x128x128xf32, #tpu.memory_space<vmem>>, vector<1x128x128xf32>
    %get3A_16 = vector.shape_cast %get3A_15 : vector<1x128x128xf32> to vector<128x128xf32>
    %get3A_17 = arith.constant 1 : index
    %get3A_18 = arith.constant 0 : index
    %get3A_19 = arith.constant 0 : index
    %get3A_20 = vector.load %arg4[%get3A_17, %get3A_18, %get3A_19] : memref<2x128x128xf32, #tpu.memory_space<vmem>>, vector<1x128x128xf32>
    %get3A_21 = vector.shape_cast %get3A_20 : vector<1x128x128xf32> to vector<128x128xf32>
    %add3A_22 = arith.addf %get3A_16, %get3A_21 : vector<128x128xf32>
    %get3A_23 = arith.constant 0 : index
    %get3A_24 = arith.constant 0 : index
    %get3A_25 = vector.load %arg2[%get3A_23, %get3A_24] : memref<128x128xf32, #tpu.memory_space<vmem>>, vector<128x128xf32>
    %add3A_26 = arith.addf %add3A_22, %get3A_25 : vector<128x128xf32>
    %mul3A = arith.mulf %rsqrt3A, %add3A_26 : vector<128x128xf32>
    %get3A_27 = arith.constant 0 : index
    %get3A_28 = arith.constant 0 : index
    %get3A_29 = vector.load %arg5[%get3A_27, %get3A_28] : memref<1x128xf32, #tpu.memory_space<vmem>>, vector<1x128xf32>
    %add3A_30 = vector.broadcast %get3A_29 : vector<1x128xf32> to vector<128x128xf32>
    %add3A_31 = arith.addf %mul3A, %add3A_30 : vector<128x128xf32>
    %max3A = arith.constant 0.000000e+00 : f32
    %max3A_32 = vector.broadcast %max3A : f32 to vector<128x128xf32>
    %max3A_33 = arith.maximumf %add3A_31, %max3A_32 : vector<128x128xf32>
    %get3A_34 = arith.constant 0 : index
    %get3A_35 = arith.constant 0 : index
    %get3A_36 = vector.load %arg0[%get3A_34, %get3A_35] : memref<1024x128xf32, #tpu.memory_space<vmem>>, vector<1024x128xf32>
    %reshape3A = vector.shape_cast %get3A_36 : vector<1024x128xf32> to vector<128x8x128xf32>
    %slice3A = vector.extract_strided_slice %reshape3A {offsets = [0, 0, 0], sizes = [128, 1, 128], strides = [1, 1, 1]} : vector<128x8x128xf32> to vector<128x1x128xf32>
    %squeeze3A = vector.shape_cast %slice3A : vector<128x1x128xf32> to vector<128x128xf32>
    %get3A_37 = arith.constant 0 : index
    %get3A_38 = arith.constant 0 : index
    %get3A_39 = vector.load %arg6[%get3A_37, %get3A_38] : memref<128x16xf32, #tpu.memory_space<vmem>>, vector<128x16xf32>
    %dot_general3A = arith.constant dense<0.000000e+00> : vector<128x16xf32>
    %dot_general3A_40 = tpu.matmul %squeeze3A, %get3A_39, %dot_general3A {dimension_numbers = #tpu.dot_dimension_numbers<[1], [0], [0], [1], [0, 0, 1, 1], [], []>, transpose_lhs_hint = false} : vector<128x128xf32>, vector<128x16xf32>, vector<128x16xf32> -> vector<128x16xf32>
    %slice3A_41 = vector.extract_strided_slice %reshape3A {offsets = [0, 1, 0], sizes = [128, 1, 128], strides = [1, 1, 1]} : vector<128x8x128xf32> to vector<128x1x128xf32>
    %squeeze3A_42 = vector.shape_cast %slice3A_41 : vector<128x1x128xf32> to vector<128x128xf32>
    %get3A_43 = arith.constant 0 : index
    %get3A_44 = arith.constant 0 : index
    %get3A_45 = vector.load %arg6[%get3A_43, %get3A_44] : memref<128x16xf32, #tpu.memory_space<vmem>>, vector<128x16xf32>
    %dot_general3A_46 = arith.constant dense<0.000000e+00> : vector<128x16xf32>
    %dot_general3A_47 = tpu.matmul %squeeze3A_42, %get3A_45, %dot_general3A_46 {dimension_numbers = #tpu.dot_dimension_numbers<[1], [0], [0], [1], [0, 0, 1, 1], [], []>, transpose_lhs_hint = false} : vector<128x128xf32>, vector<128x16xf32>, vector<128x16xf32> -> vector<128x16xf32>
    %slice3A_48 = vector.extract_strided_slice %reshape3A {offsets = [0, 2, 0], sizes = [128, 1, 128], strides = [1, 1, 1]} : vector<128x8x128xf32> to vector<128x1x128xf32>
    %squeeze3A_49 = vector.shape_cast %slice3A_48 : vector<128x1x128xf32> to vector<128x128xf32>
    %get3A_50 = arith.constant 0 : index
    %get3A_51 = arith.constant 0 : index
    %get3A_52 = vector.load %arg6[%get3A_50, %get3A_51] : memref<128x16xf32, #tpu.memory_space<vmem>>, vector<128x16xf32>
    %dot_general3A_53 = arith.constant dense<0.000000e+00> : vector<128x16xf32>
    %dot_general3A_54 = tpu.matmul %squeeze3A_49, %get3A_52, %dot_general3A_53 {dimension_numbers = #tpu.dot_dimension_numbers<[1], [0], [0], [1], [0, 0, 1, 1], [], []>, transpose_lhs_hint = false} : vector<128x128xf32>, vector<128x16xf32>, vector<128x16xf32> -> vector<128x16xf32>
    %slice3A_55 = vector.extract_strided_slice %reshape3A {offsets = [0, 3, 0], sizes = [128, 1, 128], strides = [1, 1, 1]} : vector<128x8x128xf32> to vector<128x1x128xf32>
    %squeeze3A_56 = vector.shape_cast %slice3A_55 : vector<128x1x128xf32> to vector<128x128xf32>
    %get3A_57 = arith.constant 0 : index
    %get3A_58 = arith.constant 0 : index
    %get3A_59 = vector.load %arg6[%get3A_57, %get3A_58] : memref<128x16xf32, #tpu.memory_space<vmem>>, vector<128x16xf32>
    %dot_general3A_60 = arith.constant dense<0.000000e+00> : vector<128x16xf32>
    %dot_general3A_61 = tpu.matmul %squeeze3A_56, %get3A_59, %dot_general3A_60 {dimension_numbers = #tpu.dot_dimension_numbers<[1], [0], [0], [1], [0, 0, 1, 1], [], []>, transpose_lhs_hint = false} : vector<128x128xf32>, vector<128x16xf32>, vector<128x16xf32> -> vector<128x16xf32>
    %slice3A_62 = vector.extract_strided_slice %reshape3A {offsets = [0, 4, 0], sizes = [128, 1, 128], strides = [1, 1, 1]} : vector<128x8x128xf32> to vector<128x1x128xf32>
    %squeeze3A_63 = vector.shape_cast %slice3A_62 : vector<128x1x128xf32> to vector<128x128xf32>
    %get3A_64 = arith.constant 0 : index
    %get3A_65 = arith.constant 0 : index
    %get3A_66 = vector.load %arg6[%get3A_64, %get3A_65] : memref<128x16xf32, #tpu.memory_space<vmem>>, vector<128x16xf32>
    %dot_general3A_67 = arith.constant dense<0.000000e+00> : vector<128x16xf32>
    %dot_general3A_68 = tpu.matmul %squeeze3A_63, %get3A_66, %dot_general3A_67 {dimension_numbers = #tpu.dot_dimension_numbers<[1], [0], [0], [1], [0, 0, 1, 1], [], []>, transpose_lhs_hint = false} : vector<128x128xf32>, vector<128x16xf32>, vector<128x16xf32> -> vector<128x16xf32>
    %slice3A_69 = vector.extract_strided_slice %reshape3A {offsets = [0, 5, 0], sizes = [128, 1, 128], strides = [1, 1, 1]} : vector<128x8x128xf32> to vector<128x1x128xf32>
    %squeeze3A_70 = vector.shape_cast %slice3A_69 : vector<128x1x128xf32> to vector<128x128xf32>
    %get3A_71 = arith.constant 0 : index
    %get3A_72 = arith.constant 0 : index
    %get3A_73 = vector.load %arg6[%get3A_71, %get3A_72] : memref<128x16xf32, #tpu.memory_space<vmem>>, vector<128x16xf32>
    %dot_general3A_74 = arith.constant dense<0.000000e+00> : vector<128x16xf32>
    %dot_general3A_75 = tpu.matmul %squeeze3A_70, %get3A_73, %dot_general3A_74 {dimension_numbers = #tpu.dot_dimension_numbers<[1], [0], [0], [1], [0, 0, 1, 1], [], []>, transpose_lhs_hint = false} : vector<128x128xf32>, vector<128x16xf32>, vector<128x16xf32> -> vector<128x16xf32>
    %slice3A_76 = vector.extract_strided_slice %reshape3A {offsets = [0, 6, 0], sizes = [128, 1, 128], strides = [1, 1, 1]} : vector<128x8x128xf32> to vector<128x1x128xf32>
    %squeeze3A_77 = vector.shape_cast %slice3A_76 : vector<128x1x128xf32> to vector<128x128xf32>
    %get3A_78 = arith.constant 0 : index
    %get3A_79 = arith.constant 0 : index
    %get3A_80 = vector.load %arg6[%get3A_78, %get3A_79] : memref<128x16xf32, #tpu.memory_space<vmem>>, vector<128x16xf32>
    %dot_general3A_81 = arith.constant dense<0.000000e+00> : vector<128x16xf32>
    %dot_general3A_82 = tpu.matmul %squeeze3A_77, %get3A_80, %dot_general3A_81 {dimension_numbers = #tpu.dot_dimension_numbers<[1], [0], [0], [1], [0, 0, 1, 1], [], []>, transpose_lhs_hint = false} : vector<128x128xf32>, vector<128x16xf32>, vector<128x16xf32> -> vector<128x16xf32>
    %slice3A_83 = vector.extract_strided_slice %reshape3A {offsets = [0, 7, 0], sizes = [128, 1, 128], strides = [1, 1, 1]} : vector<128x8x128xf32> to vector<128x1x128xf32>
    %squeeze3A_84 = vector.shape_cast %slice3A_83 : vector<128x1x128xf32> to vector<128x128xf32>
    %get3A_85 = arith.constant 0 : index
    %get3A_86 = arith.constant 0 : index
    %get3A_87 = vector.load %arg6[%get3A_85, %get3A_86] : memref<128x16xf32, #tpu.memory_space<vmem>>, vector<128x16xf32>
    %dot_general3A_88 = arith.constant dense<0.000000e+00> : vector<128x16xf32>
    %dot_general3A_89 = tpu.matmul %squeeze3A_84, %get3A_87, %dot_general3A_88 {dimension_numbers = #tpu.dot_dimension_numbers<[1], [0], [0], [1], [0, 0, 1, 1], [], []>, transpose_lhs_hint = false} : vector<128x128xf32>, vector<128x16xf32>, vector<128x16xf32> -> vector<128x16xf32>
    %concatenate3A = tpu.concatenate %dot_general3A_40, %dot_general3A_47, %dot_general3A_54, %dot_general3A_61, %dot_general3A_68, %dot_general3A_75, %dot_general3A_82, %dot_general3A_89 in 1 : vector<128x16xf32>, vector<128x16xf32>, vector<128x16xf32>, vector<128x16xf32>, vector<128x16xf32>, vector<128x16xf32>, vector<128x16xf32>, vector<128x16xf32> -> vector<128x128xf32>
    %get3A_90 = arith.constant 0 : index
    %get3A_91 = arith.constant 0 : index
    %get3A_92 = vector.load %arg1[%get3A_90, %get3A_91] : memref<128x128xf32, #tpu.memory_space<vmem>>, vector<128x128xf32>
    %get3A_93 = arith.constant 0 : index
    %get3A_94 = arith.constant 0 : index
    %get3A_95 = vector.load %arg7[%get3A_93, %get3A_94] : memref<128x128xf32, #tpu.memory_space<vmem>>, vector<128x128xf32>
    %dot_general3A_96 = arith.constant dense<0.000000e+00> : vector<128x128xf32>
    %dot_general3A_97 = tpu.matmul %get3A_92, %get3A_95, %dot_general3A_96 {dimension_numbers = #tpu.dot_dimension_numbers<[1], [0], [0], [1], [0, 0, 1, 1], [], []>, transpose_lhs_hint = false} : vector<128x128xf32>, vector<128x128xf32>, vector<128x128xf32> -> vector<128x128xf32>
    %add3A_98 = arith.addf %concatenate3A, %dot_general3A_97 : vector<128x128xf32>
    %get3A_99 = arith.constant 0 : index
    %get3A_100 = arith.constant 0 : index
    %get3A_101 = vector.load %arg8[%get3A_99, %get3A_100] : memref<128x128xf32, #tpu.memory_space<vmem>>, vector<128x128xf32>
    %dot_general3A_102 = arith.constant dense<0.000000e+00> : vector<128x128xf32>
    %dot_general3A_103 = tpu.matmul %max3A_33, %get3A_101, %dot_general3A_102 {dimension_numbers = #tpu.dot_dimension_numbers<[1], [0], [0], [1], [0, 0, 1, 1], [], []>, transpose_lhs_hint = false} : vector<128x128xf32>, vector<128x128xf32>, vector<128x128xf32> -> vector<128x128xf32>
    %add3A_104 = arith.addf %add3A_98, %dot_general3A_103 : vector<128x128xf32>
    %get3A_105 = arith.constant 0 : index
    %get3A_106 = arith.constant 0 : index
    %get3A_107 = vector.load %arg9[%get3A_105, %get3A_106] : memref<1x128xf32, #tpu.memory_space<vmem>>, vector<1x128xf32>
    %add3A_108 = vector.broadcast %get3A_107 : vector<1x128xf32> to vector<128x128xf32>
    %add3A_109 = arith.addf %add3A_104, %add3A_108 : vector<128x128xf32>
    %max3A_110 = arith.constant 0.000000e+00 : f32
    %max3A_111 = vector.broadcast %max3A_110 : f32 to vector<128x128xf32>
    %max3A_112 = arith.maximumf %add3A_109, %max3A_111 : vector<128x128xf32>
    %get3A_113 = arith.constant 0 : index
    %get3A_114 = arith.constant 0 : index
    %get3A_115 = vector.load %arg10[%get3A_113, %get3A_114] : memref<128x128xf32, #tpu.memory_space<vmem>>, vector<128x128xf32>
    %dot_general3A_116 = arith.constant dense<0.000000e+00> : vector<128x128xf32>
    %dot_general3A_117 = tpu.matmul %max3A_112, %get3A_115, %dot_general3A_116 {dimension_numbers = #tpu.dot_dimension_numbers<[1], [0], [0], [1], [0, 0, 1, 1], [], []>, transpose_lhs_hint = false} : vector<128x128xf32>, vector<128x128xf32>, vector<128x128xf32> -> vector<128x128xf32>
    %get3A_118 = arith.constant 0 : index
    %get3A_119 = arith.constant 0 : index
    %get3A_120 = vector.load %arg11[%get3A_118, %get3A_119] : memref<1x128xf32, #tpu.memory_space<vmem>>, vector<1x128xf32>
    %add3A_121 = vector.broadcast %get3A_120 : vector<1x128xf32> to vector<128x128xf32>
    %add3A_122 = arith.addf %dot_general3A_117, %add3A_121 : vector<128x128xf32>
    %reduce_max3A = arith.constant dense<0xFF800000> : vector<128xf32>
    %reduce_max3A_123 = vector.multi_reduction <maximumf>, %add3A_122, %reduce_max3A [1] : vector<128x128xf32> to vector<128xf32>
    %broadcast_in_dim3A = vector.shape_cast %reduce_max3A_123 : vector<128xf32> to vector<128x1xf32>
    %sub3A = vector.broadcast %broadcast_in_dim3A : vector<128x1xf32> to vector<128x128xf32>
    %sub3A_124 = arith.subf %add3A_122, %sub3A : vector<128x128xf32>
    %exp3A = math.exp %sub3A_124 : vector<128x128xf32>
    %get3A_125 = arith.constant 0 : index
    %get3A_126 = arith.constant 0 : index
    %get3A_127 = vector.load %arg12[%get3A_125, %get3A_126] : memref<128x8xf32, #tpu.memory_space<vmem>>, vector<128x8xf32>
    %dot_general3A_128 = arith.constant dense<0.000000e+00> : vector<128x8xf32>
    %dot_general3A_129 = tpu.matmul %exp3A, %get3A_127, %dot_general3A_128 {dimension_numbers = #tpu.dot_dimension_numbers<[1], [0], [0], [1], [0, 0, 1, 1], [], []>, transpose_lhs_hint = false} : vector<128x128xf32>, vector<128x8xf32>, vector<128x8xf32> -> vector<128x8xf32>
    %get3A_130 = arith.constant 0 : index
    %get3A_131 = arith.constant 0 : index
    %get3A_132 = vector.load %arg13[%get3A_130, %get3A_131] : memref<8x128xf32, #tpu.memory_space<vmem>>, vector<8x128xf32>
    %dot_general3A_133 = arith.constant dense<0.000000e+00> : vector<128x128xf32>
    %dot_general3A_134 = tpu.matmul %dot_general3A_129, %get3A_132, %dot_general3A_133 {dimension_numbers = #tpu.dot_dimension_numbers<[1], [0], [0], [1], [0, 0, 1, 1], [], []>, transpose_lhs_hint = false} : vector<128x8xf32>, vector<8x128xf32>, vector<128x128xf32> -> vector<128x128xf32>
    %div3A = arith.divf %exp3A, %dot_general3A_134 : vector<128x128xf32>
    %swap3A = arith.constant 0 : index
    %swap3A_135 = arith.constant 0 : index
    %swap3A_136 = vector.load %arg14[%swap3A, %swap3A_135] : memref<128x128xf32, #tpu.memory_space<vmem>>, vector<128x128xf32>
    tpu.vector_store %arg14[%swap3A, %swap3A_135], %div3A {strides = array<i32>} : memref<128x128xf32, #tpu.memory_space<vmem>>, vector<128x128xf32>,
    return
  }
}

</mosaic_0001>

<sc_bundles>
// kernel: kernel.11.cloned.1.call-start
scs
__scs_entry_jumppad:
0x0: {  	(pc) =	sbr.rel $0x88, $3  }
0x1: {  	(tag) =	ssettag $0x0;
	lr =	simm.s32 $0x1  }
0x2: {  	[smem:$0x3F97] =	sst lr;
	_ =	strace $0xD0000000  }
0x3: {  	_ = 	snop  }
0x4: {  	_ = 	snop  }
0x5: {  	_ = 	snop  }
0x6: {  	_ = 	snop  }
0x7: {  	_ = 	snop  }
__scs_overlays_trampoline_lowered:
0x8: {  	[smem:$0x3FA6] =	sst s0  }
0x9: {  	[smem:$0x3FA7] =	sst s1  }
0xa: {  	[smem:$0x3FA8] =	sst s2  }
0xb: {  	[smem:$0x3FA9] =	sst s3  }
0xc: {  	[smem:$0x3FAA] =	sst s4  }
0xd: {  	[smem:$0x3FAB] =	sst s5  }
0xe: {  	[smem:$0x3FAC] =	sst s6  }
0xf: {  	[smem:$0x3FAD] =	sst s7  }
0x10: {  	[smem:$0x3FAE] =	sst s8  }
0x11: {  	[smem:$0x3FAF] =	sst s9;
	s0 =	simm.s32 @!p0 $0x0  }
0x12: {  	s1 =	sld [smem:$0x3F95];
	s0 =	simm.s32 @p0 $0x1  }
0x13: {  	[smem:$0x3FB0] =	sst s0;
	s0 =	simm.s32 @!p1 $0x0  }
0x14: {  	s2 =	sld [smem:$0x3F94];
	s0 =	simm.s32 @p1 $0x1  }
0x15: {  	[smem:$0x3FB1] =	sst s0;
	s0 =	simm.s32 @!p2 $0x0  }
0x16: {  	s3 =	sld [smem:$0x3FDB];
	s0 =	simm.s32 @p2 $0x1  }
0x17: {  	s4 =	simm.s32 $0x1BF5;
	[smem:$0x3FB3] =	sst s0  }
0x18: {  	s0 =	sld [smem:$0x3F96];
	_ =	swait.ge [sflag:s4], $0x0  }
0x19: {  	s7 =	sld [smem:$0x3F97]  }
0x1a: {  	s8 =	sadd.s32 $0xFFFFE003, lr  }
0x1b: {  	s9 =	sadd.s32 $0xFFFFFEF7, lr;
	s5 =	simm.s32 $0xFFFFFFFF;
	p2 =	slt.u32 s8, $0xFFFFF086  }
0x1c: {  	p1 =	slt.u32 s9, $0xF7A;
	s5 =	simm.s32 @!p2 $0x0  }
0x1d: {  	s5 =	simm.s32 @p1 $0x1;
	p0 =	seq.s32 s7, s2  }
0x1e: {  	s7 =	smul.u32 @!p0 $0xF7A, s2;
	p2 =	seq.s32 @!p0 s5, $0x0  }
0x1f: {  	s9 =	smul.u32 $0xF7A, s1;
	s8 =	simm.s32 @!p0 $0x1BF5;
	p2 =	por !p2, p0  }
0x20: {  	[sflag:s8] =	ssyncset.s32 @!p0 $0xFFFFF086;
	s6 =	sadd.s32 @!p0 s3, s7;
	s7 =	simm.s32 @!p0 $0x108  }
0x21: {  	s3 =	sadd.s32 s3, s9;
	s6 =	sadd.s32 @!p0 $0x88, s6;
	s7 =	simm.s32 @p2 $0x1082  }
0x22: {  	[simem:s7], [sflag:s8] =	dma.local @!p0 [hbm:s6], $0xF7A  }
0x23: {  	s9 =	sor.u32 $0xD0000000, s2;
	s6 =	simm.s32 $0x108;
	_ =	swait.ge @!p0 [sflag:s8], $0x0  }
0x24: {  	s3 =	sadd.s32 $0x88, s3;
	s6 =	simm.s32 @!p1 $0x1082;
	[sflag:s4] =	ssyncset.s32 $0xFFFFF086  }
0x25: {  	[simem:s6], [sflag:s4] =	dma.local [hbm:s3], $0xF7A  }
0x26: {  	[smem:$0x3F97] =	sst s1;
	(tag) =	ssettag s2;
	_ =	strace s9  }
0x27: {  	s1 =	sld [smem:$0x3FA7]  }
0x28: {  	s2 =	sld [smem:$0x3FA8]  }
0x29: {  	s4 =	sld [smem:$0x3FAA]  }
0x2a: {  	p0 =	seq.s32 s5, $0x0;
	s5 =	sld [smem:$0x3FAB]  }
0x2b: {  	s6 =	sld [smem:$0x3FAC]  }
0x2c: {  	s7 =	sld [smem:$0x3FAD]  }
0x2d: {  	s3 =	simm.s32 $0x108;
	s8 =	sld [smem:$0x3FAE]  }
0x2e: {  	s3 =	simm.s32 @!p0 $0x1082;
	s9 =	sld [smem:$0x3FAF]  }
0x2f: {  	lr =	sadd.s32 s0, s3;
	s0 =	sld [smem:$0x3FA6]  }
0x30: {  	s3 =	sld [smem:$0x3FA9]  }
0x31: {  	[smem:$0x3FB2] =	sst s10  }
0x32: {  	s10 =	sld [smem:$0x3FB0];
	_ =	sdelay $0x3  }
0x33: {  	p0 =	seq.s32 s10, $0x1;
	s10 =	sld [smem:$0x3FB2];
	_ =	sdelay $0x3  }
0x34: {  	[smem:$0x3FB2] =	sst s10  }
0x35: {  	s10 =	sld [smem:$0x3FB1];
	_ =	sdelay $0x3  }
0x36: {  	p1 =	seq.s32 s10, $0x1;
	s10 =	sld [smem:$0x3FB2];
	_ =	sdelay $0x3  }
0x37: {  	[smem:$0x3FB2] =	sst s10  }
0x38: {  	s10 =	sld [smem:$0x3FB3]  }
0x39: {  	_ = 	snop;
	(pc) =	sbr.ind lr, $3  }
0x3a: {  	_ = 	snop  }
0x3b: {  	_ = 	snop  }
0x3c: {  	p2 =	seq.s32 s10, $0x1;
	s10 =	sld [smem:$0x3FB2]  }
0x3d: {  	_ =	shalt  }
0x3e: {  	_ =	shalt  }
0x3f: {  	_ =	shalt  }
0x40: {  	_ =	shalt  }
0x41: {  	_ =	shalt  }
0x42: {  	_ =	shalt  }
0x43: {  	_ =	shalt  }
0x44: {  	_ =	shalt  }
0x45: {  	_ =	shalt  }
0x46: {  	_ =	shalt  }
0x47: {  	_ =	shalt  }
0x48: {  	_ =	shalt  }
0x49: {  	_ =	shalt  }
0x4a: {  	_ =	shalt  }
0x4b: {  	_ =	shalt  }
0x4c: {  	_ =	shalt  }
0x4d: {  	_ =	shalt  }
0x4e: {  	_ =	shalt  }
0x4f: {  	_ =	shalt  }
0x50: {  	_ =	shalt  }
0x51: {  	_ =	shalt  }
0x52: {  	_ =	shalt  }
0x53: {  	_ =	shalt  }
0x54: {  	_ =	shalt  }
0x55: {  	_ =	shalt  }
0x56: {  	_ =	shalt  }
0x57: {  	_ =	shalt  }
0x58: {  	_ =	shalt  }
0x59: {  	_ =	shalt  }
0x5a: {  	_ =	shalt  }
0x5b: {  	_ =	shalt  }
0x5c: {  	_ =	shalt  }
0x5d: {  	_ =	shalt  }
0x5e: {  	_ =	shalt  }
0x5f: {  	_ =	shalt  }
0x60: {  	_ =	shalt  }
0x61: {  	_ =	shalt  }
0x62: {  	_ =	shalt  }
0x63: {  	_ =	shalt  }
0x64: {  	_ =	shalt  }
0x65: {  	_ =	shalt  }
0x66: {  	_ =	shalt  }
0x67: {  	_ =	shalt  }
0x68: {  	_ =	shalt  }
0x69: {  	_ =	shalt  }
0x6a: {  	_ =	shalt  }
0x6b: {  	_ =	shalt  }
0x6c: {  	_ =	shalt  }
0x6d: {  	_ =	shalt  }
0x6e: {  	_ =	shalt  }
0x6f: {  	_ =	shalt  }
0x70: {  	_ =	shalt  }
0x71: {  	_ =	shalt  }
0x72: {  	_ =	shalt  }
0x73: {  	_ =	shalt  }
0x74: {  	_ =	shalt  }
0x75: {  	_ =	shalt  }
0x76: {  	_ =	shalt  }
0x77: {  	_ =	shalt  }
0x78: {  	_ =	shalt  }
0x79: {  	_ =	shalt  }
0x7a: {  	_ =	shalt  }
0x7b: {  	_ =	shalt  }
0x7c: {  	_ =	shalt  }
0x7d: {  	_ =	shalt  }
0x7e: {  	_ =	shalt  }
0x7f: {  	_ =	shalt  }
0x80: {  	_ =	shalt  }
0x81: {  	_ =	shalt  }
0x82: {  	_ =	shalt  }
0x83: {  	_ =	shalt  }
0x84: {  	_ =	shalt  }
0x85: {  	_ =	shalt  }
0x86: {  	_ =	shalt  }
0x87: {  	_ =	shalt  }
.Lfunc_end0:
.L_simem_size_0:
called_computation_lowered:
.L_overlay_start_0:
0x88: {  	s2 =	sld [smem:$0x3FD9]  }
0x89: {  	s3 =	sld [smem:$0x3FFE];
	_ =	sdelay $0x1  }
0x8a: {  	s1 =	srdreg.scid  }
0x8b: {  	s0 =	sand.u32 $0x1, s1  }
0x8c: {  	s17 =	sshll.u32 s0, $0xA;
	s2 =	sadd.s32 s3, s2  }
0x8d: {  	s2 =	sadd.s32 s2, s17  }
0x8e: {  	[smem:$0x3FBE] =	sst s2  }
0x8f: {  	_ = 	snop  }
0x90: {  	s2 =	sld [smem:$0x3FD0];
	(tm) =	ssettm $0x1  }
0x91: {  	s18 =	sld [smem:$0x3FFB];
	_ =	sdelay $0x3  }
0x92: {  	_ =	strace s18  }
0x93: {  	s3 =	sld [smem:$0x3FFC];
	_ =	sdelay $0x3  }
0x94: {  	_ =	strace s3  }
0x95: {  	s3 =	sld [smem:$0x3FFD];
	_ =	sdelay $0x3  }
0x96: {  	_ =	strace s3  }
0x97: {  	_ =	strace $0x8FFFFFFF  }
0x98: {  	s19 =	sld [smem:$0x3FDB];
	_ =	sdelay $0x1  }
0x99: {  	s4 =	simm.s32 $_scs_section_size  }
0x9a: {  	s5 =	simm.s32 $_size__tile_overlayer_lowered;
	s6 =	simm.s32 $_tile_overlayer_lowered  }
0x9b: {  	s22 =	simm.s32 $0x1BFF;
	s21 =	sshll.u32 s6, $0x1;
	s3 =	sadd.s32 s4, s19  }
0x9c: {  	s7 =	simm.s32 $0x0;
	s20 =	sshll.u32 s5, $0x1;
	s5 =	sadd.s32 s21, s3  }
0x9d: {  	[timem:s7], [sflag:s22] =	dma.local [hbm:s5], s20  }
0x9e: {  	_ =	swait.ge [sflag:s22], s20  }
0x9f: {  	s4 =	ssub.s32 $0x0, s20;
	[sflag:s22] =	ssyncset.done $0x0  }
0xa0: {  	[sflag:s22] =	ssyncadd.s32 s4;
	_ =	sdelay $0x1  }
0xa1: {  	s23 =	simm.s32 $0x1B8B  }
0xa2: {  	_ =	swait.ge [sflag:s23], $0x1  }
0xa3: {  	[sflag:s23] =	ssyncset.done $0x0  }
0xa4: {  	s25 =	simm.s32 $0x1B8E;
	s24 =	sld [smem:$0x3FFE];
	[sflag:s23] =	ssyncadd.s32 $0xFFFFFFFF  }
0xa5: {  	s26 =	simm.s32 $execute0_lowered;
	[smem:$0x3FD2] =	sst s25  }
0xa6: {  	s5 =	sshll.u32 s26, $0x1;
	_ =	strace $0x80000046;
	[dreg:$0x1] =	wrdreg $0xFFFFFFFF  }
0xa7: {  	s28 =	simm.s32 $_size_execute0_lowered;
	s3 =	sadd.s32 s3, s5;
	[dreg:$0x0] =	wrdreg $0x0  }
0xa8: {  	s5 =	sshll.u32 s28, $0x1;
	[dreg:$0x2] =	wrdreg s3  }
0xa9: {  	[dreg:$0x3] =	wrdreg s5  }
0xaa: {  	[dreg:$0x4] =	wrdreg $0xC0  }
0xab: {  	_ =	task [dreg:s7], $0x5FFFF  }
0xac: {  	[dreg:$0x1] =	wrdreg $0xFFFFFFFF  }
0xad: {  	[dreg:$0x0] =	wrdreg $0x60  }
0xae: {  	[dreg:$0x2] =	wrdreg s24  }
0xaf: {  	[dreg:$0x3] =	wrdreg s2  }
0xb0: {  	[dreg:$0x4] =	wrdreg $0x30000  }
0xb1: {  	[dreg:$0x5] =	wrdreg $0x9  }
0xb2: {  	_ =	task.clear_ibuf [dreg:s7], $0x6FFFF;
	_ =	strace $0x90000046  }
0xb3: {  	s29 =	simm.s32 $0x9;
	_ =	strace $0x80000048  }
0xb4: {  	_ =	swait.ge [sflag:s29], $0x1  }
0xb5: {  	[sflag:s29] =	ssyncadd.s32 $0xFFFFFFFF  }
0xb6: {  	_ =	strace $0x90000048  }
0xb7: {  	_ =	sfence  }
0xb8: {  	s30 =	sld [smem:$0x0];
	_ =	sdelay $0x2  }
0xb9: {  	s31 =	sshll.u32 s1, $0xD;
	s1 =	sshrl.u32 s1, $0x2  }
0xba: {  	s3 =	sand.u32 $0x4000, s31;
	s1 =	sadd.s32 s1, s30  }
0xbb: {  	s0 =	sor.u32 s3, s0;
	s1 =	sshll.u32 s1, $0x11  }
0xbc: {  	s0 =	sor.u32 s1, s0  }
0xbd: {  	s0 =	sadd.s32 $0x8F2B, s0  }
0xbe: {  	[sflag:s0] =	ssyncadd.remote.s32 $0x1  }
0xbf: {  	_ =	sfence.sel $0xFFFF  }
0xc0: {  	[dreg:$0x0] =	wrdreg $0xFFFFFFFF;
	(pc) =	sbr.abs _section_cstart, $3  }
0xc1: {  	[dreg:$0x1] =	wrdreg $0xFFFFFFFF  }
0xc2: {  	_ =	task.clear_ibuf [dreg:s7], $0x2FFFF;
	_ =	strace $0x9FFFFFFF  }
0xc3: {  	(tm) =	ssettm $0x7FFFFFFF  }
tec
execute0_lowered:
.L_overlay_start_1:
0x0: {  	(tag) =	ssettag $0x1  }
0x1: {  	s6 =	rddreg [dreg:$0x0]  }
0x2: {  	s2 =	rddreg [dreg:$0x1];
	s0 =	srdreg.scid  }
0x3: {  	s3 =	rddreg [dreg:$0x2];
	s1 =	stileid.u32  }
0x4: {  	s4 =	simm.s32 $0x0;
	s13 =	simm.s32 $0x80;
	s14 =	simm.s32 $0x1  }
0x5: {  	s15 =	simm.s32 $0x0;
	s5 =	sand.u32 $0x1, s0;
	s0 =	rddreg [dreg:$0x3]  }
0x6: {  	s8 =	smul.u32 $0x2800, s1;
	[smem:$0x7FF] =	sst s4;
	s31 =	sshll.u32 s1, $0x6  }
0x7: {  	s7 =	sshll.u32 s5, $0x4;
	s9 =	smul.u32 $0x28000, s5;
	_ =	strace $0x80000047  }
0x8: {  	s10 =	ssub.s32 $0x2, s5;
	s5 =	sadd.s32 $0xEE00, s6;
	s7 =	sor.u32 s1, s7  }
0x9: {  	s11 =	sshrl.u32 s10, $0x1;
	s12 =	sadd.s32 s8, s3;
	s7 =	smul.u32 $0x500, s7  }
0xa: {  	s9 =	sadd.s32 s8, s9;
	s10 =	ssub.s32 s10, s11;
	s11 =	sor.u32 $0x1C02, s31  }
0xb: {  	s12 =	sshrl.u32 s12, $0x3;
	s9 =	sshrl.u32 s9, $0x3;
	s8 =	smax.u32 s10, $0x1  }
0xc: {  	s10 =	simm.s32 $0x2800;
	s7 =	sadd.s32 s7, s6;
	s9 =	sadd.s32 s9, s6  }
0xd: {  	s6 =	sadd.s32 $0x4800, s7;
	s7 =	sadd.s32 $0xF000, s9;
	s9 =	simm.s32 $0x2  }
.LBB2_1:
0xe: {  	[tilespmem:s4], [sflag:$0x2] =	stream.linear.gather [hbm4b:s6+s4], $0x2800, $0x38;
	[tilespmem:$0x5800] =	vst v63  }
0xf: {  	_ =	swait.ge [sflag:s9], $0x2800  }
0x10: {  	[sflag:s9] =	ssyncset.done $0x0  }
0x11: {  	[sflag:s9] =	ssyncadd.s32 $0xFFFFD800  }
0x12: {  	[tilespmem:s10], [sflag:$0x2] =	stream.linear.gather [hbm4b:s5+s4], $0x800, $0x38;
	[tilespmem:$0x5800] =	vst v63  }
0x13: {  	_ =	swait.ge [sflag:s9], $0x800  }
0x14: {  	[sflag:s9] =	ssyncset.done $0x0  }
0x15: {  	[sflag:s9] =	ssyncadd.s32 $0xFFFFF800  }
0x16: {  	[spmem:s12], [sflag:s11] =	dma.local [hbm:s2], $0x500  }
0x17: {  	_ =	swait.ge [sflag:s9], $0x500  }
0x18: {  	[sflag:s9] =	ssyncset.done $0x0  }
0x19: {  	[sflag:s9] =	ssyncadd.s32 $0xFFFFFB00  }
0x1a: {  	s16 =	simm.s32 $0x0;
	[bflag:$0x0] =	sbarrier.arrive $0xFFFF  }
0x1b: {  	[spmem:s3] =	stream.indirect.scatter.add.f32 [tilespmem:s10], [sflag:$0x1], $0x10, s16, s13, $0xb8;
	[tilespmem:$0x5800] =	vst v63  }
0x1c: {  	s24 =	simm.s32 $0x80  }
0x1d: {  	[spmem:s3] =	stream.indirect.scatter.add.f32 [tilespmem:s10], [sflag:$0x1], $0x10, s24, s13, $0xb8;
	[tilespmem:$0x5800] =	vst v63  }
0x1e: {  	s25 =	simm.s32 $0x100  }
0x1f: {  	[spmem:s3] =	stream.indirect.scatter.add.f32 [tilespmem:s10], [sflag:$0x1], $0x10, s25, s13, $0xb8;
	[tilespmem:$0x5800] =	vst v63  }
0x20: {  	s26 =	simm.s32 $0x180  }
0x21: {  	[spmem:s3] =	stream.indirect.scatter.add.f32 [tilespmem:s10], [sflag:$0x1], $0x10, s26, s13, $0xb8;
	[tilespmem:$0x5800] =	vst v63  }
0x22: {  	s28 =	simm.s32 $0x200  }
0x23: {  	[spmem:s3] =	stream.indirect.scatter.add.f32 [tilespmem:s10], [sflag:$0x1], $0x10, s28, s13, $0xb8;
	[tilespmem:$0x5800] =	vst v63  }
0x24: {  	s29 =	simm.s32 $0x280  }
0x25: {  	[spmem:s3] =	stream.indirect.scatter.add.f32 [tilespmem:s10], [sflag:$0x1], $0x10, s29, s13, $0xb8;
	[tilespmem:$0x5800] =	vst v63  }
0x26: {  	s30 =	simm.s32 $0x300  }
0x27: {  	[spmem:s3] =	stream.indirect.scatter.add.f32 [tilespmem:s10], [sflag:$0x1], $0x10, s30, s13, $0xb8;
	[tilespmem:$0x5800] =	vst v63  }
0x28: {  	s31 =	simm.s32 $0x380  }
0x29: {  	[spmem:s3] =	stream.indirect.scatter.add.f32 [tilespmem:s10], [sflag:$0x1], $0x10, s31, s13, $0xb8;
	[tilespmem:$0x5800] =	vst v63  }
0x2a: {  	_ =	swait.ge [sflag:s14], $0x800  }
0x2b: {  	[sflag:s14] =	ssyncset.done $0x0  }
0x2c: {  	[sflag:s14] =	ssyncadd.s32 $0xFFFFF800  }
0x2d: {  	_ =	swait.ge [sflag:s14], $0x800  }
0x2e: {  	[sflag:s14] =	ssyncset.done $0x0  }
0x2f: {  	[sflag:s14] =	ssyncadd.s32 $0xFFFFF800  }
0x30: {  	_ =	swait.ge [sflag:s14], $0x800  }
0x31: {  	[sflag:s14] =	ssyncset.done $0x0  }
0x32: {  	[sflag:s14] =	ssyncadd.s32 $0xFFFFF800  }
0x33: {  	_ =	swait.ge [sflag:s14], $0x800  }
0x34: {  	[sflag:s14] =	ssyncset.done $0x0  }
0x35: {  	[sflag:s14] =	ssyncadd.s32 $0xFFFFF800  }
0x36: {  	_ =	swait.ge [sflag:s14], $0x800  }
0x37: {  	[sflag:s14] =	ssyncset.done $0x0  }
0x38: {  	[sflag:s14] =	ssyncadd.s32 $0xFFFFF800  }
0x39: {  	_ =	swait.ge [sflag:s14], $0x800  }
0x3a: {  	[sflag:s14] =	ssyncset.done $0x0  }
0x3b: {  	[sflag:s14] =	ssyncadd.s32 $0xFFFFF800  }
0x3c: {  	_ =	swait.ge [sflag:s14], $0x800  }
0x3d: {  	[sflag:s14] =	ssyncset.done $0x0  }
0x3e: {  	[sflag:s14] =	ssyncadd.s32 $0xFFFFF800  }
0x3f: {  	_ =	swait.ge [sflag:s14], $0x800  }
0x40: {  	s18 =	simm.s32 $0x2000;
	s16 =	simm.s32 $0x1000;
	[sflag:s14] =	ssyncset.done $0x0  }
.LBB2_2:
0x41: {  	s19 =	sshra.s32 s16, $0x2  }
0x42: {  	[sflag:s14] =	ssyncadd.s32 $0xFFFFF800;
	s16 =	smov.u32 s18;
	s17 =	sadd.s32 $0x1000, s18  }
0x43: {  	[spmem:s3] =	stream.indirect.scatter.add.f32 [tilespmem:s10], [sflag:$0x1], $0x10, s19, s13, $0xb8;
	[tilespmem:$0x5800] =	vst v63  }
0x44: {  	p0 =	sne.s32 s18, $0x9000;
	s18 =	sadd.s32 $0x80, s19  }
0x45: {  	[spmem:s3] =	stream.indirect.scatter.add.f32 [tilespmem:s10], [sflag:$0x1], $0x10, s18, s13, $0xb8;
	[tilespmem:$0x5800] =	vst v63  }
0x46: {  	s18 =	sadd.s32 $0x100, s19  }
0x47: {  	[spmem:s3] =	stream.indirect.scatter.add.f32 [tilespmem:s10], [sflag:$0x1], $0x10, s18, s13, $0xb8;
	[tilespmem:$0x5800] =	vst v63  }
0x48: {  	s18 =	sadd.s32 $0x180, s19  }
0x49: {  	[spmem:s3] =	stream.indirect.scatter.add.f32 [tilespmem:s10], [sflag:$0x1], $0x10, s18, s13, $0xb8;
	[tilespmem:$0x5800] =	vst v63  }
0x4a: {  	s18 =	sadd.s32 $0x200, s19  }
0x4b: {  	[spmem:s3] =	stream.indirect.scatter.add.f32 [tilespmem:s10], [sflag:$0x1], $0x10, s18, s13, $0xb8;
	[tilespmem:$0x5800] =	vst v63  }
0x4c: {  	s18 =	sadd.s32 $0x280, s19  }
0x4d: {  	[spmem:s3] =	stream.indirect.scatter.add.f32 [tilespmem:s10], [sflag:$0x1], $0x10, s18, s13, $0xb8;
	[tilespmem:$0x5800] =	vst v63  }
0x4e: {  	s18 =	sadd.s32 $0x300, s19  }
0x4f: {  	[spmem:s3] =	stream.indirect.scatter.add.f32 [tilespmem:s10], [sflag:$0x1], $0x10, s18, s13, $0xb8;
	[tilespmem:$0x5800] =	vst v63  }
0x50: {  	s18 =	sadd.s32 $0x380, s19  }
0x51: {  	[spmem:s3] =	stream.indirect.scatter.add.f32 [tilespmem:s10], [sflag:$0x1], $0x10, s18, s13, $0xb8;
	[tilespmem:$0x5800] =	vst v63  }
0x52: {  	_ =	swait.ge [sflag:s14], $0x800  }
0x53: {  	[sflag:s14] =	ssyncset.done $0x0  }
0x54: {  	[sflag:s14] =	ssyncadd.s32 $0xFFFFF800  }
0x55: {  	_ =	swait.ge [sflag:s14], $0x800  }
0x56: {  	[sflag:s14] =	ssyncset.done $0x0  }
0x57: {  	[sflag:s14] =	ssyncadd.s32 $0xFFFFF800  }
0x58: {  	_ =	swait.ge [sflag:s14], $0x800  }
0x59: {  	[sflag:s14] =	ssyncset.done $0x0  }
0x5a: {  	[sflag:s14] =	ssyncadd.s32 $0xFFFFF800  }
0x5b: {  	_ =	swait.ge [sflag:s14], $0x800  }
0x5c: {  	[sflag:s14] =	ssyncset.done $0x0  }
0x5d: {  	[sflag:s14] =	ssyncadd.s32 $0xFFFFF800  }
0x5e: {  	_ =	swait.ge [sflag:s14], $0x800  }
0x5f: {  	[sflag:s14] =	ssyncset.done $0x0  }
0x60: {  	[sflag:s14] =	ssyncadd.s32 $0xFFFFF800  }
0x61: {  	_ =	swait.ge [sflag:s14], $0x800  }
0x62: {  	[sflag:s14] =	ssyncset.done $0x0  }
0x63: {  	[sflag:s14] =	ssyncadd.s32 $0xFFFFF800  }
.Ltmp0:
0x64: {  	_ =	swait.ge [sflag:s14], $0x800;
	(pc) =	sbr.rel @p0 .LBB2_2-.Ltmp0, $4  }
0x65: {  	[sflag:s14] =	ssyncset.done $0x0  }
0x66: {  	[sflag:s14] =	ssyncadd.s32 $0xFFFFF800  }
0x67: {  	_ =	swait.ge [sflag:s14], $0x800  }
0x68: {  	s18 =	smov.u32 s17;
	[sflag:s14] =	ssyncset.done $0x0  }
0x69: {  	s16 =	sshra.s32 s16, $0x2;
	[sflag:s14] =	ssyncadd.s32 $0xFFFFF800  }
0x6a: {  	[spmem:s3] =	stream.indirect.scatter.add.f32 [tilespmem:s10], [sflag:$0x1], $0x10, s16, s13, $0xb8;
	[tilespmem:$0x5800] =	vst v63  }
0x6b: {  	s17 =	sadd.s32 $0x80, s16  }
0x6c: {  	[spmem:s3] =	stream.indirect.scatter.add.f32 [tilespmem:s10], [sflag:$0x1], $0x10, s17, s13, $0xb8;
	[tilespmem:$0x5800] =	vst v63  }
0x6d: {  	s26 =	sadd.s32 $0x100, s16  }
0x6e: {  	[spmem:s3] =	stream.indirect.scatter.add.f32 [tilespmem:s10], [sflag:$0x1], $0x10, s26, s13, $0xb8;
	[tilespmem:$0x5800] =	vst v63  }
0x6f: {  	s28 =	sadd.s32 $0x180, s16  }
0x70: {  	[spmem:s3] =	stream.indirect.scatter.add.f32 [tilespmem:s10], [sflag:$0x1], $0x10, s28, s13, $0xb8;
	[tilespmem:$0x5800] =	vst v63  }
0x71: {  	s29 =	sadd.s32 $0x200, s16  }
0x72: {  	[spmem:s3] =	stream.indirect.scatter.add.f32 [tilespmem:s10], [sflag:$0x1], $0x10, s29, s13, $0xb8;
	[tilespmem:$0x5800] =	vst v63  }
0x73: {  	s30 =	sadd.s32 $0x280, s16  }
0x74: {  	[spmem:s3] =	stream.indirect.scatter.add.f32 [tilespmem:s10], [sflag:$0x1], $0x10, s30, s13, $0xb8;
	[tilespmem:$0x5800] =	vst v63  }
0x75: {  	s31 =	sadd.s32 $0x300, s16  }
0x76: {  	[spmem:s3] =	stream.indirect.scatter.add.f32 [tilespmem:s10], [sflag:$0x1], $0x10, s31, s13, $0xb8;
	[tilespmem:$0x5800] =	vst v63  }
0x77: {  	s16 =	sadd.s32 $0x380, s16  }
0x78: {  	[spmem:s3] =	stream.indirect.scatter.add.f32 [tilespmem:s10], [sflag:$0x1], $0x10, s16, s13, $0xb8;
	[tilespmem:$0x5800] =	vst v63  }
0x79: {  	_ =	swait.ge [sflag:s14], $0x800  }
0x7a: {  	[sflag:s14] =	ssyncset.done $0x0  }
0x7b: {  	[sflag:s14] =	ssyncadd.s32 $0xFFFFF800  }
0x7c: {  	_ =	swait.ge [sflag:s14], $0x800  }
0x7d: {  	[sflag:s14] =	ssyncset.done $0x0  }
0x7e: {  	[sflag:s14] =	ssyncadd.s32 $0xFFFFF800  }
0x7f: {  	_ =	swait.ge [sflag:s14], $0x800  }
0x80: {  	[sflag:s14] =	ssyncset.done $0x0  }
0x81: {  	[sflag:s14] =	ssyncadd.s32 $0xFFFFF800  }
0x82: {  	_ =	swait.ge [sflag:s14], $0x800  }
0x83: {  	[sflag:s14] =	ssyncset.done $0x0  }
0x84: {  	[sflag:s14] =	ssyncadd.s32 $0xFFFFF800  }
0x85: {  	_ =	swait.ge [sflag:s14], $0x800  }
0x86: {  	[sflag:s14] =	ssyncset.done $0x0  }
0x87: {  	[sflag:s14] =	ssyncadd.s32 $0xFFFFF800  }
0x88: {  	_ =	swait.ge [sflag:s14], $0x800  }
0x89: {  	[sflag:s14] =	ssyncset.done $0x0  }
0x8a: {  	[sflag:s14] =	ssyncadd.s32 $0xFFFFF800  }
0x8b: {  	_ =	swait.ge [sflag:s14], $0x800  }
0x8c: {  	[sflag:s14] =	ssyncset.done $0x0  }
0x8d: {  	[sflag:s14] =	ssyncadd.s32 $0xFFFFF800  }
0x8e: {  	_ =	swait.ge [sflag:s14], $0x800  }
0x8f: {  	s15 =	sadd.s32 $0x1, s15;
	[sflag:s14] =	ssyncset.done $0x0  }
0x90: {  	p0 =	sne.s32 s15, s8;
	[sflag:s14] =	ssyncadd.s32 $0xFFFFF800  }
.Ltmp1:
0x91: {  	[bflag:$0x0] =	sbarrier.arrive $0xFFFF;
	(pc) =	sbr.rel @p0 .LBB2_1-.Ltmp1, $4  }
0x92: {  	[hbm:s7], [sflag:s11] =	dma.local [spmem:s12], $0x500  }
0x93: {  	_ =	swait.ge [sflag:s9], $0x500  }
0x94: {  	[sflag:s9] =	ssyncset.done $0x0  }
0x95: {  	[sflag:s9] =	ssyncadd.s32 $0xFFFFFB00  }
0x96: {  	_ =	sfence.sel $0x180000  }
0x97: {  	[bflag:$0x0] =	sbarrier.arrive $0xFFFF  }
0x98: {  	p0 =	sne.s32 s1, $0x0;
	_ =	strace $0x90000047  }
0x99: {  	s0 =	sadd.s32 @!p0 $0x100000, s0;
	[bflag:$0x2] =	sbarrier.arrive $0xFFFF  }
0x9a: {  	[sflag:s0] =	ssyncadd.tile.s32 @!p0 $0x1;
	_ =	shalt  }
.Lfunc_end2:
_tile_overlayer_lowered:
.L_overlay_start_2:
0x9b: {  	(tag) =	ssettag $0x2  }
0x9c: {  	s0 =	rddreg [dreg:$0x0];
	s2 =	stileid.u32  }
0x9d: {  	s1 =	rddreg [dreg:$0x1];
	p0 =	sne.s32 s2, $0x0  }
0x9e: {  	s3 =	rddreg [dreg:$0x2];
	[bflag:$0x3] =	sbarrier.arrive $0xFFFF;
	s2 =	simm.s32 @!p0 $0x1C02  }
0x9f: {  	[timem:s3], [sflag:s2] =	dma.local @!p0 [hbm:s0], s1  }
0xa0: {  	s0 =	simm.s32 @!p0 $0x2  }
0xa1: {  	_ =	swait.ge @!p0 [sflag:s0], s1  }
0xa2: {  	s1 =	ssub.s32 @!p0 $0x0, s1;
	[sflag:s0] =	ssyncset.done @!p0 $0x0  }
0xa3: {  	[sflag:s0] =	ssyncadd.s32 @!p0 s1  }
0xa4: {  	[bflag:$0x3] =	sbarrier.arrive $0xFFFF  }
0xa5: {  	_ =	shalt  }

// kernel: kernel.14.cloned.1.call-start
scs
__scs_entry_jumppad:
0x0: {  	(pc) =	sbr.rel $0x88, $3  }
0x1: {  	(tag) =	ssettag $0x0;
	lr =	simm.s32 $0x1  }
0x2: {  	[smem:$0x3F97] =	sst lr;
	_ =	strace $0xD0000000  }
0x3: {  	_ = 	snop  }
0x4: {  	_ = 	snop  }
0x5: {  	_ = 	snop  }
0x6: {  	_ = 	snop  }
0x7: {  	_ = 	snop  }
__scs_overlays_trampoline_lowered:
0x8: {  	[smem:$0x3FA6] =	sst s0  }
0x9: {  	[smem:$0x3FA7] =	sst s1  }
0xa: {  	[smem:$0x3FA8] =	sst s2  }
0xb: {  	[smem:$0x3FA9] =	sst s3  }
0xc: {  	[smem:$0x3FAA] =	sst s4  }
0xd: {  	[smem:$0x3FAB] =	sst s5  }
0xe: {  	[smem:$0x3FAC] =	sst s6  }
0xf: {  	[smem:$0x3FAD] =	sst s7  }
0x10: {  	[smem:$0x3FAE] =	sst s8  }
0x11: {  	[smem:$0x3FAF] =	sst s9;
	s0 =	simm.s32 @!p0 $0x0  }
0x12: {  	s1 =	sld [smem:$0x3F95];
	s0 =	simm.s32 @p0 $0x1  }
0x13: {  	[smem:$0x3FB0] =	sst s0;
	s0 =	simm.s32 @!p1 $0x0  }
0x14: {  	s2 =	sld [smem:$0x3F94];
	s0 =	simm.s32 @p1 $0x1  }
0x15: {  	[smem:$0x3FB1] =	sst s0;
	s0 =	simm.s32 @!p2 $0x0  }
0x16: {  	s3 =	sld [smem:$0x3FDB];
	s0 =	simm.s32 @p2 $0x1  }
0x17: {  	s4 =	simm.s32 $0x1BF5;
	[smem:$0x3FB3] =	sst s0  }
0x18: {  	s0 =	sld [smem:$0x3F96];
	_ =	swait.ge [sflag:s4], $0x0  }
0x19: {  	s7 =	sld [smem:$0x3F97]  }
0x1a: {  	s8 =	sadd.s32 $0xFFFFE003, lr  }
0x1b: {  	s9 =	sadd.s32 $0xFFFFFEF7, lr;
	s5 =	simm.s32 $0xFFFFFFFF;
	p2 =	slt.u32 s8, $0xFFFFF086  }
0x1c: {  	p1 =	slt.u32 s9, $0xF7A;
	s5 =	simm.s32 @!p2 $0x0  }
0x1d: {  	s5 =	simm.s32 @p1 $0x1;
	p0 =	seq.s32 s7, s2  }
0x1e: {  	s7 =	smul.u32 @!p0 $0xF7A, s2;
	p2 =	seq.s32 @!p0 s5, $0x0  }
0x1f: {  	s9 =	smul.u32 $0xF7A, s1;
	s8 =	simm.s32 @!p0 $0x1BF5;
	p2 =	por !p2, p0  }
0x20: {  	[sflag:s8] =	ssyncset.s32 @!p0 $0xFFFFF086;
	s6 =	sadd.s32 @!p0 s3, s7;
	s7 =	simm.s32 @!p0 $0x108  }
0x21: {  	s3 =	sadd.s32 s3, s9;
	s6 =	sadd.s32 @!p0 $0x88, s6;
	s7 =	simm.s32 @p2 $0x1082  }
0x22: {  	[simem:s7], [sflag:s8] =	dma.local @!p0 [hbm:s6], $0xF7A  }
0x23: {  	s9 =	sor.u32 $0xD0000000, s2;
	s6 =	simm.s32 $0x108;
	_ =	swait.ge @!p0 [sflag:s8], $0x0  }
0x24: {  	s3 =	sadd.s32 $0x88, s3;
	s6 =	simm.s32 @!p1 $0x1082;
	[sflag:s4] =	ssyncset.s32 $0xFFFFF086  }
0x25: {  	[simem:s6], [sflag:s4] =	dma.local [hbm:s3], $0xF7A  }
0x26: {  	[smem:$0x3F97] =	sst s1;
	(tag) =	ssettag s2;
	_ =	strace s9  }
0x27: {  	s1 =	sld [smem:$0x3FA7]  }
0x28: {  	s2 =	sld [smem:$0x3FA8]  }
0x29: {  	s4 =	sld [smem:$0x3FAA]  }
0x2a: {  	p0 =	seq.s32 s5, $0x0;
	s5 =	sld [smem:$0x3FAB]  }
0x2b: {  	s6 =	sld [smem:$0x3FAC]  }
0x2c: {  	s7 =	sld [smem:$0x3FAD]  }
0x2d: {  	s3 =	simm.s32 $0x108;
	s8 =	sld [smem:$0x3FAE]  }
0x2e: {  	s3 =	simm.s32 @!p0 $0x1082;
	s9 =	sld [smem:$0x3FAF]  }
0x2f: {  	lr =	sadd.s32 s0, s3;
	s0 =	sld [smem:$0x3FA6]  }
0x30: {  	s3 =	sld [smem:$0x3FA9]  }
0x31: {  	[smem:$0x3FB2] =	sst s10  }
0x32: {  	s10 =	sld [smem:$0x3FB0];
	_ =	sdelay $0x3  }
0x33: {  	p0 =	seq.s32 s10, $0x1;
	s10 =	sld [smem:$0x3FB2];
	_ =	sdelay $0x3  }
0x34: {  	[smem:$0x3FB2] =	sst s10  }
0x35: {  	s10 =	sld [smem:$0x3FB1];
	_ =	sdelay $0x3  }
0x36: {  	p1 =	seq.s32 s10, $0x1;
	s10 =	sld [smem:$0x3FB2];
	_ =	sdelay $0x3  }
0x37: {  	[smem:$0x3FB2] =	sst s10  }
0x38: {  	s10 =	sld [smem:$0x3FB3]  }
0x39: {  	_ = 	snop;
	(pc) =	sbr.ind lr, $3  }
0x3a: {  	_ = 	snop  }
0x3b: {  	_ = 	snop  }
0x3c: {  	p2 =	seq.s32 s10, $0x1;
	s10 =	sld [smem:$0x3FB2]  }
0x3d: {  	_ =	shalt  }
0x3e: {  	_ =	shalt  }
0x3f: {  	_ =	shalt  }
0x40: {  	_ =	shalt  }
0x41: {  	_ =	shalt  }
0x42: {  	_ =	shalt  }
0x43: {  	_ =	shalt  }
0x44: {  	_ =	shalt  }
0x45: {  	_ =	shalt  }
0x46: {  	_ =	shalt  }
0x47: {  	_ =	shalt  }
0x48: {  	_ =	shalt  }
0x49: {  	_ =	shalt  }
0x4a: {  	_ =	shalt  }
0x4b: {  	_ =	shalt  }
0x4c: {  	_ =	shalt  }
0x4d: {  	_ =	shalt  }
0x4e: {  	_ =	shalt  }
0x4f: {  	_ =	shalt  }
0x50: {  	_ =	shalt  }
0x51: {  	_ =	shalt  }
0x52: {  	_ =	shalt  }
0x53: {  	_ =	shalt  }
0x54: {  	_ =	shalt  }
0x55: {  	_ =	shalt  }
0x56: {  	_ =	shalt  }
0x57: {  	_ =	shalt  }
0x58: {  	_ =	shalt  }
0x59: {  	_ =	shalt  }
0x5a: {  	_ =	shalt  }
0x5b: {  	_ =	shalt  }
0x5c: {  	_ =	shalt  }
0x5d: {  	_ =	shalt  }
0x5e: {  	_ =	shalt  }
0x5f: {  	_ =	shalt  }
0x60: {  	_ =	shalt  }
0x61: {  	_ =	shalt  }
0x62: {  	_ =	shalt  }
0x63: {  	_ =	shalt  }
0x64: {  	_ =	shalt  }
0x65: {  	_ =	shalt  }
0x66: {  	_ =	shalt  }
0x67: {  	_ =	shalt  }
0x68: {  	_ =	shalt  }
0x69: {  	_ =	shalt  }
0x6a: {  	_ =	shalt  }
0x6b: {  	_ =	shalt  }
0x6c: {  	_ =	shalt  }
0x6d: {  	_ =	shalt  }
0x6e: {  	_ =	shalt  }
0x6f: {  	_ =	shalt  }
0x70: {  	_ =	shalt  }
0x71: {  	_ =	shalt  }
0x72: {  	_ =	shalt  }
0x73: {  	_ =	shalt  }
0x74: {  	_ =	shalt  }
0x75: {  	_ =	shalt  }
0x76: {  	_ =	shalt  }
0x77: {  	_ =	shalt  }
0x78: {  	_ =	shalt  }
0x79: {  	_ =	shalt  }
0x7a: {  	_ =	shalt  }
0x7b: {  	_ =	shalt  }
0x7c: {  	_ =	shalt  }
0x7d: {  	_ =	shalt  }
0x7e: {  	_ =	shalt  }
0x7f: {  	_ =	shalt  }
0x80: {  	_ =	shalt  }
0x81: {  	_ =	shalt  }
0x82: {  	_ =	shalt  }
0x83: {  	_ =	shalt  }
0x84: {  	_ =	shalt  }
0x85: {  	_ =	shalt  }
0x86: {  	_ =	shalt  }
0x87: {  	_ =	shalt  }
.Lfunc_end0:
.L_simem_size_0:
called_computation.1_lowered:
.L_overlay_start_0:
0x88: {  	s2 =	sld [smem:$0x3FD9]  }
0x89: {  	s3 =	sld [smem:$0x3FFE];
	_ =	sdelay $0x1  }
0x8a: {  	s1 =	srdreg.scid  }
0x8b: {  	s0 =	sand.u32 $0x1, s1  }
0x8c: {  	s17 =	sshll.u32 s0, $0xA;
	s2 =	sadd.s32 s3, s2  }
0x8d: {  	s2 =	sadd.s32 s2, s17  }
0x8e: {  	[smem:$0x3FBE] =	sst s2  }
0x8f: {  	_ = 	snop  }
0x90: {  	s2 =	sld [smem:$0x3FD0];
	(tm) =	ssettm $0x1  }
0x91: {  	s18 =	sld [smem:$0x3FFB];
	_ =	sdelay $0x3  }
0x92: {  	_ =	strace s18  }
0x93: {  	s3 =	sld [smem:$0x3FFC];
	_ =	sdelay $0x3  }
0x94: {  	_ =	strace s3  }
0x95: {  	s3 =	sld [smem:$0x3FFD];
	_ =	sdelay $0x3  }
0x96: {  	_ =	strace s3  }
0x97: {  	_ =	strace $0x8FFFFFFF  }
0x98: {  	s19 =	sld [smem:$0x3FDB];
	_ =	sdelay $0x1  }
0x99: {  	s4 =	simm.s32 $_scs_section_size  }
0x9a: {  	s5 =	simm.s32 $_size__tile_overlayer_lowered;
	s6 =	simm.s32 $_tile_overlayer_lowered  }
0x9b: {  	s22 =	simm.s32 $0x1BFF;
	s21 =	sshll.u32 s6, $0x1;
	s3 =	sadd.s32 s4, s19  }
0x9c: {  	s7 =	simm.s32 $0x0;
	s20 =	sshll.u32 s5, $0x1;
	s5 =	sadd.s32 s21, s3  }
0x9d: {  	[timem:s7], [sflag:s22] =	dma.local [hbm:s5], s20  }
0x9e: {  	_ =	swait.ge [sflag:s22], s20  }
0x9f: {  	s4 =	ssub.s32 $0x0, s20;
	[sflag:s22] =	ssyncset.done $0x0  }
0xa0: {  	[sflag:s22] =	ssyncadd.s32 s4;
	_ =	sdelay $0x1  }
0xa1: {  	s23 =	simm.s32 $0x1B8B  }
0xa2: {  	_ =	swait.ge [sflag:s23], $0x1  }
0xa3: {  	[sflag:s23] =	ssyncset.done $0x0  }
0xa4: {  	s25 =	simm.s32 $0x1B8E;
	s24 =	sld [smem:$0x3FFE];
	[sflag:s23] =	ssyncadd.s32 $0xFFFFFFFF  }
0xa5: {  	s26 =	simm.s32 $execute0_lowered;
	[smem:$0x3FD2] =	sst s25  }
0xa6: {  	s5 =	sshll.u32 s26, $0x1;
	_ =	strace $0x80000049;
	[dreg:$0x1] =	wrdreg $0xFFFFFFFF  }
0xa7: {  	s28 =	simm.s32 $_size_execute0_lowered;
	s3 =	sadd.s32 s3, s5;
	[dreg:$0x0] =	wrdreg $0x0  }
0xa8: {  	s5 =	sshll.u32 s28, $0x1;
	[dreg:$0x2] =	wrdreg s3  }
0xa9: {  	[dreg:$0x3] =	wrdreg s5  }
0xaa: {  	[dreg:$0x4] =	wrdreg $0xC0  }
0xab: {  	_ =	task [dreg:s7], $0x5FFFF  }
0xac: {  	[dreg:$0x1] =	wrdreg $0xFFFFFFFF  }
0xad: {  	[dreg:$0x0] =	wrdreg $0x60  }
0xae: {  	[dreg:$0x2] =	wrdreg s24  }
0xaf: {  	[dreg:$0x3] =	wrdreg s2  }
0xb0: {  	[dreg:$0x4] =	wrdreg $0x90000  }
0xb1: {  	[dreg:$0x5] =	wrdreg $0x9  }
0xb2: {  	_ =	task.clear_ibuf [dreg:s7], $0x6FFFF;
	_ =	strace $0x90000049  }
0xb3: {  	s29 =	simm.s32 $0x9;
	_ =	strace $0x8000004B  }
0xb4: {  	_ =	swait.ge [sflag:s29], $0x1  }
0xb5: {  	[sflag:s29] =	ssyncadd.s32 $0xFFFFFFFF  }
0xb6: {  	_ =	strace $0x9000004B  }
0xb7: {  	_ =	sfence  }
0xb8: {  	s30 =	sld [smem:$0x0];
	_ =	sdelay $0x2  }
0xb9: {  	s31 =	sshll.u32 s1, $0xD;
	s1 =	sshrl.u32 s1, $0x2  }
0xba: {  	s3 =	sand.u32 $0x4000, s31;
	s1 =	sadd.s32 s1, s30  }
0xbb: {  	s0 =	sor.u32 s3, s0;
	s1 =	sshll.u32 s1, $0x11  }
0xbc: {  	s0 =	sor.u32 s1, s0  }
0xbd: {  	s0 =	sadd.s32 $0x8F2B, s0  }
0xbe: {  	[sflag:s0] =	ssyncadd.remote.s32 $0x1  }
0xbf: {  	_ =	sfence.sel $0xFFFF  }
0xc0: {  	[dreg:$0x0] =	wrdreg $0xFFFFFFFF;
	(pc) =	sbr.abs _section_cstart, $3  }
0xc1: {  	[dreg:$0x1] =	wrdreg $0xFFFFFFFF  }
0xc2: {  	_ =	task.clear_ibuf [dreg:s7], $0x2FFFF;
	_ =	strace $0x9FFFFFFF  }
0xc3: {  	(tm) =	ssettm $0x7FFFFFFF  }
tec
execute0_lowered:
.L_overlay_start_1:
0x0: {  	(tag) =	ssettag $0x1  }
0x1: {  	s0 =	rddreg [dreg:$0x0]  }
0x2: {  	s3 =	rddreg [dreg:$0x2]  }
0x3: {  	s1 =	srdreg.scid;
	s10 =	stileid.u32;
	s4 =	simm.s32 $0x0  }
0x4: {  	s14 =	simm.s32 $0x9;
	s29 =	simm.s32 $0x7000;
	s31 =	simm.s32 $0x7800  }
0x5: {  	s15 =	simm.s32 $0x8800;
	s28 =	simm.s32 $0x5;
	s30 =	simm.s32 $0x6  }
0x6: {  	s1 =	sand.u32 $0x1, s1;
	s2 =	smul.u32 $0x2800, s10;
	[smem:$0x7FF] =	sst s4  }
0x7: {  	s5 =	sadd.s32 $0xEE00, s0;
	s18 =	sadd.s32 $0xE800, s0;
	s26 =	sshll.u32 s10, $0x6  }
0x8: {  	s6 =	smul.u32 $0x28000, s1;
	_ =	strace $0x8000004A;
	s7 =	sshll.u32 s1, $0x4  }
0x9: {  	[dreg:$0x4] =	wrdreg s18;
	s1 =	ssub.s32 $0x2, s1;
	s11 =	sor.u32 $0x1C09, s26  }
0xa: {  	s18 =	simm.s32 $0xB800;
	s26 =	simm.s32 $0x6800;
	s7 =	sor.u32 s10, s7  }
0xb: {  	s19 =	sshrl.u32 s1, $0x1;
	s8 =	sadd.s32 s2, s6;
	s9 =	smul.u32 $0x500, s7  }
0xc: {  	s7 =	sshll.u32 s7, $0x1;
	s1 =	ssub.s32 s1, s19;
	s2 =	sadd.s32 s2, s3  }
0xd: {  	s19 =	simm.s32 $0xE000;
	s8 =	sshrl.u32 s8, $0x3;
	s25 =	smax.u32 s1, $0x1  }
0xe: {  	s12 =	sshrl.u32 s2, $0x3;
	s9 =	sadd.s32 s9, s0;
	[dreg:$0xb] =	wrdreg s25  }
0xf: {  	s8 =	sadd.s32 s8, s0;
	[dreg:$0xc] =	wrdreg s12;
	s20 =	sadd.s32 $0x19000, s9  }
0x10: {  	s0 =	sadd.s32 s7, s0;
	s21 =	sadd.s32 $0x4800, s9;
	[dreg:$0x5] =	wrdreg s20  }
0x11: {  	s1 =	simm.s32 $0x8000;
	s0 =	sadd.s32 $0x13E00, s0;
	[dreg:$0x6] =	wrdreg s21  }
0x12: {  	s2 =	simm.s32 $0x2;
	s22 =	sadd.s32 $0x2D000, s9;
	[dreg:$0x7] =	wrdreg s0  }
0x13: {  	s25 =	simm.s32 $0x4;
	s23 =	sadd.s32 $0x37000, s9;
	[dreg:$0x8] =	wrdreg s22  }
0x14: {  	s7 =	simm.s32 $0x7;
	s24 =	sadd.s32 $0x23000, s8;
	[dreg:$0x9] =	wrdreg s23  }
0x15: {  	s8 =	simm.s32 $0x8;
	s9 =	simm.s32 $0x0;
	[dreg:$0xa] =	wrdreg s24  }
0x16: {  	s20 =	simm.s32 $0x80;
	s21 =	simm.s32 $0x5000;
	s22 =	simm.s32 $0x5800  }
0x17: {  	v0 =	vimm.s32 $0x0;
	s24 =	simm.s32 $0x6000;
	s0 =	simm.s32 $0x1;
	s23 =	simm.s32 $0x3  }
.LBB2_1:
0x18: {  	s6 =	rddreg [dreg:$0x5]  }
0x19: {  	[tilespmem:s4], [sflag:$0x9] =	stream.linear.gather [hbm4b:s6+s4], $0x2800, $0x38;
	[tilespmem:$0x10810] =	vst v63  }
0x1a: {  	_ =	swait.ge [sflag:s14], $0x2800  }
0x1b: {  	[sflag:s14] =	ssyncset.done $0x0  }
0x1c: {  	s10 =	simm.s32 $0x2800;
	s13 =	rddreg [dreg:$0x6];
	[sflag:s14] =	ssyncadd.s32 $0xFFFFD800  }
0x1d: {  	[tilespmem:s10], [sflag:$0x9] =	stream.linear.gather [hbm4b:s13+s4], $0x2800, $0x38;
	[tilespmem:$0x10810] =	vst v63  }
0x1e: {  	_ =	swait.ge [sflag:s14], $0x2800  }
0x1f: {  	[sflag:s14] =	ssyncset.done $0x0  }
0x20: {  	[sflag:s14] =	ssyncadd.s32 $0xFFFFD800  }
0x21: {  	s16 =	rddreg [dreg:$0x1]  }
0x22: {  	[spmem:s12], [sflag:s11] =	dma.local [hbm:s16], $0x500  }
0x23: {  	_ =	swait.ge [sflag:s14], $0x500  }
0x24: {  	[sflag:s14] =	ssyncset.done $0x0  }
0x25: {  	s10 =	rddreg [dreg:$0x4];
	[sflag:s14] =	ssyncadd.s32 $0xFFFFFB00  }
0x26: {  	[tilespmem:s18], [sflag:$0x9] =	stream.linear.gather [hbm4b:s10+s4], $0x2800, $0x38;
	[tilespmem:$0x10810] =	vst v63  }
0x27: {  	_ =	swait.ge [sflag:s14], $0x2800  }
0x28: {  	[sflag:s14] =	ssyncset.done $0x0  }
0x29: {  	[sflag:s14] =	ssyncadd.s32 $0xFFFFD800  }
0x2a: {  	[tilespmem:s19], [sflag:$0x9] =	stream.linear.gather [hbm4b:s10+s4], $0x2800, $0x38;
	[tilespmem:$0x10810] =	vst v63  }
0x2b: {  	_ =	swait.ge [sflag:s14], $0x2800  }
0x2c: {  	[sflag:s14] =	ssyncset.done $0x0  }
0x2d: {  	[sflag:s14] =	ssyncadd.s32 $0xFFFFD800  }
0x2e: {  	[bflag:$0x0] =	sbarrier.arrive $0xFFFF  }
0x2f: {  	[tilespmem:s21], [sflag:$0x1] =	stream.indirect.gather [hbm4b:s5+s20], $0x10, s4, s20, $0xb8;
	[tilespmem:$0x10810] =	vst v63  }
0x30: {  	_ = 	snop  }
0x31: {  	[tilespmem:s22], [sflag:$0x2] =	stream.indirect.gather [hbm4b:s5+s20], $0x10, s20, s20, $0xb8;
	[tilespmem:$0x10810] =	vst v63  }
0x32: {  	s17 =	smov.u32 s11;
	s11 =	simm.s32 $0x100  }
0x33: {  	[tilespmem:s24], [sflag:$0x3] =	stream.indirect.gather [hbm4b:s5+s20], $0x10, s11, s20, $0xb8;
	[tilespmem:$0x10810] =	vst v63  }
0x34: {  	s12 =	simm.s32 $0x180  }
0x35: {  	[tilespmem:s26], [sflag:$0x4] =	stream.indirect.gather [hbm4b:s5+s20], $0x10, s12, s20, $0xb8;
	[tilespmem:$0x10810] =	vst v63  }
0x36: {  	s13 =	simm.s32 $0x200  }
0x37: {  	[tilespmem:s29], [sflag:$0x5] =	stream.indirect.gather [hbm4b:s5+s20], $0x10, s13, s20, $0xb8;
	[tilespmem:$0x10810] =	vst v63  }
0x38: {  	s16 =	simm.s32 $0x280;
	s10 =	simm.s32 $0x7;
	s11 =	simm.s32 $0x0  }
0x39: {  	v1 =	vimm.s32 $0x0;
	[tilespmem:s31], [sflag:$0x6] =	stream.indirect.gather [hbm4b:s5+s20], $0x10, s16, s20, $0xb8;
	[tilespmem:$0x10810] =	vst v63  }
.LBB2_2:
0x3a: {  	_ =	swait.ge [sflag:s0], $0x800  }
0x3b: {  	s12 =	sshra.s32 s11, $0x2;
	[sflag:s0] =	ssyncset.done $0x0  }
0x3c: {  	p0 =	seq.s32 s11, $0x0;
	s13 =	sadd.s32 $0x2800, s12;
	[sflag:s0] =	ssyncadd.s32 $0xFFFFF800  }
0x3d: {  	[spmem:s3] =	stream.indirect.scatter.add.f32 [tilespmem:s21], [sflag:$0x1], $0x10, s13, s20, $0xb8;
	[tilespmem:$0x10810] =	vst v63  }
0x3e: {  	s13 =	simm.s32 @!p0 $0x7  }
0x3f: {  	_ =	swait.ge @!p0 [sflag:s13], $0x800  }
0x40: {  	[sflag:s13] =	ssyncset.done @!p0 $0x0  }
0x41: {  	s6 =	sadd.s32 $0x300, s12;
	[sflag:s13] =	ssyncadd.s32 @!p0 $0xFFFFF800  }
0x42: {  	[tilespmem:s1], [sflag:$0x7] =	stream.indirect.gather [hbm4b:s5+s20], $0x10, s6, s20, $0xb8;
	[tilespmem:$0x10810] =	vst v63  }
0x43: {  	v2 =	vld [tilespmem:s12+$0x2800];
	_ =	sdelay $0x4  }
0x44: {  	vm0 =	vlt.s32 v2, $0x400  }
0x45: {  	v3 =	vsel vm0, $0x1, v0  }
0x46: {  	(xrf0) =	vadd.scan.msk.s32 $0xffff, v3;
	_ =	sdelay $0x5  }
0x47: {  	v3, _, _ =	vpop (xrf0)  }
0x48: {  	v3 =	vadd.s32 v3, v1  }
0x49: {  	v3 =	vadd.s32 $0xFFFFFFFF, v3  }
0x4a: {  	v4 =	vld [tilespmem:s12+$0x0];
	_ =	sdelay $0x3  }
0x4b: {  	[tilespmem:v3+s19+$0x0] =	vst.idx.msk vm0, v2  }
0x4c: {  	[tilespmem:v3+s18+$0x0] =	vst.idx.msk vm0, v4  }
0x4d: {  	v2 =	vld [tilespmem:s12+$0x2810];
	_ =	sdelay $0x4  }
0x4e: {  	vm1 =	vlt.s32 v2, $0x400  }
0x4f: {  	v3 =	vsel vm1, $0x1, v0  }
0x50: {  	(xrf0) =	vadd.scan.msk.s32 $0xffff, v3;
	_ =	sdelay $0x1  }
0x51: {  	v3 =	vmpcnt.ones.xlane vm0;
	_ =	sdelay $0x3  }
0x52: {  	v1 =	vadd.s32 v1, v3;
	v3, _, _ =	vpop (xrf0)  }
0x53: {  	v3 =	vadd.s32 v3, v1  }
0x54: {  	v3 =	vadd.s32 $0xFFFFFFFF, v3  }
0x55: {  	v4 =	vld [tilespmem:s12+$0x10];
	_ =	sdelay $0x3  }
0x56: {  	[tilespmem:v3+s19+$0x0] =	vst.idx.msk vm1, v2  }
0x57: {  	[tilespmem:v3+s18+$0x0] =	vst.idx.msk vm1, v4  }
0x58: {  	v2 =	vld [tilespmem:s12+$0x2820];
	_ =	sdelay $0x4  }
0x59: {  	vm14 =	vlt.s32 v2, $0x400  }
0x5a: {  	v3 =	vsel vm14, $0x1, v0  }
0x5b: {  	(xrf0) =	vadd.scan.msk.s32 $0xffff, v3;
	_ =	sdelay $0x1  }
0x5c: {  	v3 =	vmpcnt.ones.xlane vm1;
	_ =	sdelay $0x3  }
0x5d: {  	v1 =	vadd.s32 v1, v3;
	v3, _, _ =	vpop (xrf0)  }
0x5e: {  	v3 =	vadd.s32 v3, v1  }
0x5f: {  	v3 =	vadd.s32 $0xFFFFFFFF, v3  }
0x60: {  	v4 =	vld [tilespmem:s12+$0x20];
	_ =	sdelay $0x3  }
0x61: {  	[tilespmem:v3+s19+$0x0] =	vst.idx.msk vm14, v2  }
0x62: {  	[tilespmem:v3+s18+$0x0] =	vst.idx.msk vm14, v4  }
0x63: {  	v2 =	vld [tilespmem:s12+$0x2830];
	_ =	sdelay $0x4  }
0x64: {  	vm15 =	vlt.s32 v2, $0x400  }
0x65: {  	v3 =	vsel vm15, $0x1, v0  }
0x66: {  	(xrf0) =	vadd.scan.msk.s32 $0xffff, v3;
	_ =	sdelay $0x1  }
0x67: {  	v3 =	vmpcnt.ones.xlane vm14;
	_ =	sdelay $0x3  }
0x68: {  	v1 =	vadd.s32 v1, v3;
	v3, _, _ =	vpop (xrf0)  }
0x69: {  	v3 =	vadd.s32 v3, v1  }
0x6a: {  	v3 =	vadd.s32 $0xFFFFFFFF, v3  }
0x6b: {  	v4 =	vld [tilespmem:s12+$0x30];
	_ =	sdelay $0x3  }
0x6c: {  	[tilespmem:v3+s19+$0x0] =	vst.idx.msk vm15, v2  }
0x6d: {  	[tilespmem:v3+s18+$0x0] =	vst.idx.msk vm15, v4  }
0x6e: {  	v2 =	vld [tilespmem:s12+$0x2840];
	_ =	sdelay $0x4  }
0x6f: {  	vm4 =	vlt.s32 v2, $0x400  }
0x70: {  	v3 =	vsel vm4, $0x1, v0  }
0x71: {  	(xrf0) =	vadd.scan.msk.s32 $0xffff, v3;
	_ =	sdelay $0x1  }
0x72: {  	v3 =	vmpcnt.ones.xlane vm15;
	_ =	sdelay $0x3  }
0x73: {  	v1 =	vadd.s32 v1, v3;
	v3, _, _ =	vpop (xrf0)  }
0x74: {  	v3 =	vadd.s32 v3, v1  }
0x75: {  	v3 =	vadd.s32 $0xFFFFFFFF, v3  }
0x76: {  	v4 =	vld [tilespmem:s12+$0x40];
	_ =	sdelay $0x3  }
0x77: {  	[tilespmem:v3+s19+$0x0] =	vst.idx.msk vm4, v2  }
0x78: {  	[tilespmem:v3+s18+$0x0] =	vst.idx.msk vm4, v4  }
0x79: {  	v2 =	vld [tilespmem:s12+$0x2850];
	_ =	sdelay $0x4  }
0x7a: {  	vm5 =	vlt.s32 v2, $0x400  }
0x7b: {  	v3 =	vsel vm5, $0x1, v0  }
0x7c: {  	(xrf0) =	vadd.scan.msk.s32 $0xffff, v3;
	_ =	sdelay $0x1  }
0x7d: {  	v3 =	vmpcnt.ones.xlane vm4;
	_ =	sdelay $0x3  }
0x7e: {  	v1 =	vadd.s32 v1, v3;
	v3, _, _ =	vpop (xrf0)  }
0x7f: {  	v3 =	vadd.s32 v3, v1  }
0x80: {  	v3 =	vadd.s32 $0xFFFFFFFF, v3  }
0x81: {  	v4 =	vld [tilespmem:s12+$0x50];
	_ =	sdelay $0x3  }
0x82: {  	[tilespmem:v3+s19+$0x0] =	vst.idx.msk vm5, v2  }
0x83: {  	[tilespmem:v3+s18+$0x0] =	vst.idx.msk vm5, v4  }
0x84: {  	v2 =	vld [tilespmem:s12+$0x2860];
	_ =	sdelay $0x4  }
0x85: {  	vm6 =	vlt.s32 v2, $0x400  }
0x86: {  	v3 =	vsel vm6, $0x1, v0  }
0x87: {  	(xrf0) =	vadd.scan.msk.s32 $0xffff, v3;
	_ =	sdelay $0x1  }
0x88: {  	v3 =	vmpcnt.ones.xlane vm5;
	_ =	sdelay $0x3  }
0x89: {  	v1 =	vadd.s32 v1, v3;
	v3, _, _ =	vpop (xrf0)  }
0x8a: {  	v3 =	vadd.s32 v3, v1  }
0x8b: {  	v3 =	vadd.s32 $0xFFFFFFFF, v3  }
0x8c: {  	v4 =	vld [tilespmem:s12+$0x60];
	_ =	sdelay $0x3  }
0x8d: {  	[tilespmem:v3+s19+$0x0] =	vst.idx.msk vm6, v2  }
0x8e: {  	[tilespmem:v3+s18+$0x0] =	vst.idx.msk vm6, v4  }
0x8f: {  	v2 =	vld [tilespmem:s12+$0x2870];
	_ =	sdelay $0x4  }
0x90: {  	vm7 =	vlt.s32 v2, $0x400  }
0x91: {  	v3 =	vsel vm7, $0x1, v0  }
0x92: {  	(xrf0) =	vadd.scan.msk.s32 $0xffff, v3;
	_ =	sdelay $0x1  }
0x93: {  	v3 =	vmpcnt.ones.xlane vm6;
	_ =	sdelay $0x3  }
0x94: {  	v1 =	vadd.s32 v1, v3;
	v3, _, _ =	vpop (xrf0)  }
0x95: {  	v3 =	vadd.s32 v3, v1  }
0x96: {  	v3 =	vadd.s32 $0xFFFFFFFF, v3  }
0x97: {  	v4 =	vld [tilespmem:s12+$0x70];
	_ =	sdelay $0x3  }
0x98: {  	[tilespmem:v3+s19+$0x0] =	vst.idx.msk vm7, v2  }
0x99: {  	[tilespmem:v3+s18+$0x0] =	vst.idx.msk vm7, v4  }
0x9a: {  	_ =	swait.ge [sflag:s2], $0x800  }
0x9b: {  	[sflag:s2] =	ssyncset.done $0x0  }
0x9c: {  	s16 =	sadd.s32 $0x2880, s12;
	s13 =	simm.s32 @!p0 $0x8;
	[sflag:s2] =	ssyncadd.s32 $0xFFFFF800  }
0x9d: {  	[spmem:s3] =	stream.indirect.scatter.add.f32 [tilespmem:s22], [sflag:$0x2], $0x10, s16, s20, $0xb8;
	[tilespmem:$0x10810] =	vst v63  }
0x9e: {  	_ =	swait.ge @!p0 [sflag:s13], $0x800  }
0x9f: {  	[sflag:s13] =	ssyncset.done @!p0 $0x0  }
0xa0: {  	s6 =	sadd.s32 $0x380, s12;
	[sflag:s13] =	ssyncadd.s32 @!p0 $0xFFFFF800  }
0xa1: {  	[tilespmem:s15], [sflag:$0x8] =	stream.indirect.gather [hbm4b:s5+s20], $0x10, s6, s20, $0xb8;
	[tilespmem:$0x10810] =	vst v63  }
0xa2: {  	v2 =	vld [tilespmem:s12+$0x2880];
	_ =	sdelay $0x4  }
0xa3: {  	vm8 =	vlt.s32 v2, $0x400  }
0xa4: {  	v3 =	vsel vm8, $0x1, v0  }
0xa5: {  	(xrf0) =	vadd.scan.msk.s32 $0xffff, v3;
	_ =	sdelay $0x1  }
0xa6: {  	v3 =	vmpcnt.ones.xlane vm7;
	_ =	sdelay $0x3  }
0xa7: {  	v1 =	vadd.s32 v1, v3;
	v3, _, _ =	vpop (xrf0)  }
0xa8: {  	v3 =	vadd.s32 v3, v1  }
0xa9: {  	v3 =	vadd.s32 $0xFFFFFFFF, v3  }
0xaa: {  	v57 =	vld [tilespmem:s12+$0x80];
	_ =	sdelay $0x3  }
0xab: {  	[tilespmem:v3+s19+$0x0] =	vst.idx.msk vm8, v2  }
0xac: {  	[tilespmem:v3+s18+$0x0] =	vst.idx.msk vm8, v57  }
0xad: {  	v2 =	vld [tilespmem:s12+$0x2890];
	_ =	sdelay $0x4  }
0xae: {  	vm9 =	vlt.s32 v2, $0x400  }
0xaf: {  	v3 =	vsel vm9, $0x1, v0  }
0xb0: {  	(xrf0) =	vadd.scan.msk.s32 $0xffff, v3;
	_ =	sdelay $0x1  }
0xb1: {  	v3 =	vmpcnt.ones.xlane vm8;
	_ =	sdelay $0x3  }
0xb2: {  	v1 =	vadd.s32 v1, v3;
	v3, _, _ =	vpop (xrf0)  }
0xb3: {  	v3 =	vadd.s32 v3, v1  }
0xb4: {  	v3 =	vadd.s32 $0xFFFFFFFF, v3  }
0xb5: {  	v4 =	vld [tilespmem:s12+$0x90];
	_ =	sdelay $0x3  }
0xb6: {  	[tilespmem:v3+s19+$0x0] =	vst.idx.msk vm9, v2  }
0xb7: {  	[tilespmem:v3+s18+$0x0] =	vst.idx.msk vm9, v4  }
0xb8: {  	v2 =	vld [tilespmem:s12+$0x28A0];
	_ =	sdelay $0x4  }
0xb9: {  	vm10 =	vlt.s32 v2, $0x400  }
0xba: {  	v3 =	vsel vm10, $0x1, v0  }
0xbb: {  	(xrf0) =	vadd.scan.msk.s32 $0xffff, v3;
	_ =	sdelay $0x1  }
0xbc: {  	v3 =	vmpcnt.ones.xlane vm9;
	_ =	sdelay $0x3  }
0xbd: {  	v1 =	vadd.s32 v1, v3;
	v3, _, _ =	vpop (xrf0)  }
0xbe: {  	v3 =	vadd.s32 v3, v1  }
0xbf: {  	v3 =	vadd.s32 $0xFFFFFFFF, v3  }
0xc0: {  	v4 =	vld [tilespmem:s12+$0xA0];
	_ =	sdelay $0x3  }
0xc1: {  	[tilespmem:v3+s19+$0x0] =	vst.idx.msk vm10, v2  }
0xc2: {  	[tilespmem:v3+s18+$0x0] =	vst.idx.msk vm10, v4  }
0xc3: {  	v2 =	vld [tilespmem:s12+$0x28B0];
	_ =	sdelay $0x4  }
0xc4: {  	vm11 =	vlt.s32 v2, $0x400  }
0xc5: {  	v3 =	vsel vm11, $0x1, v0  }
0xc6: {  	(xrf0) =	vadd.scan.msk.s32 $0xffff, v3;
	_ =	sdelay $0x1  }
0xc7: {  	v3 =	vmpcnt.ones.xlane vm10;
	_ =	sdelay $0x3  }
0xc8: {  	v1 =	vadd.s32 v1, v3;
	v3, _, _ =	vpop (xrf0)  }
0xc9: {  	v3 =	vadd.s32 v3, v1  }
0xca: {  	v3 =	vadd.s32 $0xFFFFFFFF, v3  }
0xcb: {  	v4 =	vld [tilespmem:s12+$0xB0];
	_ =	sdelay $0x3  }
0xcc: {  	[tilespmem:v3+s19+$0x0] =	vst.idx.msk vm11, v2  }
0xcd: {  	[tilespmem:v3+s18+$0x0] =	vst.idx.msk vm11, v4  }
0xce: {  	v2 =	vld [tilespmem:s12+$0x28C0];
	_ =	sdelay $0x4  }
0xcf: {  	vm12 =	vlt.s32 v2, $0x400  }
0xd0: {  	v3 =	vsel vm12, $0x1, v0  }
0xd1: {  	(xrf0) =	vadd.scan.msk.s32 $0xffff, v3;
	_ =	sdelay $0x1  }
0xd2: {  	v3 =	vmpcnt.ones.xlane vm11;
	_ =	sdelay $0x3  }
0xd3: {  	v1 =	vadd.s32 v1, v3;
	v3, _, _ =	vpop (xrf0)  }
0xd4: {  	v3 =	vadd.s32 v3, v1  }
0xd5: {  	v3 =	vadd.s32 $0xFFFFFFFF, v3  }
0xd6: {  	v4 =	vld [tilespmem:s12+$0xC0];
	_ =	sdelay $0x3  }
0xd7: {  	[tilespmem:v3+s19+$0x0] =	vst.idx.msk vm12, v2  }
0xd8: {  	[tilespmem:v3+s18+$0x0] =	vst.idx.msk vm12, v4  }
0xd9: {  	v2 =	vld [tilespmem:s12+$0x28D0];
	_ =	sdelay $0x4  }
0xda: {  	vm13 =	vlt.s32 v2, $0x400  }
0xdb: {  	v3 =	vsel vm13, $0x1, v0  }
0xdc: {  	(xrf0) =	vadd.scan.msk.s32 $0xffff, v3;
	_ =	sdelay $0x1  }
0xdd: {  	v3 =	vmpcnt.ones.xlane vm12;
	_ =	sdelay $0x3  }
0xde: {  	v1 =	vadd.s32 v1, v3;
	v3, _, _ =	vpop (xrf0)  }
0xdf: {  	v3 =	vadd.s32 v3, v1  }
0xe0: {  	v3 =	vadd.s32 $0xFFFFFFFF, v3  }
0xe1: {  	v4 =	vld [tilespmem:s12+$0xD0];
	_ =	sdelay $0x3  }
0xe2: {  	[tilespmem:v3+s19+$0x0] =	vst.idx.msk vm13, v2  }
0xe3: {  	[tilespmem:v3+s18+$0x0] =	vst.idx.msk vm13, v4  }
0xe4: {  	v2 =	vld [tilespmem:s12+$0x28E0];
	_ =	sdelay $0x4  }
0xe5: {  	vm14 =	vlt.s32 v2, $0x400  }
0xe6: {  	v3 =	vsel vm14, $0x1, v0  }
0xe7: {  	(xrf0) =	vadd.scan.msk.s32 $0xffff, v3;
	_ =	sdelay $0x1  }
0xe8: {  	v3 =	vmpcnt.ones.xlane vm13;
	_ =	sdelay $0x3  }
0xe9: {  	v1 =	vadd.s32 v1, v3;
	v3, _, _ =	vpop (xrf0)  }
0xea: {  	v3 =	vadd.s32 v3, v1  }
0xeb: {  	v3 =	vadd.s32 $0xFFFFFFFF, v3  }
0xec: {  	v4 =	vld [tilespmem:s12+$0xE0];
	_ =	sdelay $0x3  }
0xed: {  	[tilespmem:v3+s19+$0x0] =	vst.idx.msk vm14, v2  }
0xee: {  	[tilespmem:v3+s18+$0x0] =	vst.idx.msk vm14, v4  }
0xef: {  	v2 =	vld [tilespmem:s12+$0x28F0];
	_ =	sdelay $0x4  }
0xf0: {  	vm15 =	vlt.s32 v2, $0x400  }
0xf1: {  	v3 =	vsel vm15, $0x1, v0  }
0xf2: {  	(xrf0) =	vadd.scan.msk.s32 $0xffff, v3;
	_ =	sdelay $0x1  }
0xf3: {  	v3 =	vmpcnt.ones.xlane vm14;
	_ =	sdelay $0x3  }
0xf4: {  	v1 =	vadd.s32 v1, v3;
	v3, _, _ =	vpop (xrf0)  }
0xf5: {  	v3 =	vadd.s32 v3, v1  }
0xf6: {  	v3 =	vadd.s32 $0xFFFFFFFF, v3  }
0xf7: {  	v4 =	vld [tilespmem:s12+$0xF0];
	_ =	sdelay $0x3  }
0xf8: {  	[tilespmem:v3+s19+$0x0] =	vst.idx.msk vm15, v2  }
0xf9: {  	[tilespmem:v3+s18+$0x0] =	vst.idx.msk vm15, v4  }
0xfa: {  	_ =	swait.ge [sflag:s23], $0x800  }
0xfb: {  	[sflag:s23] =	ssyncset.done $0x0  }
0xfc: {  	s16 =	sadd.s32 $0x2900, s12;
	s6 =	sadd.s32 $0xFFFFFFFB, s10;
	[sflag:s23] =	ssyncadd.s32 $0xFFFFF800  }
0xfd: {  	[spmem:s3] =	stream.indirect.scatter.add.f32 [tilespmem:s24], [sflag:$0x3], $0x10, s16, s20, $0xb8;
	[tilespmem:$0x10810] =	vst v63  }
0xfe: {  	p0 =	sgt.u32 s6, $0x49;
	_ =	swait.ge [sflag:s0], $0x800  }
0xff: {  	s13 =	sshra.s32 @!p0 s11, $0x2;
	s6 =	simm.s32 @!p0 $0x80;
	[sflag:s0] =	ssyncset.done $0x0  }
0x100: {  	s13 =	sadd.s32 @!p0 $0x400, s13;
	s16 =	simm.s32 @!p0 $0x5000;
	[sflag:s0] =	ssyncadd.s32 $0xFFFFF800  }
0x101: {  	[tilespmem:s16], [sflag:$0x1] =	stream.indirect.gather @!p0 [hbm4b:s5+s6], $0x10, s13, s6, $0xb8;
	[tilespmem:$0x10810] =	vst v63  }
0x102: {  	v2 =	vld [tilespmem:s12+$0x2900];
	_ =	sdelay $0x4  }
0x103: {  	vm4 =	vlt.s32 v2, $0x400  }
0x104: {  	v3 =	vsel vm4, $0x1, v0  }
0x105: {  	(xrf0) =	vadd.scan.msk.s32 $0xffff, v3;
	_ =	sdelay $0x1  }
0x106: {  	v3 =	vmpcnt.ones.xlane vm15;
	_ =	sdelay $0x3  }
0x107: {  	v1 =	vadd.s32 v1, v3;
	v3, _, _ =	vpop (xrf0)  }
0x108: {  	v3 =	vadd.s32 v3, v1  }
0x109: {  	v3 =	vadd.s32 $0xFFFFFFFF, v3  }
0x10a: {  	v58 =	vld [tilespmem:s12+$0x100];
	_ =	sdelay $0x3  }
0x10b: {  	[tilespmem:v3+s19+$0x0] =	vst.idx.msk vm4, v2  }
0x10c: {  	[tilespmem:v3+s18+$0x0] =	vst.idx.msk vm4, v58  }
0x10d: {  	v2 =	vld [tilespmem:s12+$0x2910];
	_ =	sdelay $0x4  }
0x10e: {  	vm5 =	vlt.s32 v2, $0x400  }
0x10f: {  	v3 =	vsel vm5, $0x1, v0  }
0x110: {  	(xrf0) =	vadd.scan.msk.s32 $0xffff, v3;
	_ =	sdelay $0x1  }
0x111: {  	v3 =	vmpcnt.ones.xlane vm4;
	_ =	sdelay $0x3  }
0x112: {  	v1 =	vadd.s32 v1, v3;
	v3, _, _ =	vpop (xrf0)  }
0x113: {  	v3 =	vadd.s32 v3, v1  }
0x114: {  	v3 =	vadd.s32 $0xFFFFFFFF, v3  }
0x115: {  	v4 =	vld [tilespmem:s12+$0x110];
	_ =	sdelay $0x3  }
0x116: {  	[tilespmem:v3+s19+$0x0] =	vst.idx.msk vm5, v2  }
0x117: {  	[tilespmem:v3+s18+$0x0] =	vst.idx.msk vm5, v4  }
0x118: {  	v2 =	vld [tilespmem:s12+$0x2920];
	_ =	sdelay $0x4  }
0x119: {  	vm6 =	vlt.s32 v2, $0x400  }
0x11a: {  	v3 =	vsel vm6, $0x1, v0  }
0x11b: {  	(xrf0) =	vadd.scan.msk.s32 $0xffff, v3;
	_ =	sdelay $0x1  }
0x11c: {  	v3 =	vmpcnt.ones.xlane vm5;
	_ =	sdelay $0x3  }
0x11d: {  	v1 =	vadd.s32 v1, v3;
	v3, _, _ =	vpop (xrf0)  }
0x11e: {  	v3 =	vadd.s32 v3, v1  }
0x11f: {  	v3 =	vadd.s32 $0xFFFFFFFF, v3  }
0x120: {  	v4 =	vld [tilespmem:s12+$0x120];
	_ =	sdelay $0x3  }
0x121: {  	[tilespmem:v3+s19+$0x0] =	vst.idx.msk vm6, v2  }
0x122: {  	[tilespmem:v3+s18+$0x0] =	vst.idx.msk vm6, v4  }
0x123: {  	v2 =	vld [tilespmem:s12+$0x2930];
	_ =	sdelay $0x4  }
0x124: {  	vm7 =	vlt.s32 v2, $0x400  }
0x125: {  	v3 =	vsel vm7, $0x1, v0  }
0x126: {  	(xrf0) =	vadd.scan.msk.s32 $0xffff, v3;
	_ =	sdelay $0x1  }
0x127: {  	v3 =	vmpcnt.ones.xlane vm6;
	_ =	sdelay $0x3  }
0x128: {  	v1 =	vadd.s32 v1, v3;
	v3, _, _ =	vpop (xrf0)  }
0x129: {  	v3 =	vadd.s32 v3, v1  }
0x12a: {  	v3 =	vadd.s32 $0xFFFFFFFF, v3  }
0x12b: {  	v4 =	vld [tilespmem:s12+$0x130];
	_ =	sdelay $0x3  }
0x12c: {  	[tilespmem:v3+s19+$0x0] =	vst.idx.msk vm7, v2  }
0x12d: {  	[tilespmem:v3+s18+$0x0] =	vst.idx.msk vm7, v4  }
0x12e: {  	v2 =	vld [tilespmem:s12+$0x2940];
	_ =	sdelay $0x4  }
0x12f: {  	vm8 =	vlt.s32 v2, $0x400  }
0x130: {  	v3 =	vsel vm8, $0x1, v0  }
0x131: {  	(xrf0) =	vadd.scan.msk.s32 $0xffff, v3;
	_ =	sdelay $0x1  }
0x132: {  	v3 =	vmpcnt.ones.xlane vm7;
	_ =	sdelay $0x3  }
0x133: {  	v1 =	vadd.s32 v1, v3;
	v3, _, _ =	vpop (xrf0)  }
0x134: {  	v3 =	vadd.s32 v3, v1  }
0x135: {  	v3 =	vadd.s32 $0xFFFFFFFF, v3  }
0x136: {  	v4 =	vld [tilespmem:s12+$0x140];
	_ =	sdelay $0x3  }
0x137: {  	[tilespmem:v3+s19+$0x0] =	vst.idx.msk vm8, v2  }
0x138: {  	[tilespmem:v3+s18+$0x0] =	vst.idx.msk vm8, v4  }
0x139: {  	v2 =	vld [tilespmem:s12+$0x2950];
	_ =	sdelay $0x4  }
0x13a: {  	vm9 =	vlt.s32 v2, $0x400  }
0x13b: {  	v3 =	vsel vm9, $0x1, v0  }
0x13c: {  	(xrf0) =	vadd.scan.msk.s32 $0xffff, v3;
	_ =	sdelay $0x1  }
0x13d: {  	v3 =	vmpcnt.ones.xlane vm8;
	_ =	sdelay $0x3  }
0x13e: {  	v1 =	vadd.s32 v1, v3;
	v3, _, _ =	vpop (xrf0)  }
0x13f: {  	v3 =	vadd.s32 v3, v1  }
0x140: {  	v3 =	vadd.s32 $0xFFFFFFFF, v3  }
0x141: {  	v4 =	vld [tilespmem:s12+$0x150];
	_ =	sdelay $0x3  }
0x142: {  	[tilespmem:v3+s19+$0x0] =	vst.idx.msk vm9, v2  }
0x143: {  	[tilespmem:v3+s18+$0x0] =	vst.idx.msk vm9, v4  }
0x144: {  	v2 =	vld [tilespmem:s12+$0x2960];
	_ =	sdelay $0x4  }
0x145: {  	vm10 =	vlt.s32 v2, $0x400  }
0x146: {  	v3 =	vsel vm10, $0x1, v0  }
0x147: {  	(xrf0) =	vadd.scan.msk.s32 $0xffff, v3;
	_ =	sdelay $0x1  }
0x148: {  	v3 =	vmpcnt.ones.xlane vm9;
	_ =	sdelay $0x3  }
0x149: {  	v1 =	vadd.s32 v1, v3;
	v3, _, _ =	vpop (xrf0)  }
0x14a: {  	v3 =	vadd.s32 v3, v1  }
0x14b: {  	v3 =	vadd.s32 $0xFFFFFFFF, v3  }
0x14c: {  	v4 =	vld [tilespmem:s12+$0x160];
	_ =	sdelay $0x3  }
0x14d: {  	[tilespmem:v3+s19+$0x0] =	vst.idx.msk vm10, v2  }
0x14e: {  	[tilespmem:v3+s18+$0x0] =	vst.idx.msk vm10, v4  }
0x14f: {  	v2 =	vld [tilespmem:s12+$0x2970];
	_ =	sdelay $0x4  }
0x150: {  	vm11 =	vlt.s32 v2, $0x400  }
0x151: {  	v3 =	vsel vm11, $0x1, v0  }
0x152: {  	(xrf0) =	vadd.scan.msk.s32 $0xffff, v3;
	_ =	sdelay $0x1  }
0x153: {  	v3 =	vmpcnt.ones.xlane vm10;
	_ =	sdelay $0x3  }
0x154: {  	v1 =	vadd.s32 v1, v3;
	v3, _, _ =	vpop (xrf0)  }
0x155: {  	v3 =	vadd.s32 v3, v1  }
0x156: {  	v3 =	vadd.s32 $0xFFFFFFFF, v3  }
0x157: {  	v4 =	vld [tilespmem:s12+$0x170];
	_ =	sdelay $0x3  }
0x158: {  	[tilespmem:v3+s19+$0x0] =	vst.idx.msk vm11, v2  }
0x159: {  	[tilespmem:v3+s18+$0x0] =	vst.idx.msk vm11, v4  }
0x15a: {  	_ =	swait.ge [sflag:s25], $0x800  }
0x15b: {  	[sflag:s25] =	ssyncset.done $0x0  }
0x15c: {  	s16 =	sadd.s32 $0x2980, s12;
	s13 =	sadd.s32 $0xFFFFFFFC, s10;
	[sflag:s25] =	ssyncadd.s32 $0xFFFFF800  }
0x15d: {  	[spmem:s3] =	stream.indirect.scatter.add.f32 [tilespmem:s26], [sflag:$0x4], $0x10, s16, s20, $0xb8;
	[tilespmem:$0x10810] =	vst v63  }
0x15e: {  	p0 =	sgt.u32 s13, $0x49;
	_ =	swait.ge [sflag:s2], $0x800  }
0x15f: {  	s6 =	sshra.s32 @!p0 s11, $0x2;
	s13 =	simm.s32 @!p0 $0x80;
	[sflag:s2] =	ssyncset.done $0x0  }
0x160: {  	s6 =	sadd.s32 @!p0 $0x480, s6;
	s16 =	simm.s32 @!p0 $0x5800;
	[sflag:s2] =	ssyncadd.s32 $0xFFFFF800  }
0x161: {  	[tilespmem:s16], [sflag:$0x2] =	stream.indirect.gather @!p0 [hbm4b:s5+s13], $0x10, s6, s13, $0xb8;
	[tilespmem:$0x10810] =	vst v63  }
0x162: {  	v2 =	vld [tilespmem:s12+$0x2980];
	_ =	sdelay $0x4  }
0x163: {  	vm12 =	vlt.s32 v2, $0x400  }
0x164: {  	v3 =	vsel vm12, $0x1, v0  }
0x165: {  	(xrf0) =	vadd.scan.msk.s32 $0xffff, v3;
	_ =	sdelay $0x1  }
0x166: {  	v3 =	vmpcnt.ones.xlane vm11;
	_ =	sdelay $0x3  }
0x167: {  	v1 =	vadd.s32 v1, v3;
	v3, _, _ =	vpop (xrf0)  }
0x168: {  	v3 =	vadd.s32 v3, v1  }
0x169: {  	v3 =	vadd.s32 $0xFFFFFFFF, v3  }
0x16a: {  	v59 =	vld [tilespmem:s12+$0x180];
	_ =	sdelay $0x3  }
0x16b: {  	[tilespmem:v3+s19+$0x0] =	vst.idx.msk vm12, v2  }
0x16c: {  	[tilespmem:v3+s18+$0x0] =	vst.idx.msk vm12, v59  }
0x16d: {  	v2 =	vld [tilespmem:s12+$0x2990];
	_ =	sdelay $0x4  }
0x16e: {  	vm13 =	vlt.s32 v2, $0x400  }
0x16f: {  	v3 =	vsel vm13, $0x1, v0  }
0x170: {  	(xrf0) =	vadd.scan.msk.s32 $0xffff, v3;
	_ =	sdelay $0x1  }
0x171: {  	v3 =	vmpcnt.ones.xlane vm12;
	_ =	sdelay $0x3  }
0x172: {  	v1 =	vadd.s32 v1, v3;
	v3, _, _ =	vpop (xrf0)  }
0x173: {  	v3 =	vadd.s32 v3, v1  }
0x174: {  	v3 =	vadd.s32 $0xFFFFFFFF, v3  }
0x175: {  	v4 =	vld [tilespmem:s12+$0x190];
	_ =	sdelay $0x3  }
0x176: {  	[tilespmem:v3+s19+$0x0] =	vst.idx.msk vm13, v2  }
0x177: {  	[tilespmem:v3+s18+$0x0] =	vst.idx.msk vm13, v4  }
0x178: {  	v2 =	vld [tilespmem:s12+$0x29A0];
	_ =	sdelay $0x4  }
0x179: {  	vm14 =	vlt.s32 v2, $0x400  }
0x17a: {  	v3 =	vsel vm14, $0x1, v0  }
0x17b: {  	(xrf0) =	vadd.scan.msk.s32 $0xffff, v3;
	_ =	sdelay $0x1  }
0x17c: {  	v3 =	vmpcnt.ones.xlane vm13;
	_ =	sdelay $0x3  }
0x17d: {  	v1 =	vadd.s32 v1, v3;
	v3, _, _ =	vpop (xrf0)  }
0x17e: {  	v3 =	vadd.s32 v3, v1  }
0x17f: {  	v3 =	vadd.s32 $0xFFFFFFFF, v3  }
0x180: {  	v4 =	vld [tilespmem:s12+$0x1A0];
	_ =	sdelay $0x3  }
0x181: {  	[tilespmem:v3+s19+$0x0] =	vst.idx.msk vm14, v2  }
0x182: {  	[tilespmem:v3+s18+$0x0] =	vst.idx.msk vm14, v4  }
0x183: {  	v2 =	vld [tilespmem:s12+$0x29B0];
	_ =	sdelay $0x4  }
0x184: {  	vm15 =	vlt.s32 v2, $0x400  }
0x185: {  	v3 =	vsel vm15, $0x1, v0  }
0x186: {  	(xrf0) =	vadd.scan.msk.s32 $0xffff, v3;
	_ =	sdelay $0x1  }
0x187: {  	v3 =	vmpcnt.ones.xlane vm14;
	_ =	sdelay $0x3  }
0x188: {  	v1 =	vadd.s32 v1, v3;
	v3, _, _ =	vpop (xrf0)  }
0x189: {  	v3 =	vadd.s32 v3, v1  }
0x18a: {  	v3 =	vadd.s32 $0xFFFFFFFF, v3  }
0x18b: {  	v4 =	vld [tilespmem:s12+$0x1B0];
	_ =	sdelay $0x3  }
0x18c: {  	[tilespmem:v3+s19+$0x0] =	vst.idx.msk vm15, v2  }
0x18d: {  	[tilespmem:v3+s18+$0x0] =	vst.idx.msk vm15, v4  }
0x18e: {  	v2 =	vld [tilespmem:s12+$0x29C0];
	_ =	sdelay $0x4  }
0x18f: {  	vm4 =	vlt.s32 v2, $0x400  }
0x190: {  	v3 =	vsel vm4, $0x1, v0  }
0x191: {  	(xrf0) =	vadd.scan.msk.s32 $0xffff, v3;
	_ =	sdelay $0x1  }
0x192: {  	v3 =	vmpcnt.ones.xlane vm15;
	_ =	sdelay $0x3  }
0x193: {  	v1 =	vadd.s32 v1, v3;
	v3, _, _ =	vpop (xrf0)  }
0x194: {  	v3 =	vadd.s32 v3, v1  }
0x195: {  	v3 =	vadd.s32 $0xFFFFFFFF, v3  }
0x196: {  	v4 =	vld [tilespmem:s12+$0x1C0];
	_ =	sdelay $0x3  }
0x197: {  	[tilespmem:v3+s19+$0x0] =	vst.idx.msk vm4, v2  }
0x198: {  	[tilespmem:v3+s18+$0x0] =	vst.idx.msk vm4, v4  }
0x199: {  	v2 =	vld [tilespmem:s12+$0x29D0];
	_ =	sdelay $0x4  }
0x19a: {  	vm5 =	vlt.s32 v2, $0x400  }
0x19b: {  	v3 =	vsel vm5, $0x1, v0  }
0x19c: {  	(xrf0) =	vadd.scan.msk.s32 $0xffff, v3;
	_ =	sdelay $0x1  }
0x19d: {  	v3 =	vmpcnt.ones.xlane vm4;
	_ =	sdelay $0x3  }
0x19e: {  	v1 =	vadd.s32 v1, v3;
	v3, _, _ =	vpop (xrf0)  }
0x19f: {  	v3 =	vadd.s32 v3, v1  }
0x1a0: {  	v3 =	vadd.s32 $0xFFFFFFFF, v3  }
0x1a1: {  	v4 =	vld [tilespmem:s12+$0x1D0];
	_ =	sdelay $0x3  }
0x1a2: {  	[tilespmem:v3+s19+$0x0] =	vst.idx.msk vm5, v2  }
0x1a3: {  	[tilespmem:v3+s18+$0x0] =	vst.idx.msk vm5, v4  }
0x1a4: {  	v2 =	vld [tilespmem:s12+$0x29E0];
	_ =	sdelay $0x4  }
0x1a5: {  	vm6 =	vlt.s32 v2, $0x400  }
0x1a6: {  	v3 =	vsel vm6, $0x1, v0  }
0x1a7: {  	(xrf0) =	vadd.scan.msk.s32 $0xffff, v3;
	_ =	sdelay $0x1  }
0x1a8: {  	v3 =	vmpcnt.ones.xlane vm5;
	_ =	sdelay $0x3  }
0x1a9: {  	v1 =	vadd.s32 v1, v3;
	v3, _, _ =	vpop (xrf0)  }
0x1aa: {  	v3 =	vadd.s32 v3, v1  }
0x1ab: {  	v3 =	vadd.s32 $0xFFFFFFFF, v3  }
0x1ac: {  	v4 =	vld [tilespmem:s12+$0x1E0];
	_ =	sdelay $0x3  }
0x1ad: {  	[tilespmem:v3+s19+$0x0] =	vst.idx.msk vm6, v2  }
0x1ae: {  	[tilespmem:v3+s18+$0x0] =	vst.idx.msk vm6, v4  }
0x1af: {  	v2 =	vld [tilespmem:s12+$0x29F0];
	_ =	sdelay $0x4  }
0x1b0: {  	vm7 =	vlt.s32 v2, $0x400  }
0x1b1: {  	v3 =	vsel vm7, $0x1, v0  }
0x1b2: {  	(xrf0) =	vadd.scan.msk.s32 $0xffff, v3;
	_ =	sdelay $0x1  }
0x1b3: {  	v3 =	vmpcnt.ones.xlane vm6;
	_ =	sdelay $0x3  }
0x1b4: {  	v1 =	vadd.s32 v1, v3;
	v3, _, _ =	vpop (xrf0)  }
0x1b5: {  	v3 =	vadd.s32 v3, v1  }
0x1b6: {  	v3 =	vadd.s32 $0xFFFFFFFF, v3  }
0x1b7: {  	v4 =	vld [tilespmem:s12+$0x1F0];
	_ =	sdelay $0x3  }
0x1b8: {  	[tilespmem:v3+s19+$0x0] =	vst.idx.msk vm7, v2  }
0x1b9: {  	[tilespmem:v3+s18+$0x0] =	vst.idx.msk vm7, v4  }
0x1ba: {  	_ =	swait.ge [sflag:s28], $0x800  }
0x1bb: {  	[sflag:s28] =	ssyncset.done $0x0  }
0x1bc: {  	s16 =	sadd.s32 $0x2A00, s12;
	s13 =	sadd.s32 $0xFFFFFFFD, s10;
	[sflag:s28] =	ssyncadd.s32 $0xFFFFF800  }
0x1bd: {  	[spmem:s3] =	stream.indirect.scatter.add.f32 [tilespmem:s29], [sflag:$0x5], $0x10, s16, s20, $0xb8;
	[tilespmem:$0x10810] =	vst v63  }
0x1be: {  	p0 =	sgt.u32 s13, $0x49;
	_ =	swait.ge [sflag:s23], $0x800  }
0x1bf: {  	s6 =	sshra.s32 @!p0 s11, $0x2;
	s13 =	simm.s32 @!p0 $0x80;
	[sflag:s23] =	ssyncset.done $0x0  }
0x1c0: {  	s6 =	sadd.s32 @!p0 $0x500, s6;
	s16 =	simm.s32 @!p0 $0x6000;
	[sflag:s23] =	ssyncadd.s32 $0xFFFFF800  }
0x1c1: {  	[tilespmem:s16], [sflag:$0x3] =	stream.indirect.gather @!p0 [hbm4b:s5+s13], $0x10, s6, s13, $0xb8;
	[tilespmem:$0x10810] =	vst v63  }
0x1c2: {  	v2 =	vld [tilespmem:s12+$0x2A00];
	_ =	sdelay $0x4  }
0x1c3: {  	vm8 =	vlt.s32 v2, $0x400  }
0x1c4: {  	v3 =	vsel vm8, $0x1, v0  }
0x1c5: {  	(xrf0) =	vadd.scan.msk.s32 $0xffff, v3;
	_ =	sdelay $0x1  }
0x1c6: {  	v3 =	vmpcnt.ones.xlane vm7;
	_ =	sdelay $0x3  }
0x1c7: {  	v1 =	vadd.s32 v1, v3;
	v3, _, _ =	vpop (xrf0)  }
0x1c8: {  	v3 =	vadd.s32 v3, v1  }
0x1c9: {  	v3 =	vadd.s32 $0xFFFFFFFF, v3  }
0x1ca: {  	v60 =	vld [tilespmem:s12+$0x200];
	_ =	sdelay $0x3  }
0x1cb: {  	[tilespmem:v3+s19+$0x0] =	vst.idx.msk vm8, v2  }
0x1cc: {  	[tilespmem:v3+s18+$0x0] =	vst.idx.msk vm8, v60  }
0x1cd: {  	v2 =	vld [tilespmem:s12+$0x2A10];
	_ =	sdelay $0x4  }
0x1ce: {  	vm9 =	vlt.s32 v2, $0x400  }
0x1cf: {  	v3 =	vsel vm9, $0x1, v0  }
0x1d0: {  	(xrf0) =	vadd.scan.msk.s32 $0xffff, v3;
	_ =	sdelay $0x1  }
0x1d1: {  	v3 =	vmpcnt.ones.xlane vm8;
	_ =	sdelay $0x3  }
0x1d2: {  	v1 =	vadd.s32 v1, v3;
	v3, _, _ =	vpop (xrf0)  }
0x1d3: {  	v3 =	vadd.s32 v3, v1  }
0x1d4: {  	v3 =	vadd.s32 $0xFFFFFFFF, v3  }
0x1d5: {  	v4 =	vld [tilespmem:s12+$0x210];
	_ =	sdelay $0x3  }
0x1d6: {  	[tilespmem:v3+s19+$0x0] =	vst.idx.msk vm9, v2  }
0x1d7: {  	[tilespmem:v3+s18+$0x0] =	vst.idx.msk vm9, v4  }
0x1d8: {  	v2 =	vld [tilespmem:s12+$0x2A20];
	_ =	sdelay $0x4  }
0x1d9: {  	vm10 =	vlt.s32 v2, $0x400  }
0x1da: {  	v3 =	vsel vm10, $0x1, v0  }
0x1db: {  	(xrf0) =	vadd.scan.msk.s32 $0xffff, v3;
	_ =	sdelay $0x1  }
0x1dc: {  	v3 =	vmpcnt.ones.xlane vm9;
	_ =	sdelay $0x3  }
0x1dd: {  	v1 =	vadd.s32 v1, v3;
	v3, _, _ =	vpop (xrf0)  }
0x1de: {  	v3 =	vadd.s32 v3, v1  }
0x1df: {  	v3 =	vadd.s32 $0xFFFFFFFF, v3  }
0x1e0: {  	v4 =	vld [tilespmem:s12+$0x220];
	_ =	sdelay $0x3  }
0x1e1: {  	[tilespmem:v3+s19+$0x0] =	vst.idx.msk vm10, v2  }
0x1e2: {  	[tilespmem:v3+s18+$0x0] =	vst.idx.msk vm10, v4  }
0x1e3: {  	v2 =	vld [tilespmem:s12+$0x2A30];
	_ =	sdelay $0x4  }
0x1e4: {  	vm11 =	vlt.s32 v2, $0x400  }
0x1e5: {  	v3 =	vsel vm11, $0x1, v0  }
0x1e6: {  	(xrf0) =	vadd.scan.msk.s32 $0xffff, v3;
	_ =	sdelay $0x1  }
0x1e7: {  	v3 =	vmpcnt.ones.xlane vm10;
	_ =	sdelay $0x3  }
0x1e8: {  	v1 =	vadd.s32 v1, v3;
	v3, _, _ =	vpop (xrf0)  }
0x1e9: {  	v3 =	vadd.s32 v3, v1  }
0x1ea: {  	v3 =	vadd.s32 $0xFFFFFFFF, v3  }
0x1eb: {  	v4 =	vld [tilespmem:s12+$0x230];
	_ =	sdelay $0x3  }
0x1ec: {  	[tilespmem:v3+s19+$0x0] =	vst.idx.msk vm11, v2  }
0x1ed: {  	[tilespmem:v3+s18+$0x0] =	vst.idx.msk vm11, v4  }
0x1ee: {  	v2 =	vld [tilespmem:s12+$0x2A40];
	_ =	sdelay $0x4  }
0x1ef: {  	vm12 =	vlt.s32 v2, $0x400  }
0x1f0: {  	v3 =	vsel vm12, $0x1, v0  }
0x1f1: {  	(xrf0) =	vadd.scan.msk.s32 $0xffff, v3;
	_ =	sdelay $0x1  }
0x1f2: {  	v3 =	vmpcnt.ones.xlane vm11;
	_ =	sdelay $0x3  }
0x1f3: {  	v1 =	vadd.s32 v1, v3;
	v3, _, _ =	vpop (xrf0)  }
0x1f4: {  	v3 =	vadd.s32 v3, v1  }
0x1f5: {  	v3 =	vadd.s32 $0xFFFFFFFF, v3  }
0x1f6: {  	v4 =	vld [tilespmem:s12+$0x240];
	_ =	sdelay $0x3  }
0x1f7: {  	[tilespmem:v3+s19+$0x0] =	vst.idx.msk vm12, v2  }
0x1f8: {  	[tilespmem:v3+s18+$0x0] =	vst.idx.msk vm12, v4  }
0x1f9: {  	v2 =	vld [tilespmem:s12+$0x2A50];
	_ =	sdelay $0x4  }
0x1fa: {  	vm13 =	vlt.s32 v2, $0x400  }
0x1fb: {  	v3 =	vsel vm13, $0x1, v0  }
0x1fc: {  	(xrf0) =	vadd.scan.msk.s32 $0xffff, v3;
	_ =	sdelay $0x1  }
0x1fd: {  	v3 =	vmpcnt.ones.xlane vm12;
	_ =	sdelay $0x3  }
0x1fe: {  	v1 =	vadd.s32 v1, v3;
	v3, _, _ =	vpop (xrf0)  }
0x1ff: {  	v3 =	vadd.s32 v3, v1  }
0x200: {  	v3 =	vadd.s32 $0xFFFFFFFF, v3  }
0x201: {  	v4 =	vld [tilespmem:s12+$0x250];
	_ =	sdelay $0x3  }
0x202: {  	[tilespmem:v3+s19+$0x0] =	vst.idx.msk vm13, v2  }
0x203: {  	[tilespmem:v3+s18+$0x0] =	vst.idx.msk vm13, v4  }
0x204: {  	v2 =	vld [tilespmem:s12+$0x2A60];
	_ =	sdelay $0x4  }
0x205: {  	vm14 =	vlt.s32 v2, $0x400  }
0x206: {  	v3 =	vsel vm14, $0x1, v0  }
0x207: {  	(xrf0) =	vadd.scan.msk.s32 $0xffff, v3;
	_ =	sdelay $0x1  }
0x208: {  	v3 =	vmpcnt.ones.xlane vm13;
	_ =	sdelay $0x3  }
0x209: {  	v1 =	vadd.s32 v1, v3;
	v3, _, _ =	vpop (xrf0)  }
0x20a: {  	v3 =	vadd.s32 v3, v1  }
0x20b: {  	v3 =	vadd.s32 $0xFFFFFFFF, v3  }
0x20c: {  	v4 =	vld [tilespmem:s12+$0x260];
	_ =	sdelay $0x3  }
0x20d: {  	[tilespmem:v3+s19+$0x0] =	vst.idx.msk vm14, v2  }
0x20e: {  	[tilespmem:v3+s18+$0x0] =	vst.idx.msk vm14, v4  }
0x20f: {  	v2 =	vld [tilespmem:s12+$0x2A70];
	_ =	sdelay $0x4  }
0x210: {  	vm15 =	vlt.s32 v2, $0x400  }
0x211: {  	v3 =	vsel vm15, $0x1, v0  }
0x212: {  	(xrf0) =	vadd.scan.msk.s32 $0xffff, v3;
	_ =	sdelay $0x1  }
0x213: {  	v3 =	vmpcnt.ones.xlane vm14;
	_ =	sdelay $0x3  }
0x214: {  	v1 =	vadd.s32 v1, v3;
	v3, _, _ =	vpop (xrf0)  }
0x215: {  	v3 =	vadd.s32 v3, v1  }
0x216: {  	v3 =	vadd.s32 $0xFFFFFFFF, v3  }
0x217: {  	v4 =	vld [tilespmem:s12+$0x270];
	_ =	sdelay $0x3  }
0x218: {  	[tilespmem:v3+s19+$0x0] =	vst.idx.msk vm15, v2  }
0x219: {  	[tilespmem:v3+s18+$0x0] =	vst.idx.msk vm15, v4  }
0x21a: {  	_ =	swait.ge [sflag:s30], $0x800  }
0x21b: {  	[sflag:s30] =	ssyncset.done $0x0  }
0x21c: {  	s16 =	sadd.s32 $0x2A80, s12;
	s13 =	sadd.s32 $0xFFFFFFFE, s10;
	[sflag:s30] =	ssyncadd.s32 $0xFFFFF800  }
0x21d: {  	[spmem:s3] =	stream.indirect.scatter.add.f32 [tilespmem:s31], [sflag:$0x6], $0x10, s16, s20, $0xb8;
	[tilespmem:$0x10810] =	vst v63  }
0x21e: {  	p0 =	sgt.u32 s13, $0x49;
	_ =	swait.ge [sflag:s25], $0x800  }
0x21f: {  	s6 =	sshra.s32 @!p0 s11, $0x2;
	s13 =	simm.s32 @!p0 $0x80;
	[sflag:s25] =	ssyncset.done $0x0  }
0x220: {  	s6 =	sadd.s32 @!p0 $0x580, s6;
	s16 =	simm.s32 @!p0 $0x6800;
	[sflag:s25] =	ssyncadd.s32 $0xFFFFF800  }
0x221: {  	[tilespmem:s16], [sflag:$0x4] =	stream.indirect.gather @!p0 [hbm4b:s5+s13], $0x10, s6, s13, $0xb8;
	[tilespmem:$0x10810] =	vst v63  }
0x222: {  	v2 =	vld [tilespmem:s12+$0x2A80];
	_ =	sdelay $0x4  }
0x223: {  	vm4 =	vlt.s32 v2, $0x400  }
0x224: {  	v3 =	vsel vm4, $0x1, v0  }
0x225: {  	(xrf0) =	vadd.scan.msk.s32 $0xffff, v3;
	_ =	sdelay $0x1  }
0x226: {  	v3 =	vmpcnt.ones.xlane vm15;
	_ =	sdelay $0x3  }
0x227: {  	v1 =	vadd.s32 v1, v3;
	v3, _, _ =	vpop (xrf0)  }
0x228: {  	v3 =	vadd.s32 v3, v1  }
0x229: {  	v3 =	vadd.s32 $0xFFFFFFFF, v3  }
0x22a: {  	v61 =	vld [tilespmem:s12+$0x280];
	_ =	sdelay $0x3  }
0x22b: {  	[tilespmem:v3+s19+$0x0] =	vst.idx.msk vm4, v2  }
0x22c: {  	[tilespmem:v3+s18+$0x0] =	vst.idx.msk vm4, v61  }
0x22d: {  	v2 =	vld [tilespmem:s12+$0x2A90];
	_ =	sdelay $0x4  }
0x22e: {  	vm5 =	vlt.s32 v2, $0x400  }
0x22f: {  	v3 =	vsel vm5, $0x1, v0  }
0x230: {  	(xrf0) =	vadd.scan.msk.s32 $0xffff, v3;
	_ =	sdelay $0x1  }
0x231: {  	v3 =	vmpcnt.ones.xlane vm4;
	_ =	sdelay $0x3  }
0x232: {  	v1 =	vadd.s32 v1, v3;
	v3, _, _ =	vpop (xrf0)  }
0x233: {  	v3 =	vadd.s32 v3, v1  }
0x234: {  	v3 =	vadd.s32 $0xFFFFFFFF, v3  }
0x235: {  	v4 =	vld [tilespmem:s12+$0x290];
	_ =	sdelay $0x3  }
0x236: {  	[tilespmem:v3+s19+$0x0] =	vst.idx.msk vm5, v2  }
0x237: {  	[tilespmem:v3+s18+$0x0] =	vst.idx.msk vm5, v4  }
0x238: {  	v2 =	vld [tilespmem:s12+$0x2AA0];
	_ =	sdelay $0x4  }
0x239: {  	vm6 =	vlt.s32 v2, $0x400  }
0x23a: {  	v3 =	vsel vm6, $0x1, v0  }
0x23b: {  	(xrf0) =	vadd.scan.msk.s32 $0xffff, v3;
	_ =	sdelay $0x1  }
0x23c: {  	v3 =	vmpcnt.ones.xlane vm5;
	_ =	sdelay $0x3  }
0x23d: {  	v1 =	vadd.s32 v1, v3;
	v3, _, _ =	vpop (xrf0)  }
0x23e: {  	v3 =	vadd.s32 v3, v1  }
0x23f: {  	v3 =	vadd.s32 $0xFFFFFFFF, v3  }
0x240: {  	v4 =	vld [tilespmem:s12+$0x2A0];
	_ =	sdelay $0x3  }
0x241: {  	[tilespmem:v3+s19+$0x0] =	vst.idx.msk vm6, v2  }
0x242: {  	[tilespmem:v3+s18+$0x0] =	vst.idx.msk vm6, v4  }
0x243: {  	v2 =	vld [tilespmem:s12+$0x2AB0];
	_ =	sdelay $0x4  }
0x244: {  	vm7 =	vlt.s32 v2, $0x400  }
0x245: {  	v3 =	vsel vm7, $0x1, v0  }
0x246: {  	(xrf0) =	vadd.scan.msk.s32 $0xffff, v3;
	_ =	sdelay $0x1  }
0x247: {  	v3 =	vmpcnt.ones.xlane vm6;
	_ =	sdelay $0x3  }
0x248: {  	v1 =	vadd.s32 v1, v3;
	v3, _, _ =	vpop (xrf0)  }
0x249: {  	v3 =	vadd.s32 v3, v1  }
0x24a: {  	v3 =	vadd.s32 $0xFFFFFFFF, v3  }
0x24b: {  	v4 =	vld [tilespmem:s12+$0x2B0];
	_ =	sdelay $0x3  }
0x24c: {  	[tilespmem:v3+s19+$0x0] =	vst.idx.msk vm7, v2  }
0x24d: {  	[tilespmem:v3+s18+$0x0] =	vst.idx.msk vm7, v4  }
0x24e: {  	v2 =	vld [tilespmem:s12+$0x2AC0];
	_ =	sdelay $0x4  }
0x24f: {  	vm8 =	vlt.s32 v2, $0x400  }
0x250: {  	v3 =	vsel vm8, $0x1, v0  }
0x251: {  	(xrf0) =	vadd.scan.msk.s32 $0xffff, v3;
	_ =	sdelay $0x1  }
0x252: {  	v3 =	vmpcnt.ones.xlane vm7;
	_ =	sdelay $0x3  }
0x253: {  	v1 =	vadd.s32 v1, v3;
	v3, _, _ =	vpop (xrf0)  }
0x254: {  	v3 =	vadd.s32 v3, v1  }
0x255: {  	v3 =	vadd.s32 $0xFFFFFFFF, v3  }
0x256: {  	v4 =	vld [tilespmem:s12+$0x2C0];
	_ =	sdelay $0x3  }
0x257: {  	[tilespmem:v3+s19+$0x0] =	vst.idx.msk vm8, v2  }
0x258: {  	[tilespmem:v3+s18+$0x0] =	vst.idx.msk vm8, v4  }
0x259: {  	v2 =	vld [tilespmem:s12+$0x2AD0];
	_ =	sdelay $0x4  }
0x25a: {  	vm9 =	vlt.s32 v2, $0x400  }
0x25b: {  	v3 =	vsel vm9, $0x1, v0  }
0x25c: {  	(xrf0) =	vadd.scan.msk.s32 $0xffff, v3;
	_ =	sdelay $0x1  }
0x25d: {  	v3 =	vmpcnt.ones.xlane vm8;
	_ =	sdelay $0x3  }
0x25e: {  	v1 =	vadd.s32 v1, v3;
	v3, _, _ =	vpop (xrf0)  }
0x25f: {  	v3 =	vadd.s32 v3, v1  }
0x260: {  	v3 =	vadd.s32 $0xFFFFFFFF, v3  }
0x261: {  	v4 =	vld [tilespmem:s12+$0x2D0];
	_ =	sdelay $0x3  }
0x262: {  	[tilespmem:v3+s19+$0x0] =	vst.idx.msk vm9, v2  }
0x263: {  	[tilespmem:v3+s18+$0x0] =	vst.idx.msk vm9, v4  }
0x264: {  	v2 =	vld [tilespmem:s12+$0x2AE0];
	_ =	sdelay $0x4  }
0x265: {  	vm10 =	vlt.s32 v2, $0x400  }
0x266: {  	v3 =	vsel vm10, $0x1, v0  }
0x267: {  	(xrf0) =	vadd.scan.msk.s32 $0xffff, v3;
	_ =	sdelay $0x1  }
0x268: {  	v3 =	vmpcnt.ones.xlane vm9;
	_ =	sdelay $0x3  }
0x269: {  	v1 =	vadd.s32 v1, v3;
	v3, _, _ =	vpop (xrf0)  }
0x26a: {  	v3 =	vadd.s32 v3, v1  }
0x26b: {  	v3 =	vadd.s32 $0xFFFFFFFF, v3  }
0x26c: {  	v4 =	vld [tilespmem:s12+$0x2E0];
	_ =	sdelay $0x3  }
0x26d: {  	[tilespmem:v3+s19+$0x0] =	vst.idx.msk vm10, v2  }
0x26e: {  	[tilespmem:v3+s18+$0x0] =	vst.idx.msk vm10, v4  }
0x26f: {  	v2 =	vld [tilespmem:s12+$0x2AF0];
	_ =	sdelay $0x4  }
0x270: {  	vm11 =	vlt.s32 v2, $0x400  }
0x271: {  	v3 =	vsel vm11, $0x1, v0  }
0x272: {  	(xrf0) =	vadd.scan.msk.s32 $0xffff, v3;
	_ =	sdelay $0x1  }
0x273: {  	v3 =	vmpcnt.ones.xlane vm10;
	_ =	sdelay $0x3  }
0x274: {  	v1 =	vadd.s32 v1, v3;
	v3, _, _ =	vpop (xrf0)  }
0x275: {  	v3 =	vadd.s32 v3, v1  }
0x276: {  	v3 =	vadd.s32 $0xFFFFFFFF, v3  }
0x277: {  	v4 =	vld [tilespmem:s12+$0x2F0];
	_ =	sdelay $0x3  }
0x278: {  	[tilespmem:v3+s19+$0x0] =	vst.idx.msk vm11, v2  }
0x279: {  	[tilespmem:v3+s18+$0x0] =	vst.idx.msk vm11, v4  }
0x27a: {  	_ =	swait.ge [sflag:s7], $0x800  }
0x27b: {  	[sflag:s7] =	ssyncset.done $0x0  }
0x27c: {  	s16 =	sadd.s32 $0x2B00, s12;
	s13 =	sadd.s32 $0xFFFFFFFF, s10;
	[sflag:s7] =	ssyncadd.s32 $0xFFFFF800  }
0x27d: {  	[spmem:s3] =	stream.indirect.scatter.add.f32 [tilespmem:s1], [sflag:$0x7], $0x10, s16, s20, $0xb8;
	[tilespmem:$0x10810] =	vst v63  }
0x27e: {  	p0 =	sgt.u32 s13, $0x49;
	_ =	swait.ge [sflag:s28], $0x800  }
0x27f: {  	s6 =	sshra.s32 @!p0 s11, $0x2;
	s13 =	simm.s32 @!p0 $0x80;
	[sflag:s28] =	ssyncset.done $0x0  }
0x280: {  	s6 =	sadd.s32 @!p0 $0x600, s6;
	s16 =	simm.s32 @!p0 $0x7000;
	[sflag:s28] =	ssyncadd.s32 $0xFFFFF800  }
0x281: {  	[tilespmem:s16], [sflag:$0x5] =	stream.indirect.gather @!p0 [hbm4b:s5+s13], $0x10, s6, s13, $0xb8;
	[tilespmem:$0x10810] =	vst v63  }
0x282: {  	v2 =	vld [tilespmem:s12+$0x2B00];
	_ =	sdelay $0x4  }
0x283: {  	vm12 =	vlt.s32 v2, $0x400  }
0x284: {  	v3 =	vsel vm12, $0x1, v0  }
0x285: {  	(xrf0) =	vadd.scan.msk.s32 $0xffff, v3;
	_ =	sdelay $0x1  }
0x286: {  	v3 =	vmpcnt.ones.xlane vm11;
	_ =	sdelay $0x3  }
0x287: {  	v1 =	vadd.s32 v1, v3;
	v3, _, _ =	vpop (xrf0)  }
0x288: {  	v3 =	vadd.s32 v3, v1  }
0x289: {  	v3 =	vadd.s32 $0xFFFFFFFF, v3  }
0x28a: {  	v62 =	vld [tilespmem:s12+$0x300];
	_ =	sdelay $0x3  }
0x28b: {  	[tilespmem:v3+s19+$0x0] =	vst.idx.msk vm12, v2  }
0x28c: {  	[tilespmem:v3+s18+$0x0] =	vst.idx.msk vm12, v62  }
0x28d: {  	v2 =	vld [tilespmem:s12+$0x2B10];
	_ =	sdelay $0x4  }
0x28e: {  	vm13 =	vlt.s32 v2, $0x400  }
0x28f: {  	v3 =	vsel vm13, $0x1, v0  }
0x290: {  	(xrf0) =	vadd.scan.msk.s32 $0xffff, v3;
	_ =	sdelay $0x1  }
0x291: {  	v3 =	vmpcnt.ones.xlane vm12;
	_ =	sdelay $0x3  }
0x292: {  	v1 =	vadd.s32 v1, v3;
	v3, _, _ =	vpop (xrf0)  }
0x293: {  	v3 =	vadd.s32 v3, v1  }
0x294: {  	v3 =	vadd.s32 $0xFFFFFFFF, v3  }
0x295: {  	v4 =	vld [tilespmem:s12+$0x310];
	_ =	sdelay $0x3  }
0x296: {  	[tilespmem:v3+s19+$0x0] =	vst.idx.msk vm13, v2  }
0x297: {  	[tilespmem:v3+s18+$0x0] =	vst.idx.msk vm13, v4  }
0x298: {  	v2 =	vld [tilespmem:s12+$0x2B20];
	_ =	sdelay $0x4  }
0x299: {  	vm14 =	vlt.s32 v2, $0x400  }
0x29a: {  	v3 =	vsel vm14, $0x1, v0  }
0x29b: {  	(xrf0) =	vadd.scan.msk.s32 $0xffff, v3;
	_ =	sdelay $0x1  }
0x29c: {  	v3 =	vmpcnt.ones.xlane vm13;
	_ =	sdelay $0x3  }
0x29d: {  	v1 =	vadd.s32 v1, v3;
	v3, _, _ =	vpop (xrf0)  }
0x29e: {  	v3 =	vadd.s32 v3, v1  }
0x29f: {  	v3 =	vadd.s32 $0xFFFFFFFF, v3  }
0x2a0: {  	v4 =	vld [tilespmem:s12+$0x320];
	_ =	sdelay $0x3  }
0x2a1: {  	[tilespmem:v3+s19+$0x0] =	vst.idx.msk vm14, v2  }
0x2a2: {  	[tilespmem:v3+s18+$0x0] =	vst.idx.msk vm14, v4  }
0x2a3: {  	v2 =	vld [tilespmem:s12+$0x2B30];
	_ =	sdelay $0x4  }
0x2a4: {  	vm15 =	vlt.s32 v2, $0x400  }
0x2a5: {  	v3 =	vsel vm15, $0x1, v0  }
0x2a6: {  	(xrf0) =	vadd.scan.msk.s32 $0xffff, v3;
	_ =	sdelay $0x1  }
0x2a7: {  	v3 =	vmpcnt.ones.xlane vm14;
	_ =	sdelay $0x3  }
0x2a8: {  	v1 =	vadd.s32 v1, v3;
	v3, _, _ =	vpop (xrf0)  }
0x2a9: {  	v3 =	vadd.s32 v3, v1  }
0x2aa: {  	v3 =	vadd.s32 $0xFFFFFFFF, v3  }
0x2ab: {  	v4 =	vld [tilespmem:s12+$0x330];
	_ =	sdelay $0x3  }
0x2ac: {  	[tilespmem:v3+s19+$0x0] =	vst.idx.msk vm15, v2  }
0x2ad: {  	[tilespmem:v3+s18+$0x0] =	vst.idx.msk vm15, v4  }
0x2ae: {  	v2 =	vld [tilespmem:s12+$0x2B40];
	_ =	sdelay $0x4  }
0x2af: {  	vm4 =	vlt.s32 v2, $0x400  }
0x2b0: {  	v3 =	vsel vm4, $0x1, v0  }
0x2b1: {  	(xrf0) =	vadd.scan.msk.s32 $0xffff, v3;
	_ =	sdelay $0x1  }
0x2b2: {  	v3 =	vmpcnt.ones.xlane vm15;
	_ =	sdelay $0x3  }
0x2b3: {  	v1 =	vadd.s32 v1, v3;
	v3, _, _ =	vpop (xrf0)  }
0x2b4: {  	v3 =	vadd.s32 v3, v1  }
0x2b5: {  	v3 =	vadd.s32 $0xFFFFFFFF, v3  }
0x2b6: {  	v4 =	vld [tilespmem:s12+$0x340];
	_ =	sdelay $0x3  }
0x2b7: {  	[tilespmem:v3+s19+$0x0] =	vst.idx.msk vm4, v2  }
0x2b8: {  	[tilespmem:v3+s18+$0x0] =	vst.idx.msk vm4, v4  }
0x2b9: {  	v2 =	vld [tilespmem:s12+$0x2B50];
	_ =	sdelay $0x4  }
0x2ba: {  	vm5 =	vlt.s32 v2, $0x400  }
0x2bb: {  	v3 =	vsel vm5, $0x1, v0  }
0x2bc: {  	(xrf0) =	vadd.scan.msk.s32 $0xffff, v3;
	_ =	sdelay $0x1  }
0x2bd: {  	v3 =	vmpcnt.ones.xlane vm4;
	_ =	sdelay $0x3  }
0x2be: {  	v1 =	vadd.s32 v1, v3;
	v3, _, _ =	vpop (xrf0)  }
0x2bf: {  	v3 =	vadd.s32 v3, v1  }
0x2c0: {  	v3 =	vadd.s32 $0xFFFFFFFF, v3  }
0x2c1: {  	v4 =	vld [tilespmem:s12+$0x350];
	_ =	sdelay $0x3  }
0x2c2: {  	[tilespmem:v3+s19+$0x0] =	vst.idx.msk vm5, v2  }
0x2c3: {  	[tilespmem:v3+s18+$0x0] =	vst.idx.msk vm5, v4  }
0x2c4: {  	v2 =	vld [tilespmem:s12+$0x2B60];
	_ =	sdelay $0x4  }
0x2c5: {  	vm6 =	vlt.s32 v2, $0x400  }
0x2c6: {  	v3 =	vsel vm6, $0x1, v0  }
0x2c7: {  	(xrf0) =	vadd.scan.msk.s32 $0xffff, v3;
	_ =	sdelay $0x1  }
0x2c8: {  	v3 =	vmpcnt.ones.xlane vm5;
	_ =	sdelay $0x3  }
0x2c9: {  	v1 =	vadd.s32 v1, v3;
	v3, _, _ =	vpop (xrf0)  }
0x2ca: {  	v3 =	vadd.s32 v3, v1  }
0x2cb: {  	v3 =	vadd.s32 $0xFFFFFFFF, v3  }
0x2cc: {  	v4 =	vld [tilespmem:s12+$0x360];
	_ =	sdelay $0x3  }
0x2cd: {  	[tilespmem:v3+s19+$0x0] =	vst.idx.msk vm6, v2  }
0x2ce: {  	[tilespmem:v3+s18+$0x0] =	vst.idx.msk vm6, v4  }
0x2cf: {  	v2 =	vld [tilespmem:s12+$0x2B70];
	_ =	sdelay $0x4  }
0x2d0: {  	vm7 =	vlt.s32 v2, $0x400  }
0x2d1: {  	v3 =	vsel vm7, $0x1, v0  }
0x2d2: {  	(xrf0) =	vadd.scan.msk.s32 $0xffff, v3;
	_ =	sdelay $0x1  }
0x2d3: {  	v3 =	vmpcnt.ones.xlane vm6;
	_ =	sdelay $0x3  }
0x2d4: {  	v1 =	vadd.s32 v1, v3;
	v3, _, _ =	vpop (xrf0)  }
0x2d5: {  	v3 =	vadd.s32 v3, v1  }
0x2d6: {  	v3 =	vadd.s32 $0xFFFFFFFF, v3  }
0x2d7: {  	v4 =	vld [tilespmem:s12+$0x370];
	_ =	sdelay $0x3  }
0x2d8: {  	[tilespmem:v3+s19+$0x0] =	vst.idx.msk vm7, v2  }
0x2d9: {  	[tilespmem:v3+s18+$0x0] =	vst.idx.msk vm7, v4  }
0x2da: {  	_ =	swait.ge [sflag:s8], $0x800  }
0x2db: {  	[sflag:s8] =	ssyncset.done $0x0  }
0x2dc: {  	s16 =	sadd.s32 $0x2B80, s12;
	[sflag:s8] =	ssyncadd.s32 $0xFFFFF800  }
0x2dd: {  	[spmem:s3] =	stream.indirect.scatter.add.f32 [tilespmem:s15], [sflag:$0x8], $0x10, s16, s20, $0xb8;
	[tilespmem:$0x10810] =	vst v63  }
0x2de: {  	p0 =	sgt.u32 s10, $0x49;
	_ =	swait.ge [sflag:s30], $0x800  }
0x2df: {  	s6 =	sshra.s32 @!p0 s11, $0x2;
	s13 =	simm.s32 @!p0 $0x80;
	[sflag:s30] =	ssyncset.done $0x0  }
0x2e0: {  	s6 =	sadd.s32 @!p0 $0x680, s6;
	s16 =	simm.s32 @!p0 $0x7800;
	[sflag:s30] =	ssyncadd.s32 $0xFFFFF800  }
0x2e1: {  	[tilespmem:s16], [sflag:$0x6] =	stream.indirect.gather @!p0 [hbm4b:s5+s13], $0x10, s6, s13, $0xb8;
	[tilespmem:$0x10810] =	vst v63  }
0x2e2: {  	v2 =	vld [tilespmem:s12+$0x2B80];
	_ =	sdelay $0x4  }
0x2e3: {  	vm8 =	vlt.s32 v2, $0x400  }
0x2e4: {  	v3 =	vsel vm8, $0x1, v0  }
0x2e5: {  	(xrf0) =	vadd.scan.msk.s32 $0xffff, v3;
	_ =	sdelay $0x1  }
0x2e6: {  	v3 =	vmpcnt.ones.xlane vm7;
	_ =	sdelay $0x3  }
0x2e7: {  	v1 =	vadd.s32 v1, v3;
	v3, _, _ =	vpop (xrf0)  }
0x2e8: {  	v3 =	vadd.s32 v3, v1  }
0x2e9: {  	v3 =	vadd.s32 $0xFFFFFFFF, v3  }
0x2ea: {  	v63 =	vld [tilespmem:s12+$0x380];
	_ =	sdelay $0x3  }
0x2eb: {  	[tilespmem:v3+s19+$0x0] =	vst.idx.msk vm8, v2  }
0x2ec: {  	[tilespmem:v3+s18+$0x0] =	vst.idx.msk vm8, v63  }
0x2ed: {  	v2 =	vld [tilespmem:s12+$0x2B90];
	_ =	sdelay $0x4  }
0x2ee: {  	vm9 =	vlt.s32 v2, $0x400  }
0x2ef: {  	v3 =	vsel vm9, $0x1, v0  }
0x2f0: {  	(xrf0) =	vadd.scan.msk.s32 $0xffff, v3;
	_ =	sdelay $0x1  }
0x2f1: {  	v3 =	vmpcnt.ones.xlane vm8;
	_ =	sdelay $0x3  }
0x2f2: {  	v1 =	vadd.s32 v1, v3;
	v3, _, _ =	vpop (xrf0)  }
0x2f3: {  	v3 =	vadd.s32 v3, v1  }
0x2f4: {  	v3 =	vadd.s32 $0xFFFFFFFF, v3  }
0x2f5: {  	v4 =	vld [tilespmem:s12+$0x390];
	_ =	sdelay $0x3  }
0x2f6: {  	[tilespmem:v3+s19+$0x0] =	vst.idx.msk vm9, v2  }
0x2f7: {  	[tilespmem:v3+s18+$0x0] =	vst.idx.msk vm9, v4  }
0x2f8: {  	v2 =	vld [tilespmem:s12+$0x2BA0];
	_ =	sdelay $0x4  }
0x2f9: {  	vm10 =	vlt.s32 v2, $0x400  }
0x2fa: {  	v3 =	vsel vm10, $0x1, v0  }
0x2fb: {  	(xrf0) =	vadd.scan.msk.s32 $0xffff, v3;
	_ =	sdelay $0x1  }
0x2fc: {  	v3 =	vmpcnt.ones.xlane vm9;
	_ =	sdelay $0x3  }
0x2fd: {  	v1 =	vadd.s32 v1, v3;
	v3, _, _ =	vpop (xrf0)  }
0x2fe: {  	v3 =	vadd.s32 v3, v1  }
0x2ff: {  	v3 =	vadd.s32 $0xFFFFFFFF, v3  }
0x300: {  	v4 =	vld [tilespmem:s12+$0x3A0];
	_ =	sdelay $0x3  }
0x301: {  	[tilespmem:v3+s19+$0x0] =	vst.idx.msk vm10, v2  }
0x302: {  	[tilespmem:v3+s18+$0x0] =	vst.idx.msk vm10, v4  }
0x303: {  	v2 =	vld [tilespmem:s12+$0x2BB0];
	_ =	sdelay $0x4  }
0x304: {  	vm11 =	vlt.s32 v2, $0x400  }
0x305: {  	v3 =	vsel vm11, $0x1, v0  }
0x306: {  	(xrf0) =	vadd.scan.msk.s32 $0xffff, v3;
	_ =	sdelay $0x1  }
0x307: {  	v3 =	vmpcnt.ones.xlane vm10;
	_ =	sdelay $0x3  }
0x308: {  	v1 =	vadd.s32 v1, v3;
	v3, _, _ =	vpop (xrf0)  }
0x309: {  	v3 =	vadd.s32 v3, v1  }
0x30a: {  	v3 =	vadd.s32 $0xFFFFFFFF, v3  }
0x30b: {  	v4 =	vld [tilespmem:s12+$0x3B0];
	_ =	sdelay $0x3  }
0x30c: {  	[tilespmem:v3+s19+$0x0] =	vst.idx.msk vm11, v2  }
0x30d: {  	[tilespmem:v3+s18+$0x0] =	vst.idx.msk vm11, v4  }
0x30e: {  	v2 =	vld [tilespmem:s12+$0x2BC0];
	_ =	sdelay $0x4  }
0x30f: {  	vm12 =	vlt.s32 v2, $0x400  }
0x310: {  	v3 =	vsel vm12, $0x1, v0  }
0x311: {  	(xrf0) =	vadd.scan.msk.s32 $0xffff, v3;
	_ =	sdelay $0x1  }
0x312: {  	v3 =	vmpcnt.ones.xlane vm11;
	_ =	sdelay $0x3  }
0x313: {  	v1 =	vadd.s32 v1, v3;
	v3, _, _ =	vpop (xrf0)  }
0x314: {  	v3 =	vadd.s32 v3, v1  }
0x315: {  	v3 =	vadd.s32 $0xFFFFFFFF, v3  }
0x316: {  	v4 =	vld [tilespmem:s12+$0x3C0];
	_ =	sdelay $0x3  }
0x317: {  	[tilespmem:v3+s19+$0x0] =	vst.idx.msk vm12, v2  }
0x318: {  	[tilespmem:v3+s18+$0x0] =	vst.idx.msk vm12, v4  }
0x319: {  	v2 =	vld [tilespmem:s12+$0x2BD0];
	_ =	sdelay $0x4  }
0x31a: {  	vm13 =	vlt.s32 v2, $0x400  }
0x31b: {  	v3 =	vsel vm13, $0x1, v0  }
0x31c: {  	(xrf0) =	vadd.scan.msk.s32 $0xffff, v3;
	_ =	sdelay $0x1  }
0x31d: {  	v3 =	vmpcnt.ones.xlane vm12;
	_ =	sdelay $0x3  }
0x31e: {  	v1 =	vadd.s32 v1, v3;
	v3, _, _ =	vpop (xrf0)  }
0x31f: {  	v3 =	vadd.s32 v3, v1  }
0x320: {  	v3 =	vadd.s32 $0xFFFFFFFF, v3  }
0x321: {  	v4 =	vld [tilespmem:s12+$0x3D0];
	_ =	sdelay $0x3  }
0x322: {  	[tilespmem:v3+s19+$0x0] =	vst.idx.msk vm13, v2  }
0x323: {  	[tilespmem:v3+s18+$0x0] =	vst.idx.msk vm13, v4  }
0x324: {  	v2 =	vld [tilespmem:s12+$0x2BE0];
	_ =	sdelay $0x4  }
0x325: {  	vm14 =	vlt.s32 v2, $0x400  }
0x326: {  	v3 =	vsel vm14, $0x1, v0  }
0x327: {  	(xrf0) =	vadd.scan.msk.s32 $0xffff, v3;
	_ =	sdelay $0x1  }
0x328: {  	v3 =	vmpcnt.ones.xlane vm13;
	_ =	sdelay $0x3  }
0x329: {  	v1 =	vadd.s32 v1, v3;
	v3, _, _ =	vpop (xrf0)  }
0x32a: {  	v3 =	vadd.s32 v3, v1  }
0x32b: {  	v3 =	vadd.s32 $0xFFFFFFFF, v3  }
0x32c: {  	v4 =	vld [tilespmem:s12+$0x3E0];
	_ =	sdelay $0x3  }
0x32d: {  	[tilespmem:v3+s19+$0x0] =	vst.idx.msk vm14, v2  }
0x32e: {  	[tilespmem:v3+s18+$0x0] =	vst.idx.msk vm14, v4  }
0x32f: {  	v2 =	vld [tilespmem:s12+$0x2BF0];
	_ =	sdelay $0x4  }
0x330: {  	vm15 =	vlt.s32 v2, $0x400  }
0x331: {  	v3 =	vsel vm15, $0x1, v0  }
0x332: {  	(xrf0) =	vadd.scan.msk.s32 $0xffff, v3;
	_ =	sdelay $0x1  }
0x333: {  	v3 =	vmpcnt.ones.xlane vm14;
	_ =	sdelay $0x3  }
0x334: {  	v1 =	vadd.s32 v1, v3;
	v3, _, _ =	vpop (xrf0)  }
0x335: {  	v3 =	vadd.s32 v3, v1  }
0x336: {  	s11 =	sadd.s32 $0x1000, s11;
	v3 =	vadd.s32 $0xFFFFFFFF, v3  }
0x337: {  	p0 =	sne.s32 s11, $0xA000;
	v4 =	vld [tilespmem:s12+$0x3F0]  }
.Ltmp0:
0x338: {  	_ = 	snop;
	(pc) =	sbr.rel @p0 .LBB2_2-.Ltmp0, $4  }
0x339: {  	_ = 	snop  }
0x33a: {  	v5 =	vmpcnt.ones.xlane vm15  }
0x33b: {  	[tilespmem:v3+s19+$0x0] =	vst.idx.msk vm15, v2  }
0x33c: {  	s10 =	sadd.s32 $0x8, s10;
	v1 =	vadd.s32 v1, v5;
	[tilespmem:v3+s18+$0x0] =	vst.idx.msk vm15, v4  }
0x33d: {  	_ =	swait.ge [sflag:s7], $0x800  }
0x33e: {  	[sflag:s7] =	ssyncset.done $0x0  }
0x33f: {  	[sflag:s7] =	ssyncadd.s32 $0xFFFFF800  }
0x340: {  	_ =	swait.ge [sflag:s8], $0x800  }
0x341: {  	[sflag:s8] =	ssyncset.done $0x0  }
0x342: {  	[sflag:s8] =	ssyncadd.s32 $0xFFFFF800  }
0x343: {  	s10 =	simm.s32 $0x10800;
	s6 =	rddreg [dreg:$0x7];
	[tilespmem:$0x10800] =	vst v1  }
0x344: {  	[hbm4b:s6+s4] =	stream.linear.scatter [tilespmem:s10], [sflag:$0x9], $0x10, $0x38;
	[tilespmem:$0x10810] =	vst v63  }
0x345: {  	_ =	swait.ge [sflag:s14], $0x10  }
0x346: {  	[sflag:s14] =	ssyncset.done $0x0  }
0x347: {  	s12 =	rddreg [dreg:$0x8];
	[sflag:s14] =	ssyncadd.s32 $0xFFFFFFF0  }
0x348: {  	[hbm4b:s12+s4] =	stream.linear.scatter [tilespmem:s18], [sflag:$0x9], $0x2800, $0x38;
	[tilespmem:$0x10810] =	vst v63  }
0x349: {  	_ =	swait.ge [sflag:s14], $0x2800  }
0x34a: {  	[sflag:s14] =	ssyncset.done $0x0  }
0x34b: {  	s13 =	rddreg [dreg:$0x9];
	[sflag:s14] =	ssyncadd.s32 $0xFFFFD800  }
0x34c: {  	[hbm4b:s13+s4] =	stream.linear.scatter [tilespmem:s19], [sflag:$0x9], $0x2800, $0x38;
	[tilespmem:$0x10810] =	vst v63  }
0x34d: {  	_ =	swait.ge [sflag:s14], $0x2800  }
0x34e: {  	[sflag:s14] =	ssyncset.done $0x0  }
0x34f: {  	[sflag:s14] =	ssyncadd.s32 $0xFFFFD800  }
0x350: {  	[bflag:$0x0] =	sbarrier.arrive $0xFFFF  }
0x351: {  	s16 =	rddreg [dreg:$0xa]  }
0x352: {  	s12 =	rddreg [dreg:$0xc]  }
0x353: {  	[hbm:s16], [sflag:s17] =	dma.local [spmem:s12], $0x500  }
0x354: {  	_ =	swait.ge [sflag:s14], $0x500  }
0x355: {  	s11 =	smov.u32 s17;
	s9 =	sadd.s32 $0x1, s9;
	s17 =	rddreg [dreg:$0xb]  }
0x356: {  	p0 =	sne.s32 s9, s17  }
.Ltmp1:
0x357: {  	_ = 	snop;
	(pc) =	sbr.rel @p0 .LBB2_1-.Ltmp1, $3  }
0x358: {  	_ =	sdelay $0x1  }
0x359: {  	[sflag:s14] =	ssyncset.done $0x0  }
0x35a: {  	[sflag:s14] =	ssyncadd.s32 $0xFFFFFB00  }
0x35b: {  	_ =	sfence.sel $0x180000  }
0x35c: {  	[bflag:$0x0] =	sbarrier.arrive $0xFFFF  }
0x35d: {  	_ =	strace $0x9000004A  }
0x35e: {  	s0 =	stileid.u32;
	[bflag:$0x2] =	sbarrier.arrive $0xFFFF  }
0x35f: {  	p0 =	sne.s32 s0, $0x0;
	s0 =	rddreg [dreg:$0x3]  }
0x360: {  	s0 =	sadd.s32 @!p0 $0x100000, s0  }
0x361: {  	[sflag:s0] =	ssyncadd.tile.s32 @!p0 $0x1;
	_ =	shalt  }
.Lfunc_end2:
_tile_overlayer_lowered:
.L_overlay_start_2:
0x362: {  	(tag) =	ssettag $0x2  }
0x363: {  	s0 =	rddreg [dreg:$0x0];
	s2 =	stileid.u32  }
0x364: {  	s1 =	rddreg [dreg:$0x1];
	p0 =	sne.s32 s2, $0x0  }
0x365: {  	s3 =	rddreg [dreg:$0x2];
	[bflag:$0x3] =	sbarrier.arrive $0xFFFF;
	s2 =	simm.s32 @!p0 $0x1C09  }
0x366: {  	[timem:s3], [sflag:s2] =	dma.local @!p0 [hbm:s0], s1  }
0x367: {  	s0 =	simm.s32 @!p0 $0x9  }
0x368: {  	_ =	swait.ge @!p0 [sflag:s0], s1  }
0x369: {  	s1 =	ssub.s32 @!p0 $0x0, s1;
	[sflag:s0] =	ssyncset.done @!p0 $0x0  }
0x36a: {  	[sflag:s0] =	ssyncadd.s32 @!p0 s1  }
0x36b: {  	[bflag:$0x3] =	sbarrier.arrive $0xFFFF  }
0x36c: {  	_ =	shalt  }

// kernel: kernel.17.cloned.1.call-start
scs
__scs_entry_jumppad:
0x0: {  	(pc) =	sbr.rel $0x88, $3  }
0x1: {  	(tag) =	ssettag $0x0;
	lr =	simm.s32 $0x1  }
0x2: {  	[smem:$0x3F97] =	sst lr;
	_ =	strace $0xD0000000  }
0x3: {  	_ = 	snop  }
0x4: {  	_ = 	snop  }
0x5: {  	_ = 	snop  }
0x6: {  	_ = 	snop  }
0x7: {  	_ = 	snop  }
__scs_overlays_trampoline_lowered:
0x8: {  	[smem:$0x3FA6] =	sst s0  }
0x9: {  	[smem:$0x3FA7] =	sst s1  }
0xa: {  	[smem:$0x3FA8] =	sst s2  }
0xb: {  	[smem:$0x3FA9] =	sst s3  }
0xc: {  	[smem:$0x3FAA] =	sst s4  }
0xd: {  	[smem:$0x3FAB] =	sst s5  }
0xe: {  	[smem:$0x3FAC] =	sst s6  }
0xf: {  	[smem:$0x3FAD] =	sst s7  }
0x10: {  	[smem:$0x3FAE] =	sst s8  }
0x11: {  	[smem:$0x3FAF] =	sst s9;
	s0 =	simm.s32 @!p0 $0x0  }
0x12: {  	s1 =	sld [smem:$0x3F95];
	s0 =	simm.s32 @p0 $0x1  }
0x13: {  	[smem:$0x3FB0] =	sst s0;
	s0 =	simm.s32 @!p1 $0x0  }
0x14: {  	s2 =	sld [smem:$0x3F94];
	s0 =	simm.s32 @p1 $0x1  }
0x15: {  	[smem:$0x3FB1] =	sst s0;
	s0 =	simm.s32 @!p2 $0x0  }
0x16: {  	s3 =	sld [smem:$0x3FDB];
	s0 =	simm.s32 @p2 $0x1  }
0x17: {  	s4 =	simm.s32 $0x1BF5;
	[smem:$0x3FB3] =	sst s0  }
0x18: {  	s0 =	sld [smem:$0x3F96];
	_ =	swait.ge [sflag:s4], $0x0  }
0x19: {  	s7 =	sld [smem:$0x3F97]  }
0x1a: {  	s8 =	sadd.s32 $0xFFFFE003, lr  }
0x1b: {  	s9 =	sadd.s32 $0xFFFFFEF7, lr;
	s5 =	simm.s32 $0xFFFFFFFF;
	p2 =	slt.u32 s8, $0xFFFFF086  }
0x1c: {  	p1 =	slt.u32 s9, $0xF7A;
	s5 =	simm.s32 @!p2 $0x0  }
0x1d: {  	s5 =	simm.s32 @p1 $0x1;
	p0 =	seq.s32 s7, s2  }
0x1e: {  	s7 =	smul.u32 @!p0 $0xF7A, s2;
	p2 =	seq.s32 @!p0 s5, $0x0  }
0x1f: {  	s9 =	smul.u32 $0xF7A, s1;
	s8 =	simm.s32 @!p0 $0x1BF5;
	p2 =	por !p2, p0  }
0x20: {  	[sflag:s8] =	ssyncset.s32 @!p0 $0xFFFFF086;
	s6 =	sadd.s32 @!p0 s3, s7;
	s7 =	simm.s32 @!p0 $0x108  }
0x21: {  	s3 =	sadd.s32 s3, s9;
	s6 =	sadd.s32 @!p0 $0x88, s6;
	s7 =	simm.s32 @p2 $0x1082  }
0x22: {  	[simem:s7], [sflag:s8] =	dma.local @!p0 [hbm:s6], $0xF7A  }
0x23: {  	s9 =	sor.u32 $0xD0000000, s2;
	s6 =	simm.s32 $0x108;
	_ =	swait.ge @!p0 [sflag:s8], $0x0  }
0x24: {  	s3 =	sadd.s32 $0x88, s3;
	s6 =	simm.s32 @!p1 $0x1082;
	[sflag:s4] =	ssyncset.s32 $0xFFFFF086  }
0x25: {  	[simem:s6], [sflag:s4] =	dma.local [hbm:s3], $0xF7A  }
0x26: {  	[smem:$0x3F97] =	sst s1;
	(tag) =	ssettag s2;
	_ =	strace s9  }
0x27: {  	s1 =	sld [smem:$0x3FA7]  }
0x28: {  	s2 =	sld [smem:$0x3FA8]  }
0x29: {  	s4 =	sld [smem:$0x3FAA]  }
0x2a: {  	p0 =	seq.s32 s5, $0x0;
	s5 =	sld [smem:$0x3FAB]  }
0x2b: {  	s6 =	sld [smem:$0x3FAC]  }
0x2c: {  	s7 =	sld [smem:$0x3FAD]  }
0x2d: {  	s3 =	simm.s32 $0x108;
	s8 =	sld [smem:$0x3FAE]  }
0x2e: {  	s3 =	simm.s32 @!p0 $0x1082;
	s9 =	sld [smem:$0x3FAF]  }
0x2f: {  	lr =	sadd.s32 s0, s3;
	s0 =	sld [smem:$0x3FA6]  }
0x30: {  	s3 =	sld [smem:$0x3FA9]  }
0x31: {  	[smem:$0x3FB2] =	sst s10  }
0x32: {  	s10 =	sld [smem:$0x3FB0];
	_ =	sdelay $0x3  }
0x33: {  	p0 =	seq.s32 s10, $0x1;
	s10 =	sld [smem:$0x3FB2];
	_ =	sdelay $0x3  }
0x34: {  	[smem:$0x3FB2] =	sst s10  }
0x35: {  	s10 =	sld [smem:$0x3FB1];
	_ =	sdelay $0x3  }
0x36: {  	p1 =	seq.s32 s10, $0x1;
	s10 =	sld [smem:$0x3FB2];
	_ =	sdelay $0x3  }
0x37: {  	[smem:$0x3FB2] =	sst s10  }
0x38: {  	s10 =	sld [smem:$0x3FB3]  }
0x39: {  	_ = 	snop;
	(pc) =	sbr.ind lr, $3  }
0x3a: {  	_ = 	snop  }
0x3b: {  	_ = 	snop  }
0x3c: {  	p2 =	seq.s32 s10, $0x1;
	s10 =	sld [smem:$0x3FB2]  }
0x3d: {  	_ =	shalt  }
0x3e: {  	_ =	shalt  }
0x3f: {  	_ =	shalt  }
0x40: {  	_ =	shalt  }
0x41: {  	_ =	shalt  }
0x42: {  	_ =	shalt  }
0x43: {  	_ =	shalt  }
0x44: {  	_ =	shalt  }
0x45: {  	_ =	shalt  }
0x46: {  	_ =	shalt  }
0x47: {  	_ =	shalt  }
0x48: {  	_ =	shalt  }
0x49: {  	_ =	shalt  }
0x4a: {  	_ =	shalt  }
0x4b: {  	_ =	shalt  }
0x4c: {  	_ =	shalt  }
0x4d: {  	_ =	shalt  }
0x4e: {  	_ =	shalt  }
0x4f: {  	_ =	shalt  }
0x50: {  	_ =	shalt  }
0x51: {  	_ =	shalt  }
0x52: {  	_ =	shalt  }
0x53: {  	_ =	shalt  }
0x54: {  	_ =	shalt  }
0x55: {  	_ =	shalt  }
0x56: {  	_ =	shalt  }
0x57: {  	_ =	shalt  }
0x58: {  	_ =	shalt  }
0x59: {  	_ =	shalt  }
0x5a: {  	_ =	shalt  }
0x5b: {  	_ =	shalt  }
0x5c: {  	_ =	shalt  }
0x5d: {  	_ =	shalt  }
0x5e: {  	_ =	shalt  }
0x5f: {  	_ =	shalt  }
0x60: {  	_ =	shalt  }
0x61: {  	_ =	shalt  }
0x62: {  	_ =	shalt  }
0x63: {  	_ =	shalt  }
0x64: {  	_ =	shalt  }
0x65: {  	_ =	shalt  }
0x66: {  	_ =	shalt  }
0x67: {  	_ =	shalt  }
0x68: {  	_ =	shalt  }
0x69: {  	_ =	shalt  }
0x6a: {  	_ =	shalt  }
0x6b: {  	_ =	shalt  }
0x6c: {  	_ =	shalt  }
0x6d: {  	_ =	shalt  }
0x6e: {  	_ =	shalt  }
0x6f: {  	_ =	shalt  }
0x70: {  	_ =	shalt  }
0x71: {  	_ =	shalt  }
0x72: {  	_ =	shalt  }
0x73: {  	_ =	shalt  }
0x74: {  	_ =	shalt  }
0x75: {  	_ =	shalt  }
0x76: {  	_ =	shalt  }
0x77: {  	_ =	shalt  }
0x78: {  	_ =	shalt  }
0x79: {  	_ =	shalt  }
0x7a: {  	_ =	shalt  }
0x7b: {  	_ =	shalt  }
0x7c: {  	_ =	shalt  }
0x7d: {  	_ =	shalt  }
0x7e: {  	_ =	shalt  }
0x7f: {  	_ =	shalt  }
0x80: {  	_ =	shalt  }
0x81: {  	_ =	shalt  }
0x82: {  	_ =	shalt  }
0x83: {  	_ =	shalt  }
0x84: {  	_ =	shalt  }
0x85: {  	_ =	shalt  }
0x86: {  	_ =	shalt  }
0x87: {  	_ =	shalt  }
.Lfunc_end0:
.L_simem_size_0:
called_computation.2_lowered:
.L_overlay_start_0:
0x88: {  	s2 =	sld [smem:$0x3FD9]  }
0x89: {  	s3 =	sld [smem:$0x3FFE];
	_ =	sdelay $0x1  }
0x8a: {  	s1 =	srdreg.scid  }
0x8b: {  	s0 =	sand.u32 $0x1, s1  }
0x8c: {  	s17 =	sshll.u32 s0, $0xA;
	s2 =	sadd.s32 s3, s2  }
0x8d: {  	s2 =	sadd.s32 s2, s17  }
0x8e: {  	[smem:$0x3FBE] =	sst s2  }
0x8f: {  	_ = 	snop  }
0x90: {  	s2 =	sld [smem:$0x3FD0];
	(tm) =	ssettm $0x1  }
0x91: {  	s18 =	sld [smem:$0x3FFB];
	_ =	sdelay $0x3  }
0x92: {  	_ =	strace s18  }
0x93: {  	s3 =	sld [smem:$0x3FFC];
	_ =	sdelay $0x3  }
0x94: {  	_ =	strace s3  }
0x95: {  	s3 =	sld [smem:$0x3FFD];
	_ =	sdelay $0x3  }
0x96: {  	_ =	strace s3  }
0x97: {  	_ =	strace $0x8FFFFFFF  }
0x98: {  	s19 =	sld [smem:$0x3FDB];
	_ =	sdelay $0x1  }
0x99: {  	s4 =	simm.s32 $_scs_section_size  }
0x9a: {  	s5 =	simm.s32 $_size__tile_overlayer_lowered;
	s6 =	simm.s32 $_tile_overlayer_lowered  }
0x9b: {  	s22 =	simm.s32 $0x1BFF;
	s21 =	sshll.u32 s6, $0x1;
	s3 =	sadd.s32 s4, s19  }
0x9c: {  	s7 =	simm.s32 $0x0;
	s20 =	sshll.u32 s5, $0x1;
	s5 =	sadd.s32 s21, s3  }
0x9d: {  	[timem:s7], [sflag:s22] =	dma.local [hbm:s5], s20  }
0x9e: {  	_ =	swait.ge [sflag:s22], s20  }
0x9f: {  	s4 =	ssub.s32 $0x0, s20;
	[sflag:s22] =	ssyncset.done $0x0  }
0xa0: {  	[sflag:s22] =	ssyncadd.s32 s4;
	_ =	sdelay $0x1  }
0xa1: {  	s23 =	simm.s32 $0x1B8B  }
0xa2: {  	_ =	swait.ge [sflag:s23], $0x1  }
0xa3: {  	[sflag:s23] =	ssyncset.done $0x0  }
0xa4: {  	s25 =	simm.s32 $0x1B8E;
	s24 =	sld [smem:$0x3FFE];
	[sflag:s23] =	ssyncadd.s32 $0xFFFFFFFF  }
0xa5: {  	s26 =	simm.s32 $execute0_lowered;
	[smem:$0x3FD2] =	sst s25  }
0xa6: {  	s5 =	sshll.u32 s26, $0x1;
	_ =	strace $0x8000004C;
	[dreg:$0x1] =	wrdreg $0xFFFFFFFF  }
0xa7: {  	s28 =	simm.s32 $_size_execute0_lowered;
	s3 =	sadd.s32 s3, s5;
	[dreg:$0x0] =	wrdreg $0x0  }
0xa8: {  	s5 =	sshll.u32 s28, $0x1;
	[dreg:$0x2] =	wrdreg s3  }
0xa9: {  	[dreg:$0x3] =	wrdreg s5  }
0xaa: {  	[dreg:$0x4] =	wrdreg $0xC0  }
0xab: {  	_ =	task [dreg:s7], $0x5FFFF  }
0xac: {  	[dreg:$0x1] =	wrdreg $0xFFFFFFFF  }
0xad: {  	[dreg:$0x0] =	wrdreg $0x60  }
0xae: {  	[dreg:$0x2] =	wrdreg s24  }
0xaf: {  	[dreg:$0x3] =	wrdreg s2  }
0xb0: {  	[dreg:$0x4] =	wrdreg $0x70000  }
0xb1: {  	[dreg:$0x5] =	wrdreg $0x9  }
0xb2: {  	_ =	task.clear_ibuf [dreg:s7], $0x6FFFF;
	_ =	strace $0x9000004C  }
0xb3: {  	s29 =	simm.s32 $0x9;
	_ =	strace $0x8000004E  }
0xb4: {  	_ =	swait.ge [sflag:s29], $0x1  }
0xb5: {  	[sflag:s29] =	ssyncadd.s32 $0xFFFFFFFF  }
0xb6: {  	_ =	strace $0x9000004E  }
0xb7: {  	_ =	sfence  }
0xb8: {  	s30 =	sld [smem:$0x0];
	_ =	sdelay $0x2  }
0xb9: {  	s31 =	sshll.u32 s1, $0xD;
	s1 =	sshrl.u32 s1, $0x2  }
0xba: {  	s3 =	sand.u32 $0x4000, s31;
	s1 =	sadd.s32 s1, s30  }
0xbb: {  	s0 =	sor.u32 s3, s0;
	s1 =	sshll.u32 s1, $0x11  }
0xbc: {  	s0 =	sor.u32 s1, s0  }
0xbd: {  	s0 =	sadd.s32 $0x8F2B, s0  }
0xbe: {  	[sflag:s0] =	ssyncadd.remote.s32 $0x1  }
0xbf: {  	_ =	sfence.sel $0xFFFF  }
0xc0: {  	[dreg:$0x0] =	wrdreg $0xFFFFFFFF;
	(pc) =	sbr.abs _section_cstart, $3  }
0xc1: {  	[dreg:$0x1] =	wrdreg $0xFFFFFFFF  }
0xc2: {  	_ =	task.clear_ibuf [dreg:s7], $0x2FFFF;
	_ =	strace $0x9FFFFFFF  }
0xc3: {  	(tm) =	ssettm $0x7FFFFFFF  }
tec
execute0_lowered:
.L_overlay_start_1:
0x0: {  	(tag) =	ssettag $0x1  }
0x1: {  	s6 =	rddreg [dreg:$0x0]  }
0x2: {  	s0 =	srdreg.scid;
	s3 =	rddreg [dreg:$0x2]  }
0x3: {  	s4 =	simm.s32 $0x0;
	s7 =	sand.u32 $0x1, s0;
	s0 =	stileid.u32  }
0x4: {  	s17 =	simm.s32 $0x0;
	[smem:$0x7FF] =	sst s4;
	s5 =	smul.u32 $0x28000, s7  }
0x5: {  	s16 =	sadd.s32 $0x2800, s3;
	s8 =	smul.u32 $0x2800, s0;
	_ =	strace $0x8000004D  }
0x6: {  	s28 =	sshll.u32 s0, $0x1;
	s9 =	sshll.u32 s7, $0x5;
	s29 =	ssub.s32 $0x2, s7  }
0x7: {  	s10 =	smul.u32 $0xA000, s0;
	s7 =	sshll.u32 s7, $0xB;
	s14 =	sshll.u32 s0, $0x6  }
0x8: {  	p1 =	seq.s32 s0, $0x1;
	s12 =	sshrl.u32 s29, $0x1;
	s13 =	sadd.s32 s7, s6  }
0x9: {  	s14 =	sor.u32 $0x1C02, s14;
	p0 =	sne.s32 @!p1 s0, $0x0;
	s16 =	sshrl.u32 @p1 s16, $0x3  }
0xa: {  	s0 =	simm.s32 @!p1 $0x0;
	s8 =	sadd.s32 s8, s5;
	s5 =	sadd.s32 $0x4800, s6  }
0xb: {  	s30 =	sshrl.u32 s10, $0x2;
	s31 =	sadd.s32 $0x9D00, s13;
	s0 =	simm.s32 @p1 $0x1  }
0xc: {  	p1 =	por p0, p1;
	s8 =	sshrl.u32 s8, $0x3;
	[dreg:$0x5] =	wrdreg s31  }
.Ltmp0:
0xd: {  	s15 =	sadd.s32 s30, s3;
	[smem:$0x7FD] =	sst s0;
	(pc) =	sbr.rel .LBB2_1-.Ltmp0, $4  }
0xe: {  	s11 =	sadd.s32 s8, s6;
	s8 =	sor.u32 s28, s9;
	s9 =	ssub.s32 s29, s12  }
0xf: {  	s15 =	sshrl.u32 s15, $0x3;
	s8 =	sadd.s32 s8, s6;
	s9 =	smax.u32 s9, $0x1  }
0x10: {  	s10 =	sadd.s32 $0x37000, s11;
	s11 =	sadd.s32 $0x2D000, s11;
	s1 =	sadd.s32 $0x13E00, s8  }
0x11: {  	s8 =	sadd.s32 $0x9800, s13;
	s13 =	simm.s32 $0x2;
	[dreg:$0x4] =	wrdreg s1  }
.LBB2_7:
0x12: {  	_ = 	snop  }
.LBB2_12:
0x13: {  	p5 =	por p5, !p4  }
0x14: {  	s0 =	sshra.s32 @!p3 s19, $0x2;
	[sflag:s26] =	ssyncset.done @!p5 $0x0  }
0x15: {  	s1 =	simm.s32 @!p3 $0x80;
	p4 =	sge.s32 s29, s18;
	[sflag:s26] =	ssyncadd.s32 @!p5 $0xFFFFF800  }
0x16: {  	[spmem:s3] =	stream.indirect.scatter.add.f32 @!p5 [tilespmem:s20], [sflag:$0x2], $0x10, s23, s21, $0xb8;
	[tilespmem:$0x9810] =	vst v63  }
0x17: {  	s2 =	sshra.s32 @!p2 s19, $0x2;
	p0 =	sge.s32 s28, s18;
	_ =	swait.ge @!p5 [sflag:s25], $0x800  }
0x18: {  	s18 =	simm.s32 @!p3 $0x5000;
	s24 =	simm.s32 @!p2 $0x6800;
	[sflag:s25] =	ssyncset.done @!p5 $0x0  }
0x19: {  	s6 =	sshra.s32 @!p4 s19, $0x2;
	s7 =	simm.s32 @!p4 $0x80;
	[sflag:s25] =	ssyncadd.s32 @!p5 $0xFFFFF800  }
0x1a: {  	[tilespmem:s18], [sflag:$0x1] =	stream.indirect.gather @!p3 [hbm4b:s5+s1], $0x10, s0, s1, $0xb8;
	[tilespmem:$0x9810] =	vst v63  }
0x1b: {  	s19 =	sshra.s32 @!p0 s19, $0x2;
	s20 =	sadd.s32 @!p4 $0x80, s6;
	s21 =	simm.s32 @!p4 $0x5800  }
0x1c: {  	[tilespmem:s21], [sflag:$0x1] =	stream.indirect.gather @!p4 [hbm4b:s5+s7], $0x10, s20, s7, $0xb8;
	[tilespmem:$0x9810] =	vst v63  }
0x1d: {  	s22 =	simm.s32 @!p0 $0x80;
	s23 =	simm.s32 @!p0 $0x6000;
	s20 =	sadd.s32 @!p0 $0x100, s19  }
0x1e: {  	[tilespmem:s23], [sflag:$0x1] =	stream.indirect.gather @!p0 [hbm4b:s5+s22], $0x10, s20, s22, $0xb8;
	[tilespmem:$0x9810] =	vst v63  }
0x1f: {  	s12 =	sadd.s32 @!p2 $0x180, s2;
	s25 =	simm.s32 @!p3 $0x1;
	s20 =	simm.s32 @!p2 $0x80  }
0x20: {  	[tilespmem:s24], [sflag:$0x1] =	stream.indirect.gather @!p2 [hbm4b:s5+s20], $0x10, s12, s20, $0xb8;
	[tilespmem:$0x9810] =	vst v63  }
0x21: {  	_ =	swait.ge @!p3 [sflag:s25], $0x800  }
0x22: {  	[sflag:s25] =	ssyncset.done @!p3 $0x0  }
0x23: {  	s0 =	sadd.s32 @!p3 $0x2800, s0;
	s12 =	simm.s32 @!p3 $0x3;
	[sflag:s25] =	ssyncadd.s32 @!p3 $0xFFFFF800  }
0x24: {  	[spmem:s3] =	stream.indirect.scatter.add.f32 @!p3 [tilespmem:s18], [sflag:$0x3], $0x10, s0, s1, $0xb8;
	[tilespmem:$0x9810] =	vst v63  }
0x25: {  	_ =	swait.ge @!p3 [sflag:s12], $0x800  }
0x26: {  	[sflag:s12] =	ssyncset.done @!p3 $0x0  }
0x27: {  	s0 =	simm.s32 @!p4 $0x1;
	[sflag:s12] =	ssyncadd.s32 @!p3 $0xFFFFF800  }
0x28: {  	_ =	swait.ge @!p4 [sflag:s0], $0x800  }
0x29: {  	[sflag:s0] =	ssyncset.done @!p4 $0x0  }
0x2a: {  	s1 =	sadd.s32 @!p4 $0x2880, s6;
	s6 =	simm.s32 @!p4 $0x3;
	[sflag:s0] =	ssyncadd.s32 @!p4 $0xFFFFF800  }
0x2b: {  	[spmem:s3] =	stream.indirect.scatter.add.f32 @!p4 [tilespmem:s21], [sflag:$0x3], $0x10, s1, s7, $0xb8;
	[tilespmem:$0x9810] =	vst v63  }
0x2c: {  	_ =	swait.ge @!p4 [sflag:s6], $0x800  }
0x2d: {  	[sflag:s6] =	ssyncset.done @!p4 $0x0  }
0x2e: {  	s0 =	simm.s32 @!p0 $0x1;
	[sflag:s6] =	ssyncadd.s32 @!p4 $0xFFFFF800  }
0x2f: {  	_ =	swait.ge @!p0 [sflag:s0], $0x800  }
0x30: {  	[sflag:s0] =	ssyncset.done @!p0 $0x0  }
0x31: {  	s1 =	sadd.s32 @!p0 $0x2900, s19;
	s6 =	simm.s32 @!p0 $0x3;
	[sflag:s0] =	ssyncadd.s32 @!p0 $0xFFFFF800  }
0x32: {  	[spmem:s3] =	stream.indirect.scatter.add.f32 @!p0 [tilespmem:s23], [sflag:$0x3], $0x10, s1, s22, $0xb8;
	[tilespmem:$0x9810] =	vst v63  }
0x33: {  	_ =	swait.ge @!p0 [sflag:s6], $0x800  }
0x34: {  	p3 =	por p2, p2;
	[sflag:s6] =	ssyncset.done @!p0 $0x0  }
0x35: {  	s0 =	simm.s32 @!p3 $0x1;
	[sflag:s6] =	ssyncadd.s32 @!p0 $0xFFFFF800  }
0x36: {  	_ =	swait.ge @!p3 [sflag:s0], $0x800  }
0x37: {  	[sflag:s0] =	ssyncset.done @!p3 $0x0  }
0x38: {  	s1 =	sadd.s32 @!p2 $0x2980, s2;
	s2 =	simm.s32 @!p3 $0x2;
	[sflag:s0] =	ssyncadd.s32 @!p3 $0xFFFFF800  }
0x39: {  	[spmem:s3] =	stream.indirect.scatter.add.f32 @!p3 [tilespmem:s24], [sflag:$0x2], $0x10, s1, s20, $0xb8;
	[tilespmem:$0x9810] =	vst v63  }
0x3a: {  	_ =	swait.ge @!p3 [sflag:s2], $0x800  }
0x3b: {  	[sflag:s2] =	ssyncset.done @!p3 $0x0  }
0x3c: {  	[sflag:s2] =	ssyncadd.s32 @!p3 $0xFFFFF800  }
.LBB2_13:
0x3d: {  	[bflag:$0x0] =	sbarrier.arrive $0xFFFF  }
0x3e: {  	s1 =	sld [smem:$0x7FD];
	_ =	sdelay $0x2  }
0x3f: {  	s0 =	rddreg [dreg:$0x5];
	p0 =	seq.s32 s1, $0x1  }
0x40: {  	[hbm:s0], [sflag:s14] =	dma.local @p0 [spmem:s16], $0x300  }
0x41: {  	s0 =	simm.s32 @p0 $0x2  }
0x42: {  	_ =	swait.ge @p0 [sflag:s0], $0x300  }
0x43: {  	s17 =	sadd.s32 $0x1, s17;
	[sflag:s0] =	ssyncset.done @p0 $0x0  }
0x44: {  	[sflag:s0] =	ssyncadd.s32 @p0 $0xFFFFFD00;
	s0 =	sshrl.u32 @!p1 s3, $0x3;
	p0 =	sne.s32 s17, s9  }
0x45: {  	[hbm:s8], [sflag:s14] =	dma.local @!p1 [spmem:s0], $0x500  }
.Ltmp1:
0x46: {  	_ = 	snop;
	(pc) =	sbr.rel @!p0 .LBB2_14-.Ltmp1, $4  }
0x47: {  	s0 =	simm.s32 @!p1 $0x2  }
0x48: {  	_ =	swait.ge @!p1 [sflag:s0], $0x500  }
0x49: {  	[sflag:s0] =	ssyncset.done @!p1 $0x0  }
0x4a: {  	[sflag:s0] =	ssyncadd.s32 @!p1 $0xFFFFFB00  }
.LBB2_1:
0x4b: {  	s0 =	rddreg [dreg:$0x4];
	s1 =	simm.s32 $0x9800  }
0x4c: {  	[tilespmem:s1], [sflag:$0x2] =	stream.linear.gather [hbm4b:s0+s4], $0x10, $0x38;
	[tilespmem:$0x9810] =	vst v63  }
0x4d: {  	_ =	swait.ge [sflag:s13], $0x10  }
0x4e: {  	[sflag:s13] =	ssyncset.done $0x0  }
0x4f: {  	[sflag:s13] =	ssyncadd.s32 $0xFFFFFFF0  }
0x50: {  	v0 =	vld [tilespmem:$0x9800];
	_ =	sdelay $0x4  }
0x51: {  	(v2sf) =	vpush v0, $0x0;
	_ =	sdelay $0xe  }
0x52: {  	s18 =	spop (v2sf)  }
0x53: {  	s19 =	sadd.s32 $0x3FF, s18  }
0x54: {  	s20 =	sand.u32 $0x3FF, s19  }
0x55: {  	s31 =	sshra.s32 s19, $0x1F;
	p2 =	slt.s32 s19, $0x1;
	p0 =	sne.s32 s20, $0x0  }
0x56: {  	s20 =	sshrl.u32 s31, $0x16;
	p0 =	por !p2, !p0  }
0x57: {  	s19 =	sadd.s32 s20, s19;
	s20 =	simm.s32 $0x1;
	p0 =	por !p0, !p0  }
0x58: {  	s19 =	sshra.s32 s19, $0xA;
	s20 =	simm.s32 @!p0 $0x0  }
0x59: {  	s20 =	ssub.s32 s19, s20  }
0x5a: {  	p0 =	slt.s32 s20, $0x1  }
.Ltmp2:
0x5b: {  	s30 =	rddreg [dreg:$0x1];
	(pc) =	sbr.rel @p0 .LBB2_5-.Ltmp2, $4  }
0x5c: {  	[spmem:s15], [sflag:s14] =	dma.local [hbm:s30], $0x500  }
0x5d: {  	_ =	swait.ge [sflag:s13], $0x500  }
0x5e: {  	[sflag:s13] =	ssyncset.done $0x0  }
0x5f: {  	[sflag:s13] =	ssyncadd.s32 $0xFFFFFB00;
	s19 =	simm.s32 $0x2800  }
0x60: {  	[tilespmem:s4], [sflag:$0x2] =	stream.linear.gather [hbm4b:s11+s4], $0x400, $0x38;
	[tilespmem:$0x9810] =	vst v63  }
0x61: {  	p0 =	sne.s32 s20, $0x1;
	_ =	swait.ge [sflag:s13], $0x400  }
.Ltmp3:
0x62: {  	[sflag:s13] =	ssyncset.done $0x0;
	(pc) =	sbr.rel @!p0 .LBB2_4-.Ltmp3, $4  }
0x63: {  	[sflag:s13] =	ssyncadd.s32 $0xFFFFFC00  }
0x64: {  	[tilespmem:s19], [sflag:$0x2] =	stream.linear.gather [hbm4b:s10+s4], $0x400, $0x38;
	[tilespmem:$0x9810] =	vst v63  }
0x65: {  	s20 =	sadd.s32 $0xFFFFFFFF, s20;
	s21 =	sadd.s32 $0x80, s11;
	_ =	swait.ge [sflag:s13], $0x400  }
0x66: {  	s22 =	sadd.s32 $0x400, s4;
	s23 =	smov.u32 s10;
	[sflag:s13] =	ssyncset.done $0x0  }
.LBB2_3:
0x67: {  	[sflag:s13] =	ssyncadd.s32 $0xFFFFFC00;
	s19 =	sadd.s32 $0x400, s19;
	s23 =	sadd.s32 $0x80, s23  }
0x68: {  	[tilespmem:s22], [sflag:$0x2] =	stream.linear.gather [hbm4b:s21+s4], $0x400, $0x38;
	[tilespmem:$0x9810] =	vst v63  }
0x69: {  	p0 =	sne.s32 s20, $0x1;
	s20 =	sadd.s32 $0xFFFFFFFF, s20;
	_ =	swait.ge [sflag:s13], $0x400  }
.Ltmp4:
0x6a: {  	[sflag:s13] =	ssyncset.done $0x0;
	(pc) =	sbr.rel @p0 .LBB2_3-.Ltmp4, $4  }
0x6b: {  	[sflag:s13] =	ssyncadd.s32 $0xFFFFFC00  }
0x6c: {  	[tilespmem:s19], [sflag:$0x2] =	stream.linear.gather [hbm4b:s23+s4], $0x400, $0x38;
	[tilespmem:$0x9810] =	vst v63  }
0x6d: {  	_ =	swait.ge [sflag:s13], $0x400  }
0x6e: {  	s21 =	sadd.s32 $0x80, s21;
	s22 =	sadd.s32 $0x400, s22;
	[sflag:s13] =	ssyncset.done $0x0  }
.LBB2_4:
0x6f: {  	[sflag:s13] =	ssyncadd.s32 $0xFFFFFC00  }
.LBB2_5:
0x70: {  	s18 =	sadd.s32 $0x7F, s18  }
0x71: {  	s19 =	sand.u32 $0x7F, s18  }
0x72: {  	s20 =	sshra.s32 s18, $0x1F;
	p0 =	slt.s32 s18, $0x1;
	p2 =	sne.s32 s19, $0x0  }
0x73: {  	s29 =	sshrl.u32 s20, $0x19;
	p0 =	por !p0, !p2  }
0x74: {  	s19 =	simm.s32 $0x1;
	s18 =	sadd.s32 s29, s18;
	p0 =	por !p0, !p0  }
0x75: {  	s18 =	sshra.s32 s18, $0x7;
	s19 =	simm.s32 @!p0 $0x0  }
0x76: {  	s18 =	ssub.s32 s18, s19  }
0x77: {  	s19 =	sadd.s32 $0x3, s18  }
0x78: {  	s30 =	sand.u32 $0x3, s19  }
0x79: {  	p5 =	slt.s32 s18, $0xFFFFFFFE;
	p6 =	sne.s32 s30, $0x0  }
0x7a: {  	s31 =	sshrl.u32 s19, $0x1E;
	p0 =	por !p5, !p6  }
0x7b: {  	s20 =	simm.s32 $0x1;
	s19 =	sadd.s32 s31, s19;
	p0 =	por !p0, !p0  }
0x7c: {  	s19 =	sshra.s32 s19, $0x2;
	s20 =	simm.s32 @!p0 $0x0  }
0x7d: {  	s20 =	ssub.s32 s19, s20  }
0x7e: {  	p0 =	slt.s32 s20, $0x1  }
.Ltmp5:
0x7f: {  	_ = 	snop;
	(pc) =	sbr.rel @p0 .LBB2_13-.Ltmp5, $2  }
0x80: {  	_ =	sdelay $0x1  }
0x81: {  	[bflag:$0x0] =	sbarrier.arrive $0xFFFF;
	_ =	sdelay $0x1  }
0x82: {  	s22 =	sadd.s32 $0xFFFFFFFF, s20  }
0x83: {  	p0 =	sne.s32 s22, $0x0  }
.Ltmp6:
0x84: {  	_ = 	snop;
	(pc) =	sbr.rel @!p0 .LBB2_7-.Ltmp6, $3  }
0x85: {  	_ =	sdelay $0x1  }
0x86: {  	s19 =	simm.s32 $0x0;
	p2 =	sle.s32 s18, $0x3;
	s28 =	simm.s32 $0x2  }
0x87: {  	p3 =	sle.s32 s18, $0x0;
	s29 =	simm.s32 $0x1;
	p4 =	por $0x0, $0x0  }
0x88: {  	s19 =	simm.s32 @!p3 $0x0;
	s23 =	simm.s32 @!p3 $0x80;
	p4 =	sle.s32 s18, $0x1  }
0x89: {  	s25 =	simm.s32 @!p2 $0x180;
	s26 =	simm.s32 @!p3 $0x5000;
	p0 =	sle.s32 s18, $0x2  }
0x8a: {  	[tilespmem:s26], [sflag:$0x1] =	stream.indirect.gather @!p3 [hbm4b:s5+s23], $0x10, s19, s23, $0xb8;
	[tilespmem:$0x9810] =	vst v63  }
0x8b: {  	s24 =	simm.s32 @!p4 $0x80;
	s19 =	simm.s32 @!p4 $0x80;
	s28 =	simm.s32 @!p4 $0x5800  }
0x8c: {  	[tilespmem:s28], [sflag:$0x1] =	stream.indirect.gather @!p4 [hbm4b:s5+s24], $0x10, s19, s24, $0xb8;
	[tilespmem:$0x9810] =	vst v63  }
0x8d: {  	s29 =	simm.s32 @!p0 $0x80;
	s30 =	simm.s32 @!p0 $0x6000;
	s19 =	simm.s32 @!p0 $0x100  }
0x8e: {  	[tilespmem:s30], [sflag:$0x1] =	stream.indirect.gather @!p0 [hbm4b:s5+s29], $0x10, s19, s29, $0xb8;
	[tilespmem:$0x9810] =	vst v63  }
0x8f: {  	s21 =	simm.s32 @!p2 $0x80;
	s20 =	simm.s32 @!p2 $0x6800;
	s19 =	simm.s32 @!p3 $0x1  }
0x90: {  	[tilespmem:s20], [sflag:$0x1] =	stream.indirect.gather @!p2 [hbm4b:s5+s21], $0x10, s25, s21, $0xb8;
	[tilespmem:$0x9810] =	vst v63  }
0x91: {  	_ =	swait.ge @!p3 [sflag:s19], $0x800  }
0x92: {  	[sflag:s19] =	ssyncset.done @!p3 $0x0  }
0x93: {  	s31 =	simm.s32 @!p3 $0x3;
	s25 =	simm.s32 @!p3 $0x2800;
	[sflag:s19] =	ssyncadd.s32 @!p3 $0xFFFFF800  }
0x94: {  	[spmem:s3] =	stream.indirect.scatter.add.f32 @!p3 [tilespmem:s26], [sflag:$0x3], $0x10, s25, s23, $0xb8;
	[tilespmem:$0x9810] =	vst v63  }
0x95: {  	_ =	swait.ge @!p3 [sflag:s31], $0x800  }
0x96: {  	[sflag:s31] =	ssyncset.done @!p3 $0x0  }
0x97: {  	s19 =	simm.s32 @!p4 $0x1;
	[sflag:s31] =	ssyncadd.s32 @!p3 $0xFFFFF800  }
0x98: {  	_ =	swait.ge @!p4 [sflag:s19], $0x800  }
0x99: {  	[sflag:s19] =	ssyncset.done @!p4 $0x0  }
0x9a: {  	s23 =	simm.s32 @!p4 $0x2880;
	s25 =	simm.s32 @!p4 $0x3;
	[sflag:s19] =	ssyncadd.s32 @!p4 $0xFFFFF800  }
0x9b: {  	[spmem:s3] =	stream.indirect.scatter.add.f32 @!p4 [tilespmem:s28], [sflag:$0x3], $0x10, s23, s24, $0xb8;
	[tilespmem:$0x9810] =	vst v63  }
0x9c: {  	_ =	swait.ge @!p4 [sflag:s25], $0x800  }
0x9d: {  	[sflag:s25] =	ssyncset.done @!p4 $0x0  }
0x9e: {  	s19 =	simm.s32 @!p0 $0x1;
	[sflag:s25] =	ssyncadd.s32 @!p4 $0xFFFFF800  }
0x9f: {  	_ =	swait.ge @!p0 [sflag:s19], $0x800  }
0xa0: {  	s22 =	sadd.s32 $0xFFFFFFFF, s22;
	p5 =	por p2, p2;
	[sflag:s19] =	ssyncset.done @!p0 $0x0  }
0xa1: {  	s24 =	simm.s32 @!p0 $0x2900;
	p4 =	sne.s32 s22, $0x0;
	[sflag:s19] =	ssyncadd.s32 @!p0 $0xFFFFF800  }
0xa2: {  	[spmem:s3] =	stream.indirect.scatter.add.f32 @!p0 [tilespmem:s30], [sflag:$0x3], $0x10, s24, s29, $0xb8;
	[tilespmem:$0x9810] =	vst v63  }
.Ltmp7:
0xa3: {  	s26 =	simm.s32 @!p5 $0x1;
	s31 =	simm.s32 @!p0 $0x3;
	(pc) =	sbr.rel @!p4 .LBB2_9-.Ltmp7, $4  }
0xa4: {  	p3 =	sle.s32 s18, $0x4;
	s23 =	simm.s32 @!p2 $0x2980;
	_ =	swait.ge @!p0 [sflag:s31], $0x800  }
0xa5: {  	p2 =	sle.s32 s18, $0x7;
	s28 =	simm.s32 $0x6;
	[sflag:s31] =	ssyncset.done @!p0 $0x0  }
0xa6: {  	s25 =	simm.s32 @!p5 $0x2;
	s19 =	simm.s32 $0x800;
	[sflag:s31] =	ssyncadd.s32 @!p0 $0xFFFFF800  }
0xa7: {  	s24 =	simm.s32 $0x7;
	s29 =	simm.s32 $0x5;
	_ =	swait.ge @!p5 [sflag:s26], $0x800  }
.LBB2_10:
0xa8: {  	s30 =	sshra.s32 @!p3 s19, $0x2;
	s31 =	simm.s32 @!p3 $0x80;
	[sflag:s26] =	ssyncset.done @!p5 $0x0  }
0xa9: {  	p0 =	sge.s32 s29, s18;
	s29 =	sshra.s32 @!p2 s19, $0x2;
	[sflag:s26] =	ssyncadd.s32 @!p5 $0xFFFFF800  }
0xaa: {  	s1 =	sshra.s32 @!p0 s19, $0x2;
	s26 =	simm.s32 @!p0 $0x80;
	s0 =	sadd.s32 @!p2 $0x180, s29  }
0xab: {  	[spmem:s3] =	stream.indirect.scatter.add.f32 @!p5 [tilespmem:s20], [sflag:$0x2], $0x10, s23, s21, $0xb8;
	[tilespmem:$0x9810] =	vst v63  }
0xac: {  	p6 =	sge.s32 s28, s18;
	s20 =	sadd.s32 @!p0 $0x80, s1;
	_ =	swait.ge @!p5 [sflag:s25], $0x800  }
0xad: {  	s28 =	simm.s32 @!p3 $0x5000;
	s21 =	sshra.s32 @!p6 s19, $0x2;
	[sflag:s25] =	ssyncset.done @!p5 $0x0  }
0xae: {  	s12 =	sadd.s32 @!p3 $0x2800, s30;
	s2 =	sadd.s32 @!p6 $0x100, s21;
	[sflag:s25] =	ssyncadd.s32 @!p5 $0xFFFFF800  }
0xaf: {  	[tilespmem:s28], [sflag:$0x1] =	stream.indirect.gather @!p3 [hbm4b:s5+s31], $0x10, s30, s31, $0xb8;
	[tilespmem:$0x9810] =	vst v63  }
0xb0: {  	s1 =	sadd.s32 @!p0 $0x2880, s1;
	s25 =	simm.s32 @!p0 $0x5800;
	s30 =	sadd.s32 @!p6 $0x2900, s21  }
0xb1: {  	[tilespmem:s25], [sflag:$0x1] =	stream.indirect.gather @!p0 [hbm4b:s5+s26], $0x10, s20, s26, $0xb8;
	[tilespmem:$0x9810] =	vst v63  }
0xb2: {  	s6 =	simm.s32 @!p6 $0x80;
	s7 =	simm.s32 @!p6 $0x6000;
	s23 =	sadd.s32 @!p2 $0x2980, s29  }
0xb3: {  	[tilespmem:s7], [sflag:$0x1] =	stream.indirect.gather @!p6 [hbm4b:s5+s6], $0x10, s2, s6, $0xb8;
	[tilespmem:$0x9810] =	vst v63  }
0xb4: {  	s21 =	simm.s32 @!p2 $0x80;
	s20 =	simm.s32 @!p2 $0x6800;
	s2 =	simm.s32 @!p3 $0x1  }
0xb5: {  	[tilespmem:s20], [sflag:$0x1] =	stream.indirect.gather @!p2 [hbm4b:s5+s21], $0x10, s0, s21, $0xb8;
	[tilespmem:$0x9810] =	vst v63  }
0xb6: {  	s22 =	sadd.s32 $0xFFFFFFFF, s22;
	p5 =	por p2, p2;
	_ =	swait.ge @!p3 [sflag:s2], $0x800  }
0xb7: {  	p4 =	sne.s32 s22, $0x0;
	s0 =	simm.s32 @!p3 $0x3;
	[sflag:s2] =	ssyncset.done @!p3 $0x0  }
0xb8: {  	[sflag:s2] =	ssyncadd.s32 @!p3 $0xFFFFF800  }
0xb9: {  	[spmem:s3] =	stream.indirect.scatter.add.f32 @!p3 [tilespmem:s28], [sflag:$0x3], $0x10, s12, s31, $0xb8;
	[tilespmem:$0x9810] =	vst v63  }
0xba: {  	_ =	swait.ge @!p3 [sflag:s0], $0x800  }
0xbb: {  	[sflag:s0] =	ssyncset.done @!p3 $0x0  }
0xbc: {  	s2 =	simm.s32 @!p0 $0x3;
	[sflag:s0] =	ssyncadd.s32 @!p3 $0xFFFFF800;
	s0 =	simm.s32 @!p0 $0x1  }
0xbd: {  	_ =	swait.ge @!p0 [sflag:s0], $0x800  }
0xbe: {  	[sflag:s0] =	ssyncset.done @!p0 $0x0  }
0xbf: {  	[sflag:s0] =	ssyncadd.s32 @!p0 $0xFFFFF800  }
0xc0: {  	[spmem:s3] =	stream.indirect.scatter.add.f32 @!p0 [tilespmem:s25], [sflag:$0x3], $0x10, s1, s26, $0xb8;
	[tilespmem:$0x9810] =	vst v63  }
0xc1: {  	s0 =	simm.s32 @!p6 $0x1;
	_ =	swait.ge @!p0 [sflag:s2], $0x800  }
0xc2: {  	[sflag:s2] =	ssyncset.done @!p0 $0x0  }
0xc3: {  	[sflag:s2] =	ssyncadd.s32 @!p0 $0xFFFFF800  }
0xc4: {  	_ =	swait.ge @!p6 [sflag:s0], $0x800  }
0xc5: {  	s1 =	simm.s32 @!p6 $0x3;
	[sflag:s0] =	ssyncset.done @!p6 $0x0  }
0xc6: {  	s19 =	sadd.s32 $0x800, s19;
	[sflag:s0] =	ssyncadd.s32 @!p6 $0xFFFFF800  }
0xc7: {  	[spmem:s3] =	stream.indirect.scatter.add.f32 @!p6 [tilespmem:s7], [sflag:$0x3], $0x10, s30, s6, $0xb8;
	[tilespmem:$0x9810] =	vst v63  }
.Ltmp8:
0xc8: {  	_ = 	snop;
	(pc) =	sbr.rel @p4 .LBB2_10-.Ltmp8, $4  }
0xc9: {  	s24 =	sadd.s32 $0x4, s24;
	s25 =	simm.s32 @!p5 $0x2;
	_ =	swait.ge @!p6 [sflag:s1], $0x800  }
0xca: {  	p2 =	sge.s32 s24, s18;
	s26 =	simm.s32 @!p5 $0x1;
	[sflag:s1] =	ssyncset.done @!p6 $0x0  }
0xcb: {  	s28 =	sadd.s32 $0xFFFFFFFF, s24;
	s0 =	sadd.s32 $0xFFFFFFFD, s24;
	[sflag:s1] =	ssyncadd.s32 @!p6 $0xFFFFF800  }
0xcc: {  	s29 =	sadd.s32 $0xFFFFFFFE, s24;
	p3 =	sge.s32 s0, s18;
	_ =	swait.ge @!p5 [sflag:s26], $0x800  }
.Ltmp9:
0xcd: {  	(pc) =	sbr.rel .LBB2_12-.Ltmp9, $2  }
0xce: {  	_ =	sdelay $0x2  }
0xcf: {  	p4 =	por $0x1, $0x1  }
.LBB2_9:
.Ltmp10:
0xd0: {  	(pc) =	sbr.rel .LBB2_12-.Ltmp10, $2  }
0xd1: {  	_ =	sdelay $0x2  }
0xd2: {  	p4 =	por $0x1, $0x1  }
.LBB2_14:
0xd3: {  	_ =	sfence.sel $0x180000  }
0xd4: {  	[bflag:$0x0] =	sbarrier.arrive $0xFFFF  }
0xd5: {  	_ =	strace $0x9000004D  }
0xd6: {  	s0 =	stileid.u32;
	[bflag:$0x2] =	sbarrier.arrive $0xFFFF  }
0xd7: {  	p0 =	sne.s32 s0, $0x0;
	s0 =	rddreg [dreg:$0x3]  }
0xd8: {  	s0 =	sadd.s32 @!p0 $0x100000, s0  }
0xd9: {  	[sflag:s0] =	ssyncadd.tile.s32 @!p0 $0x1;
	_ =	shalt  }
.Lfunc_end2:
_tile_overlayer_lowered:
.L_overlay_start_2:
0xda: {  	(tag) =	ssettag $0x2  }
0xdb: {  	s0 =	rddreg [dreg:$0x0];
	s2 =	stileid.u32  }
0xdc: {  	s1 =	rddreg [dreg:$0x1];
	p0 =	sne.s32 s2, $0x0  }
0xdd: {  	s3 =	rddreg [dreg:$0x2];
	[bflag:$0x3] =	sbarrier.arrive $0xFFFF;
	s2 =	simm.s32 @!p0 $0x1C02  }
0xde: {  	[timem:s3], [sflag:s2] =	dma.local @!p0 [hbm:s0], s1  }
0xdf: {  	s0 =	simm.s32 @!p0 $0x2  }
0xe0: {  	_ =	swait.ge @!p0 [sflag:s0], s1  }
0xe1: {  	s1 =	ssub.s32 @!p0 $0x0, s1;
	[sflag:s0] =	ssyncset.done @!p0 $0x0  }
0xe2: {  	[sflag:s0] =	ssyncadd.s32 @!p0 s1  }
0xe3: {  	[bflag:$0x3] =	sbarrier.arrive $0xFFFF  }
0xe4: {  	_ =	shalt  }

</sc_bundles>
